<compile_context>
chip_gen: v7x
topology: tpu7x:2x2x1
jax: 0.10.2.dev20260603
libtpu: 0.0.44.dev20260713+nightly
codegen_flags: <defaults>
</compile_context>

<pallas_src>
import functools

import jax
import jax.numpy as jnp
from jax import lax
from jax.experimental import pallas as pl
from jax.experimental.pallas import tpu as pltpu
from jax.experimental.pallas import tpu_sc as plsc

B = 2048
D = 768
O = 768
E = 16
BLKR = 256
NBLKMAX = (B * 2) // BLKR + E
XSROWS = NBLKMAX * BLKR
HD = D // 2
NEG_INF = float("-inf")

_NC = 2
_NS = 16
_NW = _NC * _NS
_RPW = B // _NW


def _route_kernel(x_ref, w_bid_ref, b_bid_ref,
                  bids_ref, idx_ref, pos_ref, bmap_ref, tot_ref, xb_ref):
    iota = jax.lax.broadcasted_iota(jnp.int32, (B, E), 1)
    x = x_ref[...]
    bids = jax.lax.dot_general(
        x, w_bid_ref[...], (((1,), (1,)), ((), ())),
        preferred_element_type=jnp.float32) + b_bid_ref[...]
    bids_ref[...] = bids
    max0 = jnp.max(bids, axis=1, keepdims=True)
    i0 = jnp.min(jnp.where(bids == max0, iota, E), axis=1, keepdims=True)
    masked = jnp.where(iota == i0, NEG_INF, bids)
    max1 = jnp.max(masked, axis=1, keepdims=True)
    i1 = jnp.min(jnp.where(masked == max1, iota, E), axis=1, keepdims=True)
    idx_ref[...] = jnp.concatenate([i0, i1], axis=1)
    coeff2 = jnp.where((iota == i0) | (iota == i1), 1.0, 0.0)
    s = coeff2
    sh = 1
    while sh < B:
        s = s + jnp.concatenate(
            [jnp.zeros((sh, E), jnp.float32), s[:B - sh, :]], axis=0)
        sh *= 2
    s_excl = s - coeff2
    r0 = jnp.sum(jnp.where(iota == i0, s_excl, 0.0), axis=1, keepdims=True)
    r1 = jnp.sum(jnp.where(iota == i1, s_excl, 0.0), axis=1, keepdims=True)
    totals = s[B - 1:B, :]
    nblk = jnp.floor((totals + (BLKR - 1.0)) * (1.0 / BLKR))
    sb = nblk
    sh = 1
    while sh < E:
        sb = sb + jnp.concatenate(
            [jnp.zeros((1, sh), jnp.float32), sb[:, :E - sh]], axis=1)
        sh *= 2
    start = sb - nblk
    tot = sb[:, E - 1:E]
    off = start * float(BLKR)
    o0 = jnp.sum(jnp.where(iota == i0, off, 0.0), axis=1, keepdims=True)
    o1 = jnp.sum(jnp.where(iota == i1, off, 0.0), axis=1, keepdims=True)
    pos0 = (o0 + r0).astype(jnp.int32)
    pos1 = (o1 + r1).astype(jnp.int32)
    pos_ref[...] = jnp.concatenate([pos0, pos1], axis=1)
    blk_i = jax.lax.broadcasted_iota(jnp.int32, (NBLKMAX, 1), 0
                                     ).astype(jnp.float32)
    blk_i = jnp.minimum(blk_i, tot - 1.0)
    cmp = jnp.where(start <= blk_i, 1.0, 0.0)
    bmap_ref[...] = (jnp.sum(cmp, axis=1, keepdims=True) - 1.0
                     ).astype(jnp.int32)
    tot_ref[...] = tot.astype(jnp.int32)
    xlo = jax.lax.bitcast_convert_type(
        x[:, :HD].astype(jnp.bfloat16).astype(jnp.float32), jnp.uint32)
    xhi = jax.lax.bitcast_convert_type(
        x[:, HD:].astype(jnp.bfloat16).astype(jnp.float32), jnp.uint32)
    xb_ref[...] = jax.lax.bitcast_convert_type(
        xhi | (xlo >> 16), jnp.float32)


def _route(x, W_bid, b_bid):
    return pl.pallas_call(
        _route_kernel,
        in_specs=[
            pl.BlockSpec((B, D), lambda: (0, 0)),
            pl.BlockSpec((E, D), lambda: (0, 0)),
            pl.BlockSpec((1, E), lambda: (0, 0)),
        ],
        out_specs=[
            pl.BlockSpec((B, E), lambda: (0, 0)),
            pl.BlockSpec((B, 2), lambda: (0, 0)),
            pl.BlockSpec((B, 2), lambda: (0, 0)),
            pl.BlockSpec((NBLKMAX, 1), lambda: (0, 0)),
            pl.BlockSpec((1, 1), lambda: (0, 0)),
            pl.BlockSpec((B, HD), lambda: (0, 0)),
        ],
        out_shape=[
            jax.ShapeDtypeStruct((B, E), jnp.float32),
            jax.ShapeDtypeStruct((B, 2), jnp.int32),
            jax.ShapeDtypeStruct((B, 2), jnp.int32),
            jax.ShapeDtypeStruct((NBLKMAX, 1), jnp.int32),
            jax.ShapeDtypeStruct((1, 1), jnp.int32),
            jax.ShapeDtypeStruct((B, HD), jnp.float32),
        ],
    )(x, W_bid, b_bid.reshape(1, E))


@functools.cache
def _sc_mesh():
    return plsc.VectorSubcoreMesh(core_axis_name="c", subcore_axis_name="s",
                                  num_cores=_NC, num_subcores=_NS)


@functools.cache
def _make_sc_dispatch():
    @functools.partial(
        pl.kernel,
        out_type=jax.ShapeDtypeStruct((XSROWS, HD), jnp.float32),
        mesh=_sc_mesh(),
        scratch_types=[
            pltpu.VMEM((_RPW, HD), jnp.float32),
            [pltpu.VMEM((_RPW // 2,), jnp.int32) for _ in range(4)],
            pltpu.SemaphoreType.DMA,
            pltpu.SemaphoreType.DMA,
            pltpu.SemaphoreType.DMA,
        ],
    )
    def _sc_dispatch(x_hbm, pos0_hbm, pos1_hbm, xs_hbm,
                     rows_v, idx_vs, sem0, sem1, semr):
        wid = lax.axis_index("s") * _NC + lax.axis_index("c")
        base = wid * _RPW
        half = _RPW // 2
        cr = [pltpu.async_copy(x_hbm.at[pl.ds(base + h * half, half)],
                               rows_v.at[pl.ds(h * half, half)], semr)
              for h in range(2)]
        for h in range(2):
            s = pl.ds(base + h * half, half)
            pltpu.sync_copy(pos0_hbm.at[s], idx_vs[h])
            pltpu.sync_copy(pos1_hbm.at[s], idx_vs[2 + h])
        scat = []
        for h in range(2):
            r = pl.ds(h * half, half)
            cr[h].wait()
            scat.append(pltpu.async_copy(
                rows_v.at[r], xs_hbm.at[idx_vs[h]], sem0))
            scat.append(pltpu.async_copy(
                rows_v.at[r], xs_hbm.at[idx_vs[2 + h]], sem1))
        for c in scat:
            c.wait()

    return _sc_dispatch


def _mm_body(bmap_ref, tot_ref, xs_ref, w_ref, bo_ref, ys_ref):
    i = pl.program_id(0)

    @pl.when(i < tot_ref[0])
    def _():
        u = jax.lax.bitcast_convert_type(xs_ref[...], jnp.uint32)
        lo = jax.lax.bitcast_convert_type(
            u << 16, jnp.float32).astype(jnp.bfloat16)
        hi = jax.lax.bitcast_convert_type(
            u & jnp.uint32(0xFFFF0000), jnp.float32).astype(jnp.bfloat16)
        w = w_ref[0].astype(jnp.bfloat16)
        dn = (((1,), (0,)), ((), ()))
        acc = (jax.lax.dot_general(lo, w[:HD], dn,
                                   preferred_element_type=jnp.float32)
               + jax.lax.dot_general(hi, w[HD:], dn,
                                     preferred_element_type=jnp.float32))
        ys_ref[...] = 0.5 * acc + 0.5 * bo_ref[0]


def _grouped_mm(bmap, tot, xs, W_out, b_out):
    grid_spec = pltpu.PrefetchScalarGridSpec(
        num_scalar_prefetch=2,
        grid=(NBLKMAX,),
        in_specs=[
            pl.BlockSpec((BLKR, HD),
                         lambda i, bm, tt: (jnp.minimum(i, tt[0] - 1), 0)),
            pl.BlockSpec((1, D, O), lambda i, bm, tt: (bm[i], 0, 0)),
            pl.BlockSpec((1, 1, O), lambda i, bm, tt: (bm[i], 0, 0)),
        ],
        out_specs=pl.BlockSpec((BLKR, O),
                               lambda i, bm, tt: (jnp.minimum(i, tt[0] - 1), 0)),
    )
    return pl.pallas_call(
        _mm_body,
        grid_spec=grid_spec,
        out_shape=jax.ShapeDtypeStruct((XSROWS, O), jnp.float32),
    )(bmap, tot, xs, W_out, b_out.reshape(E, 1, O))


@functools.cache
def _make_sc_combine():
    @functools.partial(
        pl.kernel,
        out_type=jax.ShapeDtypeStruct((B, O), jnp.float32),
        mesh=_sc_mesh(),
        scratch_types=[
            pltpu.VMEM((_RPW, O), jnp.float32),
            pltpu.VMEM((_RPW, O), jnp.float32),
            pltpu.VMEM((_RPW,), jnp.int32),
            pltpu.VMEM((_RPW,), jnp.int32),
            pltpu.SemaphoreType.DMA,
            pltpu.SemaphoreType.DMA,
            pltpu.SemaphoreType.DMA,
        ],
    )
    def _sc_combine(ys_hbm, pos0_hbm, pos1_hbm, final_hbm,
                    acc_v, g1_v, p0_v, p1_v, sem0, sem1, semw):
        wid = lax.axis_index("s") * _NC + lax.axis_index("c")
        base = wid * _RPW
        half = _RPW // 2
        pltpu.sync_copy(pos0_hbm.at[pl.ds(base, _RPW)], p0_v)
        pltpu.sync_copy(pos1_hbm.at[pl.ds(base, _RPW)], p1_v)
        copies = []
        for h in range(2):
            r = pl.ds(h * half, half)
            copies.append((
                pltpu.async_copy(ys_hbm.at[p0_v.at[r]], acc_v.at[r], sem0),
                pltpu.async_copy(ys_hbm.at[p1_v.at[r]], g1_v.at[r], sem1),
            ))
        writes = []
        for h in range(2):
            c0, c1 = copies[h]
            c0.wait()
            c1.wait()

            @plsc.parallel_loop(h * half, (h + 1) * half, 1, unroll=4)
            def _row(i):
                for c in range(O // 16):
                    sl = (i, pl.ds(c * 16, 16))
                    acc_v[sl] = acc_v[sl] + g1_v[sl]

            r = pl.ds(h * half, half)
            writes.append(pltpu.async_copy(
                acc_v.at[r], final_hbm.at[pl.ds(base + h * half, half)],
                semw))
        for wcp in writes:
            wcp.wait()

    return _sc_combine


def kernel(x, W_out, b_out, W_bid, b_bid):
    bids, idx, pos, bmap, tot, xb = _route(x, W_bid, b_bid)
    pos0, pos1 = pos[:, 0], pos[:, 1]
    xs = _make_sc_dispatch()(xb, pos0, pos1)
    ys = _grouped_mm(bmap.reshape(NBLKMAX), tot.reshape(1), xs, W_out, b_out)
    final = _make_sc_combine()(ys, pos0, pos1)
    return final, idx, bids

# --- scband reference (transcript-rebuilt; emitter-appended) ---
"""Pipeline reference for scband-market-layer-86732569575683 (READ-ONLY COPY).

The authoritative reference and input builder live on the scoring server;
editing this copy changes nothing except your own understanding.
"""

import jax, jax.numpy as jnp
import numpy as np

NUM_AGENTS = 16
INPUT_DIM = 768
OUTPUT_DIM = 768
TOP_K = 2


def setup_inputs(seed: int = 0) -> dict:
    key = jax.random.key(seed)
    k0, k1, k2 = jax.random.split(key, 3)
    x = jax.random.normal(k0, (2048, INPUT_DIM), dtype=jnp.float32)
    # Per-agent parameters: each EconomicAgent is modeled as a linear output head
    # plus a linear bid head (output [B, output_dim], bid [B, 1] -> squeezed).
    W_out = jax.random.normal(k1, (NUM_AGENTS, INPUT_DIM, OUTPUT_DIM), dtype=jnp.float32) * 0.02
    b_out = jnp.zeros((NUM_AGENTS, OUTPUT_DIM), dtype=jnp.float32)
    W_bid = jax.random.normal(k2, (NUM_AGENTS, INPUT_DIM), dtype=jnp.float32) * 0.02
    b_bid = jnp.zeros((NUM_AGENTS,), dtype=jnp.float32)
    return {"x": x, "W_out": W_out, "b_out": b_out, "W_bid": W_bid, "b_bid": b_bid}


def reference(x, W_out, b_out, W_bid, b_bid):
    # 1. Every agent produces (output, bid) on the full batch.
    #    torch: stack per-agent outputs -> permute(1,0,2) == [B, E, O]
    all_outputs = jnp.einsum('bd,edo->beo', x, W_out) + b_out[None, :, :]  # [B, E, O]
    #    bids: [B, E] (bid head squeezed on last dim)
    all_bids = x @ W_bid.T + b_bid[None, :]  # [B, E]
    # 2. Top-K highest bidders per sample
    actual_k = min(TOP_K, NUM_AGENTS)
    top_k_values, top_k_indices = jax.lax.top_k(all_bids, actual_k)  # [B, K]
    # 3. Gather winner outputs and average
    gather_idx = top_k_indices[:, :, None]  # [B, K, 1] broadcast over O
    selected_outputs = jnp.take_along_axis(all_outputs, gather_idx, axis=1)  # [B, K, O]
    final_outputs = selected_outputs.mean(axis=1)  # [B, O]
    # 4. Return (final_output, winner_indices, all_bids)
    return (final_outputs, top_k_indices, all_bids)

if __name__ == "__main__":
    import jax
    _d = setup_inputs()
    print(jax.jit(kernel)(*tuple(_d.values())))

</pallas_src>

<mosaic_0001>
#map = affine_map<(d0, d1) -> (0, 0)>
#map1 = affine_map<(d0, d1) -> (0)>
module attributes {stable_mosaic.version = 14 : i64} {
  func.func @_sc_dispatch(%arg0: i32, %arg1: i32, %arg2: memref<2048x384xf32, #tpu.memory_space<hbm>>, %arg3: memref<2048xi32, #tpu.memory_space<hbm>>, %arg4: memref<2048xi32, #tpu.memory_space<hbm>>, %arg5: memref<8192x384xf32, #tpu.memory_space<hbm>>, %arg6: memref<64x384xf32, #tpu.memory_space<vmem>>, %arg7: memref<32xi32, #tpu.memory_space<vmem>>, %arg8: memref<32xi32, #tpu.memory_space<vmem>>, %arg9: memref<32xi32, #tpu.memory_space<vmem>>, %arg10: memref<32xi32, #tpu.memory_space<vmem>>, %arg11: memref<!tpu.dma_semaphore, #tpu.memory_space<semaphore_mem>>, %arg12: memref<!tpu.dma_semaphore, #tpu.memory_space<semaphore_mem>>, %arg13: memref<!tpu.dma_semaphore, #tpu.memory_space<semaphore_mem>>) attributes {dimension_semantics = [#tpu.dimension_semantics<core_parallel>, #tpu.dimension_semantics<subcore_parallel>], iteration_bounds = array<i64: 2, 16>, scalar_prefetch = 0 : i64, scratch_operands = 8 : i64, tpu.core_type = #tpu.core_type<sc_vector_subcore>, window_params = [{transform_indices = #map}, {transform_indices = #map1}, {transform_indices = #map1}, {transform_indices = #map}]} {
    %mul3A = arith.constant 2 : i32
    %mul3A_0 = arith.muli %arg1, %mul3A : i32
    %add3A = arith.addi %mul3A_0, %arg0 : i32
    %mul3A_1 = arith.constant 64 : i32
    %mul3A_2 = arith.muli %add3A, %mul3A_1 : i32
    %add3A_3 = arith.constant 0 : i32
    %add3A_4 = arith.addi %mul3A_2, %add3A_3 : i32
    %dma_start3A = arith.constant 0 : i32
    %dma_start3A_5 = arith.constant 0 : i32
    %dma_start3A_6 = tpu.memref_slice %arg6[%dma_start3A, %dma_start3A_5] : memref<64x384xf32, #tpu.memory_space<vmem>> -> memref<32x384xf32, #tpu.memory_space<vmem>>
    %dma_start3A_7 = arith.constant 0 : i32
    %dma_start3A_8 = tpu.memref_slice %arg2[%add3A_4, %dma_start3A_7] : memref<2048x384xf32, #tpu.memory_space<hbm>> -> memref<32x384xf32, #tpu.memory_space<hbm>>
    %dma_start3A_9 = arith.constant 0 : i32
    %dma_start3A_10 = arith.constant 0 : i32
    %dma_start3A_11 = tpu.memref_slice %arg6[%dma_start3A_9, %dma_start3A_10] : memref<64x384xf32, #tpu.memory_space<vmem>> -> memref<32x384xf32, #tpu.memory_space<vmem>>
    %dma_start3A_12 = arith.constant 0 : i32
    %dma_start3A_13 = tpu.memref_slice %arg2[%add3A_4, %dma_start3A_12] : memref<2048x384xf32, #tpu.memory_space<hbm>> -> memref<32x384xf32, #tpu.memory_space<hbm>>
    tpu.enqueue_dma source(%dma_start3A_13 : memref<32x384xf32, #tpu.memory_space<hbm>>) target(%dma_start3A_11 : memref<32x384xf32, #tpu.memory_space<vmem>>) target_semaphore(%arg13 : memref<!tpu.dma_semaphore, #tpu.memory_space<semaphore_mem>>)
    %add3A_14 = arith.constant 32 : i32
    %add3A_15 = arith.addi %mul3A_2, %add3A_14 : i32
    %dma_start3A_16 = arith.constant 32 : i32
    %dma_start3A_17 = arith.constant 0 : i32
    %dma_start3A_18 = tpu.memref_slice %arg6[%dma_start3A_16, %dma_start3A_17] : memref<64x384xf32, #tpu.memory_space<vmem>> -> memref<32x384xf32, #tpu.memory_space<vmem>>
    %dma_start3A_19 = arith.constant 0 : i32
    %dma_start3A_20 = tpu.memref_slice %arg2[%add3A_15, %dma_start3A_19] : memref<2048x384xf32, #tpu.memory_space<hbm>> -> memref<32x384xf32, #tpu.memory_space<hbm>>
    %dma_start3A_21 = arith.constant 32 : i32
    %dma_start3A_22 = arith.constant 0 : i32
    %dma_start3A_23 = tpu.memref_slice %arg6[%dma_start3A_21, %dma_start3A_22] : memref<64x384xf32, #tpu.memory_space<vmem>> -> memref<32x384xf32, #tpu.memory_space<vmem>>
    %dma_start3A_24 = arith.constant 0 : i32
    %dma_start3A_25 = tpu.memref_slice %arg2[%add3A_15, %dma_start3A_24] : memref<2048x384xf32, #tpu.memory_space<hbm>> -> memref<32x384xf32, #tpu.memory_space<hbm>>
    tpu.enqueue_dma source(%dma_start3A_25 : memref<32x384xf32, #tpu.memory_space<hbm>>) target(%dma_start3A_23 : memref<32x384xf32, #tpu.memory_space<vmem>>) target_semaphore(%arg13 : memref<!tpu.dma_semaphore, #tpu.memory_space<semaphore_mem>>)
    %add3A_26 = arith.constant 0 : i32
    %add3A_27 = arith.addi %mul3A_2, %add3A_26 : i32
    "tpu.region"() ({
      %run_scoped3A = tpu.sem_alloc : memref<!tpu.dma_semaphore, #tpu.memory_space<semaphore_mem>>
      %dma_start3A_97 = tpu.memref_slice %arg3[%add3A_27] : memref<2048xi32, #tpu.memory_space<hbm>> -> memref<32xi32, #tpu.memory_space<hbm>>
      %dma_start3A_98 = tpu.memref_slice %arg3[%add3A_27] : memref<2048xi32, #tpu.memory_space<hbm>> -> memref<32xi32, #tpu.memory_space<hbm>>
      tpu.enqueue_dma source(%dma_start3A_98 : memref<32xi32, #tpu.memory_space<hbm>>) target(%arg7 : memref<32xi32, #tpu.memory_space<vmem>>) target_semaphore(%run_scoped3A : memref<!tpu.dma_semaphore, #tpu.memory_space<semaphore_mem>>)
      %dma_wait3A_99 = tpu.memref_slice %arg3[%add3A_27] : memref<2048xi32, #tpu.memory_space<hbm>> -> memref<32xi32, #tpu.memory_space<hbm>>
      %dma_wait3A_100 = tpu.memref_slice %arg3[%add3A_27] : memref<2048xi32, #tpu.memory_space<hbm>> -> memref<32xi32, #tpu.memory_space<hbm>>
      tpu.wait_dma2 semaphore(%run_scoped3A : memref<!tpu.dma_semaphore, #tpu.memory_space<semaphore_mem>>) src(%dma_wait3A_100 : memref<32xi32, #tpu.memory_space<hbm>>) dst(%arg7 : memref<32xi32, #tpu.memory_space<vmem>>)
      tpu.yield
    }) : () -> ()
    "tpu.region"() ({
      %run_scoped3A = tpu.sem_alloc : memref<!tpu.dma_semaphore, #tpu.memory_space<semaphore_mem>>
      %dma_start3A_97 = tpu.memref_slice %arg4[%add3A_27] : memref<2048xi32, #tpu.memory_space<hbm>> -> memref<32xi32, #tpu.memory_space<hbm>>
      %dma_start3A_98 = tpu.memref_slice %arg4[%add3A_27] : memref<2048xi32, #tpu.memory_space<hbm>> -> memref<32xi32, #tpu.memory_space<hbm>>
      tpu.enqueue_dma source(%dma_start3A_98 : memref<32xi32, #tpu.memory_space<hbm>>) target(%arg9 : memref<32xi32, #tpu.memory_space<vmem>>) target_semaphore(%run_scoped3A : memref<!tpu.dma_semaphore, #tpu.memory_space<semaphore_mem>>)
      %dma_wait3A_99 = tpu.memref_slice %arg4[%add3A_27] : memref<2048xi32, #tpu.memory_space<hbm>> -> memref<32xi32, #tpu.memory_space<hbm>>
      %dma_wait3A_100 = tpu.memref_slice %arg4[%add3A_27] : memref<2048xi32, #tpu.memory_space<hbm>> -> memref<32xi32, #tpu.memory_space<hbm>>
      tpu.wait_dma2 semaphore(%run_scoped3A : memref<!tpu.dma_semaphore, #tpu.memory_space<semaphore_mem>>) src(%dma_wait3A_100 : memref<32xi32, #tpu.memory_space<hbm>>) dst(%arg9 : memref<32xi32, #tpu.memory_space<vmem>>)
      tpu.yield
    }) : () -> ()
    %add3A_28 = arith.constant 32 : i32
    %add3A_29 = arith.addi %mul3A_2, %add3A_28 : i32
    "tpu.region"() ({
      %run_scoped3A = tpu.sem_alloc : memref<!tpu.dma_semaphore, #tpu.memory_space<semaphore_mem>>
      %dma_start3A_97 = tpu.memref_slice %arg3[%add3A_29] : memref<2048xi32, #tpu.memory_space<hbm>> -> memref<32xi32, #tpu.memory_space<hbm>>
      %dma_start3A_98 = tpu.memref_slice %arg3[%add3A_29] : memref<2048xi32, #tpu.memory_space<hbm>> -> memref<32xi32, #tpu.memory_space<hbm>>
      tpu.enqueue_dma source(%dma_start3A_98 : memref<32xi32, #tpu.memory_space<hbm>>) target(%arg8 : memref<32xi32, #tpu.memory_space<vmem>>) target_semaphore(%run_scoped3A : memref<!tpu.dma_semaphore, #tpu.memory_space<semaphore_mem>>)
      %dma_wait3A_99 = tpu.memref_slice %arg3[%add3A_29] : memref<2048xi32, #tpu.memory_space<hbm>> -> memref<32xi32, #tpu.memory_space<hbm>>
      %dma_wait3A_100 = tpu.memref_slice %arg3[%add3A_29] : memref<2048xi32, #tpu.memory_space<hbm>> -> memref<32xi32, #tpu.memory_space<hbm>>
      tpu.wait_dma2 semaphore(%run_scoped3A : memref<!tpu.dma_semaphore, #tpu.memory_space<semaphore_mem>>) src(%dma_wait3A_100 : memref<32xi32, #tpu.memory_space<hbm>>) dst(%arg8 : memref<32xi32, #tpu.memory_space<vmem>>)
      tpu.yield
    }) : () -> ()
    "tpu.region"() ({
      %run_scoped3A = tpu.sem_alloc : memref<!tpu.dma_semaphore, #tpu.memory_space<semaphore_mem>>
      %dma_start3A_97 = tpu.memref_slice %arg4[%add3A_29] : memref<2048xi32, #tpu.memory_space<hbm>> -> memref<32xi32, #tpu.memory_space<hbm>>
      %dma_start3A_98 = tpu.memref_slice %arg4[%add3A_29] : memref<2048xi32, #tpu.memory_space<hbm>> -> memref<32xi32, #tpu.memory_space<hbm>>
      tpu.enqueue_dma source(%dma_start3A_98 : memref<32xi32, #tpu.memory_space<hbm>>) target(%arg10 : memref<32xi32, #tpu.memory_space<vmem>>) target_semaphore(%run_scoped3A : memref<!tpu.dma_semaphore, #tpu.memory_space<semaphore_mem>>)
      %dma_wait3A_99 = tpu.memref_slice %arg4[%add3A_29] : memref<2048xi32, #tpu.memory_space<hbm>> -> memref<32xi32, #tpu.memory_space<hbm>>
      %dma_wait3A_100 = tpu.memref_slice %arg4[%add3A_29] : memref<2048xi32, #tpu.memory_space<hbm>> -> memref<32xi32, #tpu.memory_space<hbm>>
      tpu.wait_dma2 semaphore(%run_scoped3A : memref<!tpu.dma_semaphore, #tpu.memory_space<semaphore_mem>>) src(%dma_wait3A_100 : memref<32xi32, #tpu.memory_space<hbm>>) dst(%arg10 : memref<32xi32, #tpu.memory_space<vmem>>)
      tpu.yield
    }) : () -> ()
    %dma_wait3A = arith.constant 0 : i32
    %dma_wait3A_30 = arith.constant 0 : i32
    %dma_wait3A_31 = tpu.memref_slice %arg6[%dma_wait3A, %dma_wait3A_30] : memref<64x384xf32, #tpu.memory_space<vmem>> -> memref<32x384xf32, #tpu.memory_space<vmem>>
    %dma_wait3A_32 = arith.constant 0 : i32
    %dma_wait3A_33 = tpu.memref_slice %arg2[%add3A_4, %dma_wait3A_32] : memref<2048x384xf32, #tpu.memory_space<hbm>> -> memref<32x384xf32, #tpu.memory_space<hbm>>
    %dma_wait3A_34 = arith.constant 0 : i32
    %dma_wait3A_35 = arith.constant 0 : i32
    %dma_wait3A_36 = tpu.memref_slice %arg6[%dma_wait3A_34, %dma_wait3A_35] : memref<64x384xf32, #tpu.memory_space<vmem>> -> memref<32x384xf32, #tpu.memory_space<vmem>>
    %dma_wait3A_37 = arith.constant 0 : i32
    %dma_wait3A_38 = tpu.memref_slice %arg2[%add3A_4, %dma_wait3A_37] : memref<2048x384xf32, #tpu.memory_space<hbm>> -> memref<32x384xf32, #tpu.memory_space<hbm>>
    tpu.wait_dma2 semaphore(%arg13 : memref<!tpu.dma_semaphore, #tpu.memory_space<semaphore_mem>>) src(%dma_wait3A_38 : memref<32x384xf32, #tpu.memory_space<hbm>>) dst(%dma_wait3A_36 : memref<32x384xf32, #tpu.memory_space<vmem>>)
    %dma_start3A_39 = arith.constant 0 : i32
    %dma_start3A_40 = arith.constant 0 : i32
    %dma_start3A_41 = tpu.memref_slice %arg6[%dma_start3A_39, %dma_start3A_40] : memref<64x384xf32, #tpu.memory_space<vmem>> -> memref<32x384xf32, #tpu.memory_space<vmem>>
    %dma_start3A_42 = arith.constant 0 : i32
    %dma_start3A_43 = arith.constant 0 : i32
    %dma_start3A_44 = tpu.memref_slice %arg5[%dma_start3A_42, %dma_start3A_43] : memref<8192x384xf32, #tpu.memory_space<hbm>> -> memref<8192x384xf32, #tpu.memory_space<hbm>>
    tpu.enqueue_indirect_dma source(%dma_start3A_41 : memref<32x384xf32, #tpu.memory_space<vmem>>) target(%dma_start3A_44 : memref<8192x384xf32, #tpu.memory_space<hbm>>) offsets(%arg7 : memref<32xi32, #tpu.memory_space<vmem>>) semaphore(%arg11 : memref<!tpu.dma_semaphore, #tpu.memory_space<semaphore_mem>>)
    %dma_start3A_45 = arith.constant 0 : i32
    %dma_start3A_46 = arith.constant 0 : i32
    %dma_start3A_47 = tpu.memref_slice %arg6[%dma_start3A_45, %dma_start3A_46] : memref<64x384xf32, #tpu.memory_space<vmem>> -> memref<32x384xf32, #tpu.memory_space<vmem>>
    %dma_start3A_48 = arith.constant 0 : i32
    %dma_start3A_49 = arith.constant 0 : i32
    %dma_start3A_50 = tpu.memref_slice %arg5[%dma_start3A_48, %dma_start3A_49] : memref<8192x384xf32, #tpu.memory_space<hbm>> -> memref<8192x384xf32, #tpu.memory_space<hbm>>
    tpu.enqueue_indirect_dma source(%dma_start3A_47 : memref<32x384xf32, #tpu.memory_space<vmem>>) target(%dma_start3A_50 : memref<8192x384xf32, #tpu.memory_space<hbm>>) offsets(%arg9 : memref<32xi32, #tpu.memory_space<vmem>>) semaphore(%arg12 : memref<!tpu.dma_semaphore, #tpu.memory_space<semaphore_mem>>)
    %dma_wait3A_51 = arith.constant 32 : i32
    %dma_wait3A_52 = arith.constant 0 : i32
    %dma_wait3A_53 = tpu.memref_slice %arg6[%dma_wait3A_51, %dma_wait3A_52] : memref<64x384xf32, #tpu.memory_space<vmem>> -> memref<32x384xf32, #tpu.memory_space<vmem>>
    %dma_wait3A_54 = arith.constant 0 : i32
    %dma_wait3A_55 = tpu.memref_slice %arg2[%add3A_15, %dma_wait3A_54] : memref<2048x384xf32, #tpu.memory_space<hbm>> -> memref<32x384xf32, #tpu.memory_space<hbm>>
    %dma_wait3A_56 = arith.constant 32 : i32
    %dma_wait3A_57 = arith.constant 0 : i32
    %dma_wait3A_58 = tpu.memref_slice %arg6[%dma_wait3A_56, %dma_wait3A_57] : memref<64x384xf32, #tpu.memory_space<vmem>> -> memref<32x384xf32, #tpu.memory_space<vmem>>
    %dma_wait3A_59 = arith.constant 0 : i32
    %dma_wait3A_60 = tpu.memref_slice %arg2[%add3A_15, %dma_wait3A_59] : memref<2048x384xf32, #tpu.memory_space<hbm>> -> memref<32x384xf32, #tpu.memory_space<hbm>>
    tpu.wait_dma2 semaphore(%arg13 : memref<!tpu.dma_semaphore, #tpu.memory_space<semaphore_mem>>) src(%dma_wait3A_60 : memref<32x384xf32, #tpu.memory_space<hbm>>) dst(%dma_wait3A_58 : memref<32x384xf32, #tpu.memory_space<vmem>>)
    %dma_start3A_61 = arith.constant 32 : i32
    %dma_start3A_62 = arith.constant 0 : i32
    %dma_start3A_63 = tpu.memref_slice %arg6[%dma_start3A_61, %dma_start3A_62] : memref<64x384xf32, #tpu.memory_space<vmem>> -> memref<32x384xf32, #tpu.memory_space<vmem>>
    %dma_start3A_64 = arith.constant 0 : i32
    %dma_start3A_65 = arith.constant 0 : i32
    %dma_start3A_66 = tpu.memref_slice %arg5[%dma_start3A_64, %dma_start3A_65] : memref<8192x384xf32, #tpu.memory_space<hbm>> -> memref<8192x384xf32, #tpu.memory_space<hbm>>
    tpu.enqueue_indirect_dma source(%dma_start3A_63 : memref<32x384xf32, #tpu.memory_space<vmem>>) target(%dma_start3A_66 : memref<8192x384xf32, #tpu.memory_space<hbm>>) offsets(%arg8 : memref<32xi32, #tpu.memory_space<vmem>>) semaphore(%arg11 : memref<!tpu.dma_semaphore, #tpu.memory_space<semaphore_mem>>)
    %dma_start3A_67 = arith.constant 32 : i32
    %dma_start3A_68 = arith.constant 0 : i32
    %dma_start3A_69 = tpu.memref_slice %arg6[%dma_start3A_67, %dma_start3A_68] : memref<64x384xf32, #tpu.memory_space<vmem>> -> memref<32x384xf32, #tpu.memory_space<vmem>>
    %dma_start3A_70 = arith.constant 0 : i32
    %dma_start3A_71 = arith.constant 0 : i32
    %dma_start3A_72 = tpu.memref_slice %arg5[%dma_start3A_70, %dma_start3A_71] : memref<8192x384xf32, #tpu.memory_space<hbm>> -> memref<8192x384xf32, #tpu.memory_space<hbm>>
    tpu.enqueue_indirect_dma source(%dma_start3A_69 : memref<32x384xf32, #tpu.memory_space<vmem>>) target(%dma_start3A_72 : memref<8192x384xf32, #tpu.memory_space<hbm>>) offsets(%arg10 : memref<32xi32, #tpu.memory_space<vmem>>) semaphore(%arg12 : memref<!tpu.dma_semaphore, #tpu.memory_space<semaphore_mem>>)
    %dma_wait3A_73 = arith.constant 0 : i32
    %dma_wait3A_74 = arith.constant 0 : i32
    %dma_wait3A_75 = tpu.memref_slice %arg6[%dma_wait3A_73, %dma_wait3A_74] : memref<64x384xf32, #tpu.memory_space<vmem>> -> memref<32x384xf32, #tpu.memory_space<vmem>>
    %dma_wait3A_76 = arith.constant 0 : i32
    %dma_wait3A_77 = arith.constant 0 : i32
    %dma_wait3A_78 = tpu.memref_slice %arg5[%dma_wait3A_76, %dma_wait3A_77] : memref<8192x384xf32, #tpu.memory_space<hbm>> -> memref<8192x384xf32, #tpu.memory_space<hbm>>
    tpu.wait_indirect_dma semaphore(%arg11 : memref<!tpu.dma_semaphore, #tpu.memory_space<semaphore_mem>>) src(%dma_wait3A_75 : memref<32x384xf32, #tpu.memory_space<vmem>>) dst(%dma_wait3A_78 : memref<8192x384xf32, #tpu.memory_space<hbm>>)
    %dma_wait3A_79 = arith.constant 0 : i32
    %dma_wait3A_80 = arith.constant 0 : i32
    %dma_wait3A_81 = tpu.memref_slice %arg6[%dma_wait3A_79, %dma_wait3A_80] : memref<64x384xf32, #tpu.memory_space<vmem>> -> memref<32x384xf32, #tpu.memory_space<vmem>>
    %dma_wait3A_82 = arith.constant 0 : i32
    %dma_wait3A_83 = arith.constant 0 : i32
    %dma_wait3A_84 = tpu.memref_slice %arg5[%dma_wait3A_82, %dma_wait3A_83] : memref<8192x384xf32, #tpu.memory_space<hbm>> -> memref<8192x384xf32, #tpu.memory_space<hbm>>
    tpu.wait_indirect_dma semaphore(%arg12 : memref<!tpu.dma_semaphore, #tpu.memory_space<semaphore_mem>>) src(%dma_wait3A_81 : memref<32x384xf32, #tpu.memory_space<vmem>>) dst(%dma_wait3A_84 : memref<8192x384xf32, #tpu.memory_space<hbm>>)
    %dma_wait3A_85 = arith.constant 32 : i32
    %dma_wait3A_86 = arith.constant 0 : i32
    %dma_wait3A_87 = tpu.memref_slice %arg6[%dma_wait3A_85, %dma_wait3A_86] : memref<64x384xf32, #tpu.memory_space<vmem>> -> memref<32x384xf32, #tpu.memory_space<vmem>>
    %dma_wait3A_88 = arith.constant 0 : i32
    %dma_wait3A_89 = arith.constant 0 : i32
    %dma_wait3A_90 = tpu.memref_slice %arg5[%dma_wait3A_88, %dma_wait3A_89] : memref<8192x384xf32, #tpu.memory_space<hbm>> -> memref<8192x384xf32, #tpu.memory_space<hbm>>
    tpu.wait_indirect_dma semaphore(%arg11 : memref<!tpu.dma_semaphore, #tpu.memory_space<semaphore_mem>>) src(%dma_wait3A_87 : memref<32x384xf32, #tpu.memory_space<vmem>>) dst(%dma_wait3A_90 : memref<8192x384xf32, #tpu.memory_space<hbm>>)
    %dma_wait3A_91 = arith.constant 32 : i32
    %dma_wait3A_92 = arith.constant 0 : i32
    %dma_wait3A_93 = tpu.memref_slice %arg6[%dma_wait3A_91, %dma_wait3A_92] : memref<64x384xf32, #tpu.memory_space<vmem>> -> memref<32x384xf32, #tpu.memory_space<vmem>>
    %dma_wait3A_94 = arith.constant 0 : i32
    %dma_wait3A_95 = arith.constant 0 : i32
    %dma_wait3A_96 = tpu.memref_slice %arg5[%dma_wait3A_94, %dma_wait3A_95] : memref<8192x384xf32, #tpu.memory_space<hbm>> -> memref<8192x384xf32, #tpu.memory_space<hbm>>
    tpu.wait_indirect_dma semaphore(%arg12 : memref<!tpu.dma_semaphore, #tpu.memory_space<semaphore_mem>>) src(%dma_wait3A_93 : memref<32x384xf32, #tpu.memory_space<vmem>>) dst(%dma_wait3A_96 : memref<8192x384xf32, #tpu.memory_space<hbm>>)
    return
  }
}

#map = affine_map<(d0, d1) -> (0, 0)>
#map1 = affine_map<(d0, d1) -> (0)>
module attributes {stable_mosaic.version = 14 : i64} {
  func.func @_sc_combine(%arg0: i32, %arg1: i32, %arg2: memref<8192x768xf32, #tpu.memory_space<hbm>>, %arg3: memref<2048xi32, #tpu.memory_space<hbm>>, %arg4: memref<2048xi32, #tpu.memory_space<hbm>>, %arg5: memref<2048x768xf32, #tpu.memory_space<hbm>>, %arg6: memref<64x768xf32, #tpu.memory_space<vmem>>, %arg7: memref<64x768xf32, #tpu.memory_space<vmem>>, %arg8: memref<64xi32, #tpu.memory_space<vmem>>, %arg9: memref<64xi32, #tpu.memory_space<vmem>>, %arg10: memref<!tpu.dma_semaphore, #tpu.memory_space<semaphore_mem>>, %arg11: memref<!tpu.dma_semaphore, #tpu.memory_space<semaphore_mem>>, %arg12: memref<!tpu.dma_semaphore, #tpu.memory_space<semaphore_mem>>) attributes {dimension_semantics = [#tpu.dimension_semantics<core_parallel>, #tpu.dimension_semantics<subcore_parallel>], iteration_bounds = array<i64: 2, 16>, scalar_prefetch = 0 : i64, scratch_operands = 7 : i64, tpu.core_type = #tpu.core_type<sc_vector_subcore>, window_params = [{transform_indices = #map}, {transform_indices = #map1}, {transform_indices = #map1}, {transform_indices = #map}]} {
    %mul3A = arith.constant 2 : i32
    %mul3A_0 = arith.muli %arg1, %mul3A : i32
    %add3A = arith.addi %mul3A_0, %arg0 : i32
    %mul3A_1 = arith.constant 64 : i32
    %mul3A_2 = arith.muli %add3A, %mul3A_1 : i32
    "tpu.region"() ({
      %run_scoped3A = tpu.sem_alloc : memref<!tpu.dma_semaphore, #tpu.memory_space<semaphore_mem>>
      %dma_start3A_114 = tpu.memref_slice %arg3[%mul3A_2] : memref<2048xi32, #tpu.memory_space<hbm>> -> memref<64xi32, #tpu.memory_space<hbm>>
      %dma_start3A_115 = tpu.memref_slice %arg3[%mul3A_2] : memref<2048xi32, #tpu.memory_space<hbm>> -> memref<64xi32, #tpu.memory_space<hbm>>
      tpu.enqueue_dma source(%dma_start3A_115 : memref<64xi32, #tpu.memory_space<hbm>>) target(%arg8 : memref<64xi32, #tpu.memory_space<vmem>>) target_semaphore(%run_scoped3A : memref<!tpu.dma_semaphore, #tpu.memory_space<semaphore_mem>>)
      %dma_wait3A_116 = tpu.memref_slice %arg3[%mul3A_2] : memref<2048xi32, #tpu.memory_space<hbm>> -> memref<64xi32, #tpu.memory_space<hbm>>
      %dma_wait3A_117 = tpu.memref_slice %arg3[%mul3A_2] : memref<2048xi32, #tpu.memory_space<hbm>> -> memref<64xi32, #tpu.memory_space<hbm>>
      tpu.wait_dma2 semaphore(%run_scoped3A : memref<!tpu.dma_semaphore, #tpu.memory_space<semaphore_mem>>) src(%dma_wait3A_117 : memref<64xi32, #tpu.memory_space<hbm>>) dst(%arg8 : memref<64xi32, #tpu.memory_space<vmem>>)
      tpu.yield
    }) : () -> ()
    "tpu.region"() ({
      %run_scoped3A = tpu.sem_alloc : memref<!tpu.dma_semaphore, #tpu.memory_space<semaphore_mem>>
      %dma_start3A_114 = tpu.memref_slice %arg4[%mul3A_2] : memref<2048xi32, #tpu.memory_space<hbm>> -> memref<64xi32, #tpu.memory_space<hbm>>
      %dma_start3A_115 = tpu.memref_slice %arg4[%mul3A_2] : memref<2048xi32, #tpu.memory_space<hbm>> -> memref<64xi32, #tpu.memory_space<hbm>>
      tpu.enqueue_dma source(%dma_start3A_115 : memref<64xi32, #tpu.memory_space<hbm>>) target(%arg9 : memref<64xi32, #tpu.memory_space<vmem>>) target_semaphore(%run_scoped3A : memref<!tpu.dma_semaphore, #tpu.memory_space<semaphore_mem>>)
      %dma_wait3A_116 = tpu.memref_slice %arg4[%mul3A_2] : memref<2048xi32, #tpu.memory_space<hbm>> -> memref<64xi32, #tpu.memory_space<hbm>>
      %dma_wait3A_117 = tpu.memref_slice %arg4[%mul3A_2] : memref<2048xi32, #tpu.memory_space<hbm>> -> memref<64xi32, #tpu.memory_space<hbm>>
      tpu.wait_dma2 semaphore(%run_scoped3A : memref<!tpu.dma_semaphore, #tpu.memory_space<semaphore_mem>>) src(%dma_wait3A_117 : memref<64xi32, #tpu.memory_space<hbm>>) dst(%arg9 : memref<64xi32, #tpu.memory_space<vmem>>)
      tpu.yield
    }) : () -> ()
    %dma_start3A = arith.constant 0 : i32
    %dma_start3A_3 = arith.constant 0 : i32
    %dma_start3A_4 = tpu.memref_slice %arg6[%dma_start3A, %dma_start3A_3] : memref<64x768xf32, #tpu.memory_space<vmem>> -> memref<32x768xf32, #tpu.memory_space<vmem>>
    %dma_start3A_5 = arith.constant 0 : i32
    %dma_start3A_6 = tpu.memref_slice %arg8[%dma_start3A_5] : memref<64xi32, #tpu.memory_space<vmem>> -> memref<32xi32, #tpu.memory_space<vmem>>
    %dma_start3A_7 = arith.constant 0 : i32
    %dma_start3A_8 = arith.constant 0 : i32
    %dma_start3A_9 = tpu.memref_slice %arg2[%dma_start3A_7, %dma_start3A_8] : memref<8192x768xf32, #tpu.memory_space<hbm>> -> memref<8192x768xf32, #tpu.memory_space<hbm>>
    tpu.enqueue_indirect_dma source(%dma_start3A_9 : memref<8192x768xf32, #tpu.memory_space<hbm>>) target(%dma_start3A_4 : memref<32x768xf32, #tpu.memory_space<vmem>>) offsets(%dma_start3A_6 : memref<32xi32, #tpu.memory_space<vmem>>) semaphore(%arg10 : memref<!tpu.dma_semaphore, #tpu.memory_space<semaphore_mem>>)
    %dma_start3A_10 = arith.constant 0 : i32
    %dma_start3A_11 = arith.constant 0 : i32
    %dma_start3A_12 = tpu.memref_slice %arg7[%dma_start3A_10, %dma_start3A_11] : memref<64x768xf32, #tpu.memory_space<vmem>> -> memref<32x768xf32, #tpu.memory_space<vmem>>
    %dma_start3A_13 = arith.constant 0 : i32
    %dma_start3A_14 = tpu.memref_slice %arg9[%dma_start3A_13] : memref<64xi32, #tpu.memory_space<vmem>> -> memref<32xi32, #tpu.memory_space<vmem>>
    %dma_start3A_15 = arith.constant 0 : i32
    %dma_start3A_16 = arith.constant 0 : i32
    %dma_start3A_17 = tpu.memref_slice %arg2[%dma_start3A_15, %dma_start3A_16] : memref<8192x768xf32, #tpu.memory_space<hbm>> -> memref<8192x768xf32, #tpu.memory_space<hbm>>
    tpu.enqueue_indirect_dma source(%dma_start3A_17 : memref<8192x768xf32, #tpu.memory_space<hbm>>) target(%dma_start3A_12 : memref<32x768xf32, #tpu.memory_space<vmem>>) offsets(%dma_start3A_14 : memref<32xi32, #tpu.memory_space<vmem>>) semaphore(%arg11 : memref<!tpu.dma_semaphore, #tpu.memory_space<semaphore_mem>>)
    %dma_start3A_18 = arith.constant 32 : i32
    %dma_start3A_19 = arith.constant 0 : i32
    %dma_start3A_20 = tpu.memref_slice %arg6[%dma_start3A_18, %dma_start3A_19] : memref<64x768xf32, #tpu.memory_space<vmem>> -> memref<32x768xf32, #tpu.memory_space<vmem>>
    %dma_start3A_21 = arith.constant 32 : i32
    %dma_start3A_22 = tpu.memref_slice %arg8[%dma_start3A_21] : memref<64xi32, #tpu.memory_space<vmem>> -> memref<32xi32, #tpu.memory_space<vmem>>
    %dma_start3A_23 = arith.constant 0 : i32
    %dma_start3A_24 = arith.constant 0 : i32
    %dma_start3A_25 = tpu.memref_slice %arg2[%dma_start3A_23, %dma_start3A_24] : memref<8192x768xf32, #tpu.memory_space<hbm>> -> memref<8192x768xf32, #tpu.memory_space<hbm>>
    tpu.enqueue_indirect_dma source(%dma_start3A_25 : memref<8192x768xf32, #tpu.memory_space<hbm>>) target(%dma_start3A_20 : memref<32x768xf32, #tpu.memory_space<vmem>>) offsets(%dma_start3A_22 : memref<32xi32, #tpu.memory_space<vmem>>) semaphore(%arg10 : memref<!tpu.dma_semaphore, #tpu.memory_space<semaphore_mem>>)
    %dma_start3A_26 = arith.constant 32 : i32
    %dma_start3A_27 = arith.constant 0 : i32
    %dma_start3A_28 = tpu.memref_slice %arg7[%dma_start3A_26, %dma_start3A_27] : memref<64x768xf32, #tpu.memory_space<vmem>> -> memref<32x768xf32, #tpu.memory_space<vmem>>
    %dma_start3A_29 = arith.constant 32 : i32
    %dma_start3A_30 = tpu.memref_slice %arg9[%dma_start3A_29] : memref<64xi32, #tpu.memory_space<vmem>> -> memref<32xi32, #tpu.memory_space<vmem>>
    %dma_start3A_31 = arith.constant 0 : i32
    %dma_start3A_32 = arith.constant 0 : i32
    %dma_start3A_33 = tpu.memref_slice %arg2[%dma_start3A_31, %dma_start3A_32] : memref<8192x768xf32, #tpu.memory_space<hbm>> -> memref<8192x768xf32, #tpu.memory_space<hbm>>
    tpu.enqueue_indirect_dma source(%dma_start3A_33 : memref<8192x768xf32, #tpu.memory_space<hbm>>) target(%dma_start3A_28 : memref<32x768xf32, #tpu.memory_space<vmem>>) offsets(%dma_start3A_30 : memref<32xi32, #tpu.memory_space<vmem>>) semaphore(%arg11 : memref<!tpu.dma_semaphore, #tpu.memory_space<semaphore_mem>>)
    %dma_wait3A = arith.constant 0 : i32
    %dma_wait3A_34 = arith.constant 0 : i32
    %dma_wait3A_35 = tpu.memref_slice %arg6[%dma_wait3A, %dma_wait3A_34] : memref<64x768xf32, #tpu.memory_space<vmem>> -> memref<32x768xf32, #tpu.memory_space<vmem>>
    %dma_wait3A_36 = arith.constant 0 : i32
    %dma_wait3A_37 = tpu.memref_slice %arg8[%dma_wait3A_36] : memref<64xi32, #tpu.memory_space<vmem>> -> memref<32xi32, #tpu.memory_space<vmem>>
    %dma_wait3A_38 = arith.constant 0 : i32
    %dma_wait3A_39 = arith.constant 0 : i32
    %dma_wait3A_40 = tpu.memref_slice %arg2[%dma_wait3A_38, %dma_wait3A_39] : memref<8192x768xf32, #tpu.memory_space<hbm>> -> memref<8192x768xf32, #tpu.memory_space<hbm>>
    tpu.wait_indirect_dma semaphore(%arg10 : memref<!tpu.dma_semaphore, #tpu.memory_space<semaphore_mem>>) src(%dma_wait3A_40 : memref<8192x768xf32, #tpu.memory_space<hbm>>) dst(%dma_wait3A_35 : memref<32x768xf32, #tpu.memory_space<vmem>>)
    %dma_wait3A_41 = arith.constant 0 : i32
    %dma_wait3A_42 = arith.constant 0 : i32
    %dma_wait3A_43 = tpu.memref_slice %arg7[%dma_wait3A_41, %dma_wait3A_42] : memref<64x768xf32, #tpu.memory_space<vmem>> -> memref<32x768xf32, #tpu.memory_space<vmem>>
    %dma_wait3A_44 = arith.constant 0 : i32
    %dma_wait3A_45 = tpu.memref_slice %arg9[%dma_wait3A_44] : memref<64xi32, #tpu.memory_space<vmem>> -> memref<32xi32, #tpu.memory_space<vmem>>
    %dma_wait3A_46 = arith.constant 0 : i32
    %dma_wait3A_47 = arith.constant 0 : i32
    %dma_wait3A_48 = tpu.memref_slice %arg2[%dma_wait3A_46, %dma_wait3A_47] : memref<8192x768xf32, #tpu.memory_space<hbm>> -> memref<8192x768xf32, #tpu.memory_space<hbm>>
    tpu.wait_indirect_dma semaphore(%arg11 : memref<!tpu.dma_semaphore, #tpu.memory_space<semaphore_mem>>) src(%dma_wait3A_48 : memref<8192x768xf32, #tpu.memory_space<hbm>>) dst(%dma_wait3A_43 : memref<32x768xf32, #tpu.memory_space<vmem>>)
    %parallel_loop3A = arith.constant 0 : i32
    %parallel_loop3A_49 = arith.constant 32 : i32
    %parallel_loop3A_50 = arith.constant 1 : i32
    scf.for %parallel_loop3A_114 = %parallel_loop3A to %parallel_loop3A_49 step %parallel_loop3A_50  : i32 {
      %parallel_loop3A_115 = arith.index_cast %parallel_loop3A_114 : i32 to index
      %parallel_loop3A_116 = arith.constant 0 : index
      %parallel_loop3A_117 = tpu.vector_load %arg6[%parallel_loop3A_115, %parallel_loop3A_116] {strides = array<i32>} : memref<64x768xf32, #tpu.memory_space<vmem>>, vector<1x16xf32>,
      %parallel_loop3A_118 = vector.shape_cast %parallel_loop3A_117 : vector<1x16xf32> to vector<16xf32>
      %parallel_loop3A_119 = arith.index_cast %parallel_loop3A_114 : i32 to index
      %parallel_loop3A_120 = arith.constant 0 : index
      %parallel_loop3A_121 = tpu.vector_load %arg7[%parallel_loop3A_119, %parallel_loop3A_120] {strides = array<i32>} : memref<64x768xf32, #tpu.memory_space<vmem>>, vector<1x16xf32>,
      %parallel_loop3A_122 = vector.shape_cast %parallel_loop3A_121 : vector<1x16xf32> to vector<16xf32>
      %parallel_loop3A_123 = arith.addf %parallel_loop3A_118, %parallel_loop3A_122 : vector<16xf32>
      %parallel_loop3A_124 = arith.index_cast %parallel_loop3A_114 : i32 to index
      %parallel_loop3A_125 = arith.constant 0 : index
      %parallel_loop3A_126 = tpu.vector_load %arg6[%parallel_loop3A_124, %parallel_loop3A_125] {strides = array<i32>} : memref<64x768xf32, #tpu.memory_space<vmem>>, vector<1x16xf32>,
      %parallel_loop3A_127 = vector.shape_cast %parallel_loop3A_126 : vector<1x16xf32> to vector<16xf32>
      %parallel_loop3A_128 = vector.shape_cast %parallel_loop3A_123 : vector<16xf32> to vector<1x16xf32>
      tpu.vector_store %arg6[%parallel_loop3A_124, %parallel_loop3A_125], %parallel_loop3A_128 {strides = array<i32>} : memref<64x768xf32, #tpu.memory_space<vmem>>, vector<1x16xf32>,
      %parallel_loop3A_129 = arith.index_cast %parallel_loop3A_114 : i32 to index
      %parallel_loop3A_130 = arith.constant 16 : index
      %parallel_loop3A_131 = tpu.vector_load %arg6[%parallel_loop3A_129, %parallel_loop3A_130] {strides = array<i32>} : memref<64x768xf32, #tpu.memory_space<vmem>>, vector<1x16xf32>,
      %parallel_loop3A_132 = vector.shape_cast %parallel_loop3A_131 : vector<1x16xf32> to vector<16xf32>
      %parallel_loop3A_133 = arith.index_cast %parallel_loop3A_114 : i32 to index
      %parallel_loop3A_134 = arith.constant 16 : index
      %parallel_loop3A_135 = tpu.vector_load %arg7[%parallel_loop3A_133, %parallel_loop3A_134] {strides = array<i32>} : memref<64x768xf32, #tpu.memory_space<vmem>>, vector<1x16xf32>,
      %parallel_loop3A_136 = vector.shape_cast %parallel_loop3A_135 : vector<1x16xf32> to vector<16xf32>
      %parallel_loop3A_137 = arith.addf %parallel_loop3A_132, %parallel_loop3A_136 : vector<16xf32>
      %parallel_loop3A_138 = arith.index_cast %parallel_loop3A_114 : i32 to index
      %parallel_loop3A_139 = arith.constant 16 : index
      %parallel_loop3A_140 = tpu.vector_load %arg6[%parallel_loop3A_138, %parallel_loop3A_139] {strides = array<i32>} : memref<64x768xf32, #tpu.memory_space<vmem>>, vector<1x16xf32>,
      %parallel_loop3A_141 = vector.shape_cast %parallel_loop3A_140 : vector<1x16xf32> to vector<16xf32>
      %parallel_loop3A_142 = vector.shape_cast %parallel_loop3A_137 : vector<16xf32> to vector<1x16xf32>
      tpu.vector_store %arg6[%parallel_loop3A_138, %parallel_loop3A_139], %parallel_loop3A_142 {strides = array<i32>} : memref<64x768xf32, #tpu.memory_space<vmem>>, vector<1x16xf32>,
      %parallel_loop3A_143 = arith.index_cast %parallel_loop3A_114 : i32 to index
      %parallel_loop3A_144 = arith.constant 32 : index
      %parallel_loop3A_145 = tpu.vector_load %arg6[%parallel_loop3A_143, %parallel_loop3A_144] {strides = array<i32>} : memref<64x768xf32, #tpu.memory_space<vmem>>, vector<1x16xf32>,
      %parallel_loop3A_146 = vector.shape_cast %parallel_loop3A_145 : vector<1x16xf32> to vector<16xf32>
      %parallel_loop3A_147 = arith.index_cast %parallel_loop3A_114 : i32 to index
      %parallel_loop3A_148 = arith.constant 32 : index
      %parallel_loop3A_149 = tpu.vector_load %arg7[%parallel_loop3A_147, %parallel_loop3A_148] {strides = array<i32>} : memref<64x768xf32, #tpu.memory_space<vmem>>, vector<1x16xf32>,
      %parallel_loop3A_150 = vector.shape_cast %parallel_loop3A_149 : vector<1x16xf32> to vector<16xf32>
      %parallel_loop3A_151 = arith.addf %parallel_loop3A_146, %parallel_loop3A_150 : vector<16xf32>
      %parallel_loop3A_152 = arith.index_cast %parallel_loop3A_114 : i32 to index
      %parallel_loop3A_153 = arith.constant 32 : index
      %parallel_loop3A_154 = tpu.vector_load %arg6[%parallel_loop3A_152, %parallel_loop3A_153] {strides = array<i32>} : memref<64x768xf32, #tpu.memory_space<vmem>>, vector<1x16xf32>,
      %parallel_loop3A_155 = vector.shape_cast %parallel_loop3A_154 : vector<1x16xf32> to vector<16xf32>
      %parallel_loop3A_156 = vector.shape_cast %parallel_loop3A_151 : vector<16xf32> to vector<1x16xf32>
      tpu.vector_store %arg6[%parallel_loop3A_152, %parallel_loop3A_153], %parallel_loop3A_156 {strides = array<i32>} : memref<64x768xf32, #tpu.memory_space<vmem>>, vector<1x16xf32>,
      %parallel_loop3A_157 = arith.index_cast %parallel_loop3A_114 : i32 to index
      %parallel_loop3A_158 = arith.constant 48 : index
      %parallel_loop3A_159 = tpu.vector_load %arg6[%parallel_loop3A_157, %parallel_loop3A_158] {strides = array<i32>} : memref<64x768xf32, #tpu.memory_space<vmem>>, vector<1x16xf32>,
      %parallel_loop3A_160 = vector.shape_cast %parallel_loop3A_159 : vector<1x16xf32> to vector<16xf32>
      %parallel_loop3A_161 = arith.index_cast %parallel_loop3A_114 : i32 to index
      %parallel_loop3A_162 = arith.constant 48 : index
      %parallel_loop3A_163 = tpu.vector_load %arg7[%parallel_loop3A_161, %parallel_loop3A_162] {strides = array<i32>} : memref<64x768xf32, #tpu.memory_space<vmem>>, vector<1x16xf32>,
      %parallel_loop3A_164 = vector.shape_cast %parallel_loop3A_163 : vector<1x16xf32> to vector<16xf32>
      %parallel_loop3A_165 = arith.addf %parallel_loop3A_160, %parallel_loop3A_164 : vector<16xf32>
      %parallel_loop3A_166 = arith.index_cast %parallel_loop3A_114 : i32 to index
      %parallel_loop3A_167 = arith.constant 48 : index
      %parallel_loop3A_168 = tpu.vector_load %arg6[%parallel_loop3A_166, %parallel_loop3A_167] {strides = array<i32>} : memref<64x768xf32, #tpu.memory_space<vmem>>, vector<1x16xf32>,
      %parallel_loop3A_169 = vector.shape_cast %parallel_loop3A_168 : vector<1x16xf32> to vector<16xf32>
      %parallel_loop3A_170 = vector.shape_cast %parallel_loop3A_165 : vector<16xf32> to vector<1x16xf32>
      tpu.vector_store %arg6[%parallel_loop3A_166, %parallel_loop3A_167], %parallel_loop3A_170 {strides = array<i32>} : memref<64x768xf32, #tpu.memory_space<vmem>>, vector<1x16xf32>,
      %parallel_loop3A_171 = arith.index_cast %parallel_loop3A_114 : i32 to index
      %parallel_loop3A_172 = arith.constant 64 : index
      %parallel_loop3A_173 = tpu.vector_load %arg6[%parallel_loop3A_171, %parallel_loop3A_172] {strides = array<i32>} : memref<64x768xf32, #tpu.memory_space<vmem>>, vector<1x16xf32>,
      %parallel_loop3A_174 = vector.shape_cast %parallel_loop3A_173 : vector<1x16xf32> to vector<16xf32>
      %parallel_loop3A_175 = arith.index_cast %parallel_loop3A_114 : i32 to index
      %parallel_loop3A_176 = arith.constant 64 : index
      %parallel_loop3A_177 = tpu.vector_load %arg7[%parallel_loop3A_175, %parallel_loop3A_176] {strides = array<i32>} : memref<64x768xf32, #tpu.memory_space<vmem>>, vector<1x16xf32>,
      %parallel_loop3A_178 = vector.shape_cast %parallel_loop3A_177 : vector<1x16xf32> to vector<16xf32>
      %parallel_loop3A_179 = arith.addf %parallel_loop3A_174, %parallel_loop3A_178 : vector<16xf32>
      %parallel_loop3A_180 = arith.index_cast %parallel_loop3A_114 : i32 to index
      %parallel_loop3A_181 = arith.constant 64 : index
      %parallel_loop3A_182 = tpu.vector_load %arg6[%parallel_loop3A_180, %parallel_loop3A_181] {strides = array<i32>} : memref<64x768xf32, #tpu.memory_space<vmem>>, vector<1x16xf32>,
      %parallel_loop3A_183 = vector.shape_cast %parallel_loop3A_182 : vector<1x16xf32> to vector<16xf32>
      %parallel_loop3A_184 = vector.shape_cast %parallel_loop3A_179 : vector<16xf32> to vector<1x16xf32>
      tpu.vector_store %arg6[%parallel_loop3A_180, %parallel_loop3A_181], %parallel_loop3A_184 {strides = array<i32>} : memref<64x768xf32, #tpu.memory_space<vmem>>, vector<1x16xf32>,
      %parallel_loop3A_185 = arith.index_cast %parallel_loop3A_114 : i32 to index
      %parallel_loop3A_186 = arith.constant 80 : index
      %parallel_loop3A_187 = tpu.vector_load %arg6[%parallel_loop3A_185, %parallel_loop3A_186] {strides = array<i32>} : memref<64x768xf32, #tpu.memory_space<vmem>>, vector<1x16xf32>,
      %parallel_loop3A_188 = vector.shape_cast %parallel_loop3A_187 : vector<1x16xf32> to vector<16xf32>
      %parallel_loop3A_189 = arith.index_cast %parallel_loop3A_114 : i32 to index
      %parallel_loop3A_190 = arith.constant 80 : index
      %parallel_loop3A_191 = tpu.vector_load %arg7[%parallel_loop3A_189, %parallel_loop3A_190] {strides = array<i32>} : memref<64x768xf32, #tpu.memory_space<vmem>>, vector<1x16xf32>,
      %parallel_loop3A_192 = vector.shape_cast %parallel_loop3A_191 : vector<1x16xf32> to vector<16xf32>
      %parallel_loop3A_193 = arith.addf %parallel_loop3A_188, %parallel_loop3A_192 : vector<16xf32>
      %parallel_loop3A_194 = arith.index_cast %parallel_loop3A_114 : i32 to index
      %parallel_loop3A_195 = arith.constant 80 : index
      %parallel_loop3A_196 = tpu.vector_load %arg6[%parallel_loop3A_194, %parallel_loop3A_195] {strides = array<i32>} : memref<64x768xf32, #tpu.memory_space<vmem>>, vector<1x16xf32>,
      %parallel_loop3A_197 = vector.shape_cast %parallel_loop3A_196 : vector<1x16xf32> to vector<16xf32>
      %parallel_loop3A_198 = vector.shape_cast %parallel_loop3A_193 : vector<16xf32> to vector<1x16xf32>
      tpu.vector_store %arg6[%parallel_loop3A_194, %parallel_loop3A_195], %parallel_loop3A_198 {strides = array<i32>} : memref<64x768xf32, #tpu.memory_space<vmem>>, vector<1x16xf32>,
      %parallel_loop3A_199 = arith.index_cast %parallel_loop3A_114 : i32 to index
      %parallel_loop3A_200 = arith.constant 96 : index
      %parallel_loop3A_201 = tpu.vector_load %arg6[%parallel_loop3A_199, %parallel_loop3A_200] {strides = array<i32>} : memref<64x768xf32, #tpu.memory_space<vmem>>, vector<1x16xf32>,
      %parallel_loop3A_202 = vector.shape_cast %parallel_loop3A_201 : vector<1x16xf32> to vector<16xf32>
      %parallel_loop3A_203 = arith.index_cast %parallel_loop3A_114 : i32 to index
      %parallel_loop3A_204 = arith.constant 96 : index
      %parallel_loop3A_205 = tpu.vector_load %arg7[%parallel_loop3A_203, %parallel_loop3A_204] {strides = array<i32>} : memref<64x768xf32, #tpu.memory_space<vmem>>, vector<1x16xf32>,
      %parallel_loop3A_206 = vector.shape_cast %parallel_loop3A_205 : vector<1x16xf32> to vector<16xf32>
      %parallel_loop3A_207 = arith.addf %parallel_loop3A_202, %parallel_loop3A_206 : vector<16xf32>
      %parallel_loop3A_208 = arith.index_cast %parallel_loop3A_114 : i32 to index
      %parallel_loop3A_209 = arith.constant 96 : index
      %parallel_loop3A_210 = tpu.vector_load %arg6[%parallel_loop3A_208, %parallel_loop3A_209] {strides = array<i32>} : memref<64x768xf32, #tpu.memory_space<vmem>>, vector<1x16xf32>,
      %parallel_loop3A_211 = vector.shape_cast %parallel_loop3A_210 : vector<1x16xf32> to vector<16xf32>
      %parallel_loop3A_212 = vector.shape_cast %parallel_loop3A_207 : vector<16xf32> to vector<1x16xf32>
      tpu.vector_store %arg6[%parallel_loop3A_208, %parallel_loop3A_209], %parallel_loop3A_212 {strides = array<i32>} : memref<64x768xf32, #tpu.memory_space<vmem>>, vector<1x16xf32>,
      %parallel_loop3A_213 = arith.index_cast %parallel_loop3A_114 : i32 to index
      %parallel_loop3A_214 = arith.constant 112 : index
      %parallel_loop3A_215 = tpu.vector_load %arg6[%parallel_loop3A_213, %parallel_loop3A_214] {strides = array<i32>} : memref<64x768xf32, #tpu.memory_space<vmem>>, vector<1x16xf32>,
      %parallel_loop3A_216 = vector.shape_cast %parallel_loop3A_215 : vector<1x16xf32> to vector<16xf32>
      %parallel_loop3A_217 = arith.index_cast %parallel_loop3A_114 : i32 to index
      %parallel_loop3A_218 = arith.constant 112 : index
      %parallel_loop3A_219 = tpu.vector_load %arg7[%parallel_loop3A_217, %parallel_loop3A_218] {strides = array<i32>} : memref<64x768xf32, #tpu.memory_space<vmem>>, vector<1x16xf32>,
      %parallel_loop3A_220 = vector.shape_cast %parallel_loop3A_219 : vector<1x16xf32> to vector<16xf32>
      %parallel_loop3A_221 = arith.addf %parallel_loop3A_216, %parallel_loop3A_220 : vector<16xf32>
      %parallel_loop3A_222 = arith.index_cast %parallel_loop3A_114 : i32 to index
      %parallel_loop3A_223 = arith.constant 112 : index
      %parallel_loop3A_224 = tpu.vector_load %arg6[%parallel_loop3A_222, %parallel_loop3A_223] {strides = array<i32>} : memref<64x768xf32, #tpu.memory_space<vmem>>, vector<1x16xf32>,
      %parallel_loop3A_225 = vector.shape_cast %parallel_loop3A_224 : vector<1x16xf32> to vector<16xf32>
      %parallel_loop3A_226 = vector.shape_cast %parallel_loop3A_221 : vector<16xf32> to vector<1x16xf32>
      tpu.vector_store %arg6[%parallel_loop3A_222, %parallel_loop3A_223], %parallel_loop3A_226 {strides = array<i32>} : memref<64x768xf32, #tpu.memory_space<vmem>>, vector<1x16xf32>,
      %parallel_loop3A_227 = arith.index_cast %parallel_loop3A_114 : i32 to index
      %parallel_loop3A_228 = arith.constant 128 : index
      %parallel_loop3A_229 = tpu.vector_load %arg6[%parallel_loop3A_227, %parallel_loop3A_228] {strides = array<i32>} : memref<64x768xf32, #tpu.memory_space<vmem>>, vector<1x16xf32>,
      %parallel_loop3A_230 = vector.shape_cast %parallel_loop3A_229 : vector<1x16xf32> to vector<16xf32>
      %parallel_loop3A_231 = arith.index_cast %parallel_loop3A_114 : i32 to index
      %parallel_loop3A_232 = arith.constant 128 : index
      %parallel_loop3A_233 = tpu.vector_load %arg7[%parallel_loop3A_231, %parallel_loop3A_232] {strides = array<i32>} : memref<64x768xf32, #tpu.memory_space<vmem>>, vector<1x16xf32>,
      %parallel_loop3A_234 = vector.shape_cast %parallel_loop3A_233 : vector<1x16xf32> to vector<16xf32>
      %parallel_loop3A_235 = arith.addf %parallel_loop3A_230, %parallel_loop3A_234 : vector<16xf32>
      %parallel_loop3A_236 = arith.index_cast %parallel_loop3A_114 : i32 to index
      %parallel_loop3A_237 = arith.constant 128 : index
      %parallel_loop3A_238 = tpu.vector_load %arg6[%parallel_loop3A_236, %parallel_loop3A_237] {strides = array<i32>} : memref<64x768xf32, #tpu.memory_space<vmem>>, vector<1x16xf32>,
      %parallel_loop3A_239 = vector.shape_cast %parallel_loop3A_238 : vector<1x16xf32> to vector<16xf32>
      %parallel_loop3A_240 = vector.shape_cast %parallel_loop3A_235 : vector<16xf32> to vector<1x16xf32>
      tpu.vector_store %arg6[%parallel_loop3A_236, %parallel_loop3A_237], %parallel_loop3A_240 {strides = array<i32>} : memref<64x768xf32, #tpu.memory_space<vmem>>, vector<1x16xf32>,
      %parallel_loop3A_241 = arith.index_cast %parallel_loop3A_114 : i32 to index
      %parallel_loop3A_242 = arith.constant 144 : index
      %parallel_loop3A_243 = tpu.vector_load %arg6[%parallel_loop3A_241, %parallel_loop3A_242] {strides = array<i32>} : memref<64x768xf32, #tpu.memory_space<vmem>>, vector<1x16xf32>,
      %parallel_loop3A_244 = vector.shape_cast %parallel_loop3A_243 : vector<1x16xf32> to vector<16xf32>
      %parallel_loop3A_245 = arith.index_cast %parallel_loop3A_114 : i32 to index
      %parallel_loop3A_246 = arith.constant 144 : index
      %parallel_loop3A_247 = tpu.vector_load %arg7[%parallel_loop3A_245, %parallel_loop3A_246] {strides = array<i32>} : memref<64x768xf32, #tpu.memory_space<vmem>>, vector<1x16xf32>,
      %parallel_loop3A_248 = vector.shape_cast %parallel_loop3A_247 : vector<1x16xf32> to vector<16xf32>
      %parallel_loop3A_249 = arith.addf %parallel_loop3A_244, %parallel_loop3A_248 : vector<16xf32>
      %parallel_loop3A_250 = arith.index_cast %parallel_loop3A_114 : i32 to index
      %parallel_loop3A_251 = arith.constant 144 : index
      %parallel_loop3A_252 = tpu.vector_load %arg6[%parallel_loop3A_250, %parallel_loop3A_251] {strides = array<i32>} : memref<64x768xf32, #tpu.memory_space<vmem>>, vector<1x16xf32>,
      %parallel_loop3A_253 = vector.shape_cast %parallel_loop3A_252 : vector<1x16xf32> to vector<16xf32>
      %parallel_loop3A_254 = vector.shape_cast %parallel_loop3A_249 : vector<16xf32> to vector<1x16xf32>
      tpu.vector_store %arg6[%parallel_loop3A_250, %parallel_loop3A_251], %parallel_loop3A_254 {strides = array<i32>} : memref<64x768xf32, #tpu.memory_space<vmem>>, vector<1x16xf32>,
      %parallel_loop3A_255 = arith.index_cast %parallel_loop3A_114 : i32 to index
      %parallel_loop3A_256 = arith.constant 160 : index
      %parallel_loop3A_257 = tpu.vector_load %arg6[%parallel_loop3A_255, %parallel_loop3A_256] {strides = array<i32>} : memref<64x768xf32, #tpu.memory_space<vmem>>, vector<1x16xf32>,
      %parallel_loop3A_258 = vector.shape_cast %parallel_loop3A_257 : vector<1x16xf32> to vector<16xf32>
      %parallel_loop3A_259 = arith.index_cast %parallel_loop3A_114 : i32 to index
      %parallel_loop3A_260 = arith.constant 160 : index
      %parallel_loop3A_261 = tpu.vector_load %arg7[%parallel_loop3A_259, %parallel_loop3A_260] {strides = array<i32>} : memref<64x768xf32, #tpu.memory_space<vmem>>, vector<1x16xf32>,
      %parallel_loop3A_262 = vector.shape_cast %parallel_loop3A_261 : vector<1x16xf32> to vector<16xf32>
      %parallel_loop3A_263 = arith.addf %parallel_loop3A_258, %parallel_loop3A_262 : vector<16xf32>
      %parallel_loop3A_264 = arith.index_cast %parallel_loop3A_114 : i32 to index
      %parallel_loop3A_265 = arith.constant 160 : index
      %parallel_loop3A_266 = tpu.vector_load %arg6[%parallel_loop3A_264, %parallel_loop3A_265] {strides = array<i32>} : memref<64x768xf32, #tpu.memory_space<vmem>>, vector<1x16xf32>,
      %parallel_loop3A_267 = vector.shape_cast %parallel_loop3A_266 : vector<1x16xf32> to vector<16xf32>
      %parallel_loop3A_268 = vector.shape_cast %parallel_loop3A_263 : vector<16xf32> to vector<1x16xf32>
      tpu.vector_store %arg6[%parallel_loop3A_264, %parallel_loop3A_265], %parallel_loop3A_268 {strides = array<i32>} : memref<64x768xf32, #tpu.memory_space<vmem>>, vector<1x16xf32>,
      %parallel_loop3A_269 = arith.index_cast %parallel_loop3A_114 : i32 to index
      %parallel_loop3A_270 = arith.constant 176 : index
      %parallel_loop3A_271 = tpu.vector_load %arg6[%parallel_loop3A_269, %parallel_loop3A_270] {strides = array<i32>} : memref<64x768xf32, #tpu.memory_space<vmem>>, vector<1x16xf32>,
      %parallel_loop3A_272 = vector.shape_cast %parallel_loop3A_271 : vector<1x16xf32> to vector<16xf32>
      %parallel_loop3A_273 = arith.index_cast %parallel_loop3A_114 : i32 to index
      %parallel_loop3A_274 = arith.constant 176 : index
      %parallel_loop3A_275 = tpu.vector_load %arg7[%parallel_loop3A_273, %parallel_loop3A_274] {strides = array<i32>} : memref<64x768xf32, #tpu.memory_space<vmem>>, vector<1x16xf32>,
      %parallel_loop3A_276 = vector.shape_cast %parallel_loop3A_275 : vector<1x16xf32> to vector<16xf32>
      %parallel_loop3A_277 = arith.addf %parallel_loop3A_272, %parallel_loop3A_276 : vector<16xf32>
      %parallel_loop3A_278 = arith.index_cast %parallel_loop3A_114 : i32 to index
      %parallel_loop3A_279 = arith.constant 176 : index
      %parallel_loop3A_280 = tpu.vector_load %arg6[%parallel_loop3A_278, %parallel_loop3A_279] {strides = array<i32>} : memref<64x768xf32, #tpu.memory_space<vmem>>, vector<1x16xf32>,
      %parallel_loop3A_281 = vector.shape_cast %parallel_loop3A_280 : vector<1x16xf32> to vector<16xf32>
      %parallel_loop3A_282 = vector.shape_cast %parallel_loop3A_277 : vector<16xf32> to vector<1x16xf32>
      tpu.vector_store %arg6[%parallel_loop3A_278, %parallel_loop3A_279], %parallel_loop3A_282 {strides = array<i32>} : memref<64x768xf32, #tpu.memory_space<vmem>>, vector<1x16xf32>,
      %parallel_loop3A_283 = arith.index_cast %parallel_loop3A_114 : i32 to index
      %parallel_loop3A_284 = arith.constant 192 : index
      %parallel_loop3A_285 = tpu.vector_load %arg6[%parallel_loop3A_283, %parallel_loop3A_284] {strides = array<i32>} : memref<64x768xf32, #tpu.memory_space<vmem>>, vector<1x16xf32>,
      %parallel_loop3A_286 = vector.shape_cast %parallel_loop3A_285 : vector<1x16xf32> to vector<16xf32>
      %parallel_loop3A_287 = arith.index_cast %parallel_loop3A_114 : i32 to index
      %parallel_loop3A_288 = arith.constant 192 : index
      %parallel_loop3A_289 = tpu.vector_load %arg7[%parallel_loop3A_287, %parallel_loop3A_288] {strides = array<i32>} : memref<64x768xf32, #tpu.memory_space<vmem>>, vector<1x16xf32>,
      %parallel_loop3A_290 = vector.shape_cast %parallel_loop3A_289 : vector<1x16xf32> to vector<16xf32>
      %parallel_loop3A_291 = arith.addf %parallel_loop3A_286, %parallel_loop3A_290 : vector<16xf32>
      %parallel_loop3A_292 = arith.index_cast %parallel_loop3A_114 : i32 to index
      %parallel_loop3A_293 = arith.constant 192 : index
      %parallel_loop3A_294 = tpu.vector_load %arg6[%parallel_loop3A_292, %parallel_loop3A_293] {strides = array<i32>} : memref<64x768xf32, #tpu.memory_space<vmem>>, vector<1x16xf32>,
      %parallel_loop3A_295 = vector.shape_cast %parallel_loop3A_294 : vector<1x16xf32> to vector<16xf32>
      %parallel_loop3A_296 = vector.shape_cast %parallel_loop3A_291 : vector<16xf32> to vector<1x16xf32>
      tpu.vector_store %arg6[%parallel_loop3A_292, %parallel_loop3A_293], %parallel_loop3A_296 {strides = array<i32>} : memref<64x768xf32, #tpu.memory_space<vmem>>, vector<1x16xf32>,
      %parallel_loop3A_297 = arith.index_cast %parallel_loop3A_114 : i32 to index
      %parallel_loop3A_298 = arith.constant 208 : index
      %parallel_loop3A_299 = tpu.vector_load %arg6[%parallel_loop3A_297, %parallel_loop3A_298] {strides = array<i32>} : memref<64x768xf32, #tpu.memory_space<vmem>>, vector<1x16xf32>,
      %parallel_loop3A_300 = vector.shape_cast %parallel_loop3A_299 : vector<1x16xf32> to vector<16xf32>
      %parallel_loop3A_301 = arith.index_cast %parallel_loop3A_114 : i32 to index
      %parallel_loop3A_302 = arith.constant 208 : index
      %parallel_loop3A_303 = tpu.vector_load %arg7[%parallel_loop3A_301, %parallel_loop3A_302] {strides = array<i32>} : memref<64x768xf32, #tpu.memory_space<vmem>>, vector<1x16xf32>,
      %parallel_loop3A_304 = vector.shape_cast %parallel_loop3A_303 : vector<1x16xf32> to vector<16xf32>
      %parallel_loop3A_305 = arith.addf %parallel_loop3A_300, %parallel_loop3A_304 : vector<16xf32>
      %parallel_loop3A_306 = arith.index_cast %parallel_loop3A_114 : i32 to index
      %parallel_loop3A_307 = arith.constant 208 : index
      %parallel_loop3A_308 = tpu.vector_load %arg6[%parallel_loop3A_306, %parallel_loop3A_307] {strides = array<i32>} : memref<64x768xf32, #tpu.memory_space<vmem>>, vector<1x16xf32>,
      %parallel_loop3A_309 = vector.shape_cast %parallel_loop3A_308 : vector<1x16xf32> to vector<16xf32>
      %parallel_loop3A_310 = vector.shape_cast %parallel_loop3A_305 : vector<16xf32> to vector<1x16xf32>
      tpu.vector_store %arg6[%parallel_loop3A_306, %parallel_loop3A_307], %parallel_loop3A_310 {strides = array<i32>} : memref<64x768xf32, #tpu.memory_space<vmem>>, vector<1x16xf32>,
      %parallel_loop3A_311 = arith.index_cast %parallel_loop3A_114 : i32 to index
      %parallel_loop3A_312 = arith.constant 224 : index
      %parallel_loop3A_313 = tpu.vector_load %arg6[%parallel_loop3A_311, %parallel_loop3A_312] {strides = array<i32>} : memref<64x768xf32, #tpu.memory_space<vmem>>, vector<1x16xf32>,
      %parallel_loop3A_314 = vector.shape_cast %parallel_loop3A_313 : vector<1x16xf32> to vector<16xf32>
      %parallel_loop3A_315 = arith.index_cast %parallel_loop3A_114 : i32 to index
      %parallel_loop3A_316 = arith.constant 224 : index
      %parallel_loop3A_317 = tpu.vector_load %arg7[%parallel_loop3A_315, %parallel_loop3A_316] {strides = array<i32>} : memref<64x768xf32, #tpu.memory_space<vmem>>, vector<1x16xf32>,
      %parallel_loop3A_318 = vector.shape_cast %parallel_loop3A_317 : vector<1x16xf32> to vector<16xf32>
      %parallel_loop3A_319 = arith.addf %parallel_loop3A_314, %parallel_loop3A_318 : vector<16xf32>
      %parallel_loop3A_320 = arith.index_cast %parallel_loop3A_114 : i32 to index
      %parallel_loop3A_321 = arith.constant 224 : index
      %parallel_loop3A_322 = tpu.vector_load %arg6[%parallel_loop3A_320, %parallel_loop3A_321] {strides = array<i32>} : memref<64x768xf32, #tpu.memory_space<vmem>>, vector<1x16xf32>,
      %parallel_loop3A_323 = vector.shape_cast %parallel_loop3A_322 : vector<1x16xf32> to vector<16xf32>
      %parallel_loop3A_324 = vector.shape_cast %parallel_loop3A_319 : vector<16xf32> to vector<1x16xf32>
      tpu.vector_store %arg6[%parallel_loop3A_320, %parallel_loop3A_321], %parallel_loop3A_324 {strides = array<i32>} : memref<64x768xf32, #tpu.memory_space<vmem>>, vector<1x16xf32>,
      %parallel_loop3A_325 = arith.index_cast %parallel_loop3A_114 : i32 to index
      %parallel_loop3A_326 = arith.constant 240 : index
      %parallel_loop3A_327 = tpu.vector_load %arg6[%parallel_loop3A_325, %parallel_loop3A_326] {strides = array<i32>} : memref<64x768xf32, #tpu.memory_space<vmem>>, vector<1x16xf32>,
      %parallel_loop3A_328 = vector.shape_cast %parallel_loop3A_327 : vector<1x16xf32> to vector<16xf32>
      %parallel_loop3A_329 = arith.index_cast %parallel_loop3A_114 : i32 to index
      %parallel_loop3A_330 = arith.constant 240 : index
      %parallel_loop3A_331 = tpu.vector_load %arg7[%parallel_loop3A_329, %parallel_loop3A_330] {strides = array<i32>} : memref<64x768xf32, #tpu.memory_space<vmem>>, vector<1x16xf32>,
      %parallel_loop3A_332 = vector.shape_cast %parallel_loop3A_331 : vector<1x16xf32> to vector<16xf32>
      %parallel_loop3A_333 = arith.addf %parallel_loop3A_328, %parallel_loop3A_332 : vector<16xf32>
      %parallel_loop3A_334 = arith.index_cast %parallel_loop3A_114 : i32 to index
      %parallel_loop3A_335 = arith.constant 240 : index
      %parallel_loop3A_336 = tpu.vector_load %arg6[%parallel_loop3A_334, %parallel_loop3A_335] {strides = array<i32>} : memref<64x768xf32, #tpu.memory_space<vmem>>, vector<1x16xf32>,
      %parallel_loop3A_337 = vector.shape_cast %parallel_loop3A_336 : vector<1x16xf32> to vector<16xf32>
      %parallel_loop3A_338 = vector.shape_cast %parallel_loop3A_333 : vector<16xf32> to vector<1x16xf32>
      tpu.vector_store %arg6[%parallel_loop3A_334, %parallel_loop3A_335], %parallel_loop3A_338 {strides = array<i32>} : memref<64x768xf32, #tpu.memory_space<vmem>>, vector<1x16xf32>,
      %parallel_loop3A_339 = arith.index_cast %parallel_loop3A_114 : i32 to index
      %parallel_loop3A_340 = arith.constant 256 : index
      %parallel_loop3A_341 = tpu.vector_load %arg6[%parallel_loop3A_339, %parallel_loop3A_340] {strides = array<i32>} : memref<64x768xf32, #tpu.memory_space<vmem>>, vector<1x16xf32>,
      %parallel_loop3A_342 = vector.shape_cast %parallel_loop3A_341 : vector<1x16xf32> to vector<16xf32>
      %parallel_loop3A_343 = arith.index_cast %parallel_loop3A_114 : i32 to index
      %parallel_loop3A_344 = arith.constant 256 : index
      %parallel_loop3A_345 = tpu.vector_load %arg7[%parallel_loop3A_343, %parallel_loop3A_344] {strides = array<i32>} : memref<64x768xf32, #tpu.memory_space<vmem>>, vector<1x16xf32>,
      %parallel_loop3A_346 = vector.shape_cast %parallel_loop3A_345 : vector<1x16xf32> to vector<16xf32>
      %parallel_loop3A_347 = arith.addf %parallel_loop3A_342, %parallel_loop3A_346 : vector<16xf32>
      %parallel_loop3A_348 = arith.index_cast %parallel_loop3A_114 : i32 to index
      %parallel_loop3A_349 = arith.constant 256 : index
      %parallel_loop3A_350 = tpu.vector_load %arg6[%parallel_loop3A_348, %parallel_loop3A_349] {strides = array<i32>} : memref<64x768xf32, #tpu.memory_space<vmem>>, vector<1x16xf32>,
      %parallel_loop3A_351 = vector.shape_cast %parallel_loop3A_350 : vector<1x16xf32> to vector<16xf32>
      %parallel_loop3A_352 = vector.shape_cast %parallel_loop3A_347 : vector<16xf32> to vector<1x16xf32>
      tpu.vector_store %arg6[%parallel_loop3A_348, %parallel_loop3A_349], %parallel_loop3A_352 {strides = array<i32>} : memref<64x768xf32, #tpu.memory_space<vmem>>, vector<1x16xf32>,
      %parallel_loop3A_353 = arith.index_cast %parallel_loop3A_114 : i32 to index
      %parallel_loop3A_354 = arith.constant 272 : index
      %parallel_loop3A_355 = tpu.vector_load %arg6[%parallel_loop3A_353, %parallel_loop3A_354] {strides = array<i32>} : memref<64x768xf32, #tpu.memory_space<vmem>>, vector<1x16xf32>,
      %parallel_loop3A_356 = vector.shape_cast %parallel_loop3A_355 : vector<1x16xf32> to vector<16xf32>
      %parallel_loop3A_357 = arith.index_cast %parallel_loop3A_114 : i32 to index
      %parallel_loop3A_358 = arith.constant 272 : index
      %parallel_loop3A_359 = tpu.vector_load %arg7[%parallel_loop3A_357, %parallel_loop3A_358] {strides = array<i32>} : memref<64x768xf32, #tpu.memory_space<vmem>>, vector<1x16xf32>,
      %parallel_loop3A_360 = vector.shape_cast %parallel_loop3A_359 : vector<1x16xf32> to vector<16xf32>
      %parallel_loop3A_361 = arith.addf %parallel_loop3A_356, %parallel_loop3A_360 : vector<16xf32>
      %parallel_loop3A_362 = arith.index_cast %parallel_loop3A_114 : i32 to index
      %parallel_loop3A_363 = arith.constant 272 : index
      %parallel_loop3A_364 = tpu.vector_load %arg6[%parallel_loop3A_362, %parallel_loop3A_363] {strides = array<i32>} : memref<64x768xf32, #tpu.memory_space<vmem>>, vector<1x16xf32>,
      %parallel_loop3A_365 = vector.shape_cast %parallel_loop3A_364 : vector<1x16xf32> to vector<16xf32>
      %parallel_loop3A_366 = vector.shape_cast %parallel_loop3A_361 : vector<16xf32> to vector<1x16xf32>
      tpu.vector_store %arg6[%parallel_loop3A_362, %parallel_loop3A_363], %parallel_loop3A_366 {strides = array<i32>} : memref<64x768xf32, #tpu.memory_space<vmem>>, vector<1x16xf32>,
      %parallel_loop3A_367 = arith.index_cast %parallel_loop3A_114 : i32 to index
      %parallel_loop3A_368 = arith.constant 288 : index
      %parallel_loop3A_369 = tpu.vector_load %arg6[%parallel_loop3A_367, %parallel_loop3A_368] {strides = array<i32>} : memref<64x768xf32, #tpu.memory_space<vmem>>, vector<1x16xf32>,
      %parallel_loop3A_370 = vector.shape_cast %parallel_loop3A_369 : vector<1x16xf32> to vector<16xf32>
      %parallel_loop3A_371 = arith.index_cast %parallel_loop3A_114 : i32 to index
      %parallel_loop3A_372 = arith.constant 288 : index
      %parallel_loop3A_373 = tpu.vector_load %arg7[%parallel_loop3A_371, %parallel_loop3A_372] {strides = array<i32>} : memref<64x768xf32, #tpu.memory_space<vmem>>, vector<1x16xf32>,
      %parallel_loop3A_374 = vector.shape_cast %parallel_loop3A_373 : vector<1x16xf32> to vector<16xf32>
      %parallel_loop3A_375 = arith.addf %parallel_loop3A_370, %parallel_loop3A_374 : vector<16xf32>
      %parallel_loop3A_376 = arith.index_cast %parallel_loop3A_114 : i32 to index
      %parallel_loop3A_377 = arith.constant 288 : index
      %parallel_loop3A_378 = tpu.vector_load %arg6[%parallel_loop3A_376, %parallel_loop3A_377] {strides = array<i32>} : memref<64x768xf32, #tpu.memory_space<vmem>>, vector<1x16xf32>,
      %parallel_loop3A_379 = vector.shape_cast %parallel_loop3A_378 : vector<1x16xf32> to vector<16xf32>
      %parallel_loop3A_380 = vector.shape_cast %parallel_loop3A_375 : vector<16xf32> to vector<1x16xf32>
      tpu.vector_store %arg6[%parallel_loop3A_376, %parallel_loop3A_377], %parallel_loop3A_380 {strides = array<i32>} : memref<64x768xf32, #tpu.memory_space<vmem>>, vector<1x16xf32>,
      %parallel_loop3A_381 = arith.index_cast %parallel_loop3A_114 : i32 to index
      %parallel_loop3A_382 = arith.constant 304 : index
      %parallel_loop3A_383 = tpu.vector_load %arg6[%parallel_loop3A_381, %parallel_loop3A_382] {strides = array<i32>} : memref<64x768xf32, #tpu.memory_space<vmem>>, vector<1x16xf32>,
      %parallel_loop3A_384 = vector.shape_cast %parallel_loop3A_383 : vector<1x16xf32> to vector<16xf32>
      %parallel_loop3A_385 = arith.index_cast %parallel_loop3A_114 : i32 to index
      %parallel_loop3A_386 = arith.constant 304 : index
      %parallel_loop3A_387 = tpu.vector_load %arg7[%parallel_loop3A_385, %parallel_loop3A_386] {strides = array<i32>} : memref<64x768xf32, #tpu.memory_space<vmem>>, vector<1x16xf32>,
      %parallel_loop3A_388 = vector.shape_cast %parallel_loop3A_387 : vector<1x16xf32> to vector<16xf32>
      %parallel_loop3A_389 = arith.addf %parallel_loop3A_384, %parallel_loop3A_388 : vector<16xf32>
      %parallel_loop3A_390 = arith.index_cast %parallel_loop3A_114 : i32 to index
      %parallel_loop3A_391 = arith.constant 304 : index
      %parallel_loop3A_392 = tpu.vector_load %arg6[%parallel_loop3A_390, %parallel_loop3A_391] {strides = array<i32>} : memref<64x768xf32, #tpu.memory_space<vmem>>, vector<1x16xf32>,
      %parallel_loop3A_393 = vector.shape_cast %parallel_loop3A_392 : vector<1x16xf32> to vector<16xf32>
      %parallel_loop3A_394 = vector.shape_cast %parallel_loop3A_389 : vector<16xf32> to vector<1x16xf32>
      tpu.vector_store %arg6[%parallel_loop3A_390, %parallel_loop3A_391], %parallel_loop3A_394 {strides = array<i32>} : memref<64x768xf32, #tpu.memory_space<vmem>>, vector<1x16xf32>,
      %parallel_loop3A_395 = arith.index_cast %parallel_loop3A_114 : i32 to index
      %parallel_loop3A_396 = arith.constant 320 : index
      %parallel_loop3A_397 = tpu.vector_load %arg6[%parallel_loop3A_395, %parallel_loop3A_396] {strides = array<i32>} : memref<64x768xf32, #tpu.memory_space<vmem>>, vector<1x16xf32>,
      %parallel_loop3A_398 = vector.shape_cast %parallel_loop3A_397 : vector<1x16xf32> to vector<16xf32>
      %parallel_loop3A_399 = arith.index_cast %parallel_loop3A_114 : i32 to index
      %parallel_loop3A_400 = arith.constant 320 : index
      %parallel_loop3A_401 = tpu.vector_load %arg7[%parallel_loop3A_399, %parallel_loop3A_400] {strides = array<i32>} : memref<64x768xf32, #tpu.memory_space<vmem>>, vector<1x16xf32>,
      %parallel_loop3A_402 = vector.shape_cast %parallel_loop3A_401 : vector<1x16xf32> to vector<16xf32>
      %parallel_loop3A_403 = arith.addf %parallel_loop3A_398, %parallel_loop3A_402 : vector<16xf32>
      %parallel_loop3A_404 = arith.index_cast %parallel_loop3A_114 : i32 to index
      %parallel_loop3A_405 = arith.constant 320 : index
      %parallel_loop3A_406 = tpu.vector_load %arg6[%parallel_loop3A_404, %parallel_loop3A_405] {strides = array<i32>} : memref<64x768xf32, #tpu.memory_space<vmem>>, vector<1x16xf32>,
      %parallel_loop3A_407 = vector.shape_cast %parallel_loop3A_406 : vector<1x16xf32> to vector<16xf32>
      %parallel_loop3A_408 = vector.shape_cast %parallel_loop3A_403 : vector<16xf32> to vector<1x16xf32>
      tpu.vector_store %arg6[%parallel_loop3A_404, %parallel_loop3A_405], %parallel_loop3A_408 {strides = array<i32>} : memref<64x768xf32, #tpu.memory_space<vmem>>, vector<1x16xf32>,
      %parallel_loop3A_409 = arith.index_cast %parallel_loop3A_114 : i32 to index
      %parallel_loop3A_410 = arith.constant 336 : index
      %parallel_loop3A_411 = tpu.vector_load %arg6[%parallel_loop3A_409, %parallel_loop3A_410] {strides = array<i32>} : memref<64x768xf32, #tpu.memory_space<vmem>>, vector<1x16xf32>,
      %parallel_loop3A_412 = vector.shape_cast %parallel_loop3A_411 : vector<1x16xf32> to vector<16xf32>
      %parallel_loop3A_413 = arith.index_cast %parallel_loop3A_114 : i32 to index
      %parallel_loop3A_414 = arith.constant 336 : index
      %parallel_loop3A_415 = tpu.vector_load %arg7[%parallel_loop3A_413, %parallel_loop3A_414] {strides = array<i32>} : memref<64x768xf32, #tpu.memory_space<vmem>>, vector<1x16xf32>,
      %parallel_loop3A_416 = vector.shape_cast %parallel_loop3A_415 : vector<1x16xf32> to vector<16xf32>
      %parallel_loop3A_417 = arith.addf %parallel_loop3A_412, %parallel_loop3A_416 : vector<16xf32>
      %parallel_loop3A_418 = arith.index_cast %parallel_loop3A_114 : i32 to index
      %parallel_loop3A_419 = arith.constant 336 : index
      %parallel_loop3A_420 = tpu.vector_load %arg6[%parallel_loop3A_418, %parallel_loop3A_419] {strides = array<i32>} : memref<64x768xf32, #tpu.memory_space<vmem>>, vector<1x16xf32>,
      %parallel_loop3A_421 = vector.shape_cast %parallel_loop3A_420 : vector<1x16xf32> to vector<16xf32>
      %parallel_loop3A_422 = vector.shape_cast %parallel_loop3A_417 : vector<16xf32> to vector<1x16xf32>
      tpu.vector_store %arg6[%parallel_loop3A_418, %parallel_loop3A_419], %parallel_loop3A_422 {strides = array<i32>} : memref<64x768xf32, #tpu.memory_space<vmem>>, vector<1x16xf32>,
      %parallel_loop3A_423 = arith.index_cast %parallel_loop3A_114 : i32 to index
      %parallel_loop3A_424 = arith.constant 352 : index
      %parallel_loop3A_425 = tpu.vector_load %arg6[%parallel_loop3A_423, %parallel_loop3A_424] {strides = array<i32>} : memref<64x768xf32, #tpu.memory_space<vmem>>, vector<1x16xf32>,
      %parallel_loop3A_426 = vector.shape_cast %parallel_loop3A_425 : vector<1x16xf32> to vector<16xf32>
      %parallel_loop3A_427 = arith.index_cast %parallel_loop3A_114 : i32 to index
      %parallel_loop3A_428 = arith.constant 352 : index
      %parallel_loop3A_429 = tpu.vector_load %arg7[%parallel_loop3A_427, %parallel_loop3A_428] {strides = array<i32>} : memref<64x768xf32, #tpu.memory_space<vmem>>, vector<1x16xf32>,
      %parallel_loop3A_430 = vector.shape_cast %parallel_loop3A_429 : vector<1x16xf32> to vector<16xf32>
      %parallel_loop3A_431 = arith.addf %parallel_loop3A_426, %parallel_loop3A_430 : vector<16xf32>
      %parallel_loop3A_432 = arith.index_cast %parallel_loop3A_114 : i32 to index
      %parallel_loop3A_433 = arith.constant 352 : index
      %parallel_loop3A_434 = tpu.vector_load %arg6[%parallel_loop3A_432, %parallel_loop3A_433] {strides = array<i32>} : memref<64x768xf32, #tpu.memory_space<vmem>>, vector<1x16xf32>,
      %parallel_loop3A_435 = vector.shape_cast %parallel_loop3A_434 : vector<1x16xf32> to vector<16xf32>
      %parallel_loop3A_436 = vector.shape_cast %parallel_loop3A_431 : vector<16xf32> to vector<1x16xf32>
      tpu.vector_store %arg6[%parallel_loop3A_432, %parallel_loop3A_433], %parallel_loop3A_436 {strides = array<i32>} : memref<64x768xf32, #tpu.memory_space<vmem>>, vector<1x16xf32>,
      %parallel_loop3A_437 = arith.index_cast %parallel_loop3A_114 : i32 to index
      %parallel_loop3A_438 = arith.constant 368 : index
      %parallel_loop3A_439 = tpu.vector_load %arg6[%parallel_loop3A_437, %parallel_loop3A_438] {strides = array<i32>} : memref<64x768xf32, #tpu.memory_space<vmem>>, vector<1x16xf32>,
      %parallel_loop3A_440 = vector.shape_cast %parallel_loop3A_439 : vector<1x16xf32> to vector<16xf32>
      %parallel_loop3A_441 = arith.index_cast %parallel_loop3A_114 : i32 to index
      %parallel_loop3A_442 = arith.constant 368 : index
      %parallel_loop3A_443 = tpu.vector_load %arg7[%parallel_loop3A_441, %parallel_loop3A_442] {strides = array<i32>} : memref<64x768xf32, #tpu.memory_space<vmem>>, vector<1x16xf32>,
      %parallel_loop3A_444 = vector.shape_cast %parallel_loop3A_443 : vector<1x16xf32> to vector<16xf32>
      %parallel_loop3A_445 = arith.addf %parallel_loop3A_440, %parallel_loop3A_444 : vector<16xf32>
      %parallel_loop3A_446 = arith.index_cast %parallel_loop3A_114 : i32 to index
      %parallel_loop3A_447 = arith.constant 368 : index
      %parallel_loop3A_448 = tpu.vector_load %arg6[%parallel_loop3A_446, %parallel_loop3A_447] {strides = array<i32>} : memref<64x768xf32, #tpu.memory_space<vmem>>, vector<1x16xf32>,
      %parallel_loop3A_449 = vector.shape_cast %parallel_loop3A_448 : vector<1x16xf32> to vector<16xf32>
      %parallel_loop3A_450 = vector.shape_cast %parallel_loop3A_445 : vector<16xf32> to vector<1x16xf32>
      tpu.vector_store %arg6[%parallel_loop3A_446, %parallel_loop3A_447], %parallel_loop3A_450 {strides = array<i32>} : memref<64x768xf32, #tpu.memory_space<vmem>>, vector<1x16xf32>,
      %parallel_loop3A_451 = arith.index_cast %parallel_loop3A_114 : i32 to index
      %parallel_loop3A_452 = arith.constant 384 : index
      %parallel_loop3A_453 = tpu.vector_load %arg6[%parallel_loop3A_451, %parallel_loop3A_452] {strides = array<i32>} : memref<64x768xf32, #tpu.memory_space<vmem>>, vector<1x16xf32>,
      %parallel_loop3A_454 = vector.shape_cast %parallel_loop3A_453 : vector<1x16xf32> to vector<16xf32>
      %parallel_loop3A_455 = arith.index_cast %parallel_loop3A_114 : i32 to index
      %parallel_loop3A_456 = arith.constant 384 : index
      %parallel_loop3A_457 = tpu.vector_load %arg7[%parallel_loop3A_455, %parallel_loop3A_456] {strides = array<i32>} : memref<64x768xf32, #tpu.memory_space<vmem>>, vector<1x16xf32>,
      %parallel_loop3A_458 = vector.shape_cast %parallel_loop3A_457 : vector<1x16xf32> to vector<16xf32>
      %parallel_loop3A_459 = arith.addf %parallel_loop3A_454, %parallel_loop3A_458 : vector<16xf32>
      %parallel_loop3A_460 = arith.index_cast %parallel_loop3A_114 : i32 to index
      %parallel_loop3A_461 = arith.constant 384 : index
      %parallel_loop3A_462 = tpu.vector_load %arg6[%parallel_loop3A_460, %parallel_loop3A_461] {strides = array<i32>} : memref<64x768xf32, #tpu.memory_space<vmem>>, vector<1x16xf32>,
      %parallel_loop3A_463 = vector.shape_cast %parallel_loop3A_462 : vector<1x16xf32> to vector<16xf32>
      %parallel_loop3A_464 = vector.shape_cast %parallel_loop3A_459 : vector<16xf32> to vector<1x16xf32>
      tpu.vector_store %arg6[%parallel_loop3A_460, %parallel_loop3A_461], %parallel_loop3A_464 {strides = array<i32>} : memref<64x768xf32, #tpu.memory_space<vmem>>, vector<1x16xf32>,
      %parallel_loop3A_465 = arith.index_cast %parallel_loop3A_114 : i32 to index
      %parallel_loop3A_466 = arith.constant 400 : index
      %parallel_loop3A_467 = tpu.vector_load %arg6[%parallel_loop3A_465, %parallel_loop3A_466] {strides = array<i32>} : memref<64x768xf32, #tpu.memory_space<vmem>>, vector<1x16xf32>,
      %parallel_loop3A_468 = vector.shape_cast %parallel_loop3A_467 : vector<1x16xf32> to vector<16xf32>
      %parallel_loop3A_469 = arith.index_cast %parallel_loop3A_114 : i32 to index
      %parallel_loop3A_470 = arith.constant 400 : index
      %parallel_loop3A_471 = tpu.vector_load %arg7[%parallel_loop3A_469, %parallel_loop3A_470] {strides = array<i32>} : memref<64x768xf32, #tpu.memory_space<vmem>>, vector<1x16xf32>,
      %parallel_loop3A_472 = vector.shape_cast %parallel_loop3A_471 : vector<1x16xf32> to vector<16xf32>
      %parallel_loop3A_473 = arith.addf %parallel_loop3A_468, %parallel_loop3A_472 : vector<16xf32>
      %parallel_loop3A_474 = arith.index_cast %parallel_loop3A_114 : i32 to index
      %parallel_loop3A_475 = arith.constant 400 : index
      %parallel_loop3A_476 = tpu.vector_load %arg6[%parallel_loop3A_474, %parallel_loop3A_475] {strides = array<i32>} : memref<64x768xf32, #tpu.memory_space<vmem>>, vector<1x16xf32>,
      %parallel_loop3A_477 = vector.shape_cast %parallel_loop3A_476 : vector<1x16xf32> to vector<16xf32>
      %parallel_loop3A_478 = vector.shape_cast %parallel_loop3A_473 : vector<16xf32> to vector<1x16xf32>
      tpu.vector_store %arg6[%parallel_loop3A_474, %parallel_loop3A_475], %parallel_loop3A_478 {strides = array<i32>} : memref<64x768xf32, #tpu.memory_space<vmem>>, vector<1x16xf32>,
      %parallel_loop3A_479 = arith.index_cast %parallel_loop3A_114 : i32 to index
      %parallel_loop3A_480 = arith.constant 416 : index
      %parallel_loop3A_481 = tpu.vector_load %arg6[%parallel_loop3A_479, %parallel_loop3A_480] {strides = array<i32>} : memref<64x768xf32, #tpu.memory_space<vmem>>, vector<1x16xf32>,
      %parallel_loop3A_482 = vector.shape_cast %parallel_loop3A_481 : vector<1x16xf32> to vector<16xf32>
      %parallel_loop3A_483 = arith.index_cast %parallel_loop3A_114 : i32 to index
      %parallel_loop3A_484 = arith.constant 416 : index
      %parallel_loop3A_485 = tpu.vector_load %arg7[%parallel_loop3A_483, %parallel_loop3A_484] {strides = array<i32>} : memref<64x768xf32, #tpu.memory_space<vmem>>, vector<1x16xf32>,
      %parallel_loop3A_486 = vector.shape_cast %parallel_loop3A_485 : vector<1x16xf32> to vector<16xf32>
      %parallel_loop3A_487 = arith.addf %parallel_loop3A_482, %parallel_loop3A_486 : vector<16xf32>
      %parallel_loop3A_488 = arith.index_cast %parallel_loop3A_114 : i32 to index
      %parallel_loop3A_489 = arith.constant 416 : index
      %parallel_loop3A_490 = tpu.vector_load %arg6[%parallel_loop3A_488, %parallel_loop3A_489] {strides = array<i32>} : memref<64x768xf32, #tpu.memory_space<vmem>>, vector<1x16xf32>,
      %parallel_loop3A_491 = vector.shape_cast %parallel_loop3A_490 : vector<1x16xf32> to vector<16xf32>
      %parallel_loop3A_492 = vector.shape_cast %parallel_loop3A_487 : vector<16xf32> to vector<1x16xf32>
      tpu.vector_store %arg6[%parallel_loop3A_488, %parallel_loop3A_489], %parallel_loop3A_492 {strides = array<i32>} : memref<64x768xf32, #tpu.memory_space<vmem>>, vector<1x16xf32>,
      %parallel_loop3A_493 = arith.index_cast %parallel_loop3A_114 : i32 to index
      %parallel_loop3A_494 = arith.constant 432 : index
      %parallel_loop3A_495 = tpu.vector_load %arg6[%parallel_loop3A_493, %parallel_loop3A_494] {strides = array<i32>} : memref<64x768xf32, #tpu.memory_space<vmem>>, vector<1x16xf32>,
      %parallel_loop3A_496 = vector.shape_cast %parallel_loop3A_495 : vector<1x16xf32> to vector<16xf32>
      %parallel_loop3A_497 = arith.index_cast %parallel_loop3A_114 : i32 to index
      %parallel_loop3A_498 = arith.constant 432 : index
      %parallel_loop3A_499 = tpu.vector_load %arg7[%parallel_loop3A_497, %parallel_loop3A_498] {strides = array<i32>} : memref<64x768xf32, #tpu.memory_space<vmem>>, vector<1x16xf32>,
      %parallel_loop3A_500 = vector.shape_cast %parallel_loop3A_499 : vector<1x16xf32> to vector<16xf32>
      %parallel_loop3A_501 = arith.addf %parallel_loop3A_496, %parallel_loop3A_500 : vector<16xf32>
      %parallel_loop3A_502 = arith.index_cast %parallel_loop3A_114 : i32 to index
      %parallel_loop3A_503 = arith.constant 432 : index
      %parallel_loop3A_504 = tpu.vector_load %arg6[%parallel_loop3A_502, %parallel_loop3A_503] {strides = array<i32>} : memref<64x768xf32, #tpu.memory_space<vmem>>, vector<1x16xf32>,
      %parallel_loop3A_505 = vector.shape_cast %parallel_loop3A_504 : vector<1x16xf32> to vector<16xf32>
      %parallel_loop3A_506 = vector.shape_cast %parallel_loop3A_501 : vector<16xf32> to vector<1x16xf32>
      tpu.vector_store %arg6[%parallel_loop3A_502, %parallel_loop3A_503], %parallel_loop3A_506 {strides = array<i32>} : memref<64x768xf32, #tpu.memory_space<vmem>>, vector<1x16xf32>,
      %parallel_loop3A_507 = arith.index_cast %parallel_loop3A_114 : i32 to index
      %parallel_loop3A_508 = arith.constant 448 : index
      %parallel_loop3A_509 = tpu.vector_load %arg6[%parallel_loop3A_507, %parallel_loop3A_508] {strides = array<i32>} : memref<64x768xf32, #tpu.memory_space<vmem>>, vector<1x16xf32>,
      %parallel_loop3A_510 = vector.shape_cast %parallel_loop3A_509 : vector<1x16xf32> to vector<16xf32>
      %parallel_loop3A_511 = arith.index_cast %parallel_loop3A_114 : i32 to index
      %parallel_loop3A_512 = arith.constant 448 : index
      %parallel_loop3A_513 = tpu.vector_load %arg7[%parallel_loop3A_511, %parallel_loop3A_512] {strides = array<i32>} : memref<64x768xf32, #tpu.memory_space<vmem>>, vector<1x16xf32>,
      %parallel_loop3A_514 = vector.shape_cast %parallel_loop3A_513 : vector<1x16xf32> to vector<16xf32>
      %parallel_loop3A_515 = arith.addf %parallel_loop3A_510, %parallel_loop3A_514 : vector<16xf32>
      %parallel_loop3A_516 = arith.index_cast %parallel_loop3A_114 : i32 to index
      %parallel_loop3A_517 = arith.constant 448 : index
      %parallel_loop3A_518 = tpu.vector_load %arg6[%parallel_loop3A_516, %parallel_loop3A_517] {strides = array<i32>} : memref<64x768xf32, #tpu.memory_space<vmem>>, vector<1x16xf32>,
      %parallel_loop3A_519 = vector.shape_cast %parallel_loop3A_518 : vector<1x16xf32> to vector<16xf32>
      %parallel_loop3A_520 = vector.shape_cast %parallel_loop3A_515 : vector<16xf32> to vector<1x16xf32>
      tpu.vector_store %arg6[%parallel_loop3A_516, %parallel_loop3A_517], %parallel_loop3A_520 {strides = array<i32>} : memref<64x768xf32, #tpu.memory_space<vmem>>, vector<1x16xf32>,
      %parallel_loop3A_521 = arith.index_cast %parallel_loop3A_114 : i32 to index
      %parallel_loop3A_522 = arith.constant 464 : index
      %parallel_loop3A_523 = tpu.vector_load %arg6[%parallel_loop3A_521, %parallel_loop3A_522] {strides = array<i32>} : memref<64x768xf32, #tpu.memory_space<vmem>>, vector<1x16xf32>,
      %parallel_loop3A_524 = vector.shape_cast %parallel_loop3A_523 : vector<1x16xf32> to vector<16xf32>
      %parallel_loop3A_525 = arith.index_cast %parallel_loop3A_114 : i32 to index
      %parallel_loop3A_526 = arith.constant 464 : index
      %parallel_loop3A_527 = tpu.vector_load %arg7[%parallel_loop3A_525, %parallel_loop3A_526] {strides = array<i32>} : memref<64x768xf32, #tpu.memory_space<vmem>>, vector<1x16xf32>,
      %parallel_loop3A_528 = vector.shape_cast %parallel_loop3A_527 : vector<1x16xf32> to vector<16xf32>
      %parallel_loop3A_529 = arith.addf %parallel_loop3A_524, %parallel_loop3A_528 : vector<16xf32>
      %parallel_loop3A_530 = arith.index_cast %parallel_loop3A_114 : i32 to index
      %parallel_loop3A_531 = arith.constant 464 : index
      %parallel_loop3A_532 = tpu.vector_load %arg6[%parallel_loop3A_530, %parallel_loop3A_531] {strides = array<i32>} : memref<64x768xf32, #tpu.memory_space<vmem>>, vector<1x16xf32>,
      %parallel_loop3A_533 = vector.shape_cast %parallel_loop3A_532 : vector<1x16xf32> to vector<16xf32>
      %parallel_loop3A_534 = vector.shape_cast %parallel_loop3A_529 : vector<16xf32> to vector<1x16xf32>
      tpu.vector_store %arg6[%parallel_loop3A_530, %parallel_loop3A_531], %parallel_loop3A_534 {strides = array<i32>} : memref<64x768xf32, #tpu.memory_space<vmem>>, vector<1x16xf32>,
      %parallel_loop3A_535 = arith.index_cast %parallel_loop3A_114 : i32 to index
      %parallel_loop3A_536 = arith.constant 480 : index
      %parallel_loop3A_537 = tpu.vector_load %arg6[%parallel_loop3A_535, %parallel_loop3A_536] {strides = array<i32>} : memref<64x768xf32, #tpu.memory_space<vmem>>, vector<1x16xf32>,
      %parallel_loop3A_538 = vector.shape_cast %parallel_loop3A_537 : vector<1x16xf32> to vector<16xf32>
      %parallel_loop3A_539 = arith.index_cast %parallel_loop3A_114 : i32 to index
      %parallel_loop3A_540 = arith.constant 480 : index
      %parallel_loop3A_541 = tpu.vector_load %arg7[%parallel_loop3A_539, %parallel_loop3A_540] {strides = array<i32>} : memref<64x768xf32, #tpu.memory_space<vmem>>, vector<1x16xf32>,
      %parallel_loop3A_542 = vector.shape_cast %parallel_loop3A_541 : vector<1x16xf32> to vector<16xf32>
      %parallel_loop3A_543 = arith.addf %parallel_loop3A_538, %parallel_loop3A_542 : vector<16xf32>
      %parallel_loop3A_544 = arith.index_cast %parallel_loop3A_114 : i32 to index
      %parallel_loop3A_545 = arith.constant 480 : index
      %parallel_loop3A_546 = tpu.vector_load %arg6[%parallel_loop3A_544, %parallel_loop3A_545] {strides = array<i32>} : memref<64x768xf32, #tpu.memory_space<vmem>>, vector<1x16xf32>,
      %parallel_loop3A_547 = vector.shape_cast %parallel_loop3A_546 : vector<1x16xf32> to vector<16xf32>
      %parallel_loop3A_548 = vector.shape_cast %parallel_loop3A_543 : vector<16xf32> to vector<1x16xf32>
      tpu.vector_store %arg6[%parallel_loop3A_544, %parallel_loop3A_545], %parallel_loop3A_548 {strides = array<i32>} : memref<64x768xf32, #tpu.memory_space<vmem>>, vector<1x16xf32>,
      %parallel_loop3A_549 = arith.index_cast %parallel_loop3A_114 : i32 to index
      %parallel_loop3A_550 = arith.constant 496 : index
      %parallel_loop3A_551 = tpu.vector_load %arg6[%parallel_loop3A_549, %parallel_loop3A_550] {strides = array<i32>} : memref<64x768xf32, #tpu.memory_space<vmem>>, vector<1x16xf32>,
      %parallel_loop3A_552 = vector.shape_cast %parallel_loop3A_551 : vector<1x16xf32> to vector<16xf32>
      %parallel_loop3A_553 = arith.index_cast %parallel_loop3A_114 : i32 to index
      %parallel_loop3A_554 = arith.constant 496 : index
      %parallel_loop3A_555 = tpu.vector_load %arg7[%parallel_loop3A_553, %parallel_loop3A_554] {strides = array<i32>} : memref<64x768xf32, #tpu.memory_space<vmem>>, vector<1x16xf32>,
      %parallel_loop3A_556 = vector.shape_cast %parallel_loop3A_555 : vector<1x16xf32> to vector<16xf32>
      %parallel_loop3A_557 = arith.addf %parallel_loop3A_552, %parallel_loop3A_556 : vector<16xf32>
      %parallel_loop3A_558 = arith.index_cast %parallel_loop3A_114 : i32 to index
      %parallel_loop3A_559 = arith.constant 496 : index
      %parallel_loop3A_560 = tpu.vector_load %arg6[%parallel_loop3A_558, %parallel_loop3A_559] {strides = array<i32>} : memref<64x768xf32, #tpu.memory_space<vmem>>, vector<1x16xf32>,
      %parallel_loop3A_561 = vector.shape_cast %parallel_loop3A_560 : vector<1x16xf32> to vector<16xf32>
      %parallel_loop3A_562 = vector.shape_cast %parallel_loop3A_557 : vector<16xf32> to vector<1x16xf32>
      tpu.vector_store %arg6[%parallel_loop3A_558, %parallel_loop3A_559], %parallel_loop3A_562 {strides = array<i32>} : memref<64x768xf32, #tpu.memory_space<vmem>>, vector<1x16xf32>,
      %parallel_loop3A_563 = arith.index_cast %parallel_loop3A_114 : i32 to index
      %parallel_loop3A_564 = arith.constant 512 : index
      %parallel_loop3A_565 = tpu.vector_load %arg6[%parallel_loop3A_563, %parallel_loop3A_564] {strides = array<i32>} : memref<64x768xf32, #tpu.memory_space<vmem>>, vector<1x16xf32>,
      %parallel_loop3A_566 = vector.shape_cast %parallel_loop3A_565 : vector<1x16xf32> to vector<16xf32>
      %parallel_loop3A_567 = arith.index_cast %parallel_loop3A_114 : i32 to index
      %parallel_loop3A_568 = arith.constant 512 : index
      %parallel_loop3A_569 = tpu.vector_load %arg7[%parallel_loop3A_567, %parallel_loop3A_568] {strides = array<i32>} : memref<64x768xf32, #tpu.memory_space<vmem>>, vector<1x16xf32>,
      %parallel_loop3A_570 = vector.shape_cast %parallel_loop3A_569 : vector<1x16xf32> to vector<16xf32>
      %parallel_loop3A_571 = arith.addf %parallel_loop3A_566, %parallel_loop3A_570 : vector<16xf32>
      %parallel_loop3A_572 = arith.index_cast %parallel_loop3A_114 : i32 to index
      %parallel_loop3A_573 = arith.constant 512 : index
      %parallel_loop3A_574 = tpu.vector_load %arg6[%parallel_loop3A_572, %parallel_loop3A_573] {strides = array<i32>} : memref<64x768xf32, #tpu.memory_space<vmem>>, vector<1x16xf32>,
      %parallel_loop3A_575 = vector.shape_cast %parallel_loop3A_574 : vector<1x16xf32> to vector<16xf32>
      %parallel_loop3A_576 = vector.shape_cast %parallel_loop3A_571 : vector<16xf32> to vector<1x16xf32>
      tpu.vector_store %arg6[%parallel_loop3A_572, %parallel_loop3A_573], %parallel_loop3A_576 {strides = array<i32>} : memref<64x768xf32, #tpu.memory_space<vmem>>, vector<1x16xf32>,
      %parallel_loop3A_577 = arith.index_cast %parallel_loop3A_114 : i32 to index
      %parallel_loop3A_578 = arith.constant 528 : index
      %parallel_loop3A_579 = tpu.vector_load %arg6[%parallel_loop3A_577, %parallel_loop3A_578] {strides = array<i32>} : memref<64x768xf32, #tpu.memory_space<vmem>>, vector<1x16xf32>,
      %parallel_loop3A_580 = vector.shape_cast %parallel_loop3A_579 : vector<1x16xf32> to vector<16xf32>
      %parallel_loop3A_581 = arith.index_cast %parallel_loop3A_114 : i32 to index
      %parallel_loop3A_582 = arith.constant 528 : index
      %parallel_loop3A_583 = tpu.vector_load %arg7[%parallel_loop3A_581, %parallel_loop3A_582] {strides = array<i32>} : memref<64x768xf32, #tpu.memory_space<vmem>>, vector<1x16xf32>,
      %parallel_loop3A_584 = vector.shape_cast %parallel_loop3A_583 : vector<1x16xf32> to vector<16xf32>
      %parallel_loop3A_585 = arith.addf %parallel_loop3A_580, %parallel_loop3A_584 : vector<16xf32>
      %parallel_loop3A_586 = arith.index_cast %parallel_loop3A_114 : i32 to index
      %parallel_loop3A_587 = arith.constant 528 : index
      %parallel_loop3A_588 = tpu.vector_load %arg6[%parallel_loop3A_586, %parallel_loop3A_587] {strides = array<i32>} : memref<64x768xf32, #tpu.memory_space<vmem>>, vector<1x16xf32>,
      %parallel_loop3A_589 = vector.shape_cast %parallel_loop3A_588 : vector<1x16xf32> to vector<16xf32>
      %parallel_loop3A_590 = vector.shape_cast %parallel_loop3A_585 : vector<16xf32> to vector<1x16xf32>
      tpu.vector_store %arg6[%parallel_loop3A_586, %parallel_loop3A_587], %parallel_loop3A_590 {strides = array<i32>} : memref<64x768xf32, #tpu.memory_space<vmem>>, vector<1x16xf32>,
      %parallel_loop3A_591 = arith.index_cast %parallel_loop3A_114 : i32 to index
      %parallel_loop3A_592 = arith.constant 544 : index
      %parallel_loop3A_593 = tpu.vector_load %arg6[%parallel_loop3A_591, %parallel_loop3A_592] {strides = array<i32>} : memref<64x768xf32, #tpu.memory_space<vmem>>, vector<1x16xf32>,
      %parallel_loop3A_594 = vector.shape_cast %parallel_loop3A_593 : vector<1x16xf32> to vector<16xf32>
      %parallel_loop3A_595 = arith.index_cast %parallel_loop3A_114 : i32 to index
      %parallel_loop3A_596 = arith.constant 544 : index
      %parallel_loop3A_597 = tpu.vector_load %arg7[%parallel_loop3A_595, %parallel_loop3A_596] {strides = array<i32>} : memref<64x768xf32, #tpu.memory_space<vmem>>, vector<1x16xf32>,
      %parallel_loop3A_598 = vector.shape_cast %parallel_loop3A_597 : vector<1x16xf32> to vector<16xf32>
      %parallel_loop3A_599 = arith.addf %parallel_loop3A_594, %parallel_loop3A_598 : vector<16xf32>
      %parallel_loop3A_600 = arith.index_cast %parallel_loop3A_114 : i32 to index
      %parallel_loop3A_601 = arith.constant 544 : index
      %parallel_loop3A_602 = tpu.vector_load %arg6[%parallel_loop3A_600, %parallel_loop3A_601] {strides = array<i32>} : memref<64x768xf32, #tpu.memory_space<vmem>>, vector<1x16xf32>,
      %parallel_loop3A_603 = vector.shape_cast %parallel_loop3A_602 : vector<1x16xf32> to vector<16xf32>
      %parallel_loop3A_604 = vector.shape_cast %parallel_loop3A_599 : vector<16xf32> to vector<1x16xf32>
      tpu.vector_store %arg6[%parallel_loop3A_600, %parallel_loop3A_601], %parallel_loop3A_604 {strides = array<i32>} : memref<64x768xf32, #tpu.memory_space<vmem>>, vector<1x16xf32>,
      %parallel_loop3A_605 = arith.index_cast %parallel_loop3A_114 : i32 to index
      %parallel_loop3A_606 = arith.constant 560 : index
      %parallel_loop3A_607 = tpu.vector_load %arg6[%parallel_loop3A_605, %parallel_loop3A_606] {strides = array<i32>} : memref<64x768xf32, #tpu.memory_space<vmem>>, vector<1x16xf32>,
      %parallel_loop3A_608 = vector.shape_cast %parallel_loop3A_607 : vector<1x16xf32> to vector<16xf32>
      %parallel_loop3A_609 = arith.index_cast %parallel_loop3A_114 : i32 to index
      %parallel_loop3A_610 = arith.constant 560 : index
      %parallel_loop3A_611 = tpu.vector_load %arg7[%parallel_loop3A_609, %parallel_loop3A_610] {strides = array<i32>} : memref<64x768xf32, #tpu.memory_space<vmem>>, vector<1x16xf32>,
      %parallel_loop3A_612 = vector.shape_cast %parallel_loop3A_611 : vector<1x16xf32> to vector<16xf32>
      %parallel_loop3A_613 = arith.addf %parallel_loop3A_608, %parallel_loop3A_612 : vector<16xf32>
      %parallel_loop3A_614 = arith.index_cast %parallel_loop3A_114 : i32 to index
      %parallel_loop3A_615 = arith.constant 560 : index
      %parallel_loop3A_616 = tpu.vector_load %arg6[%parallel_loop3A_614, %parallel_loop3A_615] {strides = array<i32>} : memref<64x768xf32, #tpu.memory_space<vmem>>, vector<1x16xf32>,
      %parallel_loop3A_617 = vector.shape_cast %parallel_loop3A_616 : vector<1x16xf32> to vector<16xf32>
      %parallel_loop3A_618 = vector.shape_cast %parallel_loop3A_613 : vector<16xf32> to vector<1x16xf32>
      tpu.vector_store %arg6[%parallel_loop3A_614, %parallel_loop3A_615], %parallel_loop3A_618 {strides = array<i32>} : memref<64x768xf32, #tpu.memory_space<vmem>>, vector<1x16xf32>,
      %parallel_loop3A_619 = arith.index_cast %parallel_loop3A_114 : i32 to index
      %parallel_loop3A_620 = arith.constant 576 : index
      %parallel_loop3A_621 = tpu.vector_load %arg6[%parallel_loop3A_619, %parallel_loop3A_620] {strides = array<i32>} : memref<64x768xf32, #tpu.memory_space<vmem>>, vector<1x16xf32>,
      %parallel_loop3A_622 = vector.shape_cast %parallel_loop3A_621 : vector<1x16xf32> to vector<16xf32>
      %parallel_loop3A_623 = arith.index_cast %parallel_loop3A_114 : i32 to index
      %parallel_loop3A_624 = arith.constant 576 : index
      %parallel_loop3A_625 = tpu.vector_load %arg7[%parallel_loop3A_623, %parallel_loop3A_624] {strides = array<i32>} : memref<64x768xf32, #tpu.memory_space<vmem>>, vector<1x16xf32>,
      %parallel_loop3A_626 = vector.shape_cast %parallel_loop3A_625 : vector<1x16xf32> to vector<16xf32>
      %parallel_loop3A_627 = arith.addf %parallel_loop3A_622, %parallel_loop3A_626 : vector<16xf32>
      %parallel_loop3A_628 = arith.index_cast %parallel_loop3A_114 : i32 to index
      %parallel_loop3A_629 = arith.constant 576 : index
      %parallel_loop3A_630 = tpu.vector_load %arg6[%parallel_loop3A_628, %parallel_loop3A_629] {strides = array<i32>} : memref<64x768xf32, #tpu.memory_space<vmem>>, vector<1x16xf32>,
      %parallel_loop3A_631 = vector.shape_cast %parallel_loop3A_630 : vector<1x16xf32> to vector<16xf32>
      %parallel_loop3A_632 = vector.shape_cast %parallel_loop3A_627 : vector<16xf32> to vector<1x16xf32>
      tpu.vector_store %arg6[%parallel_loop3A_628, %parallel_loop3A_629], %parallel_loop3A_632 {strides = array<i32>} : memref<64x768xf32, #tpu.memory_space<vmem>>, vector<1x16xf32>,
      %parallel_loop3A_633 = arith.index_cast %parallel_loop3A_114 : i32 to index
      %parallel_loop3A_634 = arith.constant 592 : index
      %parallel_loop3A_635 = tpu.vector_load %arg6[%parallel_loop3A_633, %parallel_loop3A_634] {strides = array<i32>} : memref<64x768xf32, #tpu.memory_space<vmem>>, vector<1x16xf32>,
      %parallel_loop3A_636 = vector.shape_cast %parallel_loop3A_635 : vector<1x16xf32> to vector<16xf32>
      %parallel_loop3A_637 = arith.index_cast %parallel_loop3A_114 : i32 to index
      %parallel_loop3A_638 = arith.constant 592 : index
      %parallel_loop3A_639 = tpu.vector_load %arg7[%parallel_loop3A_637, %parallel_loop3A_638] {strides = array<i32>} : memref<64x768xf32, #tpu.memory_space<vmem>>, vector<1x16xf32>,
      %parallel_loop3A_640 = vector.shape_cast %parallel_loop3A_639 : vector<1x16xf32> to vector<16xf32>
      %parallel_loop3A_641 = arith.addf %parallel_loop3A_636, %parallel_loop3A_640 : vector<16xf32>
      %parallel_loop3A_642 = arith.index_cast %parallel_loop3A_114 : i32 to index
      %parallel_loop3A_643 = arith.constant 592 : index
      %parallel_loop3A_644 = tpu.vector_load %arg6[%parallel_loop3A_642, %parallel_loop3A_643] {strides = array<i32>} : memref<64x768xf32, #tpu.memory_space<vmem>>, vector<1x16xf32>,
      %parallel_loop3A_645 = vector.shape_cast %parallel_loop3A_644 : vector<1x16xf32> to vector<16xf32>
      %parallel_loop3A_646 = vector.shape_cast %parallel_loop3A_641 : vector<16xf32> to vector<1x16xf32>
      tpu.vector_store %arg6[%parallel_loop3A_642, %parallel_loop3A_643], %parallel_loop3A_646 {strides = array<i32>} : memref<64x768xf32, #tpu.memory_space<vmem>>, vector<1x16xf32>,
      %parallel_loop3A_647 = arith.index_cast %parallel_loop3A_114 : i32 to index
      %parallel_loop3A_648 = arith.constant 608 : index
      %parallel_loop3A_649 = tpu.vector_load %arg6[%parallel_loop3A_647, %parallel_loop3A_648] {strides = array<i32>} : memref<64x768xf32, #tpu.memory_space<vmem>>, vector<1x16xf32>,
      %parallel_loop3A_650 = vector.shape_cast %parallel_loop3A_649 : vector<1x16xf32> to vector<16xf32>
      %parallel_loop3A_651 = arith.index_cast %parallel_loop3A_114 : i32 to index
      %parallel_loop3A_652 = arith.constant 608 : index
      %parallel_loop3A_653 = tpu.vector_load %arg7[%parallel_loop3A_651, %parallel_loop3A_652] {strides = array<i32>} : memref<64x768xf32, #tpu.memory_space<vmem>>, vector<1x16xf32>,
      %parallel_loop3A_654 = vector.shape_cast %parallel_loop3A_653 : vector<1x16xf32> to vector<16xf32>
      %parallel_loop3A_655 = arith.addf %parallel_loop3A_650, %parallel_loop3A_654 : vector<16xf32>
      %parallel_loop3A_656 = arith.index_cast %parallel_loop3A_114 : i32 to index
      %parallel_loop3A_657 = arith.constant 608 : index
      %parallel_loop3A_658 = tpu.vector_load %arg6[%parallel_loop3A_656, %parallel_loop3A_657] {strides = array<i32>} : memref<64x768xf32, #tpu.memory_space<vmem>>, vector<1x16xf32>,
      %parallel_loop3A_659 = vector.shape_cast %parallel_loop3A_658 : vector<1x16xf32> to vector<16xf32>
      %parallel_loop3A_660 = vector.shape_cast %parallel_loop3A_655 : vector<16xf32> to vector<1x16xf32>
      tpu.vector_store %arg6[%parallel_loop3A_656, %parallel_loop3A_657], %parallel_loop3A_660 {strides = array<i32>} : memref<64x768xf32, #tpu.memory_space<vmem>>, vector<1x16xf32>,
      %parallel_loop3A_661 = arith.index_cast %parallel_loop3A_114 : i32 to index
      %parallel_loop3A_662 = arith.constant 624 : index
      %parallel_loop3A_663 = tpu.vector_load %arg6[%parallel_loop3A_661, %parallel_loop3A_662] {strides = array<i32>} : memref<64x768xf32, #tpu.memory_space<vmem>>, vector<1x16xf32>,
      %parallel_loop3A_664 = vector.shape_cast %parallel_loop3A_663 : vector<1x16xf32> to vector<16xf32>
      %parallel_loop3A_665 = arith.index_cast %parallel_loop3A_114 : i32 to index
      %parallel_loop3A_666 = arith.constant 624 : index
      %parallel_loop3A_667 = tpu.vector_load %arg7[%parallel_loop3A_665, %parallel_loop3A_666] {strides = array<i32>} : memref<64x768xf32, #tpu.memory_space<vmem>>, vector<1x16xf32>,
      %parallel_loop3A_668 = vector.shape_cast %parallel_loop3A_667 : vector<1x16xf32> to vector<16xf32>
      %parallel_loop3A_669 = arith.addf %parallel_loop3A_664, %parallel_loop3A_668 : vector<16xf32>
      %parallel_loop3A_670 = arith.index_cast %parallel_loop3A_114 : i32 to index
      %parallel_loop3A_671 = arith.constant 624 : index
      %parallel_loop3A_672 = tpu.vector_load %arg6[%parallel_loop3A_670, %parallel_loop3A_671] {strides = array<i32>} : memref<64x768xf32, #tpu.memory_space<vmem>>, vector<1x16xf32>,
      %parallel_loop3A_673 = vector.shape_cast %parallel_loop3A_672 : vector<1x16xf32> to vector<16xf32>
      %parallel_loop3A_674 = vector.shape_cast %parallel_loop3A_669 : vector<16xf32> to vector<1x16xf32>
      tpu.vector_store %arg6[%parallel_loop3A_670, %parallel_loop3A_671], %parallel_loop3A_674 {strides = array<i32>} : memref<64x768xf32, #tpu.memory_space<vmem>>, vector<1x16xf32>,
      %parallel_loop3A_675 = arith.index_cast %parallel_loop3A_114 : i32 to index
      %parallel_loop3A_676 = arith.constant 640 : index
      %parallel_loop3A_677 = tpu.vector_load %arg6[%parallel_loop3A_675, %parallel_loop3A_676] {strides = array<i32>} : memref<64x768xf32, #tpu.memory_space<vmem>>, vector<1x16xf32>,
      %parallel_loop3A_678 = vector.shape_cast %parallel_loop3A_677 : vector<1x16xf32> to vector<16xf32>
      %parallel_loop3A_679 = arith.index_cast %parallel_loop3A_114 : i32 to index
      %parallel_loop3A_680 = arith.constant 640 : index
      %parallel_loop3A_681 = tpu.vector_load %arg7[%parallel_loop3A_679, %parallel_loop3A_680] {strides = array<i32>} : memref<64x768xf32, #tpu.memory_space<vmem>>, vector<1x16xf32>,
      %parallel_loop3A_682 = vector.shape_cast %parallel_loop3A_681 : vector<1x16xf32> to vector<16xf32>
      %parallel_loop3A_683 = arith.addf %parallel_loop3A_678, %parallel_loop3A_682 : vector<16xf32>
      %parallel_loop3A_684 = arith.index_cast %parallel_loop3A_114 : i32 to index
      %parallel_loop3A_685 = arith.constant 640 : index
      %parallel_loop3A_686 = tpu.vector_load %arg6[%parallel_loop3A_684, %parallel_loop3A_685] {strides = array<i32>} : memref<64x768xf32, #tpu.memory_space<vmem>>, vector<1x16xf32>,
      %parallel_loop3A_687 = vector.shape_cast %parallel_loop3A_686 : vector<1x16xf32> to vector<16xf32>
      %parallel_loop3A_688 = vector.shape_cast %parallel_loop3A_683 : vector<16xf32> to vector<1x16xf32>
      tpu.vector_store %arg6[%parallel_loop3A_684, %parallel_loop3A_685], %parallel_loop3A_688 {strides = array<i32>} : memref<64x768xf32, #tpu.memory_space<vmem>>, vector<1x16xf32>,
      %parallel_loop3A_689 = arith.index_cast %parallel_loop3A_114 : i32 to index
      %parallel_loop3A_690 = arith.constant 656 : index
      %parallel_loop3A_691 = tpu.vector_load %arg6[%parallel_loop3A_689, %parallel_loop3A_690] {strides = array<i32>} : memref<64x768xf32, #tpu.memory_space<vmem>>, vector<1x16xf32>,
      %parallel_loop3A_692 = vector.shape_cast %parallel_loop3A_691 : vector<1x16xf32> to vector<16xf32>
      %parallel_loop3A_693 = arith.index_cast %parallel_loop3A_114 : i32 to index
      %parallel_loop3A_694 = arith.constant 656 : index
      %parallel_loop3A_695 = tpu.vector_load %arg7[%parallel_loop3A_693, %parallel_loop3A_694] {strides = array<i32>} : memref<64x768xf32, #tpu.memory_space<vmem>>, vector<1x16xf32>,
      %parallel_loop3A_696 = vector.shape_cast %parallel_loop3A_695 : vector<1x16xf32> to vector<16xf32>
      %parallel_loop3A_697 = arith.addf %parallel_loop3A_692, %parallel_loop3A_696 : vector<16xf32>
      %parallel_loop3A_698 = arith.index_cast %parallel_loop3A_114 : i32 to index
      %parallel_loop3A_699 = arith.constant 656 : index
      %parallel_loop3A_700 = tpu.vector_load %arg6[%parallel_loop3A_698, %parallel_loop3A_699] {strides = array<i32>} : memref<64x768xf32, #tpu.memory_space<vmem>>, vector<1x16xf32>,
      %parallel_loop3A_701 = vector.shape_cast %parallel_loop3A_700 : vector<1x16xf32> to vector<16xf32>
      %parallel_loop3A_702 = vector.shape_cast %parallel_loop3A_697 : vector<16xf32> to vector<1x16xf32>
      tpu.vector_store %arg6[%parallel_loop3A_698, %parallel_loop3A_699], %parallel_loop3A_702 {strides = array<i32>} : memref<64x768xf32, #tpu.memory_space<vmem>>, vector<1x16xf32>,
      %parallel_loop3A_703 = arith.index_cast %parallel_loop3A_114 : i32 to index
      %parallel_loop3A_704 = arith.constant 672 : index
      %parallel_loop3A_705 = tpu.vector_load %arg6[%parallel_loop3A_703, %parallel_loop3A_704] {strides = array<i32>} : memref<64x768xf32, #tpu.memory_space<vmem>>, vector<1x16xf32>,
      %parallel_loop3A_706 = vector.shape_cast %parallel_loop3A_705 : vector<1x16xf32> to vector<16xf32>
      %parallel_loop3A_707 = arith.index_cast %parallel_loop3A_114 : i32 to index
      %parallel_loop3A_708 = arith.constant 672 : index
      %parallel_loop3A_709 = tpu.vector_load %arg7[%parallel_loop3A_707, %parallel_loop3A_708] {strides = array<i32>} : memref<64x768xf32, #tpu.memory_space<vmem>>, vector<1x16xf32>,
      %parallel_loop3A_710 = vector.shape_cast %parallel_loop3A_709 : vector<1x16xf32> to vector<16xf32>
      %parallel_loop3A_711 = arith.addf %parallel_loop3A_706, %parallel_loop3A_710 : vector<16xf32>
      %parallel_loop3A_712 = arith.index_cast %parallel_loop3A_114 : i32 to index
      %parallel_loop3A_713 = arith.constant 672 : index
      %parallel_loop3A_714 = tpu.vector_load %arg6[%parallel_loop3A_712, %parallel_loop3A_713] {strides = array<i32>} : memref<64x768xf32, #tpu.memory_space<vmem>>, vector<1x16xf32>,
      %parallel_loop3A_715 = vector.shape_cast %parallel_loop3A_714 : vector<1x16xf32> to vector<16xf32>
      %parallel_loop3A_716 = vector.shape_cast %parallel_loop3A_711 : vector<16xf32> to vector<1x16xf32>
      tpu.vector_store %arg6[%parallel_loop3A_712, %parallel_loop3A_713], %parallel_loop3A_716 {strides = array<i32>} : memref<64x768xf32, #tpu.memory_space<vmem>>, vector<1x16xf32>,
      %parallel_loop3A_717 = arith.index_cast %parallel_loop3A_114 : i32 to index
      %parallel_loop3A_718 = arith.constant 688 : index
      %parallel_loop3A_719 = tpu.vector_load %arg6[%parallel_loop3A_717, %parallel_loop3A_718] {strides = array<i32>} : memref<64x768xf32, #tpu.memory_space<vmem>>, vector<1x16xf32>,
      %parallel_loop3A_720 = vector.shape_cast %parallel_loop3A_719 : vector<1x16xf32> to vector<16xf32>
      %parallel_loop3A_721 = arith.index_cast %parallel_loop3A_114 : i32 to index
      %parallel_loop3A_722 = arith.constant 688 : index
      %parallel_loop3A_723 = tpu.vector_load %arg7[%parallel_loop3A_721, %parallel_loop3A_722] {strides = array<i32>} : memref<64x768xf32, #tpu.memory_space<vmem>>, vector<1x16xf32>,
      %parallel_loop3A_724 = vector.shape_cast %parallel_loop3A_723 : vector<1x16xf32> to vector<16xf32>
      %parallel_loop3A_725 = arith.addf %parallel_loop3A_720, %parallel_loop3A_724 : vector<16xf32>
      %parallel_loop3A_726 = arith.index_cast %parallel_loop3A_114 : i32 to index
      %parallel_loop3A_727 = arith.constant 688 : index
      %parallel_loop3A_728 = tpu.vector_load %arg6[%parallel_loop3A_726, %parallel_loop3A_727] {strides = array<i32>} : memref<64x768xf32, #tpu.memory_space<vmem>>, vector<1x16xf32>,
      %parallel_loop3A_729 = vector.shape_cast %parallel_loop3A_728 : vector<1x16xf32> to vector<16xf32>
      %parallel_loop3A_730 = vector.shape_cast %parallel_loop3A_725 : vector<16xf32> to vector<1x16xf32>
      tpu.vector_store %arg6[%parallel_loop3A_726, %parallel_loop3A_727], %parallel_loop3A_730 {strides = array<i32>} : memref<64x768xf32, #tpu.memory_space<vmem>>, vector<1x16xf32>,
      %parallel_loop3A_731 = arith.index_cast %parallel_loop3A_114 : i32 to index
      %parallel_loop3A_732 = arith.constant 704 : index
      %parallel_loop3A_733 = tpu.vector_load %arg6[%parallel_loop3A_731, %parallel_loop3A_732] {strides = array<i32>} : memref<64x768xf32, #tpu.memory_space<vmem>>, vector<1x16xf32>,
      %parallel_loop3A_734 = vector.shape_cast %parallel_loop3A_733 : vector<1x16xf32> to vector<16xf32>
      %parallel_loop3A_735 = arith.index_cast %parallel_loop3A_114 : i32 to index
      %parallel_loop3A_736 = arith.constant 704 : index
      %parallel_loop3A_737 = tpu.vector_load %arg7[%parallel_loop3A_735, %parallel_loop3A_736] {strides = array<i32>} : memref<64x768xf32, #tpu.memory_space<vmem>>, vector<1x16xf32>,
      %parallel_loop3A_738 = vector.shape_cast %parallel_loop3A_737 : vector<1x16xf32> to vector<16xf32>
      %parallel_loop3A_739 = arith.addf %parallel_loop3A_734, %parallel_loop3A_738 : vector<16xf32>
      %parallel_loop3A_740 = arith.index_cast %parallel_loop3A_114 : i32 to index
      %parallel_loop3A_741 = arith.constant 704 : index
      %parallel_loop3A_742 = tpu.vector_load %arg6[%parallel_loop3A_740, %parallel_loop3A_741] {strides = array<i32>} : memref<64x768xf32, #tpu.memory_space<vmem>>, vector<1x16xf32>,
      %parallel_loop3A_743 = vector.shape_cast %parallel_loop3A_742 : vector<1x16xf32> to vector<16xf32>
      %parallel_loop3A_744 = vector.shape_cast %parallel_loop3A_739 : vector<16xf32> to vector<1x16xf32>
      tpu.vector_store %arg6[%parallel_loop3A_740, %parallel_loop3A_741], %parallel_loop3A_744 {strides = array<i32>} : memref<64x768xf32, #tpu.memory_space<vmem>>, vector<1x16xf32>,
      %parallel_loop3A_745 = arith.index_cast %parallel_loop3A_114 : i32 to index
      %parallel_loop3A_746 = arith.constant 720 : index
      %parallel_loop3A_747 = tpu.vector_load %arg6[%parallel_loop3A_745, %parallel_loop3A_746] {strides = array<i32>} : memref<64x768xf32, #tpu.memory_space<vmem>>, vector<1x16xf32>,
      %parallel_loop3A_748 = vector.shape_cast %parallel_loop3A_747 : vector<1x16xf32> to vector<16xf32>
      %parallel_loop3A_749 = arith.index_cast %parallel_loop3A_114 : i32 to index
      %parallel_loop3A_750 = arith.constant 720 : index
      %parallel_loop3A_751 = tpu.vector_load %arg7[%parallel_loop3A_749, %parallel_loop3A_750] {strides = array<i32>} : memref<64x768xf32, #tpu.memory_space<vmem>>, vector<1x16xf32>,
      %parallel_loop3A_752 = vector.shape_cast %parallel_loop3A_751 : vector<1x16xf32> to vector<16xf32>
      %parallel_loop3A_753 = arith.addf %parallel_loop3A_748, %parallel_loop3A_752 : vector<16xf32>
      %parallel_loop3A_754 = arith.index_cast %parallel_loop3A_114 : i32 to index
      %parallel_loop3A_755 = arith.constant 720 : index
      %parallel_loop3A_756 = tpu.vector_load %arg6[%parallel_loop3A_754, %parallel_loop3A_755] {strides = array<i32>} : memref<64x768xf32, #tpu.memory_space<vmem>>, vector<1x16xf32>,
      %parallel_loop3A_757 = vector.shape_cast %parallel_loop3A_756 : vector<1x16xf32> to vector<16xf32>
      %parallel_loop3A_758 = vector.shape_cast %parallel_loop3A_753 : vector<16xf32> to vector<1x16xf32>
      tpu.vector_store %arg6[%parallel_loop3A_754, %parallel_loop3A_755], %parallel_loop3A_758 {strides = array<i32>} : memref<64x768xf32, #tpu.memory_space<vmem>>, vector<1x16xf32>,
      %parallel_loop3A_759 = arith.index_cast %parallel_loop3A_114 : i32 to index
      %parallel_loop3A_760 = arith.constant 736 : index
      %parallel_loop3A_761 = tpu.vector_load %arg6[%parallel_loop3A_759, %parallel_loop3A_760] {strides = array<i32>} : memref<64x768xf32, #tpu.memory_space<vmem>>, vector<1x16xf32>,
      %parallel_loop3A_762 = vector.shape_cast %parallel_loop3A_761 : vector<1x16xf32> to vector<16xf32>
      %parallel_loop3A_763 = arith.index_cast %parallel_loop3A_114 : i32 to index
      %parallel_loop3A_764 = arith.constant 736 : index
      %parallel_loop3A_765 = tpu.vector_load %arg7[%parallel_loop3A_763, %parallel_loop3A_764] {strides = array<i32>} : memref<64x768xf32, #tpu.memory_space<vmem>>, vector<1x16xf32>,
      %parallel_loop3A_766 = vector.shape_cast %parallel_loop3A_765 : vector<1x16xf32> to vector<16xf32>
      %parallel_loop3A_767 = arith.addf %parallel_loop3A_762, %parallel_loop3A_766 : vector<16xf32>
      %parallel_loop3A_768 = arith.index_cast %parallel_loop3A_114 : i32 to index
      %parallel_loop3A_769 = arith.constant 736 : index
      %parallel_loop3A_770 = tpu.vector_load %arg6[%parallel_loop3A_768, %parallel_loop3A_769] {strides = array<i32>} : memref<64x768xf32, #tpu.memory_space<vmem>>, vector<1x16xf32>,
      %parallel_loop3A_771 = vector.shape_cast %parallel_loop3A_770 : vector<1x16xf32> to vector<16xf32>
      %parallel_loop3A_772 = vector.shape_cast %parallel_loop3A_767 : vector<16xf32> to vector<1x16xf32>
      tpu.vector_store %arg6[%parallel_loop3A_768, %parallel_loop3A_769], %parallel_loop3A_772 {strides = array<i32>} : memref<64x768xf32, #tpu.memory_space<vmem>>, vector<1x16xf32>,
      %parallel_loop3A_773 = arith.index_cast %parallel_loop3A_114 : i32 to index
      %parallel_loop3A_774 = arith.constant 752 : index
      %parallel_loop3A_775 = tpu.vector_load %arg6[%parallel_loop3A_773, %parallel_loop3A_774] {strides = array<i32>} : memref<64x768xf32, #tpu.memory_space<vmem>>, vector<1x16xf32>,
      %parallel_loop3A_776 = vector.shape_cast %parallel_loop3A_775 : vector<1x16xf32> to vector<16xf32>
      %parallel_loop3A_777 = arith.index_cast %parallel_loop3A_114 : i32 to index
      %parallel_loop3A_778 = arith.constant 752 : index
      %parallel_loop3A_779 = tpu.vector_load %arg7[%parallel_loop3A_777, %parallel_loop3A_778] {strides = array<i32>} : memref<64x768xf32, #tpu.memory_space<vmem>>, vector<1x16xf32>,
      %parallel_loop3A_780 = vector.shape_cast %parallel_loop3A_779 : vector<1x16xf32> to vector<16xf32>
      %parallel_loop3A_781 = arith.addf %parallel_loop3A_776, %parallel_loop3A_780 : vector<16xf32>
      %parallel_loop3A_782 = arith.index_cast %parallel_loop3A_114 : i32 to index
      %parallel_loop3A_783 = arith.constant 752 : index
      %parallel_loop3A_784 = tpu.vector_load %arg6[%parallel_loop3A_782, %parallel_loop3A_783] {strides = array<i32>} : memref<64x768xf32, #tpu.memory_space<vmem>>, vector<1x16xf32>,
      %parallel_loop3A_785 = vector.shape_cast %parallel_loop3A_784 : vector<1x16xf32> to vector<16xf32>
      %parallel_loop3A_786 = vector.shape_cast %parallel_loop3A_781 : vector<16xf32> to vector<1x16xf32>
      tpu.vector_store %arg6[%parallel_loop3A_782, %parallel_loop3A_783], %parallel_loop3A_786 {strides = array<i32>} : memref<64x768xf32, #tpu.memory_space<vmem>>, vector<1x16xf32>,
    } {sc.loop_unroll_factor = 4 : i64, sc.parallel_access}
    %add3A_51 = arith.constant 0 : i32
    %add3A_52 = arith.addi %mul3A_2, %add3A_51 : i32
    %dma_start3A_53 = arith.constant 0 : i32
    %dma_start3A_54 = arith.constant 0 : i32
    %dma_start3A_55 = tpu.memref_slice %arg6[%dma_start3A_53, %dma_start3A_54] : memref<64x768xf32, #tpu.memory_space<vmem>> -> memref<32x768xf32, #tpu.memory_space<vmem>>
    %dma_start3A_56 = arith.constant 0 : i32
    %dma_start3A_57 = tpu.memref_slice %arg5[%add3A_52, %dma_start3A_56] : memref<2048x768xf32, #tpu.memory_space<hbm>> -> memref<32x768xf32, #tpu.memory_space<hbm>>
    %dma_start3A_58 = arith.constant 0 : i32
    %dma_start3A_59 = tpu.memref_slice %arg5[%add3A_52, %dma_start3A_58] : memref<2048x768xf32, #tpu.memory_space<hbm>> -> memref<32x768xf32, #tpu.memory_space<hbm>>
    %dma_start3A_60 = arith.constant 0 : i32
    %dma_start3A_61 = arith.constant 0 : i32
    %dma_start3A_62 = tpu.memref_slice %arg6[%dma_start3A_60, %dma_start3A_61] : memref<64x768xf32, #tpu.memory_space<vmem>> -> memref<32x768xf32, #tpu.memory_space<vmem>>
    tpu.enqueue_dma source(%dma_start3A_62 : memref<32x768xf32, #tpu.memory_space<vmem>>) target(%dma_start3A_59 : memref<32x768xf32, #tpu.memory_space<hbm>>) target_semaphore(%arg12 : memref<!tpu.dma_semaphore, #tpu.memory_space<semaphore_mem>>)
    %dma_wait3A_63 = arith.constant 32 : i32
    %dma_wait3A_64 = arith.constant 0 : i32
    %dma_wait3A_65 = tpu.memref_slice %arg6[%dma_wait3A_63, %dma_wait3A_64] : memref<64x768xf32, #tpu.memory_space<vmem>> -> memref<32x768xf32, #tpu.memory_space<vmem>>
    %dma_wait3A_66 = arith.constant 32 : i32
    %dma_wait3A_67 = tpu.memref_slice %arg8[%dma_wait3A_66] : memref<64xi32, #tpu.memory_space<vmem>> -> memref<32xi32, #tpu.memory_space<vmem>>
    %dma_wait3A_68 = arith.constant 0 : i32
    %dma_wait3A_69 = arith.constant 0 : i32
    %dma_wait3A_70 = tpu.memref_slice %arg2[%dma_wait3A_68, %dma_wait3A_69] : memref<8192x768xf32, #tpu.memory_space<hbm>> -> memref<8192x768xf32, #tpu.memory_space<hbm>>
    tpu.wait_indirect_dma semaphore(%arg10 : memref<!tpu.dma_semaphore, #tpu.memory_space<semaphore_mem>>) src(%dma_wait3A_70 : memref<8192x768xf32, #tpu.memory_space<hbm>>) dst(%dma_wait3A_65 : memref<32x768xf32, #tpu.memory_space<vmem>>)
    %dma_wait3A_71 = arith.constant 32 : i32
    %dma_wait3A_72 = arith.constant 0 : i32
    %dma_wait3A_73 = tpu.memref_slice %arg7[%dma_wait3A_71, %dma_wait3A_72] : memref<64x768xf32, #tpu.memory_space<vmem>> -> memref<32x768xf32, #tpu.memory_space<vmem>>
    %dma_wait3A_74 = arith.constant 32 : i32
    %dma_wait3A_75 = tpu.memref_slice %arg9[%dma_wait3A_74] : memref<64xi32, #tpu.memory_space<vmem>> -> memref<32xi32, #tpu.memory_space<vmem>>
    %dma_wait3A_76 = arith.constant 0 : i32
    %dma_wait3A_77 = arith.constant 0 : i32
    %dma_wait3A_78 = tpu.memref_slice %arg2[%dma_wait3A_76, %dma_wait3A_77] : memref<8192x768xf32, #tpu.memory_space<hbm>> -> memref<8192x768xf32, #tpu.memory_space<hbm>>
    tpu.wait_indirect_dma semaphore(%arg11 : memref<!tpu.dma_semaphore, #tpu.memory_space<semaphore_mem>>) src(%dma_wait3A_78 : memref<8192x768xf32, #tpu.memory_space<hbm>>) dst(%dma_wait3A_73 : memref<32x768xf32, #tpu.memory_space<vmem>>)
    %parallel_loop3A_79 = arith.constant 32 : i32
    %parallel_loop3A_80 = arith.constant 64 : i32
    %parallel_loop3A_81 = arith.constant 1 : i32
    scf.for %parallel_loop3A_114 = %parallel_loop3A_79 to %parallel_loop3A_80 step %parallel_loop3A_81  : i32 {
      %parallel_loop3A_115 = arith.index_cast %parallel_loop3A_114 : i32 to index
      %parallel_loop3A_116 = arith.constant 0 : index
      %parallel_loop3A_117 = tpu.vector_load %arg6[%parallel_loop3A_115, %parallel_loop3A_116] {strides = array<i32>} : memref<64x768xf32, #tpu.memory_space<vmem>>, vector<1x16xf32>,
      %parallel_loop3A_118 = vector.shape_cast %parallel_loop3A_117 : vector<1x16xf32> to vector<16xf32>
      %parallel_loop3A_119 = arith.index_cast %parallel_loop3A_114 : i32 to index
      %parallel_loop3A_120 = arith.constant 0 : index
      %parallel_loop3A_121 = tpu.vector_load %arg7[%parallel_loop3A_119, %parallel_loop3A_120] {strides = array<i32>} : memref<64x768xf32, #tpu.memory_space<vmem>>, vector<1x16xf32>,
      %parallel_loop3A_122 = vector.shape_cast %parallel_loop3A_121 : vector<1x16xf32> to vector<16xf32>
      %parallel_loop3A_123 = arith.addf %parallel_loop3A_118, %parallel_loop3A_122 : vector<16xf32>
      %parallel_loop3A_124 = arith.index_cast %parallel_loop3A_114 : i32 to index
      %parallel_loop3A_125 = arith.constant 0 : index
      %parallel_loop3A_126 = tpu.vector_load %arg6[%parallel_loop3A_124, %parallel_loop3A_125] {strides = array<i32>} : memref<64x768xf32, #tpu.memory_space<vmem>>, vector<1x16xf32>,
      %parallel_loop3A_127 = vector.shape_cast %parallel_loop3A_126 : vector<1x16xf32> to vector<16xf32>
      %parallel_loop3A_128 = vector.shape_cast %parallel_loop3A_123 : vector<16xf32> to vector<1x16xf32>
      tpu.vector_store %arg6[%parallel_loop3A_124, %parallel_loop3A_125], %parallel_loop3A_128 {strides = array<i32>} : memref<64x768xf32, #tpu.memory_space<vmem>>, vector<1x16xf32>,
      %parallel_loop3A_129 = arith.index_cast %parallel_loop3A_114 : i32 to index
      %parallel_loop3A_130 = arith.constant 16 : index
      %parallel_loop3A_131 = tpu.vector_load %arg6[%parallel_loop3A_129, %parallel_loop3A_130] {strides = array<i32>} : memref<64x768xf32, #tpu.memory_space<vmem>>, vector<1x16xf32>,
      %parallel_loop3A_132 = vector.shape_cast %parallel_loop3A_131 : vector<1x16xf32> to vector<16xf32>
      %parallel_loop3A_133 = arith.index_cast %parallel_loop3A_114 : i32 to index
      %parallel_loop3A_134 = arith.constant 16 : index
      %parallel_loop3A_135 = tpu.vector_load %arg7[%parallel_loop3A_133, %parallel_loop3A_134] {strides = array<i32>} : memref<64x768xf32, #tpu.memory_space<vmem>>, vector<1x16xf32>,
      %parallel_loop3A_136 = vector.shape_cast %parallel_loop3A_135 : vector<1x16xf32> to vector<16xf32>
      %parallel_loop3A_137 = arith.addf %parallel_loop3A_132, %parallel_loop3A_136 : vector<16xf32>
      %parallel_loop3A_138 = arith.index_cast %parallel_loop3A_114 : i32 to index
      %parallel_loop3A_139 = arith.constant 16 : index
      %parallel_loop3A_140 = tpu.vector_load %arg6[%parallel_loop3A_138, %parallel_loop3A_139] {strides = array<i32>} : memref<64x768xf32, #tpu.memory_space<vmem>>, vector<1x16xf32>,
      %parallel_loop3A_141 = vector.shape_cast %parallel_loop3A_140 : vector<1x16xf32> to vector<16xf32>
      %parallel_loop3A_142 = vector.shape_cast %parallel_loop3A_137 : vector<16xf32> to vector<1x16xf32>
      tpu.vector_store %arg6[%parallel_loop3A_138, %parallel_loop3A_139], %parallel_loop3A_142 {strides = array<i32>} : memref<64x768xf32, #tpu.memory_space<vmem>>, vector<1x16xf32>,
      %parallel_loop3A_143 = arith.index_cast %parallel_loop3A_114 : i32 to index
      %parallel_loop3A_144 = arith.constant 32 : index
      %parallel_loop3A_145 = tpu.vector_load %arg6[%parallel_loop3A_143, %parallel_loop3A_144] {strides = array<i32>} : memref<64x768xf32, #tpu.memory_space<vmem>>, vector<1x16xf32>,
      %parallel_loop3A_146 = vector.shape_cast %parallel_loop3A_145 : vector<1x16xf32> to vector<16xf32>
      %parallel_loop3A_147 = arith.index_cast %parallel_loop3A_114 : i32 to index
      %parallel_loop3A_148 = arith.constant 32 : index
      %parallel_loop3A_149 = tpu.vector_load %arg7[%parallel_loop3A_147, %parallel_loop3A_148] {strides = array<i32>} : memref<64x768xf32, #tpu.memory_space<vmem>>, vector<1x16xf32>,
      %parallel_loop3A_150 = vector.shape_cast %parallel_loop3A_149 : vector<1x16xf32> to vector<16xf32>
      %parallel_loop3A_151 = arith.addf %parallel_loop3A_146, %parallel_loop3A_150 : vector<16xf32>
      %parallel_loop3A_152 = arith.index_cast %parallel_loop3A_114 : i32 to index
      %parallel_loop3A_153 = arith.constant 32 : index
      %parallel_loop3A_154 = tpu.vector_load %arg6[%parallel_loop3A_152, %parallel_loop3A_153] {strides = array<i32>} : memref<64x768xf32, #tpu.memory_space<vmem>>, vector<1x16xf32>,
      %parallel_loop3A_155 = vector.shape_cast %parallel_loop3A_154 : vector<1x16xf32> to vector<16xf32>
      %parallel_loop3A_156 = vector.shape_cast %parallel_loop3A_151 : vector<16xf32> to vector<1x16xf32>
      tpu.vector_store %arg6[%parallel_loop3A_152, %parallel_loop3A_153], %parallel_loop3A_156 {strides = array<i32>} : memref<64x768xf32, #tpu.memory_space<vmem>>, vector<1x16xf32>,
      %parallel_loop3A_157 = arith.index_cast %parallel_loop3A_114 : i32 to index
      %parallel_loop3A_158 = arith.constant 48 : index
      %parallel_loop3A_159 = tpu.vector_load %arg6[%parallel_loop3A_157, %parallel_loop3A_158] {strides = array<i32>} : memref<64x768xf32, #tpu.memory_space<vmem>>, vector<1x16xf32>,
      %parallel_loop3A_160 = vector.shape_cast %parallel_loop3A_159 : vector<1x16xf32> to vector<16xf32>
      %parallel_loop3A_161 = arith.index_cast %parallel_loop3A_114 : i32 to index
      %parallel_loop3A_162 = arith.constant 48 : index
      %parallel_loop3A_163 = tpu.vector_load %arg7[%parallel_loop3A_161, %parallel_loop3A_162] {strides = array<i32>} : memref<64x768xf32, #tpu.memory_space<vmem>>, vector<1x16xf32>,
      %parallel_loop3A_164 = vector.shape_cast %parallel_loop3A_163 : vector<1x16xf32> to vector<16xf32>
      %parallel_loop3A_165 = arith.addf %parallel_loop3A_160, %parallel_loop3A_164 : vector<16xf32>
      %parallel_loop3A_166 = arith.index_cast %parallel_loop3A_114 : i32 to index
      %parallel_loop3A_167 = arith.constant 48 : index
      %parallel_loop3A_168 = tpu.vector_load %arg6[%parallel_loop3A_166, %parallel_loop3A_167] {strides = array<i32>} : memref<64x768xf32, #tpu.memory_space<vmem>>, vector<1x16xf32>,
      %parallel_loop3A_169 = vector.shape_cast %parallel_loop3A_168 : vector<1x16xf32> to vector<16xf32>
      %parallel_loop3A_170 = vector.shape_cast %parallel_loop3A_165 : vector<16xf32> to vector<1x16xf32>
      tpu.vector_store %arg6[%parallel_loop3A_166, %parallel_loop3A_167], %parallel_loop3A_170 {strides = array<i32>} : memref<64x768xf32, #tpu.memory_space<vmem>>, vector<1x16xf32>,
      %parallel_loop3A_171 = arith.index_cast %parallel_loop3A_114 : i32 to index
      %parallel_loop3A_172 = arith.constant 64 : index
      %parallel_loop3A_173 = tpu.vector_load %arg6[%parallel_loop3A_171, %parallel_loop3A_172] {strides = array<i32>} : memref<64x768xf32, #tpu.memory_space<vmem>>, vector<1x16xf32>,
      %parallel_loop3A_174 = vector.shape_cast %parallel_loop3A_173 : vector<1x16xf32> to vector<16xf32>
      %parallel_loop3A_175 = arith.index_cast %parallel_loop3A_114 : i32 to index
      %parallel_loop3A_176 = arith.constant 64 : index
      %parallel_loop3A_177 = tpu.vector_load %arg7[%parallel_loop3A_175, %parallel_loop3A_176] {strides = array<i32>} : memref<64x768xf32, #tpu.memory_space<vmem>>, vector<1x16xf32>,
      %parallel_loop3A_178 = vector.shape_cast %parallel_loop3A_177 : vector<1x16xf32> to vector<16xf32>
      %parallel_loop3A_179 = arith.addf %parallel_loop3A_174, %parallel_loop3A_178 : vector<16xf32>
      %parallel_loop3A_180 = arith.index_cast %parallel_loop3A_114 : i32 to index
      %parallel_loop3A_181 = arith.constant 64 : index
      %parallel_loop3A_182 = tpu.vector_load %arg6[%parallel_loop3A_180, %parallel_loop3A_181] {strides = array<i32>} : memref<64x768xf32, #tpu.memory_space<vmem>>, vector<1x16xf32>,
      %parallel_loop3A_183 = vector.shape_cast %parallel_loop3A_182 : vector<1x16xf32> to vector<16xf32>
      %parallel_loop3A_184 = vector.shape_cast %parallel_loop3A_179 : vector<16xf32> to vector<1x16xf32>
      tpu.vector_store %arg6[%parallel_loop3A_180, %parallel_loop3A_181], %parallel_loop3A_184 {strides = array<i32>} : memref<64x768xf32, #tpu.memory_space<vmem>>, vector<1x16xf32>,
      %parallel_loop3A_185 = arith.index_cast %parallel_loop3A_114 : i32 to index
      %parallel_loop3A_186 = arith.constant 80 : index
      %parallel_loop3A_187 = tpu.vector_load %arg6[%parallel_loop3A_185, %parallel_loop3A_186] {strides = array<i32>} : memref<64x768xf32, #tpu.memory_space<vmem>>, vector<1x16xf32>,
      %parallel_loop3A_188 = vector.shape_cast %parallel_loop3A_187 : vector<1x16xf32> to vector<16xf32>
      %parallel_loop3A_189 = arith.index_cast %parallel_loop3A_114 : i32 to index
      %parallel_loop3A_190 = arith.constant 80 : index
      %parallel_loop3A_191 = tpu.vector_load %arg7[%parallel_loop3A_189, %parallel_loop3A_190] {strides = array<i32>} : memref<64x768xf32, #tpu.memory_space<vmem>>, vector<1x16xf32>,
      %parallel_loop3A_192 = vector.shape_cast %parallel_loop3A_191 : vector<1x16xf32> to vector<16xf32>
      %parallel_loop3A_193 = arith.addf %parallel_loop3A_188, %parallel_loop3A_192 : vector<16xf32>
      %parallel_loop3A_194 = arith.index_cast %parallel_loop3A_114 : i32 to index
      %parallel_loop3A_195 = arith.constant 80 : index
      %parallel_loop3A_196 = tpu.vector_load %arg6[%parallel_loop3A_194, %parallel_loop3A_195] {strides = array<i32>} : memref<64x768xf32, #tpu.memory_space<vmem>>, vector<1x16xf32>,
      %parallel_loop3A_197 = vector.shape_cast %parallel_loop3A_196 : vector<1x16xf32> to vector<16xf32>
      %parallel_loop3A_198 = vector.shape_cast %parallel_loop3A_193 : vector<16xf32> to vector<1x16xf32>
      tpu.vector_store %arg6[%parallel_loop3A_194, %parallel_loop3A_195], %parallel_loop3A_198 {strides = array<i32>} : memref<64x768xf32, #tpu.memory_space<vmem>>, vector<1x16xf32>,
      %parallel_loop3A_199 = arith.index_cast %parallel_loop3A_114 : i32 to index
      %parallel_loop3A_200 = arith.constant 96 : index
      %parallel_loop3A_201 = tpu.vector_load %arg6[%parallel_loop3A_199, %parallel_loop3A_200] {strides = array<i32>} : memref<64x768xf32, #tpu.memory_space<vmem>>, vector<1x16xf32>,
      %parallel_loop3A_202 = vector.shape_cast %parallel_loop3A_201 : vector<1x16xf32> to vector<16xf32>
      %parallel_loop3A_203 = arith.index_cast %parallel_loop3A_114 : i32 to index
      %parallel_loop3A_204 = arith.constant 96 : index
      %parallel_loop3A_205 = tpu.vector_load %arg7[%parallel_loop3A_203, %parallel_loop3A_204] {strides = array<i32>} : memref<64x768xf32, #tpu.memory_space<vmem>>, vector<1x16xf32>,
      %parallel_loop3A_206 = vector.shape_cast %parallel_loop3A_205 : vector<1x16xf32> to vector<16xf32>
      %parallel_loop3A_207 = arith.addf %parallel_loop3A_202, %parallel_loop3A_206 : vector<16xf32>
      %parallel_loop3A_208 = arith.index_cast %parallel_loop3A_114 : i32 to index
      %parallel_loop3A_209 = arith.constant 96 : index
      %parallel_loop3A_210 = tpu.vector_load %arg6[%parallel_loop3A_208, %parallel_loop3A_209] {strides = array<i32>} : memref<64x768xf32, #tpu.memory_space<vmem>>, vector<1x16xf32>,
      %parallel_loop3A_211 = vector.shape_cast %parallel_loop3A_210 : vector<1x16xf32> to vector<16xf32>
      %parallel_loop3A_212 = vector.shape_cast %parallel_loop3A_207 : vector<16xf32> to vector<1x16xf32>
      tpu.vector_store %arg6[%parallel_loop3A_208, %parallel_loop3A_209], %parallel_loop3A_212 {strides = array<i32>} : memref<64x768xf32, #tpu.memory_space<vmem>>, vector<1x16xf32>,
      %parallel_loop3A_213 = arith.index_cast %parallel_loop3A_114 : i32 to index
      %parallel_loop3A_214 = arith.constant 112 : index
      %parallel_loop3A_215 = tpu.vector_load %arg6[%parallel_loop3A_213, %parallel_loop3A_214] {strides = array<i32>} : memref<64x768xf32, #tpu.memory_space<vmem>>, vector<1x16xf32>,
      %parallel_loop3A_216 = vector.shape_cast %parallel_loop3A_215 : vector<1x16xf32> to vector<16xf32>
      %parallel_loop3A_217 = arith.index_cast %parallel_loop3A_114 : i32 to index
      %parallel_loop3A_218 = arith.constant 112 : index
      %parallel_loop3A_219 = tpu.vector_load %arg7[%parallel_loop3A_217, %parallel_loop3A_218] {strides = array<i32>} : memref<64x768xf32, #tpu.memory_space<vmem>>, vector<1x16xf32>,
      %parallel_loop3A_220 = vector.shape_cast %parallel_loop3A_219 : vector<1x16xf32> to vector<16xf32>
      %parallel_loop3A_221 = arith.addf %parallel_loop3A_216, %parallel_loop3A_220 : vector<16xf32>
      %parallel_loop3A_222 = arith.index_cast %parallel_loop3A_114 : i32 to index
      %parallel_loop3A_223 = arith.constant 112 : index
      %parallel_loop3A_224 = tpu.vector_load %arg6[%parallel_loop3A_222, %parallel_loop3A_223] {strides = array<i32>} : memref<64x768xf32, #tpu.memory_space<vmem>>, vector<1x16xf32>,
      %parallel_loop3A_225 = vector.shape_cast %parallel_loop3A_224 : vector<1x16xf32> to vector<16xf32>
      %parallel_loop3A_226 = vector.shape_cast %parallel_loop3A_221 : vector<16xf32> to vector<1x16xf32>
      tpu.vector_store %arg6[%parallel_loop3A_222, %parallel_loop3A_223], %parallel_loop3A_226 {strides = array<i32>} : memref<64x768xf32, #tpu.memory_space<vmem>>, vector<1x16xf32>,
      %parallel_loop3A_227 = arith.index_cast %parallel_loop3A_114 : i32 to index
      %parallel_loop3A_228 = arith.constant 128 : index
      %parallel_loop3A_229 = tpu.vector_load %arg6[%parallel_loop3A_227, %parallel_loop3A_228] {strides = array<i32>} : memref<64x768xf32, #tpu.memory_space<vmem>>, vector<1x16xf32>,
      %parallel_loop3A_230 = vector.shape_cast %parallel_loop3A_229 : vector<1x16xf32> to vector<16xf32>
      %parallel_loop3A_231 = arith.index_cast %parallel_loop3A_114 : i32 to index
      %parallel_loop3A_232 = arith.constant 128 : index
      %parallel_loop3A_233 = tpu.vector_load %arg7[%parallel_loop3A_231, %parallel_loop3A_232] {strides = array<i32>} : memref<64x768xf32, #tpu.memory_space<vmem>>, vector<1x16xf32>,
      %parallel_loop3A_234 = vector.shape_cast %parallel_loop3A_233 : vector<1x16xf32> to vector<16xf32>
      %parallel_loop3A_235 = arith.addf %parallel_loop3A_230, %parallel_loop3A_234 : vector<16xf32>
      %parallel_loop3A_236 = arith.index_cast %parallel_loop3A_114 : i32 to index
      %parallel_loop3A_237 = arith.constant 128 : index
      %parallel_loop3A_238 = tpu.vector_load %arg6[%parallel_loop3A_236, %parallel_loop3A_237] {strides = array<i32>} : memref<64x768xf32, #tpu.memory_space<vmem>>, vector<1x16xf32>,
      %parallel_loop3A_239 = vector.shape_cast %parallel_loop3A_238 : vector<1x16xf32> to vector<16xf32>
      %parallel_loop3A_240 = vector.shape_cast %parallel_loop3A_235 : vector<16xf32> to vector<1x16xf32>
      tpu.vector_store %arg6[%parallel_loop3A_236, %parallel_loop3A_237], %parallel_loop3A_240 {strides = array<i32>} : memref<64x768xf32, #tpu.memory_space<vmem>>, vector<1x16xf32>,
      %parallel_loop3A_241 = arith.index_cast %parallel_loop3A_114 : i32 to index
      %parallel_loop3A_242 = arith.constant 144 : index
      %parallel_loop3A_243 = tpu.vector_load %arg6[%parallel_loop3A_241, %parallel_loop3A_242] {strides = array<i32>} : memref<64x768xf32, #tpu.memory_space<vmem>>, vector<1x16xf32>,
      %parallel_loop3A_244 = vector.shape_cast %parallel_loop3A_243 : vector<1x16xf32> to vector<16xf32>
      %parallel_loop3A_245 = arith.index_cast %parallel_loop3A_114 : i32 to index
      %parallel_loop3A_246 = arith.constant 144 : index
      %parallel_loop3A_247 = tpu.vector_load %arg7[%parallel_loop3A_245, %parallel_loop3A_246] {strides = array<i32>} : memref<64x768xf32, #tpu.memory_space<vmem>>, vector<1x16xf32>,
      %parallel_loop3A_248 = vector.shape_cast %parallel_loop3A_247 : vector<1x16xf32> to vector<16xf32>
      %parallel_loop3A_249 = arith.addf %parallel_loop3A_244, %parallel_loop3A_248 : vector<16xf32>
      %parallel_loop3A_250 = arith.index_cast %parallel_loop3A_114 : i32 to index
      %parallel_loop3A_251 = arith.constant 144 : index
      %parallel_loop3A_252 = tpu.vector_load %arg6[%parallel_loop3A_250, %parallel_loop3A_251] {strides = array<i32>} : memref<64x768xf32, #tpu.memory_space<vmem>>, vector<1x16xf32>,
      %parallel_loop3A_253 = vector.shape_cast %parallel_loop3A_252 : vector<1x16xf32> to vector<16xf32>
      %parallel_loop3A_254 = vector.shape_cast %parallel_loop3A_249 : vector<16xf32> to vector<1x16xf32>
      tpu.vector_store %arg6[%parallel_loop3A_250, %parallel_loop3A_251], %parallel_loop3A_254 {strides = array<i32>} : memref<64x768xf32, #tpu.memory_space<vmem>>, vector<1x16xf32>,
      %parallel_loop3A_255 = arith.index_cast %parallel_loop3A_114 : i32 to index
      %parallel_loop3A_256 = arith.constant 160 : index
      %parallel_loop3A_257 = tpu.vector_load %arg6[%parallel_loop3A_255, %parallel_loop3A_256] {strides = array<i32>} : memref<64x768xf32, #tpu.memory_space<vmem>>, vector<1x16xf32>,
      %parallel_loop3A_258 = vector.shape_cast %parallel_loop3A_257 : vector<1x16xf32> to vector<16xf32>
      %parallel_loop3A_259 = arith.index_cast %parallel_loop3A_114 : i32 to index
      %parallel_loop3A_260 = arith.constant 160 : index
      %parallel_loop3A_261 = tpu.vector_load %arg7[%parallel_loop3A_259, %parallel_loop3A_260] {strides = array<i32>} : memref<64x768xf32, #tpu.memory_space<vmem>>, vector<1x16xf32>,
      %parallel_loop3A_262 = vector.shape_cast %parallel_loop3A_261 : vector<1x16xf32> to vector<16xf32>
      %parallel_loop3A_263 = arith.addf %parallel_loop3A_258, %parallel_loop3A_262 : vector<16xf32>
      %parallel_loop3A_264 = arith.index_cast %parallel_loop3A_114 : i32 to index
      %parallel_loop3A_265 = arith.constant 160 : index
      %parallel_loop3A_266 = tpu.vector_load %arg6[%parallel_loop3A_264, %parallel_loop3A_265] {strides = array<i32>} : memref<64x768xf32, #tpu.memory_space<vmem>>, vector<1x16xf32>,
      %parallel_loop3A_267 = vector.shape_cast %parallel_loop3A_266 : vector<1x16xf32> to vector<16xf32>
      %parallel_loop3A_268 = vector.shape_cast %parallel_loop3A_263 : vector<16xf32> to vector<1x16xf32>
      tpu.vector_store %arg6[%parallel_loop3A_264, %parallel_loop3A_265], %parallel_loop3A_268 {strides = array<i32>} : memref<64x768xf32, #tpu.memory_space<vmem>>, vector<1x16xf32>,
      %parallel_loop3A_269 = arith.index_cast %parallel_loop3A_114 : i32 to index
      %parallel_loop3A_270 = arith.constant 176 : index
      %parallel_loop3A_271 = tpu.vector_load %arg6[%parallel_loop3A_269, %parallel_loop3A_270] {strides = array<i32>} : memref<64x768xf32, #tpu.memory_space<vmem>>, vector<1x16xf32>,
      %parallel_loop3A_272 = vector.shape_cast %parallel_loop3A_271 : vector<1x16xf32> to vector<16xf32>
      %parallel_loop3A_273 = arith.index_cast %parallel_loop3A_114 : i32 to index
      %parallel_loop3A_274 = arith.constant 176 : index
      %parallel_loop3A_275 = tpu.vector_load %arg7[%parallel_loop3A_273, %parallel_loop3A_274] {strides = array<i32>} : memref<64x768xf32, #tpu.memory_space<vmem>>, vector<1x16xf32>,
      %parallel_loop3A_276 = vector.shape_cast %parallel_loop3A_275 : vector<1x16xf32> to vector<16xf32>
      %parallel_loop3A_277 = arith.addf %parallel_loop3A_272, %parallel_loop3A_276 : vector<16xf32>
      %parallel_loop3A_278 = arith.index_cast %parallel_loop3A_114 : i32 to index
      %parallel_loop3A_279 = arith.constant 176 : index
      %parallel_loop3A_280 = tpu.vector_load %arg6[%parallel_loop3A_278, %parallel_loop3A_279] {strides = array<i32>} : memref<64x768xf32, #tpu.memory_space<vmem>>, vector<1x16xf32>,
      %parallel_loop3A_281 = vector.shape_cast %parallel_loop3A_280 : vector<1x16xf32> to vector<16xf32>
      %parallel_loop3A_282 = vector.shape_cast %parallel_loop3A_277 : vector<16xf32> to vector<1x16xf32>
      tpu.vector_store %arg6[%parallel_loop3A_278, %parallel_loop3A_279], %parallel_loop3A_282 {strides = array<i32>} : memref<64x768xf32, #tpu.memory_space<vmem>>, vector<1x16xf32>,
      %parallel_loop3A_283 = arith.index_cast %parallel_loop3A_114 : i32 to index
      %parallel_loop3A_284 = arith.constant 192 : index
      %parallel_loop3A_285 = tpu.vector_load %arg6[%parallel_loop3A_283, %parallel_loop3A_284] {strides = array<i32>} : memref<64x768xf32, #tpu.memory_space<vmem>>, vector<1x16xf32>,
      %parallel_loop3A_286 = vector.shape_cast %parallel_loop3A_285 : vector<1x16xf32> to vector<16xf32>
      %parallel_loop3A_287 = arith.index_cast %parallel_loop3A_114 : i32 to index
      %parallel_loop3A_288 = arith.constant 192 : index
      %parallel_loop3A_289 = tpu.vector_load %arg7[%parallel_loop3A_287, %parallel_loop3A_288] {strides = array<i32>} : memref<64x768xf32, #tpu.memory_space<vmem>>, vector<1x16xf32>,
      %parallel_loop3A_290 = vector.shape_cast %parallel_loop3A_289 : vector<1x16xf32> to vector<16xf32>
      %parallel_loop3A_291 = arith.addf %parallel_loop3A_286, %parallel_loop3A_290 : vector<16xf32>
      %parallel_loop3A_292 = arith.index_cast %parallel_loop3A_114 : i32 to index
      %parallel_loop3A_293 = arith.constant 192 : index
      %parallel_loop3A_294 = tpu.vector_load %arg6[%parallel_loop3A_292, %parallel_loop3A_293] {strides = array<i32>} : memref<64x768xf32, #tpu.memory_space<vmem>>, vector<1x16xf32>,
      %parallel_loop3A_295 = vector.shape_cast %parallel_loop3A_294 : vector<1x16xf32> to vector<16xf32>
      %parallel_loop3A_296 = vector.shape_cast %parallel_loop3A_291 : vector<16xf32> to vector<1x16xf32>
      tpu.vector_store %arg6[%parallel_loop3A_292, %parallel_loop3A_293], %parallel_loop3A_296 {strides = array<i32>} : memref<64x768xf32, #tpu.memory_space<vmem>>, vector<1x16xf32>,
      %parallel_loop3A_297 = arith.index_cast %parallel_loop3A_114 : i32 to index
      %parallel_loop3A_298 = arith.constant 208 : index
      %parallel_loop3A_299 = tpu.vector_load %arg6[%parallel_loop3A_297, %parallel_loop3A_298] {strides = array<i32>} : memref<64x768xf32, #tpu.memory_space<vmem>>, vector<1x16xf32>,
      %parallel_loop3A_300 = vector.shape_cast %parallel_loop3A_299 : vector<1x16xf32> to vector<16xf32>
      %parallel_loop3A_301 = arith.index_cast %parallel_loop3A_114 : i32 to index
      %parallel_loop3A_302 = arith.constant 208 : index
      %parallel_loop3A_303 = tpu.vector_load %arg7[%parallel_loop3A_301, %parallel_loop3A_302] {strides = array<i32>} : memref<64x768xf32, #tpu.memory_space<vmem>>, vector<1x16xf32>,
      %parallel_loop3A_304 = vector.shape_cast %parallel_loop3A_303 : vector<1x16xf32> to vector<16xf32>
      %parallel_loop3A_305 = arith.addf %parallel_loop3A_300, %parallel_loop3A_304 : vector<16xf32>
      %parallel_loop3A_306 = arith.index_cast %parallel_loop3A_114 : i32 to index
      %parallel_loop3A_307 = arith.constant 208 : index
      %parallel_loop3A_308 = tpu.vector_load %arg6[%parallel_loop3A_306, %parallel_loop3A_307] {strides = array<i32>} : memref<64x768xf32, #tpu.memory_space<vmem>>, vector<1x16xf32>,
      %parallel_loop3A_309 = vector.shape_cast %parallel_loop3A_308 : vector<1x16xf32> to vector<16xf32>
      %parallel_loop3A_310 = vector.shape_cast %parallel_loop3A_305 : vector<16xf32> to vector<1x16xf32>
      tpu.vector_store %arg6[%parallel_loop3A_306, %parallel_loop3A_307], %parallel_loop3A_310 {strides = array<i32>} : memref<64x768xf32, #tpu.memory_space<vmem>>, vector<1x16xf32>,
      %parallel_loop3A_311 = arith.index_cast %parallel_loop3A_114 : i32 to index
      %parallel_loop3A_312 = arith.constant 224 : index
      %parallel_loop3A_313 = tpu.vector_load %arg6[%parallel_loop3A_311, %parallel_loop3A_312] {strides = array<i32>} : memref<64x768xf32, #tpu.memory_space<vmem>>, vector<1x16xf32>,
      %parallel_loop3A_314 = vector.shape_cast %parallel_loop3A_313 : vector<1x16xf32> to vector<16xf32>
      %parallel_loop3A_315 = arith.index_cast %parallel_loop3A_114 : i32 to index
      %parallel_loop3A_316 = arith.constant 224 : index
      %parallel_loop3A_317 = tpu.vector_load %arg7[%parallel_loop3A_315, %parallel_loop3A_316] {strides = array<i32>} : memref<64x768xf32, #tpu.memory_space<vmem>>, vector<1x16xf32>,
      %parallel_loop3A_318 = vector.shape_cast %parallel_loop3A_317 : vector<1x16xf32> to vector<16xf32>
      %parallel_loop3A_319 = arith.addf %parallel_loop3A_314, %parallel_loop3A_318 : vector<16xf32>
      %parallel_loop3A_320 = arith.index_cast %parallel_loop3A_114 : i32 to index
      %parallel_loop3A_321 = arith.constant 224 : index
      %parallel_loop3A_322 = tpu.vector_load %arg6[%parallel_loop3A_320, %parallel_loop3A_321] {strides = array<i32>} : memref<64x768xf32, #tpu.memory_space<vmem>>, vector<1x16xf32>,
      %parallel_loop3A_323 = vector.shape_cast %parallel_loop3A_322 : vector<1x16xf32> to vector<16xf32>
      %parallel_loop3A_324 = vector.shape_cast %parallel_loop3A_319 : vector<16xf32> to vector<1x16xf32>
      tpu.vector_store %arg6[%parallel_loop3A_320, %parallel_loop3A_321], %parallel_loop3A_324 {strides = array<i32>} : memref<64x768xf32, #tpu.memory_space<vmem>>, vector<1x16xf32>,
      %parallel_loop3A_325 = arith.index_cast %parallel_loop3A_114 : i32 to index
      %parallel_loop3A_326 = arith.constant 240 : index
      %parallel_loop3A_327 = tpu.vector_load %arg6[%parallel_loop3A_325, %parallel_loop3A_326] {strides = array<i32>} : memref<64x768xf32, #tpu.memory_space<vmem>>, vector<1x16xf32>,
      %parallel_loop3A_328 = vector.shape_cast %parallel_loop3A_327 : vector<1x16xf32> to vector<16xf32>
      %parallel_loop3A_329 = arith.index_cast %parallel_loop3A_114 : i32 to index
      %parallel_loop3A_330 = arith.constant 240 : index
      %parallel_loop3A_331 = tpu.vector_load %arg7[%parallel_loop3A_329, %parallel_loop3A_330] {strides = array<i32>} : memref<64x768xf32, #tpu.memory_space<vmem>>, vector<1x16xf32>,
      %parallel_loop3A_332 = vector.shape_cast %parallel_loop3A_331 : vector<1x16xf32> to vector<16xf32>
      %parallel_loop3A_333 = arith.addf %parallel_loop3A_328, %parallel_loop3A_332 : vector<16xf32>
      %parallel_loop3A_334 = arith.index_cast %parallel_loop3A_114 : i32 to index
      %parallel_loop3A_335 = arith.constant 240 : index
      %parallel_loop3A_336 = tpu.vector_load %arg6[%parallel_loop3A_334, %parallel_loop3A_335] {strides = array<i32>} : memref<64x768xf32, #tpu.memory_space<vmem>>, vector<1x16xf32>,
      %parallel_loop3A_337 = vector.shape_cast %parallel_loop3A_336 : vector<1x16xf32> to vector<16xf32>
      %parallel_loop3A_338 = vector.shape_cast %parallel_loop3A_333 : vector<16xf32> to vector<1x16xf32>
      tpu.vector_store %arg6[%parallel_loop3A_334, %parallel_loop3A_335], %parallel_loop3A_338 {strides = array<i32>} : memref<64x768xf32, #tpu.memory_space<vmem>>, vector<1x16xf32>,
      %parallel_loop3A_339 = arith.index_cast %parallel_loop3A_114 : i32 to index
      %parallel_loop3A_340 = arith.constant 256 : index
      %parallel_loop3A_341 = tpu.vector_load %arg6[%parallel_loop3A_339, %parallel_loop3A_340] {strides = array<i32>} : memref<64x768xf32, #tpu.memory_space<vmem>>, vector<1x16xf32>,
      %parallel_loop3A_342 = vector.shape_cast %parallel_loop3A_341 : vector<1x16xf32> to vector<16xf32>
      %parallel_loop3A_343 = arith.index_cast %parallel_loop3A_114 : i32 to index
      %parallel_loop3A_344 = arith.constant 256 : index
      %parallel_loop3A_345 = tpu.vector_load %arg7[%parallel_loop3A_343, %parallel_loop3A_344] {strides = array<i32>} : memref<64x768xf32, #tpu.memory_space<vmem>>, vector<1x16xf32>,
      %parallel_loop3A_346 = vector.shape_cast %parallel_loop3A_345 : vector<1x16xf32> to vector<16xf32>
      %parallel_loop3A_347 = arith.addf %parallel_loop3A_342, %parallel_loop3A_346 : vector<16xf32>
      %parallel_loop3A_348 = arith.index_cast %parallel_loop3A_114 : i32 to index
      %parallel_loop3A_349 = arith.constant 256 : index
      %parallel_loop3A_350 = tpu.vector_load %arg6[%parallel_loop3A_348, %parallel_loop3A_349] {strides = array<i32>} : memref<64x768xf32, #tpu.memory_space<vmem>>, vector<1x16xf32>,
      %parallel_loop3A_351 = vector.shape_cast %parallel_loop3A_350 : vector<1x16xf32> to vector<16xf32>
      %parallel_loop3A_352 = vector.shape_cast %parallel_loop3A_347 : vector<16xf32> to vector<1x16xf32>
      tpu.vector_store %arg6[%parallel_loop3A_348, %parallel_loop3A_349], %parallel_loop3A_352 {strides = array<i32>} : memref<64x768xf32, #tpu.memory_space<vmem>>, vector<1x16xf32>,
      %parallel_loop3A_353 = arith.index_cast %parallel_loop3A_114 : i32 to index
      %parallel_loop3A_354 = arith.constant 272 : index
      %parallel_loop3A_355 = tpu.vector_load %arg6[%parallel_loop3A_353, %parallel_loop3A_354] {strides = array<i32>} : memref<64x768xf32, #tpu.memory_space<vmem>>, vector<1x16xf32>,
      %parallel_loop3A_356 = vector.shape_cast %parallel_loop3A_355 : vector<1x16xf32> to vector<16xf32>
      %parallel_loop3A_357 = arith.index_cast %parallel_loop3A_114 : i32 to index
      %parallel_loop3A_358 = arith.constant 272 : index
      %parallel_loop3A_359 = tpu.vector_load %arg7[%parallel_loop3A_357, %parallel_loop3A_358] {strides = array<i32>} : memref<64x768xf32, #tpu.memory_space<vmem>>, vector<1x16xf32>,
      %parallel_loop3A_360 = vector.shape_cast %parallel_loop3A_359 : vector<1x16xf32> to vector<16xf32>
      %parallel_loop3A_361 = arith.addf %parallel_loop3A_356, %parallel_loop3A_360 : vector<16xf32>
      %parallel_loop3A_362 = arith.index_cast %parallel_loop3A_114 : i32 to index
      %parallel_loop3A_363 = arith.constant 272 : index
      %parallel_loop3A_364 = tpu.vector_load %arg6[%parallel_loop3A_362, %parallel_loop3A_363] {strides = array<i32>} : memref<64x768xf32, #tpu.memory_space<vmem>>, vector<1x16xf32>,
      %parallel_loop3A_365 = vector.shape_cast %parallel_loop3A_364 : vector<1x16xf32> to vector<16xf32>
      %parallel_loop3A_366 = vector.shape_cast %parallel_loop3A_361 : vector<16xf32> to vector<1x16xf32>
      tpu.vector_store %arg6[%parallel_loop3A_362, %parallel_loop3A_363], %parallel_loop3A_366 {strides = array<i32>} : memref<64x768xf32, #tpu.memory_space<vmem>>, vector<1x16xf32>,
      %parallel_loop3A_367 = arith.index_cast %parallel_loop3A_114 : i32 to index
      %parallel_loop3A_368 = arith.constant 288 : index
      %parallel_loop3A_369 = tpu.vector_load %arg6[%parallel_loop3A_367, %parallel_loop3A_368] {strides = array<i32>} : memref<64x768xf32, #tpu.memory_space<vmem>>, vector<1x16xf32>,
      %parallel_loop3A_370 = vector.shape_cast %parallel_loop3A_369 : vector<1x16xf32> to vector<16xf32>
      %parallel_loop3A_371 = arith.index_cast %parallel_loop3A_114 : i32 to index
      %parallel_loop3A_372 = arith.constant 288 : index
      %parallel_loop3A_373 = tpu.vector_load %arg7[%parallel_loop3A_371, %parallel_loop3A_372] {strides = array<i32>} : memref<64x768xf32, #tpu.memory_space<vmem>>, vector<1x16xf32>,
      %parallel_loop3A_374 = vector.shape_cast %parallel_loop3A_373 : vector<1x16xf32> to vector<16xf32>
      %parallel_loop3A_375 = arith.addf %parallel_loop3A_370, %parallel_loop3A_374 : vector<16xf32>
      %parallel_loop3A_376 = arith.index_cast %parallel_loop3A_114 : i32 to index
      %parallel_loop3A_377 = arith.constant 288 : index
      %parallel_loop3A_378 = tpu.vector_load %arg6[%parallel_loop3A_376, %parallel_loop3A_377] {strides = array<i32>} : memref<64x768xf32, #tpu.memory_space<vmem>>, vector<1x16xf32>,
      %parallel_loop3A_379 = vector.shape_cast %parallel_loop3A_378 : vector<1x16xf32> to vector<16xf32>
      %parallel_loop3A_380 = vector.shape_cast %parallel_loop3A_375 : vector<16xf32> to vector<1x16xf32>
      tpu.vector_store %arg6[%parallel_loop3A_376, %parallel_loop3A_377], %parallel_loop3A_380 {strides = array<i32>} : memref<64x768xf32, #tpu.memory_space<vmem>>, vector<1x16xf32>,
      %parallel_loop3A_381 = arith.index_cast %parallel_loop3A_114 : i32 to index
      %parallel_loop3A_382 = arith.constant 304 : index
      %parallel_loop3A_383 = tpu.vector_load %arg6[%parallel_loop3A_381, %parallel_loop3A_382] {strides = array<i32>} : memref<64x768xf32, #tpu.memory_space<vmem>>, vector<1x16xf32>,
      %parallel_loop3A_384 = vector.shape_cast %parallel_loop3A_383 : vector<1x16xf32> to vector<16xf32>
      %parallel_loop3A_385 = arith.index_cast %parallel_loop3A_114 : i32 to index
      %parallel_loop3A_386 = arith.constant 304 : index
      %parallel_loop3A_387 = tpu.vector_load %arg7[%parallel_loop3A_385, %parallel_loop3A_386] {strides = array<i32>} : memref<64x768xf32, #tpu.memory_space<vmem>>, vector<1x16xf32>,
      %parallel_loop3A_388 = vector.shape_cast %parallel_loop3A_387 : vector<1x16xf32> to vector<16xf32>
      %parallel_loop3A_389 = arith.addf %parallel_loop3A_384, %parallel_loop3A_388 : vector<16xf32>
      %parallel_loop3A_390 = arith.index_cast %parallel_loop3A_114 : i32 to index
      %parallel_loop3A_391 = arith.constant 304 : index
      %parallel_loop3A_392 = tpu.vector_load %arg6[%parallel_loop3A_390, %parallel_loop3A_391] {strides = array<i32>} : memref<64x768xf32, #tpu.memory_space<vmem>>, vector<1x16xf32>,
      %parallel_loop3A_393 = vector.shape_cast %parallel_loop3A_392 : vector<1x16xf32> to vector<16xf32>
      %parallel_loop3A_394 = vector.shape_cast %parallel_loop3A_389 : vector<16xf32> to vector<1x16xf32>
      tpu.vector_store %arg6[%parallel_loop3A_390, %parallel_loop3A_391], %parallel_loop3A_394 {strides = array<i32>} : memref<64x768xf32, #tpu.memory_space<vmem>>, vector<1x16xf32>,
      %parallel_loop3A_395 = arith.index_cast %parallel_loop3A_114 : i32 to index
      %parallel_loop3A_396 = arith.constant 320 : index
      %parallel_loop3A_397 = tpu.vector_load %arg6[%parallel_loop3A_395, %parallel_loop3A_396] {strides = array<i32>} : memref<64x768xf32, #tpu.memory_space<vmem>>, vector<1x16xf32>,
      %parallel_loop3A_398 = vector.shape_cast %parallel_loop3A_397 : vector<1x16xf32> to vector<16xf32>
      %parallel_loop3A_399 = arith.index_cast %parallel_loop3A_114 : i32 to index
      %parallel_loop3A_400 = arith.constant 320 : index
      %parallel_loop3A_401 = tpu.vector_load %arg7[%parallel_loop3A_399, %parallel_loop3A_400] {strides = array<i32>} : memref<64x768xf32, #tpu.memory_space<vmem>>, vector<1x16xf32>,
      %parallel_loop3A_402 = vector.shape_cast %parallel_loop3A_401 : vector<1x16xf32> to vector<16xf32>
      %parallel_loop3A_403 = arith.addf %parallel_loop3A_398, %parallel_loop3A_402 : vector<16xf32>
      %parallel_loop3A_404 = arith.index_cast %parallel_loop3A_114 : i32 to index
      %parallel_loop3A_405 = arith.constant 320 : index
      %parallel_loop3A_406 = tpu.vector_load %arg6[%parallel_loop3A_404, %parallel_loop3A_405] {strides = array<i32>} : memref<64x768xf32, #tpu.memory_space<vmem>>, vector<1x16xf32>,
      %parallel_loop3A_407 = vector.shape_cast %parallel_loop3A_406 : vector<1x16xf32> to vector<16xf32>
      %parallel_loop3A_408 = vector.shape_cast %parallel_loop3A_403 : vector<16xf32> to vector<1x16xf32>
      tpu.vector_store %arg6[%parallel_loop3A_404, %parallel_loop3A_405], %parallel_loop3A_408 {strides = array<i32>} : memref<64x768xf32, #tpu.memory_space<vmem>>, vector<1x16xf32>,
      %parallel_loop3A_409 = arith.index_cast %parallel_loop3A_114 : i32 to index
      %parallel_loop3A_410 = arith.constant 336 : index
      %parallel_loop3A_411 = tpu.vector_load %arg6[%parallel_loop3A_409, %parallel_loop3A_410] {strides = array<i32>} : memref<64x768xf32, #tpu.memory_space<vmem>>, vector<1x16xf32>,
      %parallel_loop3A_412 = vector.shape_cast %parallel_loop3A_411 : vector<1x16xf32> to vector<16xf32>
      %parallel_loop3A_413 = arith.index_cast %parallel_loop3A_114 : i32 to index
      %parallel_loop3A_414 = arith.constant 336 : index
      %parallel_loop3A_415 = tpu.vector_load %arg7[%parallel_loop3A_413, %parallel_loop3A_414] {strides = array<i32>} : memref<64x768xf32, #tpu.memory_space<vmem>>, vector<1x16xf32>,
      %parallel_loop3A_416 = vector.shape_cast %parallel_loop3A_415 : vector<1x16xf32> to vector<16xf32>
      %parallel_loop3A_417 = arith.addf %parallel_loop3A_412, %parallel_loop3A_416 : vector<16xf32>
      %parallel_loop3A_418 = arith.index_cast %parallel_loop3A_114 : i32 to index
      %parallel_loop3A_419 = arith.constant 336 : index
      %parallel_loop3A_420 = tpu.vector_load %arg6[%parallel_loop3A_418, %parallel_loop3A_419] {strides = array<i32>} : memref<64x768xf32, #tpu.memory_space<vmem>>, vector<1x16xf32>,
      %parallel_loop3A_421 = vector.shape_cast %parallel_loop3A_420 : vector<1x16xf32> to vector<16xf32>
      %parallel_loop3A_422 = vector.shape_cast %parallel_loop3A_417 : vector<16xf32> to vector<1x16xf32>
      tpu.vector_store %arg6[%parallel_loop3A_418, %parallel_loop3A_419], %parallel_loop3A_422 {strides = array<i32>} : memref<64x768xf32, #tpu.memory_space<vmem>>, vector<1x16xf32>,
      %parallel_loop3A_423 = arith.index_cast %parallel_loop3A_114 : i32 to index
      %parallel_loop3A_424 = arith.constant 352 : index
      %parallel_loop3A_425 = tpu.vector_load %arg6[%parallel_loop3A_423, %parallel_loop3A_424] {strides = array<i32>} : memref<64x768xf32, #tpu.memory_space<vmem>>, vector<1x16xf32>,
      %parallel_loop3A_426 = vector.shape_cast %parallel_loop3A_425 : vector<1x16xf32> to vector<16xf32>
      %parallel_loop3A_427 = arith.index_cast %parallel_loop3A_114 : i32 to index
      %parallel_loop3A_428 = arith.constant 352 : index
      %parallel_loop3A_429 = tpu.vector_load %arg7[%parallel_loop3A_427, %parallel_loop3A_428] {strides = array<i32>} : memref<64x768xf32, #tpu.memory_space<vmem>>, vector<1x16xf32>,
      %parallel_loop3A_430 = vector.shape_cast %parallel_loop3A_429 : vector<1x16xf32> to vector<16xf32>
      %parallel_loop3A_431 = arith.addf %parallel_loop3A_426, %parallel_loop3A_430 : vector<16xf32>
      %parallel_loop3A_432 = arith.index_cast %parallel_loop3A_114 : i32 to index
      %parallel_loop3A_433 = arith.constant 352 : index
      %parallel_loop3A_434 = tpu.vector_load %arg6[%parallel_loop3A_432, %parallel_loop3A_433] {strides = array<i32>} : memref<64x768xf32, #tpu.memory_space<vmem>>, vector<1x16xf32>,
      %parallel_loop3A_435 = vector.shape_cast %parallel_loop3A_434 : vector<1x16xf32> to vector<16xf32>
      %parallel_loop3A_436 = vector.shape_cast %parallel_loop3A_431 : vector<16xf32> to vector<1x16xf32>
      tpu.vector_store %arg6[%parallel_loop3A_432, %parallel_loop3A_433], %parallel_loop3A_436 {strides = array<i32>} : memref<64x768xf32, #tpu.memory_space<vmem>>, vector<1x16xf32>,
      %parallel_loop3A_437 = arith.index_cast %parallel_loop3A_114 : i32 to index
      %parallel_loop3A_438 = arith.constant 368 : index
      %parallel_loop3A_439 = tpu.vector_load %arg6[%parallel_loop3A_437, %parallel_loop3A_438] {strides = array<i32>} : memref<64x768xf32, #tpu.memory_space<vmem>>, vector<1x16xf32>,
      %parallel_loop3A_440 = vector.shape_cast %parallel_loop3A_439 : vector<1x16xf32> to vector<16xf32>
      %parallel_loop3A_441 = arith.index_cast %parallel_loop3A_114 : i32 to index
      %parallel_loop3A_442 = arith.constant 368 : index
      %parallel_loop3A_443 = tpu.vector_load %arg7[%parallel_loop3A_441, %parallel_loop3A_442] {strides = array<i32>} : memref<64x768xf32, #tpu.memory_space<vmem>>, vector<1x16xf32>,
      %parallel_loop3A_444 = vector.shape_cast %parallel_loop3A_443 : vector<1x16xf32> to vector<16xf32>
      %parallel_loop3A_445 = arith.addf %parallel_loop3A_440, %parallel_loop3A_444 : vector<16xf32>
      %parallel_loop3A_446 = arith.index_cast %parallel_loop3A_114 : i32 to index
      %parallel_loop3A_447 = arith.constant 368 : index
      %parallel_loop3A_448 = tpu.vector_load %arg6[%parallel_loop3A_446, %parallel_loop3A_447] {strides = array<i32>} : memref<64x768xf32, #tpu.memory_space<vmem>>, vector<1x16xf32>,
      %parallel_loop3A_449 = vector.shape_cast %parallel_loop3A_448 : vector<1x16xf32> to vector<16xf32>
      %parallel_loop3A_450 = vector.shape_cast %parallel_loop3A_445 : vector<16xf32> to vector<1x16xf32>
      tpu.vector_store %arg6[%parallel_loop3A_446, %parallel_loop3A_447], %parallel_loop3A_450 {strides = array<i32>} : memref<64x768xf32, #tpu.memory_space<vmem>>, vector<1x16xf32>,
      %parallel_loop3A_451 = arith.index_cast %parallel_loop3A_114 : i32 to index
      %parallel_loop3A_452 = arith.constant 384 : index
      %parallel_loop3A_453 = tpu.vector_load %arg6[%parallel_loop3A_451, %parallel_loop3A_452] {strides = array<i32>} : memref<64x768xf32, #tpu.memory_space<vmem>>, vector<1x16xf32>,
      %parallel_loop3A_454 = vector.shape_cast %parallel_loop3A_453 : vector<1x16xf32> to vector<16xf32>
      %parallel_loop3A_455 = arith.index_cast %parallel_loop3A_114 : i32 to index
      %parallel_loop3A_456 = arith.constant 384 : index
      %parallel_loop3A_457 = tpu.vector_load %arg7[%parallel_loop3A_455, %parallel_loop3A_456] {strides = array<i32>} : memref<64x768xf32, #tpu.memory_space<vmem>>, vector<1x16xf32>,
      %parallel_loop3A_458 = vector.shape_cast %parallel_loop3A_457 : vector<1x16xf32> to vector<16xf32>
      %parallel_loop3A_459 = arith.addf %parallel_loop3A_454, %parallel_loop3A_458 : vector<16xf32>
      %parallel_loop3A_460 = arith.index_cast %parallel_loop3A_114 : i32 to index
      %parallel_loop3A_461 = arith.constant 384 : index
      %parallel_loop3A_462 = tpu.vector_load %arg6[%parallel_loop3A_460, %parallel_loop3A_461] {strides = array<i32>} : memref<64x768xf32, #tpu.memory_space<vmem>>, vector<1x16xf32>,
      %parallel_loop3A_463 = vector.shape_cast %parallel_loop3A_462 : vector<1x16xf32> to vector<16xf32>
      %parallel_loop3A_464 = vector.shape_cast %parallel_loop3A_459 : vector<16xf32> to vector<1x16xf32>
      tpu.vector_store %arg6[%parallel_loop3A_460, %parallel_loop3A_461], %parallel_loop3A_464 {strides = array<i32>} : memref<64x768xf32, #tpu.memory_space<vmem>>, vector<1x16xf32>,
      %parallel_loop3A_465 = arith.index_cast %parallel_loop3A_114 : i32 to index
      %parallel_loop3A_466 = arith.constant 400 : index
      %parallel_loop3A_467 = tpu.vector_load %arg6[%parallel_loop3A_465, %parallel_loop3A_466] {strides = array<i32>} : memref<64x768xf32, #tpu.memory_space<vmem>>, vector<1x16xf32>,
      %parallel_loop3A_468 = vector.shape_cast %parallel_loop3A_467 : vector<1x16xf32> to vector<16xf32>
      %parallel_loop3A_469 = arith.index_cast %parallel_loop3A_114 : i32 to index
      %parallel_loop3A_470 = arith.constant 400 : index
      %parallel_loop3A_471 = tpu.vector_load %arg7[%parallel_loop3A_469, %parallel_loop3A_470] {strides = array<i32>} : memref<64x768xf32, #tpu.memory_space<vmem>>, vector<1x16xf32>,
      %parallel_loop3A_472 = vector.shape_cast %parallel_loop3A_471 : vector<1x16xf32> to vector<16xf32>
      %parallel_loop3A_473 = arith.addf %parallel_loop3A_468, %parallel_loop3A_472 : vector<16xf32>
      %parallel_loop3A_474 = arith.index_cast %parallel_loop3A_114 : i32 to index
      %parallel_loop3A_475 = arith.constant 400 : index
      %parallel_loop3A_476 = tpu.vector_load %arg6[%parallel_loop3A_474, %parallel_loop3A_475] {strides = array<i32>} : memref<64x768xf32, #tpu.memory_space<vmem>>, vector<1x16xf32>,
      %parallel_loop3A_477 = vector.shape_cast %parallel_loop3A_476 : vector<1x16xf32> to vector<16xf32>
      %parallel_loop3A_478 = vector.shape_cast %parallel_loop3A_473 : vector<16xf32> to vector<1x16xf32>
      tpu.vector_store %arg6[%parallel_loop3A_474, %parallel_loop3A_475], %parallel_loop3A_478 {strides = array<i32>} : memref<64x768xf32, #tpu.memory_space<vmem>>, vector<1x16xf32>,
      %parallel_loop3A_479 = arith.index_cast %parallel_loop3A_114 : i32 to index
      %parallel_loop3A_480 = arith.constant 416 : index
      %parallel_loop3A_481 = tpu.vector_load %arg6[%parallel_loop3A_479, %parallel_loop3A_480] {strides = array<i32>} : memref<64x768xf32, #tpu.memory_space<vmem>>, vector<1x16xf32>,
      %parallel_loop3A_482 = vector.shape_cast %parallel_loop3A_481 : vector<1x16xf32> to vector<16xf32>
      %parallel_loop3A_483 = arith.index_cast %parallel_loop3A_114 : i32 to index
      %parallel_loop3A_484 = arith.constant 416 : index
      %parallel_loop3A_485 = tpu.vector_load %arg7[%parallel_loop3A_483, %parallel_loop3A_484] {strides = array<i32>} : memref<64x768xf32, #tpu.memory_space<vmem>>, vector<1x16xf32>,
      %parallel_loop3A_486 = vector.shape_cast %parallel_loop3A_485 : vector<1x16xf32> to vector<16xf32>
      %parallel_loop3A_487 = arith.addf %parallel_loop3A_482, %parallel_loop3A_486 : vector<16xf32>
      %parallel_loop3A_488 = arith.index_cast %parallel_loop3A_114 : i32 to index
      %parallel_loop3A_489 = arith.constant 416 : index
      %parallel_loop3A_490 = tpu.vector_load %arg6[%parallel_loop3A_488, %parallel_loop3A_489] {strides = array<i32>} : memref<64x768xf32, #tpu.memory_space<vmem>>, vector<1x16xf32>,
      %parallel_loop3A_491 = vector.shape_cast %parallel_loop3A_490 : vector<1x16xf32> to vector<16xf32>
      %parallel_loop3A_492 = vector.shape_cast %parallel_loop3A_487 : vector<16xf32> to vector<1x16xf32>
      tpu.vector_store %arg6[%parallel_loop3A_488, %parallel_loop3A_489], %parallel_loop3A_492 {strides = array<i32>} : memref<64x768xf32, #tpu.memory_space<vmem>>, vector<1x16xf32>,
      %parallel_loop3A_493 = arith.index_cast %parallel_loop3A_114 : i32 to index
      %parallel_loop3A_494 = arith.constant 432 : index
      %parallel_loop3A_495 = tpu.vector_load %arg6[%parallel_loop3A_493, %parallel_loop3A_494] {strides = array<i32>} : memref<64x768xf32, #tpu.memory_space<vmem>>, vector<1x16xf32>,
      %parallel_loop3A_496 = vector.shape_cast %parallel_loop3A_495 : vector<1x16xf32> to vector<16xf32>
      %parallel_loop3A_497 = arith.index_cast %parallel_loop3A_114 : i32 to index
      %parallel_loop3A_498 = arith.constant 432 : index
      %parallel_loop3A_499 = tpu.vector_load %arg7[%parallel_loop3A_497, %parallel_loop3A_498] {strides = array<i32>} : memref<64x768xf32, #tpu.memory_space<vmem>>, vector<1x16xf32>,
      %parallel_loop3A_500 = vector.shape_cast %parallel_loop3A_499 : vector<1x16xf32> to vector<16xf32>
      %parallel_loop3A_501 = arith.addf %parallel_loop3A_496, %parallel_loop3A_500 : vector<16xf32>
      %parallel_loop3A_502 = arith.index_cast %parallel_loop3A_114 : i32 to index
      %parallel_loop3A_503 = arith.constant 432 : index
      %parallel_loop3A_504 = tpu.vector_load %arg6[%parallel_loop3A_502, %parallel_loop3A_503] {strides = array<i32>} : memref<64x768xf32, #tpu.memory_space<vmem>>, vector<1x16xf32>,
      %parallel_loop3A_505 = vector.shape_cast %parallel_loop3A_504 : vector<1x16xf32> to vector<16xf32>
      %parallel_loop3A_506 = vector.shape_cast %parallel_loop3A_501 : vector<16xf32> to vector<1x16xf32>
      tpu.vector_store %arg6[%parallel_loop3A_502, %parallel_loop3A_503], %parallel_loop3A_506 {strides = array<i32>} : memref<64x768xf32, #tpu.memory_space<vmem>>, vector<1x16xf32>,
      %parallel_loop3A_507 = arith.index_cast %parallel_loop3A_114 : i32 to index
      %parallel_loop3A_508 = arith.constant 448 : index
      %parallel_loop3A_509 = tpu.vector_load %arg6[%parallel_loop3A_507, %parallel_loop3A_508] {strides = array<i32>} : memref<64x768xf32, #tpu.memory_space<vmem>>, vector<1x16xf32>,
      %parallel_loop3A_510 = vector.shape_cast %parallel_loop3A_509 : vector<1x16xf32> to vector<16xf32>
      %parallel_loop3A_511 = arith.index_cast %parallel_loop3A_114 : i32 to index
      %parallel_loop3A_512 = arith.constant 448 : index
      %parallel_loop3A_513 = tpu.vector_load %arg7[%parallel_loop3A_511, %parallel_loop3A_512] {strides = array<i32>} : memref<64x768xf32, #tpu.memory_space<vmem>>, vector<1x16xf32>,
      %parallel_loop3A_514 = vector.shape_cast %parallel_loop3A_513 : vector<1x16xf32> to vector<16xf32>
      %parallel_loop3A_515 = arith.addf %parallel_loop3A_510, %parallel_loop3A_514 : vector<16xf32>
      %parallel_loop3A_516 = arith.index_cast %parallel_loop3A_114 : i32 to index
      %parallel_loop3A_517 = arith.constant 448 : index
      %parallel_loop3A_518 = tpu.vector_load %arg6[%parallel_loop3A_516, %parallel_loop3A_517] {strides = array<i32>} : memref<64x768xf32, #tpu.memory_space<vmem>>, vector<1x16xf32>,
      %parallel_loop3A_519 = vector.shape_cast %parallel_loop3A_518 : vector<1x16xf32> to vector<16xf32>
      %parallel_loop3A_520 = vector.shape_cast %parallel_loop3A_515 : vector<16xf32> to vector<1x16xf32>
      tpu.vector_store %arg6[%parallel_loop3A_516, %parallel_loop3A_517], %parallel_loop3A_520 {strides = array<i32>} : memref<64x768xf32, #tpu.memory_space<vmem>>, vector<1x16xf32>,
      %parallel_loop3A_521 = arith.index_cast %parallel_loop3A_114 : i32 to index
      %parallel_loop3A_522 = arith.constant 464 : index
      %parallel_loop3A_523 = tpu.vector_load %arg6[%parallel_loop3A_521, %parallel_loop3A_522] {strides = array<i32>} : memref<64x768xf32, #tpu.memory_space<vmem>>, vector<1x16xf32>,
      %parallel_loop3A_524 = vector.shape_cast %parallel_loop3A_523 : vector<1x16xf32> to vector<16xf32>
      %parallel_loop3A_525 = arith.index_cast %parallel_loop3A_114 : i32 to index
      %parallel_loop3A_526 = arith.constant 464 : index
      %parallel_loop3A_527 = tpu.vector_load %arg7[%parallel_loop3A_525, %parallel_loop3A_526] {strides = array<i32>} : memref<64x768xf32, #tpu.memory_space<vmem>>, vector<1x16xf32>,
      %parallel_loop3A_528 = vector.shape_cast %parallel_loop3A_527 : vector<1x16xf32> to vector<16xf32>
      %parallel_loop3A_529 = arith.addf %parallel_loop3A_524, %parallel_loop3A_528 : vector<16xf32>
      %parallel_loop3A_530 = arith.index_cast %parallel_loop3A_114 : i32 to index
      %parallel_loop3A_531 = arith.constant 464 : index
      %parallel_loop3A_532 = tpu.vector_load %arg6[%parallel_loop3A_530, %parallel_loop3A_531] {strides = array<i32>} : memref<64x768xf32, #tpu.memory_space<vmem>>, vector<1x16xf32>,
      %parallel_loop3A_533 = vector.shape_cast %parallel_loop3A_532 : vector<1x16xf32> to vector<16xf32>
      %parallel_loop3A_534 = vector.shape_cast %parallel_loop3A_529 : vector<16xf32> to vector<1x16xf32>
      tpu.vector_store %arg6[%parallel_loop3A_530, %parallel_loop3A_531], %parallel_loop3A_534 {strides = array<i32>} : memref<64x768xf32, #tpu.memory_space<vmem>>, vector<1x16xf32>,
      %parallel_loop3A_535 = arith.index_cast %parallel_loop3A_114 : i32 to index
      %parallel_loop3A_536 = arith.constant 480 : index
      %parallel_loop3A_537 = tpu.vector_load %arg6[%parallel_loop3A_535, %parallel_loop3A_536] {strides = array<i32>} : memref<64x768xf32, #tpu.memory_space<vmem>>, vector<1x16xf32>,
      %parallel_loop3A_538 = vector.shape_cast %parallel_loop3A_537 : vector<1x16xf32> to vector<16xf32>
      %parallel_loop3A_539 = arith.index_cast %parallel_loop3A_114 : i32 to index
      %parallel_loop3A_540 = arith.constant 480 : index
      %parallel_loop3A_541 = tpu.vector_load %arg7[%parallel_loop3A_539, %parallel_loop3A_540] {strides = array<i32>} : memref<64x768xf32, #tpu.memory_space<vmem>>, vector<1x16xf32>,
      %parallel_loop3A_542 = vector.shape_cast %parallel_loop3A_541 : vector<1x16xf32> to vector<16xf32>
      %parallel_loop3A_543 = arith.addf %parallel_loop3A_538, %parallel_loop3A_542 : vector<16xf32>
      %parallel_loop3A_544 = arith.index_cast %parallel_loop3A_114 : i32 to index
      %parallel_loop3A_545 = arith.constant 480 : index
      %parallel_loop3A_546 = tpu.vector_load %arg6[%parallel_loop3A_544, %parallel_loop3A_545] {strides = array<i32>} : memref<64x768xf32, #tpu.memory_space<vmem>>, vector<1x16xf32>,
      %parallel_loop3A_547 = vector.shape_cast %parallel_loop3A_546 : vector<1x16xf32> to vector<16xf32>
      %parallel_loop3A_548 = vector.shape_cast %parallel_loop3A_543 : vector<16xf32> to vector<1x16xf32>
      tpu.vector_store %arg6[%parallel_loop3A_544, %parallel_loop3A_545], %parallel_loop3A_548 {strides = array<i32>} : memref<64x768xf32, #tpu.memory_space<vmem>>, vector<1x16xf32>,
      %parallel_loop3A_549 = arith.index_cast %parallel_loop3A_114 : i32 to index
      %parallel_loop3A_550 = arith.constant 496 : index
      %parallel_loop3A_551 = tpu.vector_load %arg6[%parallel_loop3A_549, %parallel_loop3A_550] {strides = array<i32>} : memref<64x768xf32, #tpu.memory_space<vmem>>, vector<1x16xf32>,
      %parallel_loop3A_552 = vector.shape_cast %parallel_loop3A_551 : vector<1x16xf32> to vector<16xf32>
      %parallel_loop3A_553 = arith.index_cast %parallel_loop3A_114 : i32 to index
      %parallel_loop3A_554 = arith.constant 496 : index
      %parallel_loop3A_555 = tpu.vector_load %arg7[%parallel_loop3A_553, %parallel_loop3A_554] {strides = array<i32>} : memref<64x768xf32, #tpu.memory_space<vmem>>, vector<1x16xf32>,
      %parallel_loop3A_556 = vector.shape_cast %parallel_loop3A_555 : vector<1x16xf32> to vector<16xf32>
      %parallel_loop3A_557 = arith.addf %parallel_loop3A_552, %parallel_loop3A_556 : vector<16xf32>
      %parallel_loop3A_558 = arith.index_cast %parallel_loop3A_114 : i32 to index
      %parallel_loop3A_559 = arith.constant 496 : index
      %parallel_loop3A_560 = tpu.vector_load %arg6[%parallel_loop3A_558, %parallel_loop3A_559] {strides = array<i32>} : memref<64x768xf32, #tpu.memory_space<vmem>>, vector<1x16xf32>,
      %parallel_loop3A_561 = vector.shape_cast %parallel_loop3A_560 : vector<1x16xf32> to vector<16xf32>
      %parallel_loop3A_562 = vector.shape_cast %parallel_loop3A_557 : vector<16xf32> to vector<1x16xf32>
      tpu.vector_store %arg6[%parallel_loop3A_558, %parallel_loop3A_559], %parallel_loop3A_562 {strides = array<i32>} : memref<64x768xf32, #tpu.memory_space<vmem>>, vector<1x16xf32>,
      %parallel_loop3A_563 = arith.index_cast %parallel_loop3A_114 : i32 to index
      %parallel_loop3A_564 = arith.constant 512 : index
      %parallel_loop3A_565 = tpu.vector_load %arg6[%parallel_loop3A_563, %parallel_loop3A_564] {strides = array<i32>} : memref<64x768xf32, #tpu.memory_space<vmem>>, vector<1x16xf32>,
      %parallel_loop3A_566 = vector.shape_cast %parallel_loop3A_565 : vector<1x16xf32> to vector<16xf32>
      %parallel_loop3A_567 = arith.index_cast %parallel_loop3A_114 : i32 to index
      %parallel_loop3A_568 = arith.constant 512 : index
      %parallel_loop3A_569 = tpu.vector_load %arg7[%parallel_loop3A_567, %parallel_loop3A_568] {strides = array<i32>} : memref<64x768xf32, #tpu.memory_space<vmem>>, vector<1x16xf32>,
      %parallel_loop3A_570 = vector.shape_cast %parallel_loop3A_569 : vector<1x16xf32> to vector<16xf32>
      %parallel_loop3A_571 = arith.addf %parallel_loop3A_566, %parallel_loop3A_570 : vector<16xf32>
      %parallel_loop3A_572 = arith.index_cast %parallel_loop3A_114 : i32 to index
      %parallel_loop3A_573 = arith.constant 512 : index
      %parallel_loop3A_574 = tpu.vector_load %arg6[%parallel_loop3A_572, %parallel_loop3A_573] {strides = array<i32>} : memref<64x768xf32, #tpu.memory_space<vmem>>, vector<1x16xf32>,
      %parallel_loop3A_575 = vector.shape_cast %parallel_loop3A_574 : vector<1x16xf32> to vector<16xf32>
      %parallel_loop3A_576 = vector.shape_cast %parallel_loop3A_571 : vector<16xf32> to vector<1x16xf32>
      tpu.vector_store %arg6[%parallel_loop3A_572, %parallel_loop3A_573], %parallel_loop3A_576 {strides = array<i32>} : memref<64x768xf32, #tpu.memory_space<vmem>>, vector<1x16xf32>,
      %parallel_loop3A_577 = arith.index_cast %parallel_loop3A_114 : i32 to index
      %parallel_loop3A_578 = arith.constant 528 : index
      %parallel_loop3A_579 = tpu.vector_load %arg6[%parallel_loop3A_577, %parallel_loop3A_578] {strides = array<i32>} : memref<64x768xf32, #tpu.memory_space<vmem>>, vector<1x16xf32>,
      %parallel_loop3A_580 = vector.shape_cast %parallel_loop3A_579 : vector<1x16xf32> to vector<16xf32>
      %parallel_loop3A_581 = arith.index_cast %parallel_loop3A_114 : i32 to index
      %parallel_loop3A_582 = arith.constant 528 : index
      %parallel_loop3A_583 = tpu.vector_load %arg7[%parallel_loop3A_581, %parallel_loop3A_582] {strides = array<i32>} : memref<64x768xf32, #tpu.memory_space<vmem>>, vector<1x16xf32>,
      %parallel_loop3A_584 = vector.shape_cast %parallel_loop3A_583 : vector<1x16xf32> to vector<16xf32>
      %parallel_loop3A_585 = arith.addf %parallel_loop3A_580, %parallel_loop3A_584 : vector<16xf32>
      %parallel_loop3A_586 = arith.index_cast %parallel_loop3A_114 : i32 to index
      %parallel_loop3A_587 = arith.constant 528 : index
      %parallel_loop3A_588 = tpu.vector_load %arg6[%parallel_loop3A_586, %parallel_loop3A_587] {strides = array<i32>} : memref<64x768xf32, #tpu.memory_space<vmem>>, vector<1x16xf32>,
      %parallel_loop3A_589 = vector.shape_cast %parallel_loop3A_588 : vector<1x16xf32> to vector<16xf32>
      %parallel_loop3A_590 = vector.shape_cast %parallel_loop3A_585 : vector<16xf32> to vector<1x16xf32>
      tpu.vector_store %arg6[%parallel_loop3A_586, %parallel_loop3A_587], %parallel_loop3A_590 {strides = array<i32>} : memref<64x768xf32, #tpu.memory_space<vmem>>, vector<1x16xf32>,
      %parallel_loop3A_591 = arith.index_cast %parallel_loop3A_114 : i32 to index
      %parallel_loop3A_592 = arith.constant 544 : index
      %parallel_loop3A_593 = tpu.vector_load %arg6[%parallel_loop3A_591, %parallel_loop3A_592] {strides = array<i32>} : memref<64x768xf32, #tpu.memory_space<vmem>>, vector<1x16xf32>,
      %parallel_loop3A_594 = vector.shape_cast %parallel_loop3A_593 : vector<1x16xf32> to vector<16xf32>
      %parallel_loop3A_595 = arith.index_cast %parallel_loop3A_114 : i32 to index
      %parallel_loop3A_596 = arith.constant 544 : index
      %parallel_loop3A_597 = tpu.vector_load %arg7[%parallel_loop3A_595, %parallel_loop3A_596] {strides = array<i32>} : memref<64x768xf32, #tpu.memory_space<vmem>>, vector<1x16xf32>,
      %parallel_loop3A_598 = vector.shape_cast %parallel_loop3A_597 : vector<1x16xf32> to vector<16xf32>
      %parallel_loop3A_599 = arith.addf %parallel_loop3A_594, %parallel_loop3A_598 : vector<16xf32>
      %parallel_loop3A_600 = arith.index_cast %parallel_loop3A_114 : i32 to index
      %parallel_loop3A_601 = arith.constant 544 : index
      %parallel_loop3A_602 = tpu.vector_load %arg6[%parallel_loop3A_600, %parallel_loop3A_601] {strides = array<i32>} : memref<64x768xf32, #tpu.memory_space<vmem>>, vector<1x16xf32>,
      %parallel_loop3A_603 = vector.shape_cast %parallel_loop3A_602 : vector<1x16xf32> to vector<16xf32>
      %parallel_loop3A_604 = vector.shape_cast %parallel_loop3A_599 : vector<16xf32> to vector<1x16xf32>
      tpu.vector_store %arg6[%parallel_loop3A_600, %parallel_loop3A_601], %parallel_loop3A_604 {strides = array<i32>} : memref<64x768xf32, #tpu.memory_space<vmem>>, vector<1x16xf32>,
      %parallel_loop3A_605 = arith.index_cast %parallel_loop3A_114 : i32 to index
      %parallel_loop3A_606 = arith.constant 560 : index
      %parallel_loop3A_607 = tpu.vector_load %arg6[%parallel_loop3A_605, %parallel_loop3A_606] {strides = array<i32>} : memref<64x768xf32, #tpu.memory_space<vmem>>, vector<1x16xf32>,
      %parallel_loop3A_608 = vector.shape_cast %parallel_loop3A_607 : vector<1x16xf32> to vector<16xf32>
      %parallel_loop3A_609 = arith.index_cast %parallel_loop3A_114 : i32 to index
      %parallel_loop3A_610 = arith.constant 560 : index
      %parallel_loop3A_611 = tpu.vector_load %arg7[%parallel_loop3A_609, %parallel_loop3A_610] {strides = array<i32>} : memref<64x768xf32, #tpu.memory_space<vmem>>, vector<1x16xf32>,
      %parallel_loop3A_612 = vector.shape_cast %parallel_loop3A_611 : vector<1x16xf32> to vector<16xf32>
      %parallel_loop3A_613 = arith.addf %parallel_loop3A_608, %parallel_loop3A_612 : vector<16xf32>
      %parallel_loop3A_614 = arith.index_cast %parallel_loop3A_114 : i32 to index
      %parallel_loop3A_615 = arith.constant 560 : index
      %parallel_loop3A_616 = tpu.vector_load %arg6[%parallel_loop3A_614, %parallel_loop3A_615] {strides = array<i32>} : memref<64x768xf32, #tpu.memory_space<vmem>>, vector<1x16xf32>,
      %parallel_loop3A_617 = vector.shape_cast %parallel_loop3A_616 : vector<1x16xf32> to vector<16xf32>
      %parallel_loop3A_618 = vector.shape_cast %parallel_loop3A_613 : vector<16xf32> to vector<1x16xf32>
      tpu.vector_store %arg6[%parallel_loop3A_614, %parallel_loop3A_615], %parallel_loop3A_618 {strides = array<i32>} : memref<64x768xf32, #tpu.memory_space<vmem>>, vector<1x16xf32>,
      %parallel_loop3A_619 = arith.index_cast %parallel_loop3A_114 : i32 to index
      %parallel_loop3A_620 = arith.constant 576 : index
      %parallel_loop3A_621 = tpu.vector_load %arg6[%parallel_loop3A_619, %parallel_loop3A_620] {strides = array<i32>} : memref<64x768xf32, #tpu.memory_space<vmem>>, vector<1x16xf32>,
      %parallel_loop3A_622 = vector.shape_cast %parallel_loop3A_621 : vector<1x16xf32> to vector<16xf32>
      %parallel_loop3A_623 = arith.index_cast %parallel_loop3A_114 : i32 to index
      %parallel_loop3A_624 = arith.constant 576 : index
      %parallel_loop3A_625 = tpu.vector_load %arg7[%parallel_loop3A_623, %parallel_loop3A_624] {strides = array<i32>} : memref<64x768xf32, #tpu.memory_space<vmem>>, vector<1x16xf32>,
      %parallel_loop3A_626 = vector.shape_cast %parallel_loop3A_625 : vector<1x16xf32> to vector<16xf32>
      %parallel_loop3A_627 = arith.addf %parallel_loop3A_622, %parallel_loop3A_626 : vector<16xf32>
      %parallel_loop3A_628 = arith.index_cast %parallel_loop3A_114 : i32 to index
      %parallel_loop3A_629 = arith.constant 576 : index
      %parallel_loop3A_630 = tpu.vector_load %arg6[%parallel_loop3A_628, %parallel_loop3A_629] {strides = array<i32>} : memref<64x768xf32, #tpu.memory_space<vmem>>, vector<1x16xf32>,
      %parallel_loop3A_631 = vector.shape_cast %parallel_loop3A_630 : vector<1x16xf32> to vector<16xf32>
      %parallel_loop3A_632 = vector.shape_cast %parallel_loop3A_627 : vector<16xf32> to vector<1x16xf32>
      tpu.vector_store %arg6[%parallel_loop3A_628, %parallel_loop3A_629], %parallel_loop3A_632 {strides = array<i32>} : memref<64x768xf32, #tpu.memory_space<vmem>>, vector<1x16xf32>,
      %parallel_loop3A_633 = arith.index_cast %parallel_loop3A_114 : i32 to index
      %parallel_loop3A_634 = arith.constant 592 : index
      %parallel_loop3A_635 = tpu.vector_load %arg6[%parallel_loop3A_633, %parallel_loop3A_634] {strides = array<i32>} : memref<64x768xf32, #tpu.memory_space<vmem>>, vector<1x16xf32>,
      %parallel_loop3A_636 = vector.shape_cast %parallel_loop3A_635 : vector<1x16xf32> to vector<16xf32>
      %parallel_loop3A_637 = arith.index_cast %parallel_loop3A_114 : i32 to index
      %parallel_loop3A_638 = arith.constant 592 : index
      %parallel_loop3A_639 = tpu.vector_load %arg7[%parallel_loop3A_637, %parallel_loop3A_638] {strides = array<i32>} : memref<64x768xf32, #tpu.memory_space<vmem>>, vector<1x16xf32>,
      %parallel_loop3A_640 = vector.shape_cast %parallel_loop3A_639 : vector<1x16xf32> to vector<16xf32>
      %parallel_loop3A_641 = arith.addf %parallel_loop3A_636, %parallel_loop3A_640 : vector<16xf32>
      %parallel_loop3A_642 = arith.index_cast %parallel_loop3A_114 : i32 to index
      %parallel_loop3A_643 = arith.constant 592 : index
      %parallel_loop3A_644 = tpu.vector_load %arg6[%parallel_loop3A_642, %parallel_loop3A_643] {strides = array<i32>} : memref<64x768xf32, #tpu.memory_space<vmem>>, vector<1x16xf32>,
      %parallel_loop3A_645 = vector.shape_cast %parallel_loop3A_644 : vector<1x16xf32> to vector<16xf32>
      %parallel_loop3A_646 = vector.shape_cast %parallel_loop3A_641 : vector<16xf32> to vector<1x16xf32>
      tpu.vector_store %arg6[%parallel_loop3A_642, %parallel_loop3A_643], %parallel_loop3A_646 {strides = array<i32>} : memref<64x768xf32, #tpu.memory_space<vmem>>, vector<1x16xf32>,
      %parallel_loop3A_647 = arith.index_cast %parallel_loop3A_114 : i32 to index
      %parallel_loop3A_648 = arith.constant 608 : index
      %parallel_loop3A_649 = tpu.vector_load %arg6[%parallel_loop3A_647, %parallel_loop3A_648] {strides = array<i32>} : memref<64x768xf32, #tpu.memory_space<vmem>>, vector<1x16xf32>,
      %parallel_loop3A_650 = vector.shape_cast %parallel_loop3A_649 : vector<1x16xf32> to vector<16xf32>
      %parallel_loop3A_651 = arith.index_cast %parallel_loop3A_114 : i32 to index
      %parallel_loop3A_652 = arith.constant 608 : index
      %parallel_loop3A_653 = tpu.vector_load %arg7[%parallel_loop3A_651, %parallel_loop3A_652] {strides = array<i32>} : memref<64x768xf32, #tpu.memory_space<vmem>>, vector<1x16xf32>,
      %parallel_loop3A_654 = vector.shape_cast %parallel_loop3A_653 : vector<1x16xf32> to vector<16xf32>
      %parallel_loop3A_655 = arith.addf %parallel_loop3A_650, %parallel_loop3A_654 : vector<16xf32>
      %parallel_loop3A_656 = arith.index_cast %parallel_loop3A_114 : i32 to index
      %parallel_loop3A_657 = arith.constant 608 : index
      %parallel_loop3A_658 = tpu.vector_load %arg6[%parallel_loop3A_656, %parallel_loop3A_657] {strides = array<i32>} : memref<64x768xf32, #tpu.memory_space<vmem>>, vector<1x16xf32>,
      %parallel_loop3A_659 = vector.shape_cast %parallel_loop3A_658 : vector<1x16xf32> to vector<16xf32>
      %parallel_loop3A_660 = vector.shape_cast %parallel_loop3A_655 : vector<16xf32> to vector<1x16xf32>
      tpu.vector_store %arg6[%parallel_loop3A_656, %parallel_loop3A_657], %parallel_loop3A_660 {strides = array<i32>} : memref<64x768xf32, #tpu.memory_space<vmem>>, vector<1x16xf32>,
      %parallel_loop3A_661 = arith.index_cast %parallel_loop3A_114 : i32 to index
      %parallel_loop3A_662 = arith.constant 624 : index
      %parallel_loop3A_663 = tpu.vector_load %arg6[%parallel_loop3A_661, %parallel_loop3A_662] {strides = array<i32>} : memref<64x768xf32, #tpu.memory_space<vmem>>, vector<1x16xf32>,
      %parallel_loop3A_664 = vector.shape_cast %parallel_loop3A_663 : vector<1x16xf32> to vector<16xf32>
      %parallel_loop3A_665 = arith.index_cast %parallel_loop3A_114 : i32 to index
      %parallel_loop3A_666 = arith.constant 624 : index
      %parallel_loop3A_667 = tpu.vector_load %arg7[%parallel_loop3A_665, %parallel_loop3A_666] {strides = array<i32>} : memref<64x768xf32, #tpu.memory_space<vmem>>, vector<1x16xf32>,
      %parallel_loop3A_668 = vector.shape_cast %parallel_loop3A_667 : vector<1x16xf32> to vector<16xf32>
      %parallel_loop3A_669 = arith.addf %parallel_loop3A_664, %parallel_loop3A_668 : vector<16xf32>
      %parallel_loop3A_670 = arith.index_cast %parallel_loop3A_114 : i32 to index
      %parallel_loop3A_671 = arith.constant 624 : index
      %parallel_loop3A_672 = tpu.vector_load %arg6[%parallel_loop3A_670, %parallel_loop3A_671] {strides = array<i32>} : memref<64x768xf32, #tpu.memory_space<vmem>>, vector<1x16xf32>,
      %parallel_loop3A_673 = vector.shape_cast %parallel_loop3A_672 : vector<1x16xf32> to vector<16xf32>
      %parallel_loop3A_674 = vector.shape_cast %parallel_loop3A_669 : vector<16xf32> to vector<1x16xf32>
      tpu.vector_store %arg6[%parallel_loop3A_670, %parallel_loop3A_671], %parallel_loop3A_674 {strides = array<i32>} : memref<64x768xf32, #tpu.memory_space<vmem>>, vector<1x16xf32>,
      %parallel_loop3A_675 = arith.index_cast %parallel_loop3A_114 : i32 to index
      %parallel_loop3A_676 = arith.constant 640 : index
      %parallel_loop3A_677 = tpu.vector_load %arg6[%parallel_loop3A_675, %parallel_loop3A_676] {strides = array<i32>} : memref<64x768xf32, #tpu.memory_space<vmem>>, vector<1x16xf32>,
      %parallel_loop3A_678 = vector.shape_cast %parallel_loop3A_677 : vector<1x16xf32> to vector<16xf32>
      %parallel_loop3A_679 = arith.index_cast %parallel_loop3A_114 : i32 to index
      %parallel_loop3A_680 = arith.constant 640 : index
      %parallel_loop3A_681 = tpu.vector_load %arg7[%parallel_loop3A_679, %parallel_loop3A_680] {strides = array<i32>} : memref<64x768xf32, #tpu.memory_space<vmem>>, vector<1x16xf32>,
      %parallel_loop3A_682 = vector.shape_cast %parallel_loop3A_681 : vector<1x16xf32> to vector<16xf32>
      %parallel_loop3A_683 = arith.addf %parallel_loop3A_678, %parallel_loop3A_682 : vector<16xf32>
      %parallel_loop3A_684 = arith.index_cast %parallel_loop3A_114 : i32 to index
      %parallel_loop3A_685 = arith.constant 640 : index
      %parallel_loop3A_686 = tpu.vector_load %arg6[%parallel_loop3A_684, %parallel_loop3A_685] {strides = array<i32>} : memref<64x768xf32, #tpu.memory_space<vmem>>, vector<1x16xf32>,
      %parallel_loop3A_687 = vector.shape_cast %parallel_loop3A_686 : vector<1x16xf32> to vector<16xf32>
      %parallel_loop3A_688 = vector.shape_cast %parallel_loop3A_683 : vector<16xf32> to vector<1x16xf32>
      tpu.vector_store %arg6[%parallel_loop3A_684, %parallel_loop3A_685], %parallel_loop3A_688 {strides = array<i32>} : memref<64x768xf32, #tpu.memory_space<vmem>>, vector<1x16xf32>,
      %parallel_loop3A_689 = arith.index_cast %parallel_loop3A_114 : i32 to index
      %parallel_loop3A_690 = arith.constant 656 : index
      %parallel_loop3A_691 = tpu.vector_load %arg6[%parallel_loop3A_689, %parallel_loop3A_690] {strides = array<i32>} : memref<64x768xf32, #tpu.memory_space<vmem>>, vector<1x16xf32>,
      %parallel_loop3A_692 = vector.shape_cast %parallel_loop3A_691 : vector<1x16xf32> to vector<16xf32>
      %parallel_loop3A_693 = arith.index_cast %parallel_loop3A_114 : i32 to index
      %parallel_loop3A_694 = arith.constant 656 : index
      %parallel_loop3A_695 = tpu.vector_load %arg7[%parallel_loop3A_693, %parallel_loop3A_694] {strides = array<i32>} : memref<64x768xf32, #tpu.memory_space<vmem>>, vector<1x16xf32>,
      %parallel_loop3A_696 = vector.shape_cast %parallel_loop3A_695 : vector<1x16xf32> to vector<16xf32>
      %parallel_loop3A_697 = arith.addf %parallel_loop3A_692, %parallel_loop3A_696 : vector<16xf32>
      %parallel_loop3A_698 = arith.index_cast %parallel_loop3A_114 : i32 to index
      %parallel_loop3A_699 = arith.constant 656 : index
      %parallel_loop3A_700 = tpu.vector_load %arg6[%parallel_loop3A_698, %parallel_loop3A_699] {strides = array<i32>} : memref<64x768xf32, #tpu.memory_space<vmem>>, vector<1x16xf32>,
      %parallel_loop3A_701 = vector.shape_cast %parallel_loop3A_700 : vector<1x16xf32> to vector<16xf32>
      %parallel_loop3A_702 = vector.shape_cast %parallel_loop3A_697 : vector<16xf32> to vector<1x16xf32>
      tpu.vector_store %arg6[%parallel_loop3A_698, %parallel_loop3A_699], %parallel_loop3A_702 {strides = array<i32>} : memref<64x768xf32, #tpu.memory_space<vmem>>, vector<1x16xf32>,
      %parallel_loop3A_703 = arith.index_cast %parallel_loop3A_114 : i32 to index
      %parallel_loop3A_704 = arith.constant 672 : index
      %parallel_loop3A_705 = tpu.vector_load %arg6[%parallel_loop3A_703, %parallel_loop3A_704] {strides = array<i32>} : memref<64x768xf32, #tpu.memory_space<vmem>>, vector<1x16xf32>,
      %parallel_loop3A_706 = vector.shape_cast %parallel_loop3A_705 : vector<1x16xf32> to vector<16xf32>
      %parallel_loop3A_707 = arith.index_cast %parallel_loop3A_114 : i32 to index
      %parallel_loop3A_708 = arith.constant 672 : index
      %parallel_loop3A_709 = tpu.vector_load %arg7[%parallel_loop3A_707, %parallel_loop3A_708] {strides = array<i32>} : memref<64x768xf32, #tpu.memory_space<vmem>>, vector<1x16xf32>,
      %parallel_loop3A_710 = vector.shape_cast %parallel_loop3A_709 : vector<1x16xf32> to vector<16xf32>
      %parallel_loop3A_711 = arith.addf %parallel_loop3A_706, %parallel_loop3A_710 : vector<16xf32>
      %parallel_loop3A_712 = arith.index_cast %parallel_loop3A_114 : i32 to index
      %parallel_loop3A_713 = arith.constant 672 : index
      %parallel_loop3A_714 = tpu.vector_load %arg6[%parallel_loop3A_712, %parallel_loop3A_713] {strides = array<i32>} : memref<64x768xf32, #tpu.memory_space<vmem>>, vector<1x16xf32>,
      %parallel_loop3A_715 = vector.shape_cast %parallel_loop3A_714 : vector<1x16xf32> to vector<16xf32>
      %parallel_loop3A_716 = vector.shape_cast %parallel_loop3A_711 : vector<16xf32> to vector<1x16xf32>
      tpu.vector_store %arg6[%parallel_loop3A_712, %parallel_loop3A_713], %parallel_loop3A_716 {strides = array<i32>} : memref<64x768xf32, #tpu.memory_space<vmem>>, vector<1x16xf32>,
      %parallel_loop3A_717 = arith.index_cast %parallel_loop3A_114 : i32 to index
      %parallel_loop3A_718 = arith.constant 688 : index
      %parallel_loop3A_719 = tpu.vector_load %arg6[%parallel_loop3A_717, %parallel_loop3A_718] {strides = array<i32>} : memref<64x768xf32, #tpu.memory_space<vmem>>, vector<1x16xf32>,
      %parallel_loop3A_720 = vector.shape_cast %parallel_loop3A_719 : vector<1x16xf32> to vector<16xf32>
      %parallel_loop3A_721 = arith.index_cast %parallel_loop3A_114 : i32 to index
      %parallel_loop3A_722 = arith.constant 688 : index
      %parallel_loop3A_723 = tpu.vector_load %arg7[%parallel_loop3A_721, %parallel_loop3A_722] {strides = array<i32>} : memref<64x768xf32, #tpu.memory_space<vmem>>, vector<1x16xf32>,
      %parallel_loop3A_724 = vector.shape_cast %parallel_loop3A_723 : vector<1x16xf32> to vector<16xf32>
      %parallel_loop3A_725 = arith.addf %parallel_loop3A_720, %parallel_loop3A_724 : vector<16xf32>
      %parallel_loop3A_726 = arith.index_cast %parallel_loop3A_114 : i32 to index
      %parallel_loop3A_727 = arith.constant 688 : index
      %parallel_loop3A_728 = tpu.vector_load %arg6[%parallel_loop3A_726, %parallel_loop3A_727] {strides = array<i32>} : memref<64x768xf32, #tpu.memory_space<vmem>>, vector<1x16xf32>,
      %parallel_loop3A_729 = vector.shape_cast %parallel_loop3A_728 : vector<1x16xf32> to vector<16xf32>
      %parallel_loop3A_730 = vector.shape_cast %parallel_loop3A_725 : vector<16xf32> to vector<1x16xf32>
      tpu.vector_store %arg6[%parallel_loop3A_726, %parallel_loop3A_727], %parallel_loop3A_730 {strides = array<i32>} : memref<64x768xf32, #tpu.memory_space<vmem>>, vector<1x16xf32>,
      %parallel_loop3A_731 = arith.index_cast %parallel_loop3A_114 : i32 to index
      %parallel_loop3A_732 = arith.constant 704 : index
      %parallel_loop3A_733 = tpu.vector_load %arg6[%parallel_loop3A_731, %parallel_loop3A_732] {strides = array<i32>} : memref<64x768xf32, #tpu.memory_space<vmem>>, vector<1x16xf32>,
      %parallel_loop3A_734 = vector.shape_cast %parallel_loop3A_733 : vector<1x16xf32> to vector<16xf32>
      %parallel_loop3A_735 = arith.index_cast %parallel_loop3A_114 : i32 to index
      %parallel_loop3A_736 = arith.constant 704 : index
      %parallel_loop3A_737 = tpu.vector_load %arg7[%parallel_loop3A_735, %parallel_loop3A_736] {strides = array<i32>} : memref<64x768xf32, #tpu.memory_space<vmem>>, vector<1x16xf32>,
      %parallel_loop3A_738 = vector.shape_cast %parallel_loop3A_737 : vector<1x16xf32> to vector<16xf32>
      %parallel_loop3A_739 = arith.addf %parallel_loop3A_734, %parallel_loop3A_738 : vector<16xf32>
      %parallel_loop3A_740 = arith.index_cast %parallel_loop3A_114 : i32 to index
      %parallel_loop3A_741 = arith.constant 704 : index
      %parallel_loop3A_742 = tpu.vector_load %arg6[%parallel_loop3A_740, %parallel_loop3A_741] {strides = array<i32>} : memref<64x768xf32, #tpu.memory_space<vmem>>, vector<1x16xf32>,
      %parallel_loop3A_743 = vector.shape_cast %parallel_loop3A_742 : vector<1x16xf32> to vector<16xf32>
      %parallel_loop3A_744 = vector.shape_cast %parallel_loop3A_739 : vector<16xf32> to vector<1x16xf32>
      tpu.vector_store %arg6[%parallel_loop3A_740, %parallel_loop3A_741], %parallel_loop3A_744 {strides = array<i32>} : memref<64x768xf32, #tpu.memory_space<vmem>>, vector<1x16xf32>,
      %parallel_loop3A_745 = arith.index_cast %parallel_loop3A_114 : i32 to index
      %parallel_loop3A_746 = arith.constant 720 : index
      %parallel_loop3A_747 = tpu.vector_load %arg6[%parallel_loop3A_745, %parallel_loop3A_746] {strides = array<i32>} : memref<64x768xf32, #tpu.memory_space<vmem>>, vector<1x16xf32>,
      %parallel_loop3A_748 = vector.shape_cast %parallel_loop3A_747 : vector<1x16xf32> to vector<16xf32>
      %parallel_loop3A_749 = arith.index_cast %parallel_loop3A_114 : i32 to index
      %parallel_loop3A_750 = arith.constant 720 : index
      %parallel_loop3A_751 = tpu.vector_load %arg7[%parallel_loop3A_749, %parallel_loop3A_750] {strides = array<i32>} : memref<64x768xf32, #tpu.memory_space<vmem>>, vector<1x16xf32>,
      %parallel_loop3A_752 = vector.shape_cast %parallel_loop3A_751 : vector<1x16xf32> to vector<16xf32>
      %parallel_loop3A_753 = arith.addf %parallel_loop3A_748, %parallel_loop3A_752 : vector<16xf32>
      %parallel_loop3A_754 = arith.index_cast %parallel_loop3A_114 : i32 to index
      %parallel_loop3A_755 = arith.constant 720 : index
      %parallel_loop3A_756 = tpu.vector_load %arg6[%parallel_loop3A_754, %parallel_loop3A_755] {strides = array<i32>} : memref<64x768xf32, #tpu.memory_space<vmem>>, vector<1x16xf32>,
      %parallel_loop3A_757 = vector.shape_cast %parallel_loop3A_756 : vector<1x16xf32> to vector<16xf32>
      %parallel_loop3A_758 = vector.shape_cast %parallel_loop3A_753 : vector<16xf32> to vector<1x16xf32>
      tpu.vector_store %arg6[%parallel_loop3A_754, %parallel_loop3A_755], %parallel_loop3A_758 {strides = array<i32>} : memref<64x768xf32, #tpu.memory_space<vmem>>, vector<1x16xf32>,
      %parallel_loop3A_759 = arith.index_cast %parallel_loop3A_114 : i32 to index
      %parallel_loop3A_760 = arith.constant 736 : index
      %parallel_loop3A_761 = tpu.vector_load %arg6[%parallel_loop3A_759, %parallel_loop3A_760] {strides = array<i32>} : memref<64x768xf32, #tpu.memory_space<vmem>>, vector<1x16xf32>,
      %parallel_loop3A_762 = vector.shape_cast %parallel_loop3A_761 : vector<1x16xf32> to vector<16xf32>
      %parallel_loop3A_763 = arith.index_cast %parallel_loop3A_114 : i32 to index
      %parallel_loop3A_764 = arith.constant 736 : index
      %parallel_loop3A_765 = tpu.vector_load %arg7[%parallel_loop3A_763, %parallel_loop3A_764] {strides = array<i32>} : memref<64x768xf32, #tpu.memory_space<vmem>>, vector<1x16xf32>,
      %parallel_loop3A_766 = vector.shape_cast %parallel_loop3A_765 : vector<1x16xf32> to vector<16xf32>
      %parallel_loop3A_767 = arith.addf %parallel_loop3A_762, %parallel_loop3A_766 : vector<16xf32>
      %parallel_loop3A_768 = arith.index_cast %parallel_loop3A_114 : i32 to index
      %parallel_loop3A_769 = arith.constant 736 : index
      %parallel_loop3A_770 = tpu.vector_load %arg6[%parallel_loop3A_768, %parallel_loop3A_769] {strides = array<i32>} : memref<64x768xf32, #tpu.memory_space<vmem>>, vector<1x16xf32>,
      %parallel_loop3A_771 = vector.shape_cast %parallel_loop3A_770 : vector<1x16xf32> to vector<16xf32>
      %parallel_loop3A_772 = vector.shape_cast %parallel_loop3A_767 : vector<16xf32> to vector<1x16xf32>
      tpu.vector_store %arg6[%parallel_loop3A_768, %parallel_loop3A_769], %parallel_loop3A_772 {strides = array<i32>} : memref<64x768xf32, #tpu.memory_space<vmem>>, vector<1x16xf32>,
      %parallel_loop3A_773 = arith.index_cast %parallel_loop3A_114 : i32 to index
      %parallel_loop3A_774 = arith.constant 752 : index
      %parallel_loop3A_775 = tpu.vector_load %arg6[%parallel_loop3A_773, %parallel_loop3A_774] {strides = array<i32>} : memref<64x768xf32, #tpu.memory_space<vmem>>, vector<1x16xf32>,
      %parallel_loop3A_776 = vector.shape_cast %parallel_loop3A_775 : vector<1x16xf32> to vector<16xf32>
      %parallel_loop3A_777 = arith.index_cast %parallel_loop3A_114 : i32 to index
      %parallel_loop3A_778 = arith.constant 752 : index
      %parallel_loop3A_779 = tpu.vector_load %arg7[%parallel_loop3A_777, %parallel_loop3A_778] {strides = array<i32>} : memref<64x768xf32, #tpu.memory_space<vmem>>, vector<1x16xf32>,
      %parallel_loop3A_780 = vector.shape_cast %parallel_loop3A_779 : vector<1x16xf32> to vector<16xf32>
      %parallel_loop3A_781 = arith.addf %parallel_loop3A_776, %parallel_loop3A_780 : vector<16xf32>
      %parallel_loop3A_782 = arith.index_cast %parallel_loop3A_114 : i32 to index
      %parallel_loop3A_783 = arith.constant 752 : index
      %parallel_loop3A_784 = tpu.vector_load %arg6[%parallel_loop3A_782, %parallel_loop3A_783] {strides = array<i32>} : memref<64x768xf32, #tpu.memory_space<vmem>>, vector<1x16xf32>,
      %parallel_loop3A_785 = vector.shape_cast %parallel_loop3A_784 : vector<1x16xf32> to vector<16xf32>
      %parallel_loop3A_786 = vector.shape_cast %parallel_loop3A_781 : vector<16xf32> to vector<1x16xf32>
      tpu.vector_store %arg6[%parallel_loop3A_782, %parallel_loop3A_783], %parallel_loop3A_786 {strides = array<i32>} : memref<64x768xf32, #tpu.memory_space<vmem>>, vector<1x16xf32>,
    } {sc.loop_unroll_factor = 4 : i64, sc.parallel_access}
    %add3A_82 = arith.constant 32 : i32
    %add3A_83 = arith.addi %mul3A_2, %add3A_82 : i32
    %dma_start3A_84 = arith.constant 32 : i32
    %dma_start3A_85 = arith.constant 0 : i32
    %dma_start3A_86 = tpu.memref_slice %arg6[%dma_start3A_84, %dma_start3A_85] : memref<64x768xf32, #tpu.memory_space<vmem>> -> memref<32x768xf32, #tpu.memory_space<vmem>>
    %dma_start3A_87 = arith.constant 0 : i32
    %dma_start3A_88 = tpu.memref_slice %arg5[%add3A_83, %dma_start3A_87] : memref<2048x768xf32, #tpu.memory_space<hbm>> -> memref<32x768xf32, #tpu.memory_space<hbm>>
    %dma_start3A_89 = arith.constant 0 : i32
    %dma_start3A_90 = tpu.memref_slice %arg5[%add3A_83, %dma_start3A_89] : memref<2048x768xf32, #tpu.memory_space<hbm>> -> memref<32x768xf32, #tpu.memory_space<hbm>>
    %dma_start3A_91 = arith.constant 32 : i32
    %dma_start3A_92 = arith.constant 0 : i32
    %dma_start3A_93 = tpu.memref_slice %arg6[%dma_start3A_91, %dma_start3A_92] : memref<64x768xf32, #tpu.memory_space<vmem>> -> memref<32x768xf32, #tpu.memory_space<vmem>>
    tpu.enqueue_dma source(%dma_start3A_93 : memref<32x768xf32, #tpu.memory_space<vmem>>) target(%dma_start3A_90 : memref<32x768xf32, #tpu.memory_space<hbm>>) target_semaphore(%arg12 : memref<!tpu.dma_semaphore, #tpu.memory_space<semaphore_mem>>)
    %dma_wait3A_94 = arith.constant 0 : i32
    %dma_wait3A_95 = arith.constant 0 : i32
    %dma_wait3A_96 = tpu.memref_slice %arg6[%dma_wait3A_94, %dma_wait3A_95] : memref<64x768xf32, #tpu.memory_space<vmem>> -> memref<32x768xf32, #tpu.memory_space<vmem>>
    %dma_wait3A_97 = arith.constant 0 : i32
    %dma_wait3A_98 = tpu.memref_slice %arg5[%add3A_52, %dma_wait3A_97] : memref<2048x768xf32, #tpu.memory_space<hbm>> -> memref<32x768xf32, #tpu.memory_space<hbm>>
    %dma_wait3A_99 = arith.constant 0 : i32
    %dma_wait3A_100 = tpu.memref_slice %arg5[%add3A_52, %dma_wait3A_99] : memref<2048x768xf32, #tpu.memory_space<hbm>> -> memref<32x768xf32, #tpu.memory_space<hbm>>
    %dma_wait3A_101 = arith.constant 0 : i32
    %dma_wait3A_102 = arith.constant 0 : i32
    %dma_wait3A_103 = tpu.memref_slice %arg6[%dma_wait3A_101, %dma_wait3A_102] : memref<64x768xf32, #tpu.memory_space<vmem>> -> memref<32x768xf32, #tpu.memory_space<vmem>>
    tpu.wait_dma2 semaphore(%arg12 : memref<!tpu.dma_semaphore, #tpu.memory_space<semaphore_mem>>) src(%dma_wait3A_103 : memref<32x768xf32, #tpu.memory_space<vmem>>) dst(%dma_wait3A_100 : memref<32x768xf32, #tpu.memory_space<hbm>>)
    %dma_wait3A_104 = arith.constant 32 : i32
    %dma_wait3A_105 = arith.constant 0 : i32
    %dma_wait3A_106 = tpu.memref_slice %arg6[%dma_wait3A_104, %dma_wait3A_105] : memref<64x768xf32, #tpu.memory_space<vmem>> -> memref<32x768xf32, #tpu.memory_space<vmem>>
    %dma_wait3A_107 = arith.constant 0 : i32
    %dma_wait3A_108 = tpu.memref_slice %arg5[%add3A_83, %dma_wait3A_107] : memref<2048x768xf32, #tpu.memory_space<hbm>> -> memref<32x768xf32, #tpu.memory_space<hbm>>
    %dma_wait3A_109 = arith.constant 0 : i32
    %dma_wait3A_110 = tpu.memref_slice %arg5[%add3A_83, %dma_wait3A_109] : memref<2048x768xf32, #tpu.memory_space<hbm>> -> memref<32x768xf32, #tpu.memory_space<hbm>>
    %dma_wait3A_111 = arith.constant 32 : i32
    %dma_wait3A_112 = arith.constant 0 : i32
    %dma_wait3A_113 = tpu.memref_slice %arg6[%dma_wait3A_111, %dma_wait3A_112] : memref<64x768xf32, #tpu.memory_space<vmem>> -> memref<32x768xf32, #tpu.memory_space<vmem>>
    tpu.wait_dma2 semaphore(%arg12 : memref<!tpu.dma_semaphore, #tpu.memory_space<semaphore_mem>>) src(%dma_wait3A_113 : memref<32x768xf32, #tpu.memory_space<vmem>>) dst(%dma_wait3A_110 : memref<32x768xf32, #tpu.memory_space<hbm>>)
    return
  }
}

module attributes {stable_mosaic.version = 14 : i64} {
  func.func @_route_kernel(%arg0: memref<2048x768xf32, #tpu.memory_space<vmem>>, %arg1: memref<16x768xf32, #tpu.memory_space<vmem>>, %arg2: memref<1x16xf32, #tpu.memory_space<vmem>>, %arg3: memref<2048x16xf32, #tpu.memory_space<vmem>>, %arg4: memref<2048x2xi32, #tpu.memory_space<vmem>>, %arg5: memref<2048x2xi32, #tpu.memory_space<vmem>>, %arg6: memref<32x1xi32, #tpu.memory_space<vmem>>, %arg7: memref<1x1xi32, #tpu.memory_space<vmem>>, %arg8: memref<2048x384xf32, #tpu.memory_space<vmem>>) attributes {dimension_semantics = [], scalar_prefetch = 0 : i64, scratch_operands = 0 : i64, tpu.core_type = #tpu.core_type<tc>} {
    %iota3A = tpu.iota {dimensions = array<i32: 1>} : vector<2048x16xi32>
    %get3A = arith.constant 0 : index
    %get3A_0 = arith.constant 0 : index
    %get3A_1 = vector.load %arg0[%get3A, %get3A_0] : memref<2048x768xf32, #tpu.memory_space<vmem>>, vector<2048x768xf32>
    %get3A_2 = arith.constant 0 : index
    %get3A_3 = arith.constant 0 : index
    %get3A_4 = vector.load %arg1[%get3A_2, %get3A_3] : memref<16x768xf32, #tpu.memory_space<vmem>>, vector<16x768xf32>
    %dot_general3A = arith.constant dense<0.000000e+00> : vector<2048x16xf32>
    %dot_general3A_5 = tpu.matmul %get3A_1, %get3A_4, %dot_general3A {dimension_numbers = #tpu.dot_dimension_numbers<[1], [1], [0], [0], [0, 0, 1, 0], [], []>, transpose_lhs_hint = false} : vector<2048x768xf32>, vector<16x768xf32>, vector<2048x16xf32> -> vector<2048x16xf32>
    %get3A_6 = arith.constant 0 : index
    %get3A_7 = arith.constant 0 : index
    %get3A_8 = vector.load %arg2[%get3A_6, %get3A_7] : memref<1x16xf32, #tpu.memory_space<vmem>>, vector<1x16xf32>
    %add3A = vector.broadcast %get3A_8 : vector<1x16xf32> to vector<2048x16xf32>
    %add3A_9 = arith.addf %dot_general3A_5, %add3A : vector<2048x16xf32>
    %swap3A = arith.constant 0 : index
    %swap3A_10 = arith.constant 0 : index
    %swap3A_11 = vector.load %arg3[%swap3A, %swap3A_10] : memref<2048x16xf32, #tpu.memory_space<vmem>>, vector<2048x16xf32>
    tpu.vector_store %arg3[%swap3A, %swap3A_10], %add3A_9 {strides = array<i32>} : memref<2048x16xf32, #tpu.memory_space<vmem>>, vector<2048x16xf32>,
    %reduce_max3A = arith.constant dense<0xFF800000> : vector<2048xf32>
    %reduce_max3A_12 = vector.multi_reduction <maximumf>, %add3A_9, %reduce_max3A [1] : vector<2048x16xf32> to vector<2048xf32>
    %broadcast_in_dim3A = vector.shape_cast %reduce_max3A_12 : vector<2048xf32> to vector<2048x1xf32>
    %eq3A = vector.broadcast %broadcast_in_dim3A : vector<2048x1xf32> to vector<2048x16xf32>
    %eq3A_13 = arith.cmpf oeq, %add3A_9, %eq3A : vector<2048x16xf32>
    %jit3A = arith.constant 16 : i32
    %broadcast_in_dim3A_14 = vector.broadcast %jit3A : i32 to vector<2048x16xi32>
    %select_n3A = arith.select %eq3A_13, %iota3A, %broadcast_in_dim3A_14 : vector<2048x16xi1>, vector<2048x16xi32>
    %reduce_min3A = arith.constant dense<2147483647> : vector<2048xi32>
    %reduce_min3A_15 = vector.multi_reduction <minsi>, %select_n3A, %reduce_min3A [1] : vector<2048x16xi32> to vector<2048xi32>
    %broadcast_in_dim3A_16 = vector.shape_cast %reduce_min3A_15 : vector<2048xi32> to vector<2048x1xi32>
    %eq3A_17 = vector.broadcast %broadcast_in_dim3A_16 : vector<2048x1xi32> to vector<2048x16xi32>
    %eq3A_18 = arith.cmpi eq, %iota3A, %eq3A_17 : vector<2048x16xi32>
    %jit3A_19 = arith.constant 0xFF800000 : f32
    %broadcast_in_dim3A_20 = vector.broadcast %jit3A_19 : f32 to vector<2048x16xf32>
    %select_n3A_21 = arith.select %eq3A_18, %broadcast_in_dim3A_20, %add3A_9 : vector<2048x16xi1>, vector<2048x16xf32>
    %reduce_max3A_22 = arith.constant dense<0xFF800000> : vector<2048xf32>
    %reduce_max3A_23 = vector.multi_reduction <maximumf>, %select_n3A_21, %reduce_max3A_22 [1] : vector<2048x16xf32> to vector<2048xf32>
    %broadcast_in_dim3A_24 = vector.shape_cast %reduce_max3A_23 : vector<2048xf32> to vector<2048x1xf32>
    %eq3A_25 = vector.broadcast %broadcast_in_dim3A_24 : vector<2048x1xf32> to vector<2048x16xf32>
    %eq3A_26 = arith.cmpf oeq, %select_n3A_21, %eq3A_25 : vector<2048x16xf32>
    %jit3A_27 = arith.constant 16 : i32
    %broadcast_in_dim3A_28 = vector.broadcast %jit3A_27 : i32 to vector<2048x16xi32>
    %select_n3A_29 = arith.select %eq3A_26, %iota3A, %broadcast_in_dim3A_28 : vector<2048x16xi1>, vector<2048x16xi32>
    %reduce_min3A_30 = arith.constant dense<2147483647> : vector<2048xi32>
    %reduce_min3A_31 = vector.multi_reduction <minsi>, %select_n3A_29, %reduce_min3A_30 [1] : vector<2048x16xi32> to vector<2048xi32>
    %broadcast_in_dim3A_32 = vector.shape_cast %reduce_min3A_31 : vector<2048xi32> to vector<2048x1xi32>
    %concatenate3A = tpu.concatenate %broadcast_in_dim3A_16, %broadcast_in_dim3A_32 in 1 : vector<2048x1xi32>, vector<2048x1xi32> -> vector<2048x2xi32>
    %swap3A_33 = arith.constant 0 : index
    %swap3A_34 = arith.constant 0 : index
    %swap3A_35 = vector.load %arg4[%swap3A_33, %swap3A_34] : memref<2048x2xi32, #tpu.memory_space<vmem>>, vector<2048x2xi32>
    tpu.vector_store %arg4[%swap3A_33, %swap3A_34], %concatenate3A {strides = array<i32>} : memref<2048x2xi32, #tpu.memory_space<vmem>>, vector<2048x2xi32>,
    %eq3A_36 = vector.broadcast %broadcast_in_dim3A_16 : vector<2048x1xi32> to vector<2048x16xi32>
    %eq3A_37 = arith.cmpi eq, %iota3A, %eq3A_36 : vector<2048x16xi32>
    %eq3A_38 = vector.broadcast %broadcast_in_dim3A_32 : vector<2048x1xi32> to vector<2048x16xi32>
    %eq3A_39 = arith.cmpi eq, %iota3A, %eq3A_38 : vector<2048x16xi32>
    %or3A = arith.ori %eq3A_37, %eq3A_39 : vector<2048x16xi1>
    %jit3A_40 = arith.constant 1.000000e+00 : f32
    %jit3A_41 = arith.constant 0.000000e+00 : f32
    %broadcast_in_dim3A_42 = vector.broadcast %jit3A_40 : f32 to vector<2048x16xf32>
    %broadcast_in_dim3A_43 = vector.broadcast %jit3A_41 : f32 to vector<2048x16xf32>
    %select_n3A_44 = arith.select %or3A, %broadcast_in_dim3A_42, %broadcast_in_dim3A_43 : vector<2048x16xi1>, vector<2048x16xf32>
    %broadcast_in_dim3A_45 = arith.constant 0.000000e+00 : f32
    %broadcast_in_dim3A_46 = vector.broadcast %broadcast_in_dim3A_45 : f32 to vector<1x16xf32>
    %slice3A = vector.extract_strided_slice %select_n3A_44 {offsets = [0, 0], sizes = [2047, 16], strides = [1, 1]} : vector<2048x16xf32> to vector<2047x16xf32>
    %concatenate3A_47 = tpu.concatenate %broadcast_in_dim3A_46, %slice3A in 0 : vector<1x16xf32>, vector<2047x16xf32> -> vector<2048x16xf32>
    %add3A_48 = arith.addf %select_n3A_44, %concatenate3A_47 : vector<2048x16xf32>
    %broadcast_in_dim3A_49 = arith.constant 0.000000e+00 : f32
    %broadcast_in_dim3A_50 = vector.broadcast %broadcast_in_dim3A_49 : f32 to vector<2x16xf32>
    %slice3A_51 = vector.extract_strided_slice %add3A_48 {offsets = [0, 0], sizes = [2046, 16], strides = [1, 1]} : vector<2048x16xf32> to vector<2046x16xf32>
    %concatenate3A_52 = tpu.concatenate %broadcast_in_dim3A_50, %slice3A_51 in 0 : vector<2x16xf32>, vector<2046x16xf32> -> vector<2048x16xf32>
    %add3A_53 = arith.addf %add3A_48, %concatenate3A_52 : vector<2048x16xf32>
    %broadcast_in_dim3A_54 = arith.constant 0.000000e+00 : f32
    %broadcast_in_dim3A_55 = vector.broadcast %broadcast_in_dim3A_54 : f32 to vector<4x16xf32>
    %slice3A_56 = vector.extract_strided_slice %add3A_53 {offsets = [0, 0], sizes = [2044, 16], strides = [1, 1]} : vector<2048x16xf32> to vector<2044x16xf32>
    %concatenate3A_57 = tpu.concatenate %broadcast_in_dim3A_55, %slice3A_56 in 0 : vector<4x16xf32>, vector<2044x16xf32> -> vector<2048x16xf32>
    %add3A_58 = arith.addf %add3A_53, %concatenate3A_57 : vector<2048x16xf32>
    %broadcast_in_dim3A_59 = arith.constant 0.000000e+00 : f32
    %broadcast_in_dim3A_60 = vector.broadcast %broadcast_in_dim3A_59 : f32 to vector<8x16xf32>
    %slice3A_61 = vector.extract_strided_slice %add3A_58 {offsets = [0, 0], sizes = [2040, 16], strides = [1, 1]} : vector<2048x16xf32> to vector<2040x16xf32>
    %concatenate3A_62 = tpu.concatenate %broadcast_in_dim3A_60, %slice3A_61 in 0 : vector<8x16xf32>, vector<2040x16xf32> -> vector<2048x16xf32>
    %add3A_63 = arith.addf %add3A_58, %concatenate3A_62 : vector<2048x16xf32>
    %broadcast_in_dim3A_64 = arith.constant 0.000000e+00 : f32
    %broadcast_in_dim3A_65 = vector.broadcast %broadcast_in_dim3A_64 : f32 to vector<16x16xf32>
    %slice3A_66 = vector.extract_strided_slice %add3A_63 {offsets = [0, 0], sizes = [2032, 16], strides = [1, 1]} : vector<2048x16xf32> to vector<2032x16xf32>
    %concatenate3A_67 = tpu.concatenate %broadcast_in_dim3A_65, %slice3A_66 in 0 : vector<16x16xf32>, vector<2032x16xf32> -> vector<2048x16xf32>
    %add3A_68 = arith.addf %add3A_63, %concatenate3A_67 : vector<2048x16xf32>
    %broadcast_in_dim3A_69 = arith.constant 0.000000e+00 : f32
    %broadcast_in_dim3A_70 = vector.broadcast %broadcast_in_dim3A_69 : f32 to vector<32x16xf32>
    %slice3A_71 = vector.extract_strided_slice %add3A_68 {offsets = [0, 0], sizes = [2016, 16], strides = [1, 1]} : vector<2048x16xf32> to vector<2016x16xf32>
    %concatenate3A_72 = tpu.concatenate %broadcast_in_dim3A_70, %slice3A_71 in 0 : vector<32x16xf32>, vector<2016x16xf32> -> vector<2048x16xf32>
    %add3A_73 = arith.addf %add3A_68, %concatenate3A_72 : vector<2048x16xf32>
    %broadcast_in_dim3A_74 = arith.constant 0.000000e+00 : f32
    %broadcast_in_dim3A_75 = vector.broadcast %broadcast_in_dim3A_74 : f32 to vector<64x16xf32>
    %slice3A_76 = vector.extract_strided_slice %add3A_73 {offsets = [0, 0], sizes = [1984, 16], strides = [1, 1]} : vector<2048x16xf32> to vector<1984x16xf32>
    %concatenate3A_77 = tpu.concatenate %broadcast_in_dim3A_75, %slice3A_76 in 0 : vector<64x16xf32>, vector<1984x16xf32> -> vector<2048x16xf32>
    %add3A_78 = arith.addf %add3A_73, %concatenate3A_77 : vector<2048x16xf32>
    %broadcast_in_dim3A_79 = arith.constant 0.000000e+00 : f32
    %broadcast_in_dim3A_80 = vector.broadcast %broadcast_in_dim3A_79 : f32 to vector<128x16xf32>
    %slice3A_81 = vector.extract_strided_slice %add3A_78 {offsets = [0, 0], sizes = [1920, 16], strides = [1, 1]} : vector<2048x16xf32> to vector<1920x16xf32>
    %concatenate3A_82 = tpu.concatenate %broadcast_in_dim3A_80, %slice3A_81 in 0 : vector<128x16xf32>, vector<1920x16xf32> -> vector<2048x16xf32>
    %add3A_83 = arith.addf %add3A_78, %concatenate3A_82 : vector<2048x16xf32>
    %broadcast_in_dim3A_84 = arith.constant 0.000000e+00 : f32
    %broadcast_in_dim3A_85 = vector.broadcast %broadcast_in_dim3A_84 : f32 to vector<256x16xf32>
    %slice3A_86 = vector.extract_strided_slice %add3A_83 {offsets = [0, 0], sizes = [1792, 16], strides = [1, 1]} : vector<2048x16xf32> to vector<1792x16xf32>
    %concatenate3A_87 = tpu.concatenate %broadcast_in_dim3A_85, %slice3A_86 in 0 : vector<256x16xf32>, vector<1792x16xf32> -> vector<2048x16xf32>
    %add3A_88 = arith.addf %add3A_83, %concatenate3A_87 : vector<2048x16xf32>
    %broadcast_in_dim3A_89 = arith.constant 0.000000e+00 : f32
    %broadcast_in_dim3A_90 = vector.broadcast %broadcast_in_dim3A_89 : f32 to vector<512x16xf32>
    %slice3A_91 = vector.extract_strided_slice %add3A_88 {offsets = [0, 0], sizes = [1536, 16], strides = [1, 1]} : vector<2048x16xf32> to vector<1536x16xf32>
    %concatenate3A_92 = tpu.concatenate %broadcast_in_dim3A_90, %slice3A_91 in 0 : vector<512x16xf32>, vector<1536x16xf32> -> vector<2048x16xf32>
    %add3A_93 = arith.addf %add3A_88, %concatenate3A_92 : vector<2048x16xf32>
    %broadcast_in_dim3A_94 = arith.constant 0.000000e+00 : f32
    %broadcast_in_dim3A_95 = vector.broadcast %broadcast_in_dim3A_94 : f32 to vector<1024x16xf32>
    %slice3A_96 = vector.extract_strided_slice %add3A_93 {offsets = [0, 0], sizes = [1024, 16], strides = [1, 1]} : vector<2048x16xf32> to vector<1024x16xf32>
    %concatenate3A_97 = tpu.concatenate %broadcast_in_dim3A_95, %slice3A_96 in 0 : vector<1024x16xf32>, vector<1024x16xf32> -> vector<2048x16xf32>
    %add3A_98 = arith.addf %add3A_93, %concatenate3A_97 : vector<2048x16xf32>
    %sub3A = arith.subf %add3A_98, %select_n3A_44 : vector<2048x16xf32>
    %eq3A_99 = vector.broadcast %broadcast_in_dim3A_16 : vector<2048x1xi32> to vector<2048x16xi32>
    %eq3A_100 = arith.cmpi eq, %iota3A, %eq3A_99 : vector<2048x16xi32>
    %jit3A_101 = arith.constant 0.000000e+00 : f32
    %broadcast_in_dim3A_102 = vector.broadcast %jit3A_101 : f32 to vector<2048x16xf32>
    %select_n3A_103 = arith.select %eq3A_100, %sub3A, %broadcast_in_dim3A_102 : vector<2048x16xi1>, vector<2048x16xf32>
    %reduce_sum3A = arith.constant dense<0.000000e+00> : vector<2048xf32>
    %reduce_sum3A_104 = vector.multi_reduction <add>, %select_n3A_103, %reduce_sum3A [1] : vector<2048x16xf32> to vector<2048xf32>
    %broadcast_in_dim3A_105 = vector.shape_cast %reduce_sum3A_104 : vector<2048xf32> to vector<2048x1xf32>
    %eq3A_106 = vector.broadcast %broadcast_in_dim3A_32 : vector<2048x1xi32> to vector<2048x16xi32>
    %eq3A_107 = arith.cmpi eq, %iota3A, %eq3A_106 : vector<2048x16xi32>
    %jit3A_108 = arith.constant 0.000000e+00 : f32
    %broadcast_in_dim3A_109 = vector.broadcast %jit3A_108 : f32 to vector<2048x16xf32>
    %select_n3A_110 = arith.select %eq3A_107, %sub3A, %broadcast_in_dim3A_109 : vector<2048x16xi1>, vector<2048x16xf32>
    %reduce_sum3A_111 = arith.constant dense<0.000000e+00> : vector<2048xf32>
    %reduce_sum3A_112 = vector.multi_reduction <add>, %select_n3A_110, %reduce_sum3A_111 [1] : vector<2048x16xf32> to vector<2048xf32>
    %broadcast_in_dim3A_113 = vector.shape_cast %reduce_sum3A_112 : vector<2048xf32> to vector<2048x1xf32>
    %slice3A_114 = vector.extract_strided_slice %add3A_98 {offsets = [2047, 0], sizes = [1, 16], strides = [1, 1]} : vector<2048x16xf32> to vector<1x16xf32>
    %add3A_115 = arith.constant 2.550000e+02 : f32
    %add3A_116 = vector.broadcast %add3A_115 : f32 to vector<1x16xf32>
    %add3A_117 = arith.addf %slice3A_114, %add3A_116 : vector<1x16xf32>
    %mul3A = arith.constant 3.906250e-03 : f32
    %mul3A_118 = vector.broadcast %mul3A : f32 to vector<1x16xf32>
    %mul3A_119 = arith.mulf %add3A_117, %mul3A_118 : vector<1x16xf32>
    %floor3A = math.floor %mul3A_119 : vector<1x16xf32>
    %broadcast_in_dim3A_120 = arith.constant 0.000000e+00 : f32
    %broadcast_in_dim3A_121 = vector.broadcast %broadcast_in_dim3A_120 : f32 to vector<1x1xf32>
    %slice3A_122 = vector.extract_strided_slice %floor3A {offsets = [0, 0], sizes = [1, 15], strides = [1, 1]} : vector<1x16xf32> to vector<1x15xf32>
    %concatenate3A_123 = tpu.concatenate %broadcast_in_dim3A_121, %slice3A_122 in 1 : vector<1x1xf32>, vector<1x15xf32> -> vector<1x16xf32>
    %add3A_124 = arith.addf %floor3A, %concatenate3A_123 : vector<1x16xf32>
    %broadcast_in_dim3A_125 = arith.constant 0.000000e+00 : f32
    %broadcast_in_dim3A_126 = vector.broadcast %broadcast_in_dim3A_125 : f32 to vector<1x2xf32>
    %slice3A_127 = vector.extract_strided_slice %add3A_124 {offsets = [0, 0], sizes = [1, 14], strides = [1, 1]} : vector<1x16xf32> to vector<1x14xf32>
    %concatenate3A_128 = tpu.concatenate %broadcast_in_dim3A_126, %slice3A_127 in 1 : vector<1x2xf32>, vector<1x14xf32> -> vector<1x16xf32>
    %add3A_129 = arith.addf %add3A_124, %concatenate3A_128 : vector<1x16xf32>
    %broadcast_in_dim3A_130 = arith.constant 0.000000e+00 : f32
    %broadcast_in_dim3A_131 = vector.broadcast %broadcast_in_dim3A_130 : f32 to vector<1x4xf32>
    %slice3A_132 = vector.extract_strided_slice %add3A_129 {offsets = [0, 0], sizes = [1, 12], strides = [1, 1]} : vector<1x16xf32> to vector<1x12xf32>
    %concatenate3A_133 = tpu.concatenate %broadcast_in_dim3A_131, %slice3A_132 in 1 : vector<1x4xf32>, vector<1x12xf32> -> vector<1x16xf32>
    %add3A_134 = arith.addf %add3A_129, %concatenate3A_133 : vector<1x16xf32>
    %broadcast_in_dim3A_135 = arith.constant 0.000000e+00 : f32
    %broadcast_in_dim3A_136 = vector.broadcast %broadcast_in_dim3A_135 : f32 to vector<1x8xf32>
    %slice3A_137 = vector.extract_strided_slice %add3A_134 {offsets = [0, 0], sizes = [1, 8], strides = [1, 1]} : vector<1x16xf32> to vector<1x8xf32>
    %concatenate3A_138 = tpu.concatenate %broadcast_in_dim3A_136, %slice3A_137 in 1 : vector<1x8xf32>, vector<1x8xf32> -> vector<1x16xf32>
    %add3A_139 = arith.addf %add3A_134, %concatenate3A_138 : vector<1x16xf32>
    %sub3A_140 = arith.subf %add3A_139, %floor3A : vector<1x16xf32>
    %slice3A_141 = vector.extract_strided_slice %add3A_139 {offsets = [0, 15], sizes = [1, 1], strides = [1, 1]} : vector<1x16xf32> to vector<1x1xf32>
    %mul3A_142 = arith.constant 2.560000e+02 : f32
    %mul3A_143 = vector.broadcast %mul3A_142 : f32 to vector<1x16xf32>
    %mul3A_144 = arith.mulf %sub3A_140, %mul3A_143 : vector<1x16xf32>
    %eq3A_145 = vector.broadcast %broadcast_in_dim3A_16 : vector<2048x1xi32> to vector<2048x16xi32>
    %eq3A_146 = arith.cmpi eq, %iota3A, %eq3A_145 : vector<2048x16xi32>
    %jit3A_147 = arith.constant 0.000000e+00 : f32
    %broadcast_in_dim3A_148 = vector.shape_cast %mul3A_144 : vector<1x16xf32> to vector<1x16xf32>
    %broadcast_in_dim3A_149 = vector.broadcast %broadcast_in_dim3A_148 : vector<1x16xf32> to vector<2048x16xf32>
    %broadcast_in_dim3A_150 = vector.broadcast %jit3A_147 : f32 to vector<2048x16xf32>
    %select_n3A_151 = arith.select %eq3A_146, %broadcast_in_dim3A_149, %broadcast_in_dim3A_150 : vector<2048x16xi1>, vector<2048x16xf32>
    %reduce_sum3A_152 = arith.constant dense<0.000000e+00> : vector<2048xf32>
    %reduce_sum3A_153 = vector.multi_reduction <add>, %select_n3A_151, %reduce_sum3A_152 [1] : vector<2048x16xf32> to vector<2048xf32>
    %broadcast_in_dim3A_154 = vector.shape_cast %reduce_sum3A_153 : vector<2048xf32> to vector<2048x1xf32>
    %eq3A_155 = vector.broadcast %broadcast_in_dim3A_32 : vector<2048x1xi32> to vector<2048x16xi32>
    %eq3A_156 = arith.cmpi eq, %iota3A, %eq3A_155 : vector<2048x16xi32>
    %jit3A_157 = arith.constant 0.000000e+00 : f32
    %broadcast_in_dim3A_158 = vector.shape_cast %mul3A_144 : vector<1x16xf32> to vector<1x16xf32>
    %broadcast_in_dim3A_159 = vector.broadcast %broadcast_in_dim3A_158 : vector<1x16xf32> to vector<2048x16xf32>
    %broadcast_in_dim3A_160 = vector.broadcast %jit3A_157 : f32 to vector<2048x16xf32>
    %select_n3A_161 = arith.select %eq3A_156, %broadcast_in_dim3A_159, %broadcast_in_dim3A_160 : vector<2048x16xi1>, vector<2048x16xf32>
    %reduce_sum3A_162 = arith.constant dense<0.000000e+00> : vector<2048xf32>
    %reduce_sum3A_163 = vector.multi_reduction <add>, %select_n3A_161, %reduce_sum3A_162 [1] : vector<2048x16xf32> to vector<2048xf32>
    %broadcast_in_dim3A_164 = vector.shape_cast %reduce_sum3A_163 : vector<2048xf32> to vector<2048x1xf32>
    %add3A_165 = arith.addf %broadcast_in_dim3A_154, %broadcast_in_dim3A_105 : vector<2048x1xf32>
    %convert_element_type3A = arith.fptosi %add3A_165 : vector<2048x1xf32> to vector<2048x1xi32>
    %add3A_166 = arith.addf %broadcast_in_dim3A_164, %broadcast_in_dim3A_113 : vector<2048x1xf32>
    %convert_element_type3A_167 = arith.fptosi %add3A_166 : vector<2048x1xf32> to vector<2048x1xi32>
    %concatenate3A_168 = tpu.concatenate %convert_element_type3A, %convert_element_type3A_167 in 1 : vector<2048x1xi32>, vector<2048x1xi32> -> vector<2048x2xi32>
    %swap3A_169 = arith.constant 0 : index
    %swap3A_170 = arith.constant 0 : index
    %swap3A_171 = vector.load %arg5[%swap3A_169, %swap3A_170] : memref<2048x2xi32, #tpu.memory_space<vmem>>, vector<2048x2xi32>
    tpu.vector_store %arg5[%swap3A_169, %swap3A_170], %concatenate3A_168 {strides = array<i32>} : memref<2048x2xi32, #tpu.memory_space<vmem>>, vector<2048x2xi32>,
    %iota3A_172 = tpu.iota {dimensions = array<i32: 0>} : vector<32x1xi32>
    %convert_element_type3A_173 = arith.sitofp %iota3A_172 : vector<32x1xi32> to vector<32x1xf32>
    %sub3A_174 = arith.constant 1.000000e+00 : f32
    %sub3A_175 = vector.broadcast %sub3A_174 : f32 to vector<1x1xf32>
    %sub3A_176 = arith.subf %slice3A_141, %sub3A_175 : vector<1x1xf32>
    %min3A = vector.broadcast %sub3A_176 : vector<1x1xf32> to vector<32x1xf32>
    %min3A_177 = arith.minimumf %convert_element_type3A_173, %min3A : vector<32x1xf32>
    %le3A = vector.broadcast %sub3A_140 : vector<1x16xf32> to vector<32x16xf32>
    %le3A_178 = vector.broadcast %min3A_177 : vector<32x1xf32> to vector<32x16xf32>
    %le3A_179 = arith.cmpf ole, %le3A, %le3A_178 : vector<32x16xf32>
    %jit3A_180 = arith.constant 1.000000e+00 : f32
    %jit3A_181 = arith.constant 0.000000e+00 : f32
    %broadcast_in_dim3A_182 = vector.broadcast %jit3A_180 : f32 to vector<32x16xf32>
    %broadcast_in_dim3A_183 = vector.broadcast %jit3A_181 : f32 to vector<32x16xf32>
    %select_n3A_184 = arith.select %le3A_179, %broadcast_in_dim3A_182, %broadcast_in_dim3A_183 : vector<32x16xi1>, vector<32x16xf32>
    %reduce_sum3A_185 = arith.constant dense<0.000000e+00> : vector<32xf32>
    %reduce_sum3A_186 = vector.multi_reduction <add>, %select_n3A_184, %reduce_sum3A_185 [1] : vector<32x16xf32> to vector<32xf32>
    %broadcast_in_dim3A_187 = vector.shape_cast %reduce_sum3A_186 : vector<32xf32> to vector<32x1xf32>
    %sub3A_188 = arith.constant 1.000000e+00 : f32
    %sub3A_189 = vector.broadcast %sub3A_188 : f32 to vector<32x1xf32>
    %sub3A_190 = arith.subf %broadcast_in_dim3A_187, %sub3A_189 : vector<32x1xf32>
    %convert_element_type3A_191 = arith.fptosi %sub3A_190 : vector<32x1xf32> to vector<32x1xi32>
    %swap3A_192 = arith.constant 0 : index
    %swap3A_193 = arith.constant 0 : index
    %swap3A_194 = vector.load %arg6[%swap3A_192, %swap3A_193] : memref<32x1xi32, #tpu.memory_space<vmem>>, vector<32x1xi32>
    tpu.vector_store %arg6[%swap3A_192, %swap3A_193], %convert_element_type3A_191 {strides = array<i32>} : memref<32x1xi32, #tpu.memory_space<vmem>>, vector<32x1xi32>,
    %convert_element_type3A_195 = arith.fptosi %slice3A_141 : vector<1x1xf32> to vector<1x1xi32>
    %swap3A_196 = arith.constant 0 : index
    %swap3A_197 = arith.constant 0 : index
    %swap3A_198 = vector.load %arg7[%swap3A_196, %swap3A_197] : memref<1x1xi32, #tpu.memory_space<vmem>>, vector<1x1xi32>
    tpu.vector_store %arg7[%swap3A_196, %swap3A_197], %convert_element_type3A_195 {strides = array<i32>} : memref<1x1xi32, #tpu.memory_space<vmem>>, vector<1x1xi32>,
    %slice3A_199 = vector.extract_strided_slice %get3A_1 {offsets = [0, 0], sizes = [2048, 384], strides = [1, 1]} : vector<2048x768xf32> to vector<2048x384xf32>
    %convert_element_type3A_200 = arith.truncf %slice3A_199 : vector<2048x384xf32> to vector<2048x384xbf16>
    %convert_element_type3A_201 = arith.extf %convert_element_type3A_200 : vector<2048x384xbf16> to vector<2048x384xf32>
    %bitcast_convert_type3A = tpu.bitcast %convert_element_type3A_201 : vector<2048x384xf32> -> vector<2048x384xi32>
    %slice3A_202 = vector.extract_strided_slice %get3A_1 {offsets = [0, 384], sizes = [2048, 384], strides = [1, 1]} : vector<2048x768xf32> to vector<2048x384xf32>
    %convert_element_type3A_203 = arith.truncf %slice3A_202 : vector<2048x384xf32> to vector<2048x384xbf16>
    %convert_element_type3A_204 = arith.extf %convert_element_type3A_203 : vector<2048x384xbf16> to vector<2048x384xf32>
    %bitcast_convert_type3A_205 = tpu.bitcast %convert_element_type3A_204 : vector<2048x384xf32> -> vector<2048x384xi32>
    %shift_right_logical3A = arith.constant 16 : i32
    %shift_right_logical3A_206 = vector.broadcast %shift_right_logical3A : i32 to vector<2048x384xi32>
    %shift_right_logical3A_207 = arith.shrui %bitcast_convert_type3A, %shift_right_logical3A_206 : vector<2048x384xi32>
    %or3A_208 = arith.ori %bitcast_convert_type3A_205, %shift_right_logical3A_207 : vector<2048x384xi32>
    %bitcast_convert_type3A_209 = tpu.bitcast %or3A_208 : vector<2048x384xi32> -> vector<2048x384xf32>
    %swap3A_210 = arith.constant 0 : index
    %swap3A_211 = arith.constant 0 : index
    %swap3A_212 = vector.load %arg8[%swap3A_210, %swap3A_211] : memref<2048x384xf32, #tpu.memory_space<vmem>>, vector<2048x384xf32>
    tpu.vector_store %arg8[%swap3A_210, %swap3A_211], %bitcast_convert_type3A_209 {strides = array<i32>} : memref<2048x384xf32, #tpu.memory_space<vmem>>, vector<2048x384xf32>,
    return
  }
}

module attributes {stable_mosaic.version = 14 : i64} {
  func.func @_mm_body(%arg0: i32, %arg1: memref<32xi32, #tpu.memory_space<smem>>, %arg2: memref<1xi32, #tpu.memory_space<smem>>, %arg3: memref<256x384xf32, #tpu.memory_space<vmem>>, %arg4: memref<1x768x768xf32, #tpu.memory_space<vmem>>, %arg5: memref<1x1x768xf32, #tpu.memory_space<vmem>>, %arg6: memref<256x768xf32, #tpu.memory_space<vmem>>) attributes {dimension_semantics = [#tpu.dimension_semantics<arbitrary>], iteration_bounds = array<i64: 32>, scalar_prefetch = 2 : i64, scratch_operands = 0 : i64, tpu.core_type = #tpu.core_type<tc>, window_params = [{transform_indices = @transform_0, window_bounds = array<i64: 256, 384>}, {transform_indices = @transform_1, window_bounds = array<i64: 1, 768, 768>}, {transform_indices = @transform_2, window_bounds = array<i64: 1, 1, 768>}, {transform_indices = @transform_3, window_bounds = array<i64: 256, 768>}]} {
    %get3A = arith.constant 0 : index
    %get3A_0 = memref.load %arg2[%get3A] : memref<1xi32, #tpu.memory_space<smem>>
    %lt3A = arith.cmpi slt, %arg0, %get3A_0 : i32
    %convert_element_type3A = arith.extui %lt3A : i1 to i32
    %cond3A = arith.constant 0 : i32
    %cond3A_1 = arith.cmpi ne, %convert_element_type3A, %cond3A : i32
    scf.if %cond3A_1 {
      %get3A_2 = arith.constant 0 : index
      %get3A_3 = arith.constant 0 : index
      %get3A_4 = vector.load %arg3[%get3A_2, %get3A_3] : memref<256x384xf32, #tpu.memory_space<vmem>>, vector<256x384xf32>
      %bitcast_convert_type3A = tpu.bitcast %get3A_4 : vector<256x384xf32> -> vector<256x384xi32>
      %shift_left3A = arith.constant 16 : i32
      %shift_left3A_5 = vector.broadcast %shift_left3A : i32 to vector<256x384xi32>
      %shift_left3A_6 = arith.shli %bitcast_convert_type3A, %shift_left3A_5 : vector<256x384xi32>
      %bitcast_convert_type3A_7 = tpu.bitcast %shift_left3A_6 : vector<256x384xi32> -> vector<256x384xf32>
      %convert_element_type3A_8 = arith.truncf %bitcast_convert_type3A_7 : vector<256x384xf32> to vector<256x384xbf16>
      %and3A = arith.constant -65536 : i32
      %and3A_9 = vector.broadcast %and3A : i32 to vector<256x384xi32>
      %and3A_10 = arith.andi %bitcast_convert_type3A, %and3A_9 : vector<256x384xi32>
      %bitcast_convert_type3A_11 = tpu.bitcast %and3A_10 : vector<256x384xi32> -> vector<256x384xf32>
      %convert_element_type3A_12 = arith.truncf %bitcast_convert_type3A_11 : vector<256x384xf32> to vector<256x384xbf16>
      %get3A_13 = arith.constant 0 : index
      %get3A_14 = arith.constant 0 : index
      %get3A_15 = arith.constant 0 : index
      %get3A_16 = vector.load %arg4[%get3A_13, %get3A_14, %get3A_15] : memref<1x768x768xf32, #tpu.memory_space<vmem>>, vector<1x768x768xf32>
      %get3A_17 = vector.shape_cast %get3A_16 : vector<1x768x768xf32> to vector<768x768xf32>
      %convert_element_type3A_18 = arith.truncf %get3A_17 : vector<768x768xf32> to vector<768x768xbf16>
      %slice3A = vector.extract_strided_slice %convert_element_type3A_18 {offsets = [0, 0], sizes = [384, 768], strides = [1, 1]} : vector<768x768xbf16> to vector<384x768xbf16>
      %dot_general3A = arith.constant dense<0.000000e+00> : vector<256x768xf32>
      %dot_general3A_19 = tpu.matmul %convert_element_type3A_8, %slice3A, %dot_general3A {dimension_numbers = #tpu.dot_dimension_numbers<[1], [0], [0], [1], [0, 0, 1, 1], [], []>, transpose_lhs_hint = false} : vector<256x384xbf16>, vector<384x768xbf16>, vector<256x768xf32> -> vector<256x768xf32>
      %slice3A_20 = vector.extract_strided_slice %convert_element_type3A_18 {offsets = [384, 0], sizes = [384, 768], strides = [1, 1]} : vector<768x768xbf16> to vector<384x768xbf16>
      %dot_general3A_21 = arith.constant dense<0.000000e+00> : vector<256x768xf32>
      %dot_general3A_22 = tpu.matmul %convert_element_type3A_12, %slice3A_20, %dot_general3A_21 {dimension_numbers = #tpu.dot_dimension_numbers<[1], [0], [0], [1], [0, 0, 1, 1], [], []>, transpose_lhs_hint = false} : vector<256x384xbf16>, vector<384x768xbf16>, vector<256x768xf32> -> vector<256x768xf32>
      %add3A = arith.addf %dot_general3A_19, %dot_general3A_22 : vector<256x768xf32>
      %mul3A = arith.constant 5.000000e-01 : f32
      %mul3A_23 = vector.broadcast %mul3A : f32 to vector<256x768xf32>
      %mul3A_24 = arith.mulf %mul3A_23, %add3A : vector<256x768xf32>
      %get3A_25 = arith.constant 0 : index
      %get3A_26 = arith.constant 0 : index
      %get3A_27 = arith.constant 0 : index
      %get3A_28 = vector.load %arg5[%get3A_25, %get3A_26, %get3A_27] : memref<1x1x768xf32, #tpu.memory_space<vmem>>, vector<1x1x768xf32>
      %get3A_29 = vector.shape_cast %get3A_28 : vector<1x1x768xf32> to vector<1x768xf32>
      %mul3A_30 = arith.constant 5.000000e-01 : f32
      %mul3A_31 = vector.broadcast %mul3A_30 : f32 to vector<1x768xf32>
      %mul3A_32 = arith.mulf %mul3A_31, %get3A_29 : vector<1x768xf32>
      %add3A_33 = vector.broadcast %mul3A_32 : vector<1x768xf32> to vector<256x768xf32>
      %add3A_34 = arith.addf %mul3A_24, %add3A_33 : vector<256x768xf32>
      %swap3A = arith.constant 0 : index
      %swap3A_35 = arith.constant 0 : index
      %swap3A_36 = vector.load %arg6[%swap3A, %swap3A_35] : memref<256x768xf32, #tpu.memory_space<vmem>>, vector<256x768xf32>
      tpu.vector_store %arg6[%swap3A, %swap3A_35], %add3A_34 {strides = array<i32>} : memref<256x768xf32, #tpu.memory_space<vmem>>, vector<256x768xf32>,
    } else {
    }
    return
  }
  func.func @transform_0(%arg0: i32, %arg1: memref<32xi32, #tpu.memory_space<smem>>, %arg2: memref<1xi32, #tpu.memory_space<smem>>) -> (i32, i32) {
    %get3A = arith.constant 0 : index
    %get3A_0 = memref.load %arg2[%get3A] : memref<1xi32, #tpu.memory_space<smem>>
    %sub3A = arith.constant 1 : i32
    %sub3A_1 = arith.subi %get3A_0, %sub3A : i32
    %min3A = arith.minsi %arg0, %sub3A_1 : i32
    %c0_i32 = arith.constant 0 : i32
    %c0_i32_2 = arith.constant 0 : i32
    return %min3A, %c0_i32 : i32, i32
  }
  func.func @transform_1(%arg0: i32, %arg1: memref<32xi32, #tpu.memory_space<smem>>, %arg2: memref<1xi32, #tpu.memory_space<smem>>) -> (i32, i32, i32) {
    %get3A = arith.index_cast %arg0 : i32 to index
    %get3A_0 = memref.load %arg1[%get3A] : memref<32xi32, #tpu.memory_space<smem>>
    %c0_i32 = arith.constant 0 : i32
    %c0_i32_1 = arith.constant 0 : i32
    %c0_i32_2 = arith.constant 0 : i32
    return %get3A_0, %c0_i32, %c0_i32_1 : i32, i32, i32
  }
  func.func @transform_2(%arg0: i32, %arg1: memref<32xi32, #tpu.memory_space<smem>>, %arg2: memref<1xi32, #tpu.memory_space<smem>>) -> (i32, i32, i32) {
    %get3A = arith.index_cast %arg0 : i32 to index
    %get3A_0 = memref.load %arg1[%get3A] : memref<32xi32, #tpu.memory_space<smem>>
    %c0_i32 = arith.constant 0 : i32
    %c0_i32_1 = arith.constant 0 : i32
    %c0_i32_2 = arith.constant 0 : i32
    return %get3A_0, %c0_i32, %c0_i32_1 : i32, i32, i32
  }
  func.func @transform_3(%arg0: i32, %arg1: memref<32xi32, #tpu.memory_space<smem>>, %arg2: memref<1xi32, #tpu.memory_space<smem>>) -> (i32, i32) {
    %get3A = arith.constant 0 : index
    %get3A_0 = memref.load %arg2[%get3A] : memref<1xi32, #tpu.memory_space<smem>>
    %sub3A = arith.constant 1 : i32
    %sub3A_1 = arith.subi %get3A_0, %sub3A : i32
    %min3A = arith.minsi %arg0, %sub3A_1 : i32
    %c0_i32 = arith.constant 0 : i32
    %c0_i32_2 = arith.constant 0 : i32
    return %min3A, %c0_i32 : i32, i32
  }
}

</mosaic_0001>

<sc_bundles>
// kernel: kernel.6.cloned.1.call-start
scs
__scs_entry_jumppad:
0x0: {  	(pc) =	sbr.rel $0x88, $3  }
0x1: {  	(tag) =	ssettag $0x0;
	lr =	simm.s32 $0x1  }
0x2: {  	[smem:$0x3F9C] =	sst lr;
	_ =	strace $0xD0000000  }
0x3: {  	_ = 	snop  }
0x4: {  	_ = 	snop  }
0x5: {  	_ = 	snop  }
0x6: {  	_ = 	snop  }
0x7: {  	_ = 	snop  }
__scs_overlays_trampoline_lowered:
0x8: {  	[smem:$0x3FAB] =	sst s0  }
0x9: {  	[smem:$0x3FAC] =	sst s1  }
0xa: {  	[smem:$0x3FAD] =	sst s2  }
0xb: {  	[smem:$0x3FAE] =	sst s3  }
0xc: {  	[smem:$0x3FAF] =	sst s4  }
0xd: {  	[smem:$0x3FB0] =	sst s5  }
0xe: {  	[smem:$0x3FB1] =	sst s6  }
0xf: {  	[smem:$0x3FB2] =	sst s7  }
0x10: {  	[smem:$0x3FB3] =	sst s8  }
0x11: {  	[smem:$0x3FB4] =	sst s9;
	s0 =	simm.s32 @!p0 $0x0  }
0x12: {  	s1 =	sld [smem:$0x3F9A];
	s0 =	simm.s32 @p0 $0x1  }
0x13: {  	[smem:$0x3FB5] =	sst s0;
	s0 =	simm.s32 @!p1 $0x0  }
0x14: {  	s2 =	sld [smem:$0x3F99];
	s0 =	simm.s32 @p1 $0x1  }
0x15: {  	[smem:$0x3FB6] =	sst s0;
	s0 =	simm.s32 @!p2 $0x0  }
0x16: {  	s3 =	sld [smem:$0x3FDB];
	s0 =	simm.s32 @p2 $0x1  }
0x17: {  	s4 =	simm.s32 $0x1BF5;
	[smem:$0x3FB8] =	sst s0  }
0x18: {  	s0 =	sld [smem:$0x3F9B];
	_ =	swait.ge [sflag:s4], $0x0  }
0x19: {  	s7 =	sld [smem:$0x3F9C]  }
0x1a: {  	s8 =	sadd.s32 $0xFFFFE003, lr  }
0x1b: {  	s9 =	sadd.s32 $0xFFFFFEF7, lr;
	s5 =	simm.s32 $0xFFFFFFFF;
	p2 =	slt.u32 s8, $0xFFFFF086  }
0x1c: {  	p1 =	slt.u32 s9, $0xF7A;
	s5 =	simm.s32 @!p2 $0x0  }
0x1d: {  	s5 =	simm.s32 @p1 $0x1;
	p0 =	seq.s32 s7, s2  }
0x1e: {  	s7 =	smul.u32 @!p0 $0xF7A, s2;
	p2 =	seq.s32 @!p0 s5, $0x0  }
0x1f: {  	s9 =	smul.u32 $0xF7A, s1;
	s8 =	simm.s32 @!p0 $0x1BF5;
	p2 =	por !p2, p0  }
0x20: {  	[sflag:s8] =	ssyncset.s32 @!p0 $0xFFFFF086;
	s6 =	sadd.s32 @!p0 s3, s7;
	s7 =	simm.s32 @!p0 $0x108  }
0x21: {  	s3 =	sadd.s32 s3, s9;
	s6 =	sadd.s32 @!p0 $0x88, s6;
	s7 =	simm.s32 @p2 $0x1082  }
0x22: {  	[simem:s7], [sflag:s8] =	dma.local @!p0 [hbm:s6], $0xF7A  }
0x23: {  	s9 =	sor.u32 $0xD0000000, s2;
	s6 =	simm.s32 $0x108;
	_ =	swait.ge @!p0 [sflag:s8], $0x0  }
0x24: {  	s3 =	sadd.s32 $0x88, s3;
	s6 =	simm.s32 @!p1 $0x1082;
	[sflag:s4] =	ssyncset.s32 $0xFFFFF086  }
0x25: {  	[simem:s6], [sflag:s4] =	dma.local [hbm:s3], $0xF7A  }
0x26: {  	[smem:$0x3F9C] =	sst s1;
	(tag) =	ssettag s2;
	_ =	strace s9  }
0x27: {  	s1 =	sld [smem:$0x3FAC]  }
0x28: {  	s2 =	sld [smem:$0x3FAD]  }
0x29: {  	s4 =	sld [smem:$0x3FAF]  }
0x2a: {  	p0 =	seq.s32 s5, $0x0;
	s5 =	sld [smem:$0x3FB0]  }
0x2b: {  	s6 =	sld [smem:$0x3FB1]  }
0x2c: {  	s7 =	sld [smem:$0x3FB2]  }
0x2d: {  	s3 =	simm.s32 $0x108;
	s8 =	sld [smem:$0x3FB3]  }
0x2e: {  	s3 =	simm.s32 @!p0 $0x1082;
	s9 =	sld [smem:$0x3FB4]  }
0x2f: {  	lr =	sadd.s32 s0, s3;
	s0 =	sld [smem:$0x3FAB]  }
0x30: {  	s3 =	sld [smem:$0x3FAE]  }
0x31: {  	[smem:$0x3FB7] =	sst s10  }
0x32: {  	s10 =	sld [smem:$0x3FB5];
	_ =	sdelay $0x3  }
0x33: {  	p0 =	seq.s32 s10, $0x1;
	s10 =	sld [smem:$0x3FB7];
	_ =	sdelay $0x3  }
0x34: {  	[smem:$0x3FB7] =	sst s10  }
0x35: {  	s10 =	sld [smem:$0x3FB6];
	_ =	sdelay $0x3  }
0x36: {  	p1 =	seq.s32 s10, $0x1;
	s10 =	sld [smem:$0x3FB7];
	_ =	sdelay $0x3  }
0x37: {  	[smem:$0x3FB7] =	sst s10  }
0x38: {  	s10 =	sld [smem:$0x3FB8]  }
0x39: {  	_ = 	snop;
	(pc) =	sbr.ind lr, $3  }
0x3a: {  	_ = 	snop  }
0x3b: {  	_ = 	snop  }
0x3c: {  	p2 =	seq.s32 s10, $0x1;
	s10 =	sld [smem:$0x3FB7]  }
0x3d: {  	_ =	shalt  }
0x3e: {  	_ =	shalt  }
0x3f: {  	_ =	shalt  }
0x40: {  	_ =	shalt  }
0x41: {  	_ =	shalt  }
0x42: {  	_ =	shalt  }
0x43: {  	_ =	shalt  }
0x44: {  	_ =	shalt  }
0x45: {  	_ =	shalt  }
0x46: {  	_ =	shalt  }
0x47: {  	_ =	shalt  }
0x48: {  	_ =	shalt  }
0x49: {  	_ =	shalt  }
0x4a: {  	_ =	shalt  }
0x4b: {  	_ =	shalt  }
0x4c: {  	_ =	shalt  }
0x4d: {  	_ =	shalt  }
0x4e: {  	_ =	shalt  }
0x4f: {  	_ =	shalt  }
0x50: {  	_ =	shalt  }
0x51: {  	_ =	shalt  }
0x52: {  	_ =	shalt  }
0x53: {  	_ =	shalt  }
0x54: {  	_ =	shalt  }
0x55: {  	_ =	shalt  }
0x56: {  	_ =	shalt  }
0x57: {  	_ =	shalt  }
0x58: {  	_ =	shalt  }
0x59: {  	_ =	shalt  }
0x5a: {  	_ =	shalt  }
0x5b: {  	_ =	shalt  }
0x5c: {  	_ =	shalt  }
0x5d: {  	_ =	shalt  }
0x5e: {  	_ =	shalt  }
0x5f: {  	_ =	shalt  }
0x60: {  	_ =	shalt  }
0x61: {  	_ =	shalt  }
0x62: {  	_ =	shalt  }
0x63: {  	_ =	shalt  }
0x64: {  	_ =	shalt  }
0x65: {  	_ =	shalt  }
0x66: {  	_ =	shalt  }
0x67: {  	_ =	shalt  }
0x68: {  	_ =	shalt  }
0x69: {  	_ =	shalt  }
0x6a: {  	_ =	shalt  }
0x6b: {  	_ =	shalt  }
0x6c: {  	_ =	shalt  }
0x6d: {  	_ =	shalt  }
0x6e: {  	_ =	shalt  }
0x6f: {  	_ =	shalt  }
0x70: {  	_ =	shalt  }
0x71: {  	_ =	shalt  }
0x72: {  	_ =	shalt  }
0x73: {  	_ =	shalt  }
0x74: {  	_ =	shalt  }
0x75: {  	_ =	shalt  }
0x76: {  	_ =	shalt  }
0x77: {  	_ =	shalt  }
0x78: {  	_ =	shalt  }
0x79: {  	_ =	shalt  }
0x7a: {  	_ =	shalt  }
0x7b: {  	_ =	shalt  }
0x7c: {  	_ =	shalt  }
0x7d: {  	_ =	shalt  }
0x7e: {  	_ =	shalt  }
0x7f: {  	_ =	shalt  }
0x80: {  	_ =	shalt  }
0x81: {  	_ =	shalt  }
0x82: {  	_ =	shalt  }
0x83: {  	_ =	shalt  }
0x84: {  	_ =	shalt  }
0x85: {  	_ =	shalt  }
0x86: {  	_ =	shalt  }
0x87: {  	_ =	shalt  }
.Lfunc_end0:
.L_simem_size_0:
called_computation_lowered:
.L_overlay_start_0:
0x88: {  	s2 =	sld [smem:$0x3FD9]  }
0x89: {  	s3 =	sld [smem:$0x3FFE];
	_ =	sdelay $0x1  }
0x8a: {  	s1 =	srdreg.scid  }
0x8b: {  	s0 =	sand.u32 $0x1, s1  }
0x8c: {  	s14 =	sshll.u32 s0, $0xA;
	s2 =	sadd.s32 s3, s2  }
0x8d: {  	s2 =	sadd.s32 s2, s14  }
0x8e: {  	[smem:$0x3FC3] =	sst s2  }
0x8f: {  	_ = 	snop  }
0x90: {  	s2 =	sld [smem:$0x3FD0];
	_ =	sdelay $0x2  }
0x91: {  	s15 =	simm.s32 $0xA;
	s4 =	simm.s32 $0x10  }
0x92: {  	[smem:s4], [sflag:s15] =	dma.local [hbm:s2], $0x1  }
0x93: {  	_ =	swait.eq [sflag:s15], $0x1  }
0x94: {  	[sflag:s15] =	ssyncset.done $0x0  }
0x95: {  	[sflag:s15] =	ssyncadd.s32 $0xFFFFFFFF  }
0x96: {  	s16 =	sld [smem:$0x10];
	(tm) =	ssettm $0x1  }
0x97: {  	s17 =	sld [smem:$0x3FFB];
	_ =	sdelay $0x3  }
0x98: {  	_ =	strace s17  }
0x99: {  	s3 =	sld [smem:$0x3FFC];
	_ =	sdelay $0x3  }
0x9a: {  	_ =	strace s3  }
0x9b: {  	s3 =	sld [smem:$0x3FFD];
	_ =	sdelay $0x3  }
0x9c: {  	_ =	strace s3  }
0x9d: {  	_ =	strace $0x8FFFFFFF  }
0x9e: {  	s18 =	sld [smem:$0x3FDB];
	_ =	sdelay $0x1  }
0x9f: {  	s19 =	simm.s32 $_scs_section_size  }
0xa0: {  	s5 =	simm.s32 $_size__tile_overlayer_lowered;
	s6 =	simm.s32 $_tile_overlayer_lowered  }
0xa1: {  	s22 =	simm.s32 $0x1BFF;
	s21 =	sshll.u32 s6, $0x1;
	s3 =	sadd.s32 s19, s18  }
0xa2: {  	s7 =	simm.s32 $0x0;
	s20 =	sshll.u32 s5, $0x1;
	s5 =	sadd.s32 s21, s3  }
0xa3: {  	[timem:s7], [sflag:s22] =	dma.local [hbm:s5], s20  }
0xa4: {  	_ =	swait.ge [sflag:s22], s20  }
0xa5: {  	s4 =	ssub.s32 $0x0, s20;
	[sflag:s22] =	ssyncset.done $0x0  }
0xa6: {  	[sflag:s22] =	ssyncadd.s32 s4;
	_ =	sdelay $0x1  }
0xa7: {  	s23 =	simm.s32 $0x1B8B  }
0xa8: {  	_ =	swait.ge [sflag:s23], $0x1  }
0xa9: {  	[sflag:s23] =	ssyncset.done $0x0  }
0xaa: {  	s25 =	simm.s32 $0x1B8E;
	s24 =	sld [smem:$0x3FFE];
	[sflag:s23] =	ssyncadd.s32 $0xFFFFFFFF  }
0xab: {  	s26 =	simm.s32 $execute0_lowered;
	[smem:$0x3FD2] =	sst s25  }
0xac: {  	s5 =	sshll.u32 s26, $0x1;
	_ =	strace $0x80000046;
	[dreg:$0x1] =	wrdreg $0xFFFFFFFF  }
0xad: {  	s28 =	simm.s32 $_size_execute0_lowered;
	s3 =	sadd.s32 s3, s5;
	[dreg:$0x0] =	wrdreg $0x0  }
0xae: {  	s5 =	sshll.u32 s28, $0x1;
	[dreg:$0x2] =	wrdreg s3  }
0xaf: {  	[dreg:$0x3] =	wrdreg s5  }
0xb0: {  	[dreg:$0x4] =	wrdreg $0xC0  }
0xb1: {  	_ =	task [dreg:s7], $0x5FFFF  }
0xb2: {  	[dreg:$0x1] =	wrdreg $0xFFFFFFFF  }
0xb3: {  	[dreg:$0x0] =	wrdreg $0x60  }
0xb4: {  	[dreg:$0x2] =	wrdreg s16  }
0xb5: {  	[dreg:$0x3] =	wrdreg s24  }
0xb6: {  	[dreg:$0x4] =	wrdreg $0x9  }
0xb7: {  	_ =	task.clear_ibuf [dreg:s7], $0x5FFFF;
	_ =	strace $0x90000046  }
0xb8: {  	s29 =	simm.s32 $0x9;
	_ =	strace $0x80000048  }
0xb9: {  	_ =	swait.ge [sflag:s29], $0x1  }
0xba: {  	[sflag:s29] =	ssyncadd.s32 $0xFFFFFFFF  }
0xbb: {  	_ =	strace $0x90000048  }
0xbc: {  	_ =	sfence  }
0xbd: {  	s30 =	sld [smem:$0x0];
	_ =	sdelay $0x2  }
0xbe: {  	s31 =	sshll.u32 s1, $0xD;
	s1 =	sshrl.u32 s1, $0x2  }
0xbf: {  	s3 =	sand.u32 $0x4000, s31;
	s1 =	sadd.s32 s1, s30  }
0xc0: {  	s0 =	sor.u32 s3, s0;
	s1 =	sshll.u32 s1, $0x11  }
0xc1: {  	s0 =	sor.u32 s1, s0  }
0xc2: {  	s0 =	sadd.s32 $0x8F2B, s0  }
0xc3: {  	[sflag:s0] =	ssyncadd.remote.s32 $0x1  }
0xc4: {  	_ =	sfence.sel $0xFFFF  }
0xc5: {  	[dreg:$0x0] =	wrdreg $0xFFFFFFFF;
	(pc) =	sbr.abs _section_cstart, $3  }
0xc6: {  	[dreg:$0x1] =	wrdreg $0xFFFFFFFF  }
0xc7: {  	_ =	task.clear_ibuf [dreg:s7], $0x2FFFF;
	_ =	strace $0x9FFFFFFF  }
0xc8: {  	(tm) =	ssettm $0x7FFFFFFF  }
0xc9: {  	_ =	shalt  }
tec
execute0_lowered:
.L_overlay_start_1:
0x0: {  	(tag) =	ssettag $0x1  }
0x1: {  	s1 =	srdreg.scid;
	s4 =	rddreg [dreg:$0x0]  }
0x2: {  	s0 =	stileid.u32;
	s7 =	rddreg [dreg:$0x1];
	s2 =	simm.s32 $0x0  }
0x3: {  	s12 =	simm.s32 $0x6100;
	s13 =	simm.s32 $0x6080;
	s14 =	simm.s32 $0x6180  }
0x4: {  	s15 =	simm.s32 $0x3;
	s16 =	simm.s32 $0x800;
	s17 =	simm.s32 $0xC00  }
0x5: {  	s18 =	simm.s32 $0x1400;
	s19 =	simm.s32 $0x1800;
	s20 =	simm.s32 $0x2000  }
0x6: {  	s21 =	simm.s32 $0x2400;
	s22 =	simm.s32 $0x2C00;
	s23 =	simm.s32 $0x3800  }
0x7: {  	s24 =	simm.s32 $0x3C00;
	s28 =	simm.s32 $0x5000;
	s29 =	simm.s32 $0x5400  }
0x8: {  	s30 =	simm.s32 $0x5C00;
	s31 =	simm.s32 $0x1;
	s1 =	sand.u32 $0x1, s1  }
0x9: {  	s3 =	sshll.u32 s0, $0x4;
	[smem:$0x7FF] =	sst s2;
	s9 =	sadd.s32 $0xA00, s7  }
0xa: {  	s11 =	sadd.s32 $0x800, s7;
	s5 =	sshll.u32 s1, $0x3;
	_ =	strace $0x80000047  }
0xb: {  	s1 =	ssub.s32 $0x2, s1;
	s5 =	sor.u32 s5, s3;
	s3 =	sadd.s32 $0xC00, s7  }
0xc: {  	s25 =	sshrl.u32 s1, $0x1;
	s6 =	smul.u32 $0x180, s5;
	s8 =	sor.u32 $0x4, s5  }
0xd: {  	s7 =	sadd.s32 $0xD00, s7;
	s26 =	sadd.s32 s9, s5;
	s10 =	smul.u32 $0x180, s8  }
0xe: {  	s1 =	ssub.s32 s1, s25;
	[dreg:$0x5] =	wrdreg s26;
	s6 =	sadd.s32 s4, s6  }
0xf: {  	s25 =	simm.s32 $0x4400;
	[dreg:$0x3] =	wrdreg s6;
	s4 =	sadd.s32 s4, s10  }
0x10: {  	v2 =	vlaneseq.u32;
	s26 =	simm.s32 $0x4800;
	s6 =	sadd.s32 s11, s8;
	[dreg:$0x4] =	wrdreg s4  }
0x11: {  	vm0 =	vmmov $0xffff;
	vm1 =	vmmov $0xff;
	v1 =	vshrl.u32 v2, $0x3;
	s4 =	sadd.s32 s11, s5;
	s5 =	sadd.s32 s9, s8;
	s8 =	smax.u32 s1, $0x1  }
0x12: {  	v0 =	vand.u32 $0x7, v2;
	v2 =	vor.u32 $0x8, v2;
	v1 =	vmul.u32 $0x8, v1;
	s9 =	simm.s32 $0x3000;
	s11 =	simm.s32 $0x4;
	s1 =	simm.s32 $0x2  }
.LBB2_1:
0x13: {  	s0 =	rddreg [dreg:$0x3]  }
0x14: {  	[tilespmem:s2], [sflag:$0x3] =	stream.linear.gather [hbm4b:s0+s2], $0x3000, $0x38;
	[tilespmem:$0x6200] =	vst v63  }
0x15: {  	s10 =	rddreg [dreg:$0x4]  }
0x16: {  	[tilespmem:s9], [sflag:$0x3] =	stream.linear.gather [hbm4b:s10+s2], $0x3000, $0x38;
	[tilespmem:$0x6200] =	vst v63  }
0x17: {  	s0 =	rddreg [dreg:$0x5];
	s10 =	simm.s32 $0x6000  }
0x18: {  	[tilespmem:s10], [sflag:$0x4] =	stream.linear.gather [hbm4b:s0+s2], $0x20, $0x38;
	[tilespmem:$0x6200] =	vst v63  }
0x19: {  	_ =	swait.ge [sflag:s11], $0x20  }
0x1a: {  	[sflag:s11] =	ssyncset.done $0x0  }
0x1b: {  	[sflag:s11] =	ssyncadd.s32 $0xFFFFFFE0  }
0x1c: {  	[tilespmem:s12], [sflag:$0x4] =	stream.linear.gather [hbm4b:s4+s2], $0x20, $0x38;
	[tilespmem:$0x6200] =	vst v63  }
0x1d: {  	_ =	swait.ge [sflag:s11], $0x20  }
0x1e: {  	[sflag:s11] =	ssyncset.done $0x0  }
0x1f: {  	[sflag:s11] =	ssyncadd.s32 $0xFFFFFFE0  }
0x20: {  	[tilespmem:s13], [sflag:$0x4] =	stream.linear.gather [hbm4b:s5+s2], $0x20, $0x38;
	[tilespmem:$0x6200] =	vst v63  }
0x21: {  	_ =	swait.ge [sflag:s11], $0x20  }
0x22: {  	[sflag:s11] =	ssyncset.done $0x0  }
0x23: {  	[sflag:s11] =	ssyncadd.s32 $0xFFFFFFE0  }
0x24: {  	[tilespmem:s14], [sflag:$0x4] =	stream.linear.gather [hbm4b:s6+s2], $0x20, $0x38;
	[tilespmem:$0x6200] =	vst v63  }
0x25: {  	_ =	swait.ge [sflag:s11], $0x20  }
0x26: {  	[sflag:s11] =	ssyncset.done $0x0  }
0x27: {  	[sflag:s11] =	ssyncadd.s32 $0xFFFFFFE0  }
0x28: {  	_ =	swait.ge [sflag:s15], $0x3000  }
0x29: {  	[sflag:s15] =	ssyncset.done $0x0  }
0x2a: {  	[sflag:s15] =	ssyncadd.s32 $0xFFFFD000  }
0x2b: {  	v3 =	vld [tilespmem:$0x6000];
	_ =	sdelay $0x4  }
0x2c: {  	v4 =	vshrl.u32 v3, $0x3  }
0x2d: {  	v4 =	vmul.u32 $0x18, v4  }
0x2e: {  	v3 =	vand.u32 $0x7, v3  }
0x2f: {  	v3 =	vor.u32 v3, v4  }
0x30: {  	v4 =	vperm.xlane v3, v0;
	_ =	sdelay $0x1  }
0x31: {  	v4 =	vadd.s32 v1, v4;
	_ =	sdelay $0x1  }
0x32: {  	v3 =	vperm.xlane v3, v2;
	_ =	sdelay $0x1  }
0x33: {  	v3 =	vadd.s32 v1, v3  }
0x34: {  	[hbm4b:s3+s2] =	stream.indirect_vreg.scatter [tilespmem:s2], [sflag:$0x1], $0x80, v4, vm0, $0xb8;
	[tilespmem:$0x6200] =	vst v63  }
0x35: {  	_ = 	snop  }
0x36: {  	[hbm4b:s7+s2] =	stream.indirect_vreg.scatter [tilespmem:s16], [sflag:$0x1], $0x80, v4, vm1, $0xb8;
	[tilespmem:$0x6200] =	vst v63  }
0x37: {  	_ = 	snop  }
0x38: {  	[hbm4b:s3+s2] =	stream.indirect_vreg.scatter [tilespmem:s17], [sflag:$0x1], $0x80, v3, vm0, $0xb8;
	[tilespmem:$0x6200] =	vst v63  }
0x39: {  	_ = 	snop  }
0x3a: {  	[hbm4b:s7+s2] =	stream.indirect_vreg.scatter [tilespmem:s18], [sflag:$0x1], $0x80, v3, vm1, $0xb8;
	[tilespmem:$0x6200] =	vst v63  }
0x3b: {  	v3 =	vld [tilespmem:$0x6010];
	_ =	sdelay $0x4  }
0x3c: {  	v57 =	vshrl.u32 v3, $0x3  }
0x3d: {  	v4 =	vmul.u32 $0x18, v57  }
0x3e: {  	v3 =	vand.u32 $0x7, v3  }
0x3f: {  	v3 =	vor.u32 v3, v4  }
0x40: {  	v4 =	vperm.xlane v3, v0;
	_ =	sdelay $0x1  }
0x41: {  	v4 =	vadd.s32 v1, v4;
	_ =	sdelay $0x1  }
0x42: {  	v3 =	vperm.xlane v3, v2;
	_ =	sdelay $0x1  }
0x43: {  	v3 =	vadd.s32 v1, v3  }
0x44: {  	[hbm4b:s3+s2] =	stream.indirect_vreg.scatter [tilespmem:s19], [sflag:$0x1], $0x80, v4, vm0, $0xb8;
	[tilespmem:$0x6200] =	vst v63  }
0x45: {  	_ = 	snop  }
0x46: {  	[hbm4b:s7+s2] =	stream.indirect_vreg.scatter [tilespmem:s20], [sflag:$0x1], $0x80, v4, vm1, $0xb8;
	[tilespmem:$0x6200] =	vst v63  }
0x47: {  	_ = 	snop  }
0x48: {  	[hbm4b:s3+s2] =	stream.indirect_vreg.scatter [tilespmem:s21], [sflag:$0x1], $0x80, v3, vm0, $0xb8;
	[tilespmem:$0x6200] =	vst v63  }
0x49: {  	_ = 	snop  }
0x4a: {  	[hbm4b:s7+s2] =	stream.indirect_vreg.scatter [tilespmem:s22], [sflag:$0x1], $0x80, v3, vm1, $0xb8;
	[tilespmem:$0x6200] =	vst v63  }
0x4b: {  	v3 =	vld [tilespmem:$0x6100];
	_ =	sdelay $0x4  }
0x4c: {  	v58 =	vshrl.u32 v3, $0x3  }
0x4d: {  	v4 =	vmul.u32 $0x18, v58  }
0x4e: {  	v3 =	vand.u32 $0x7, v3  }
0x4f: {  	v3 =	vor.u32 v3, v4  }
0x50: {  	v4 =	vperm.xlane v3, v0;
	_ =	sdelay $0x1  }
0x51: {  	v4 =	vadd.s32 v1, v4;
	_ =	sdelay $0x1  }
0x52: {  	v3 =	vperm.xlane v3, v2;
	_ =	sdelay $0x1  }
0x53: {  	v3 =	vadd.s32 v1, v3  }
0x54: {  	[hbm4b:s3+s2] =	stream.indirect_vreg.scatter [tilespmem:s2], [sflag:$0x2], $0x80, v4, vm0, $0xb8;
	[tilespmem:$0x6200] =	vst v63  }
0x55: {  	_ = 	snop  }
0x56: {  	[hbm4b:s7+s2] =	stream.indirect_vreg.scatter [tilespmem:s16], [sflag:$0x2], $0x80, v4, vm1, $0xb8;
	[tilespmem:$0x6200] =	vst v63  }
0x57: {  	_ = 	snop  }
0x58: {  	[hbm4b:s3+s2] =	stream.indirect_vreg.scatter [tilespmem:s17], [sflag:$0x2], $0x80, v3, vm0, $0xb8;
	[tilespmem:$0x6200] =	vst v63  }
0x59: {  	_ = 	snop  }
0x5a: {  	[hbm4b:s7+s2] =	stream.indirect_vreg.scatter [tilespmem:s18], [sflag:$0x2], $0x80, v3, vm1, $0xb8;
	[tilespmem:$0x6200] =	vst v63  }
0x5b: {  	v3 =	vld [tilespmem:$0x6110];
	_ =	sdelay $0x4  }
0x5c: {  	v59 =	vshrl.u32 v3, $0x3  }
0x5d: {  	v4 =	vmul.u32 $0x18, v59  }
0x5e: {  	v3 =	vand.u32 $0x7, v3  }
0x5f: {  	v3 =	vor.u32 v3, v4  }
0x60: {  	v4 =	vperm.xlane v3, v0;
	_ =	sdelay $0x1  }
0x61: {  	v4 =	vadd.s32 v1, v4;
	_ =	sdelay $0x1  }
0x62: {  	v3 =	vperm.xlane v3, v2;
	_ =	sdelay $0x1  }
0x63: {  	v3 =	vadd.s32 v1, v3  }
0x64: {  	[hbm4b:s3+s2] =	stream.indirect_vreg.scatter [tilespmem:s19], [sflag:$0x2], $0x80, v4, vm0, $0xb8;
	[tilespmem:$0x6200] =	vst v63  }
0x65: {  	_ = 	snop  }
0x66: {  	[hbm4b:s7+s2] =	stream.indirect_vreg.scatter [tilespmem:s20], [sflag:$0x2], $0x80, v4, vm1, $0xb8;
	[tilespmem:$0x6200] =	vst v63  }
0x67: {  	_ = 	snop  }
0x68: {  	[hbm4b:s3+s2] =	stream.indirect_vreg.scatter [tilespmem:s21], [sflag:$0x2], $0x80, v3, vm0, $0xb8;
	[tilespmem:$0x6200] =	vst v63  }
0x69: {  	_ = 	snop  }
0x6a: {  	[hbm4b:s7+s2] =	stream.indirect_vreg.scatter [tilespmem:s22], [sflag:$0x2], $0x80, v3, vm1, $0xb8;
	[tilespmem:$0x6200] =	vst v63  }
0x6b: {  	_ =	swait.ge [sflag:s15], $0x3000  }
0x6c: {  	[sflag:s15] =	ssyncset.done $0x0  }
0x6d: {  	[sflag:s15] =	ssyncadd.s32 $0xFFFFD000  }
0x6e: {  	v3 =	vld [tilespmem:$0x6080];
	_ =	sdelay $0x4  }
0x6f: {  	v60 =	vshrl.u32 v3, $0x3  }
0x70: {  	v4 =	vmul.u32 $0x18, v60  }
0x71: {  	v3 =	vand.u32 $0x7, v3  }
0x72: {  	v3 =	vor.u32 v3, v4  }
0x73: {  	v4 =	vperm.xlane v3, v0;
	_ =	sdelay $0x1  }
0x74: {  	v4 =	vadd.s32 v1, v4;
	_ =	sdelay $0x1  }
0x75: {  	v3 =	vperm.xlane v3, v2;
	_ =	sdelay $0x1  }
0x76: {  	v3 =	vadd.s32 v1, v3  }
0x77: {  	[hbm4b:s3+s2] =	stream.indirect_vreg.scatter [tilespmem:s9], [sflag:$0x1], $0x80, v4, vm0, $0xb8;
	[tilespmem:$0x6200] =	vst v63  }
0x78: {  	_ = 	snop  }
0x79: {  	[hbm4b:s7+s2] =	stream.indirect_vreg.scatter [tilespmem:s23], [sflag:$0x1], $0x80, v4, vm1, $0xb8;
	[tilespmem:$0x6200] =	vst v63  }
0x7a: {  	_ = 	snop  }
0x7b: {  	[hbm4b:s3+s2] =	stream.indirect_vreg.scatter [tilespmem:s24], [sflag:$0x1], $0x80, v3, vm0, $0xb8;
	[tilespmem:$0x6200] =	vst v63  }
0x7c: {  	_ = 	snop  }
0x7d: {  	[hbm4b:s7+s2] =	stream.indirect_vreg.scatter [tilespmem:s25], [sflag:$0x1], $0x80, v3, vm1, $0xb8;
	[tilespmem:$0x6200] =	vst v63  }
0x7e: {  	v3 =	vld [tilespmem:$0x6090];
	_ =	sdelay $0x4  }
0x7f: {  	v61 =	vshrl.u32 v3, $0x3  }
0x80: {  	v4 =	vmul.u32 $0x18, v61  }
0x81: {  	v3 =	vand.u32 $0x7, v3  }
0x82: {  	v3 =	vor.u32 v3, v4  }
0x83: {  	v4 =	vperm.xlane v3, v0;
	_ =	sdelay $0x1  }
0x84: {  	v4 =	vadd.s32 v1, v4;
	_ =	sdelay $0x1  }
0x85: {  	v3 =	vperm.xlane v3, v2;
	_ =	sdelay $0x1  }
0x86: {  	v3 =	vadd.s32 v1, v3  }
0x87: {  	[hbm4b:s3+s2] =	stream.indirect_vreg.scatter [tilespmem:s26], [sflag:$0x1], $0x80, v4, vm0, $0xb8;
	[tilespmem:$0x6200] =	vst v63  }
0x88: {  	_ = 	snop  }
0x89: {  	[hbm4b:s7+s2] =	stream.indirect_vreg.scatter [tilespmem:s28], [sflag:$0x1], $0x80, v4, vm1, $0xb8;
	[tilespmem:$0x6200] =	vst v63  }
0x8a: {  	_ = 	snop  }
0x8b: {  	[hbm4b:s3+s2] =	stream.indirect_vreg.scatter [tilespmem:s29], [sflag:$0x1], $0x80, v3, vm0, $0xb8;
	[tilespmem:$0x6200] =	vst v63  }
0x8c: {  	_ = 	snop  }
0x8d: {  	[hbm4b:s7+s2] =	stream.indirect_vreg.scatter [tilespmem:s30], [sflag:$0x1], $0x80, v3, vm1, $0xb8;
	[tilespmem:$0x6200] =	vst v63  }
0x8e: {  	v3 =	vld [tilespmem:$0x6180];
	_ =	sdelay $0x4  }
0x8f: {  	v62 =	vshrl.u32 v3, $0x3  }
0x90: {  	v4 =	vmul.u32 $0x18, v62  }
0x91: {  	v3 =	vand.u32 $0x7, v3  }
0x92: {  	v3 =	vor.u32 v3, v4  }
0x93: {  	v4 =	vperm.xlane v3, v0;
	_ =	sdelay $0x1  }
0x94: {  	v4 =	vadd.s32 v1, v4;
	_ =	sdelay $0x1  }
0x95: {  	v3 =	vperm.xlane v3, v2;
	_ =	sdelay $0x1  }
0x96: {  	v3 =	vadd.s32 v1, v3  }
0x97: {  	[hbm4b:s3+s2] =	stream.indirect_vreg.scatter [tilespmem:s9], [sflag:$0x2], $0x80, v4, vm0, $0xb8;
	[tilespmem:$0x6200] =	vst v63  }
0x98: {  	_ = 	snop  }
0x99: {  	[hbm4b:s7+s2] =	stream.indirect_vreg.scatter [tilespmem:s23], [sflag:$0x2], $0x80, v4, vm1, $0xb8;
	[tilespmem:$0x6200] =	vst v63  }
0x9a: {  	_ = 	snop  }
0x9b: {  	[hbm4b:s3+s2] =	stream.indirect_vreg.scatter [tilespmem:s24], [sflag:$0x2], $0x80, v3, vm0, $0xb8;
	[tilespmem:$0x6200] =	vst v63  }
0x9c: {  	_ = 	snop  }
0x9d: {  	[hbm4b:s7+s2] =	stream.indirect_vreg.scatter [tilespmem:s25], [sflag:$0x2], $0x80, v3, vm1, $0xb8;
	[tilespmem:$0x6200] =	vst v63  }
0x9e: {  	v3 =	vld [tilespmem:$0x6190];
	_ =	sdelay $0x4  }
0x9f: {  	v63 =	vshrl.u32 v3, $0x3  }
0xa0: {  	v4 =	vmul.u32 $0x18, v63  }
0xa1: {  	v3 =	vand.u32 $0x7, v3  }
0xa2: {  	v3 =	vor.u32 v3, v4  }
0xa3: {  	v4 =	vperm.xlane v3, v0;
	_ =	sdelay $0x1  }
0xa4: {  	v4 =	vadd.s32 v1, v4;
	_ =	sdelay $0x1  }
0xa5: {  	v3 =	vperm.xlane v3, v2;
	_ =	sdelay $0x1  }
0xa6: {  	v3 =	vadd.s32 v1, v3  }
0xa7: {  	[hbm4b:s3+s2] =	stream.indirect_vreg.scatter [tilespmem:s26], [sflag:$0x2], $0x80, v4, vm0, $0xb8;
	[tilespmem:$0x6200] =	vst v63  }
0xa8: {  	_ = 	snop  }
0xa9: {  	[hbm4b:s7+s2] =	stream.indirect_vreg.scatter [tilespmem:s28], [sflag:$0x2], $0x80, v4, vm1, $0xb8;
	[tilespmem:$0x6200] =	vst v63  }
0xaa: {  	_ = 	snop  }
0xab: {  	[hbm4b:s3+s2] =	stream.indirect_vreg.scatter [tilespmem:s29], [sflag:$0x2], $0x80, v3, vm0, $0xb8;
	[tilespmem:$0x6200] =	vst v63  }
0xac: {  	_ = 	snop  }
0xad: {  	[hbm4b:s7+s2] =	stream.indirect_vreg.scatter [tilespmem:s30], [sflag:$0x2], $0x80, v3, vm1, $0xb8;
	[tilespmem:$0x6200] =	vst v63  }
0xae: {  	_ =	swait.ge [sflag:s31], $0x3000  }
0xaf: {  	[sflag:s31] =	ssyncset.done $0x0  }
0xb0: {  	[sflag:s31] =	ssyncadd.s32 $0xFFFFD000  }
0xb1: {  	_ =	swait.ge [sflag:s1], $0x3000  }
0xb2: {  	[sflag:s1] =	ssyncset.done $0x0  }
0xb3: {  	[sflag:s1] =	ssyncadd.s32 $0xFFFFD000  }
0xb4: {  	p0 =	sne.s32 s8, $0x1;
	_ =	swait.ge [sflag:s31], $0x3000  }
.Ltmp0:
0xb5: {  	[sflag:s31] =	ssyncset.done $0x0;
	(pc) =	sbr.rel @p0 .LBB2_1-.Ltmp0, $4  }
0xb6: {  	[sflag:s31] =	ssyncadd.s32 $0xFFFFD000  }
0xb7: {  	_ =	swait.ge [sflag:s1], $0x3000  }
0xb8: {  	[sflag:s1] =	ssyncset.done $0x0  }
0xb9: {  	s8 =	sadd.s32 $0xFFFFFFFF, s8;
	[sflag:s1] =	ssyncadd.s32 $0xFFFFD000  }
0xba: {  	_ =	sfence.sel $0x180000  }
0xbb: {  	[bflag:$0x0] =	sbarrier.arrive $0xFFFF  }
0xbc: {  	_ =	strace $0x90000047  }
0xbd: {  	s0 =	stileid.u32;
	[bflag:$0x2] =	sbarrier.arrive $0xFFFF  }
0xbe: {  	p0 =	sne.s32 s0, $0x0;
	s0 =	rddreg [dreg:$0x2]  }
0xbf: {  	s0 =	sadd.s32 @!p0 $0x100000, s0  }
0xc0: {  	[sflag:s0] =	ssyncadd.tile.s32 @!p0 $0x1;
	_ =	shalt  }
.Lfunc_end2:
_tile_overlayer_lowered:
.L_overlay_start_2:
0xc1: {  	(tag) =	ssettag $0x2  }
0xc2: {  	s0 =	rddreg [dreg:$0x0];
	s2 =	stileid.u32  }
0xc3: {  	s1 =	rddreg [dreg:$0x1];
	p0 =	sne.s32 s2, $0x0  }
0xc4: {  	s3 =	rddreg [dreg:$0x2];
	[bflag:$0x3] =	sbarrier.arrive $0xFFFF;
	s2 =	simm.s32 @!p0 $0x1C04  }
0xc5: {  	[timem:s3], [sflag:s2] =	dma.local @!p0 [hbm:s0], s1  }
0xc6: {  	s0 =	simm.s32 @!p0 $0x4  }
0xc7: {  	_ =	swait.ge @!p0 [sflag:s0], s1  }
0xc8: {  	s1 =	ssub.s32 @!p0 $0x0, s1;
	[sflag:s0] =	ssyncset.done @!p0 $0x0  }
0xc9: {  	[sflag:s0] =	ssyncadd.s32 @!p0 s1  }
0xca: {  	[bflag:$0x3] =	sbarrier.arrive $0xFFFF  }
0xcb: {  	_ =	shalt  }

// kernel: kernel.9.cloned.1.call-start
scs
__scs_entry_jumppad:
0x0: {  	(pc) =	sbr.rel $0x88, $3  }
0x1: {  	(tag) =	ssettag $0x0;
	lr =	simm.s32 $0x1  }
0x2: {  	[smem:$0x3F9C] =	sst lr;
	_ =	strace $0xD0000000  }
0x3: {  	_ = 	snop  }
0x4: {  	_ = 	snop  }
0x5: {  	_ = 	snop  }
0x6: {  	_ = 	snop  }
0x7: {  	_ = 	snop  }
__scs_overlays_trampoline_lowered:
0x8: {  	[smem:$0x3FAB] =	sst s0  }
0x9: {  	[smem:$0x3FAC] =	sst s1  }
0xa: {  	[smem:$0x3FAD] =	sst s2  }
0xb: {  	[smem:$0x3FAE] =	sst s3  }
0xc: {  	[smem:$0x3FAF] =	sst s4  }
0xd: {  	[smem:$0x3FB0] =	sst s5  }
0xe: {  	[smem:$0x3FB1] =	sst s6  }
0xf: {  	[smem:$0x3FB2] =	sst s7  }
0x10: {  	[smem:$0x3FB3] =	sst s8  }
0x11: {  	[smem:$0x3FB4] =	sst s9;
	s0 =	simm.s32 @!p0 $0x0  }
0x12: {  	s1 =	sld [smem:$0x3F9A];
	s0 =	simm.s32 @p0 $0x1  }
0x13: {  	[smem:$0x3FB5] =	sst s0;
	s0 =	simm.s32 @!p1 $0x0  }
0x14: {  	s2 =	sld [smem:$0x3F99];
	s0 =	simm.s32 @p1 $0x1  }
0x15: {  	[smem:$0x3FB6] =	sst s0;
	s0 =	simm.s32 @!p2 $0x0  }
0x16: {  	s3 =	sld [smem:$0x3FDB];
	s0 =	simm.s32 @p2 $0x1  }
0x17: {  	s4 =	simm.s32 $0x1BF5;
	[smem:$0x3FB8] =	sst s0  }
0x18: {  	s0 =	sld [smem:$0x3F9B];
	_ =	swait.ge [sflag:s4], $0x0  }
0x19: {  	s7 =	sld [smem:$0x3F9C]  }
0x1a: {  	s8 =	sadd.s32 $0xFFFFE003, lr  }
0x1b: {  	s9 =	sadd.s32 $0xFFFFFEF7, lr;
	s5 =	simm.s32 $0xFFFFFFFF;
	p2 =	slt.u32 s8, $0xFFFFF086  }
0x1c: {  	p1 =	slt.u32 s9, $0xF7A;
	s5 =	simm.s32 @!p2 $0x0  }
0x1d: {  	s5 =	simm.s32 @p1 $0x1;
	p0 =	seq.s32 s7, s2  }
0x1e: {  	s7 =	smul.u32 @!p0 $0xF7A, s2;
	p2 =	seq.s32 @!p0 s5, $0x0  }
0x1f: {  	s9 =	smul.u32 $0xF7A, s1;
	s8 =	simm.s32 @!p0 $0x1BF5;
	p2 =	por !p2, p0  }
0x20: {  	[sflag:s8] =	ssyncset.s32 @!p0 $0xFFFFF086;
	s6 =	sadd.s32 @!p0 s3, s7;
	s7 =	simm.s32 @!p0 $0x108  }
0x21: {  	s3 =	sadd.s32 s3, s9;
	s6 =	sadd.s32 @!p0 $0x88, s6;
	s7 =	simm.s32 @p2 $0x1082  }
0x22: {  	[simem:s7], [sflag:s8] =	dma.local @!p0 [hbm:s6], $0xF7A  }
0x23: {  	s9 =	sor.u32 $0xD0000000, s2;
	s6 =	simm.s32 $0x108;
	_ =	swait.ge @!p0 [sflag:s8], $0x0  }
0x24: {  	s3 =	sadd.s32 $0x88, s3;
	s6 =	simm.s32 @!p1 $0x1082;
	[sflag:s4] =	ssyncset.s32 $0xFFFFF086  }
0x25: {  	[simem:s6], [sflag:s4] =	dma.local [hbm:s3], $0xF7A  }
0x26: {  	[smem:$0x3F9C] =	sst s1;
	(tag) =	ssettag s2;
	_ =	strace s9  }
0x27: {  	s1 =	sld [smem:$0x3FAC]  }
0x28: {  	s2 =	sld [smem:$0x3FAD]  }
0x29: {  	s4 =	sld [smem:$0x3FAF]  }
0x2a: {  	p0 =	seq.s32 s5, $0x0;
	s5 =	sld [smem:$0x3FB0]  }
0x2b: {  	s6 =	sld [smem:$0x3FB1]  }
0x2c: {  	s7 =	sld [smem:$0x3FB2]  }
0x2d: {  	s3 =	simm.s32 $0x108;
	s8 =	sld [smem:$0x3FB3]  }
0x2e: {  	s3 =	simm.s32 @!p0 $0x1082;
	s9 =	sld [smem:$0x3FB4]  }
0x2f: {  	lr =	sadd.s32 s0, s3;
	s0 =	sld [smem:$0x3FAB]  }
0x30: {  	s3 =	sld [smem:$0x3FAE]  }
0x31: {  	[smem:$0x3FB7] =	sst s10  }
0x32: {  	s10 =	sld [smem:$0x3FB5];
	_ =	sdelay $0x3  }
0x33: {  	p0 =	seq.s32 s10, $0x1;
	s10 =	sld [smem:$0x3FB7];
	_ =	sdelay $0x3  }
0x34: {  	[smem:$0x3FB7] =	sst s10  }
0x35: {  	s10 =	sld [smem:$0x3FB6];
	_ =	sdelay $0x3  }
0x36: {  	p1 =	seq.s32 s10, $0x1;
	s10 =	sld [smem:$0x3FB7];
	_ =	sdelay $0x3  }
0x37: {  	[smem:$0x3FB7] =	sst s10  }
0x38: {  	s10 =	sld [smem:$0x3FB8]  }
0x39: {  	_ = 	snop;
	(pc) =	sbr.ind lr, $3  }
0x3a: {  	_ = 	snop  }
0x3b: {  	_ = 	snop  }
0x3c: {  	p2 =	seq.s32 s10, $0x1;
	s10 =	sld [smem:$0x3FB7]  }
0x3d: {  	_ =	shalt  }
0x3e: {  	_ =	shalt  }
0x3f: {  	_ =	shalt  }
0x40: {  	_ =	shalt  }
0x41: {  	_ =	shalt  }
0x42: {  	_ =	shalt  }
0x43: {  	_ =	shalt  }
0x44: {  	_ =	shalt  }
0x45: {  	_ =	shalt  }
0x46: {  	_ =	shalt  }
0x47: {  	_ =	shalt  }
0x48: {  	_ =	shalt  }
0x49: {  	_ =	shalt  }
0x4a: {  	_ =	shalt  }
0x4b: {  	_ =	shalt  }
0x4c: {  	_ =	shalt  }
0x4d: {  	_ =	shalt  }
0x4e: {  	_ =	shalt  }
0x4f: {  	_ =	shalt  }
0x50: {  	_ =	shalt  }
0x51: {  	_ =	shalt  }
0x52: {  	_ =	shalt  }
0x53: {  	_ =	shalt  }
0x54: {  	_ =	shalt  }
0x55: {  	_ =	shalt  }
0x56: {  	_ =	shalt  }
0x57: {  	_ =	shalt  }
0x58: {  	_ =	shalt  }
0x59: {  	_ =	shalt  }
0x5a: {  	_ =	shalt  }
0x5b: {  	_ =	shalt  }
0x5c: {  	_ =	shalt  }
0x5d: {  	_ =	shalt  }
0x5e: {  	_ =	shalt  }
0x5f: {  	_ =	shalt  }
0x60: {  	_ =	shalt  }
0x61: {  	_ =	shalt  }
0x62: {  	_ =	shalt  }
0x63: {  	_ =	shalt  }
0x64: {  	_ =	shalt  }
0x65: {  	_ =	shalt  }
0x66: {  	_ =	shalt  }
0x67: {  	_ =	shalt  }
0x68: {  	_ =	shalt  }
0x69: {  	_ =	shalt  }
0x6a: {  	_ =	shalt  }
0x6b: {  	_ =	shalt  }
0x6c: {  	_ =	shalt  }
0x6d: {  	_ =	shalt  }
0x6e: {  	_ =	shalt  }
0x6f: {  	_ =	shalt  }
0x70: {  	_ =	shalt  }
0x71: {  	_ =	shalt  }
0x72: {  	_ =	shalt  }
0x73: {  	_ =	shalt  }
0x74: {  	_ =	shalt  }
0x75: {  	_ =	shalt  }
0x76: {  	_ =	shalt  }
0x77: {  	_ =	shalt  }
0x78: {  	_ =	shalt  }
0x79: {  	_ =	shalt  }
0x7a: {  	_ =	shalt  }
0x7b: {  	_ =	shalt  }
0x7c: {  	_ =	shalt  }
0x7d: {  	_ =	shalt  }
0x7e: {  	_ =	shalt  }
0x7f: {  	_ =	shalt  }
0x80: {  	_ =	shalt  }
0x81: {  	_ =	shalt  }
0x82: {  	_ =	shalt  }
0x83: {  	_ =	shalt  }
0x84: {  	_ =	shalt  }
0x85: {  	_ =	shalt  }
0x86: {  	_ =	shalt  }
0x87: {  	_ =	shalt  }
.Lfunc_end0:
.L_simem_size_0:
called_computation.1_lowered:
.L_overlay_start_0:
0x88: {  	s2 =	sld [smem:$0x3FD9]  }
0x89: {  	s3 =	sld [smem:$0x3FFE];
	_ =	sdelay $0x1  }
0x8a: {  	s1 =	srdreg.scid  }
0x8b: {  	s0 =	sand.u32 $0x1, s1  }
0x8c: {  	s14 =	sshll.u32 s0, $0xA;
	s2 =	sadd.s32 s3, s2  }
0x8d: {  	s2 =	sadd.s32 s2, s14  }
0x8e: {  	[smem:$0x3FC3] =	sst s2  }
0x8f: {  	_ = 	snop  }
0x90: {  	s2 =	sld [smem:$0x3FD0];
	_ =	sdelay $0x2  }
0x91: {  	s15 =	simm.s32 $0xA;
	s4 =	simm.s32 $0x10  }
0x92: {  	[smem:s4], [sflag:s15] =	dma.local [hbm:s2], $0x1  }
0x93: {  	_ =	swait.eq [sflag:s15], $0x1  }
0x94: {  	[sflag:s15] =	ssyncset.done $0x0  }
0x95: {  	[sflag:s15] =	ssyncadd.s32 $0xFFFFFFFF  }
0x96: {  	s16 =	sld [smem:$0x10];
	(tm) =	ssettm $0x1  }
0x97: {  	s17 =	sld [smem:$0x3FFB];
	_ =	sdelay $0x3  }
0x98: {  	_ =	strace s17  }
0x99: {  	s3 =	sld [smem:$0x3FFC];
	_ =	sdelay $0x3  }
0x9a: {  	_ =	strace s3  }
0x9b: {  	s3 =	sld [smem:$0x3FFD];
	_ =	sdelay $0x3  }
0x9c: {  	_ =	strace s3  }
0x9d: {  	_ =	strace $0x8FFFFFFF  }
0x9e: {  	s18 =	sld [smem:$0x3FDB];
	_ =	sdelay $0x1  }
0x9f: {  	s19 =	simm.s32 $_scs_section_size  }
0xa0: {  	s5 =	simm.s32 $_size__tile_overlayer_lowered;
	s6 =	simm.s32 $_tile_overlayer_lowered  }
0xa1: {  	s22 =	simm.s32 $0x1BFF;
	s21 =	sshll.u32 s6, $0x1;
	s3 =	sadd.s32 s19, s18  }
0xa2: {  	s7 =	simm.s32 $0x0;
	s20 =	sshll.u32 s5, $0x1;
	s5 =	sadd.s32 s21, s3  }
0xa3: {  	[timem:s7], [sflag:s22] =	dma.local [hbm:s5], s20  }
0xa4: {  	_ =	swait.ge [sflag:s22], s20  }
0xa5: {  	s4 =	ssub.s32 $0x0, s20;
	[sflag:s22] =	ssyncset.done $0x0  }
0xa6: {  	[sflag:s22] =	ssyncadd.s32 s4;
	_ =	sdelay $0x1  }
0xa7: {  	s23 =	simm.s32 $0x1B8B  }
0xa8: {  	_ =	swait.ge [sflag:s23], $0x1  }
0xa9: {  	[sflag:s23] =	ssyncset.done $0x0  }
0xaa: {  	s25 =	simm.s32 $0x1B8E;
	s24 =	sld [smem:$0x3FFE];
	[sflag:s23] =	ssyncadd.s32 $0xFFFFFFFF  }
0xab: {  	s26 =	simm.s32 $execute0_lowered;
	[smem:$0x3FD2] =	sst s25  }
0xac: {  	s5 =	sshll.u32 s26, $0x1;
	_ =	strace $0x80000049;
	[dreg:$0x1] =	wrdreg $0xFFFFFFFF  }
0xad: {  	s28 =	simm.s32 $_size_execute0_lowered;
	s3 =	sadd.s32 s3, s5;
	[dreg:$0x0] =	wrdreg $0x0  }
0xae: {  	s5 =	sshll.u32 s28, $0x1;
	[dreg:$0x2] =	wrdreg s3  }
0xaf: {  	[dreg:$0x3] =	wrdreg s5  }
0xb0: {  	[dreg:$0x4] =	wrdreg $0xC0  }
0xb1: {  	_ =	task [dreg:s7], $0x5FFFF  }
0xb2: {  	[dreg:$0x1] =	wrdreg $0xFFFFFFFF  }
0xb3: {  	[dreg:$0x0] =	wrdreg $0x60  }
0xb4: {  	[dreg:$0x2] =	wrdreg s24  }
0xb5: {  	[dreg:$0x3] =	wrdreg s16  }
0xb6: {  	[dreg:$0x4] =	wrdreg $0x9  }
0xb7: {  	_ =	task.clear_ibuf [dreg:s7], $0x5FFFF;
	_ =	strace $0x90000049  }
0xb8: {  	s29 =	simm.s32 $0x9;
	_ =	strace $0x8000004B  }
0xb9: {  	_ =	swait.ge [sflag:s29], $0x1  }
0xba: {  	[sflag:s29] =	ssyncadd.s32 $0xFFFFFFFF  }
0xbb: {  	_ =	strace $0x9000004B  }
0xbc: {  	_ =	sfence  }
0xbd: {  	s30 =	sld [smem:$0x0];
	_ =	sdelay $0x2  }
0xbe: {  	s31 =	sshll.u32 s1, $0xD;
	s1 =	sshrl.u32 s1, $0x2  }
0xbf: {  	s3 =	sand.u32 $0x4000, s31;
	s1 =	sadd.s32 s1, s30  }
0xc0: {  	s0 =	sor.u32 s3, s0;
	s1 =	sshll.u32 s1, $0x11  }
0xc1: {  	s0 =	sor.u32 s1, s0  }
0xc2: {  	s0 =	sadd.s32 $0x8F2B, s0  }
0xc3: {  	[sflag:s0] =	ssyncadd.remote.s32 $0x1  }
0xc4: {  	_ =	sfence.sel $0xFFFF  }
0xc5: {  	[dreg:$0x0] =	wrdreg $0xFFFFFFFF;
	(pc) =	sbr.abs _section_cstart, $3  }
0xc6: {  	[dreg:$0x1] =	wrdreg $0xFFFFFFFF  }
0xc7: {  	_ =	task.clear_ibuf [dreg:s7], $0x2FFFF;
	_ =	strace $0x9FFFFFFF  }
0xc8: {  	(tm) =	ssettm $0x7FFFFFFF  }
0xc9: {  	_ =	shalt  }
tec
execute0_lowered:
.L_overlay_start_1:
0x0: {  	(tag) =	ssettag $0x1  }
0x1: {  	s0 =	rddreg [dreg:$0x0]  }
0x2: {  	s1 =	rddreg [dreg:$0x1];
	s3 =	srdreg.scid  }
0x3: {  	s2 =	simm.s32 $0x0;
	s4 =	stileid.u32;
	s12 =	simm.s32 $0x4  }
0x4: {  	s20 =	simm.s32 $0x1;
	s21 =	simm.s32 $0x2;
	s22 =	simm.s32 $0x3  }
0x5: {  	s23 =	simm.s32 $0x0;
	s3 =	sand.u32 $0x1, s3;
	[smem:$0x7FF] =	sst s2  }
0x6: {  	s4 =	sshll.u32 s4, $0x4;
	s5 =	sshll.u32 s3, $0x3;
	_ =	strace $0x8000004A  }
0x7: {  	s29 =	ssub.s32 $0x2, s3;
	s3 =	sadd.s32 $0xC00, s0;
	s4 =	sor.u32 s5, s4  }
0x8: {  	s7 =	sshrl.u32 s29, $0x1;
	s6 =	sadd.s32 s4, s0;
	s8 =	smul.u32 $0x1800, s4  }
0x9: {  	s5 =	ssub.s32 s29, s7;
	s4 =	smul.u32 $0x300, s4;
	s30 =	sadd.s32 $0xA00, s6  }
0xa: {  	s7 =	sadd.s32 $0xE00, s0;
	s6 =	sadd.s32 $0x800, s6;
	[dreg:$0x3] =	wrdreg s30  }
0xb: {  	v2 =	vlaneseq.u32;
	s10 =	smax.u32 s5, $0x1;
	[dreg:$0x4] =	wrdreg s6;
	s8 =	sshrl.u32 s8, $0x3  }
0xc: {  	vm0 =	vmmov $0xffff;
	v1 =	vshrl.u32 v2, $0x3;
	s6 =	sadd.s32 $0xD00, s0;
	s31 =	sadd.s32 s1, s8;
	s1 =	sadd.s32 s1, s4  }
0xd: {  	v0 =	vand.u32 $0x7, v2;
	v2 =	vor.u32 $0x8, v2;
	v1 =	vmul.u32 $0x8, v1;
	s4 =	simm.s32 $0x6000;
	[dreg:$0x5] =	wrdreg s1;
	s9 =	sadd.s32 $0xC00, s31  }
.LBB2_1:
0xe: {  	s0 =	rddreg [dreg:$0x3];
	s1 =	simm.s32 $0x18000  }
0xf: {  	[tilespmem:s1], [sflag:$0x4] =	stream.linear.gather [hbm4b:s0+s2], $0x40, $0x38;
	[tilespmem:$0x18100] =	vst v63  }
0x10: {  	_ =	swait.ge [sflag:s12], $0x40  }
0x11: {  	[sflag:s12] =	ssyncset.done $0x0  }
0x12: {  	s30 =	simm.s32 $0x18080;
	s29 =	rddreg [dreg:$0x4];
	[sflag:s12] =	ssyncadd.s32 $0xFFFFFFC0  }
0x13: {  	[tilespmem:s30], [sflag:$0x4] =	stream.linear.gather [hbm4b:s29+s2], $0x40, $0x38;
	[tilespmem:$0x18100] =	vst v63  }
0x14: {  	_ =	swait.ge [sflag:s12], $0x40  }
0x15: {  	[sflag:s12] =	ssyncset.done $0x0  }
0x16: {  	[sflag:s12] =	ssyncadd.s32 $0xFFFFFFC0  }
0x17: {  	v3 =	vld [tilespmem:$0x18000];
	_ =	sdelay $0x4  }
0x18: {  	v4 =	vshrl.u32 v3, $0x3  }
0x19: {  	v4 =	vmul.u32 $0x30, v4  }
0x1a: {  	v3 =	vand.u32 $0x7, v3  }
0x1b: {  	v3 =	vor.u32 v3, v4  }
0x1c: {  	v4 =	vperm.xlane v3, v0;
	_ =	sdelay $0x1  }
0x1d: {  	v4 =	vadd.s32 v1, v4;
	_ =	sdelay $0x3  }
0x1e: {  	v3 =	vperm.xlane v3, v2  }
0x1f: {  	[tilespmem:s2], [sflag:$0x1] =	stream.indirect_vreg.gather [hbm4b:s3+s2], $0x80, v4, vm0, $0xb8;
	[tilespmem:$0x18100] =	vst v63  }
0x20: {  	s31 =	simm.s32 $0x800;
	v3 =	vadd.s32 v1, v3  }
0x21: {  	[tilespmem:s31], [sflag:$0x1] =	stream.indirect_vreg.gather [hbm4b:s6+s2], $0x80, v4, vm0, $0xb8;
	[tilespmem:$0x18100] =	vst v63  }
0x22: {  	s1 =	simm.s32 $0x1000  }
0x23: {  	[tilespmem:s1], [sflag:$0x1] =	stream.indirect_vreg.gather [hbm4b:s7+s2], $0x80, v4, vm0, $0xb8;
	[tilespmem:$0x18100] =	vst v63  }
0x24: {  	s5 =	simm.s32 $0x1800  }
0x25: {  	[tilespmem:s5], [sflag:$0x1] =	stream.indirect_vreg.gather [hbm4b:s3+s2], $0x80, v3, vm0, $0xb8;
	[tilespmem:$0x18100] =	vst v63  }
0x26: {  	s8 =	simm.s32 $0x2000  }
0x27: {  	[tilespmem:s8], [sflag:$0x1] =	stream.indirect_vreg.gather [hbm4b:s6+s2], $0x80, v3, vm0, $0xb8;
	[tilespmem:$0x18100] =	vst v63  }
0x28: {  	s11 =	simm.s32 $0x2800  }
0x29: {  	[tilespmem:s11], [sflag:$0x1] =	stream.indirect_vreg.gather [hbm4b:s7+s2], $0x80, v3, vm0, $0xb8;
	[tilespmem:$0x18100] =	vst v63  }
0x2a: {  	v3 =	vld [tilespmem:$0x18010];
	_ =	sdelay $0x4  }
0x2b: {  	v4 =	vshrl.u32 v3, $0x3  }
0x2c: {  	v4 =	vmul.u32 $0x30, v4  }
0x2d: {  	v3 =	vand.u32 $0x7, v3  }
0x2e: {  	v3 =	vor.u32 v3, v4  }
0x2f: {  	v4 =	vperm.xlane v3, v0;
	_ =	sdelay $0x1  }
0x30: {  	v4 =	vadd.s32 v1, v4;
	_ =	sdelay $0x3  }
0x31: {  	s13 =	simm.s32 $0x3000;
	v3 =	vperm.xlane v3, v2  }
0x32: {  	[tilespmem:s13], [sflag:$0x1] =	stream.indirect_vreg.gather [hbm4b:s3+s2], $0x80, v4, vm0, $0xb8;
	[tilespmem:$0x18100] =	vst v63  }
0x33: {  	s14 =	simm.s32 $0x3800;
	v3 =	vadd.s32 v1, v3  }
0x34: {  	[tilespmem:s14], [sflag:$0x1] =	stream.indirect_vreg.gather [hbm4b:s6+s2], $0x80, v4, vm0, $0xb8;
	[tilespmem:$0x18100] =	vst v63  }
0x35: {  	s15 =	simm.s32 $0x4000  }
0x36: {  	[tilespmem:s15], [sflag:$0x1] =	stream.indirect_vreg.gather [hbm4b:s7+s2], $0x80, v4, vm0, $0xb8;
	[tilespmem:$0x18100] =	vst v63  }
0x37: {  	s16 =	simm.s32 $0x4800  }
0x38: {  	[tilespmem:s16], [sflag:$0x1] =	stream.indirect_vreg.gather [hbm4b:s3+s2], $0x80, v3, vm0, $0xb8;
	[tilespmem:$0x18100] =	vst v63  }
0x39: {  	s17 =	simm.s32 $0x5000  }
0x3a: {  	[tilespmem:s17], [sflag:$0x1] =	stream.indirect_vreg.gather [hbm4b:s6+s2], $0x80, v3, vm0, $0xb8;
	[tilespmem:$0x18100] =	vst v63  }
0x3b: {  	s18 =	simm.s32 $0x5800  }
0x3c: {  	[tilespmem:s18], [sflag:$0x1] =	stream.indirect_vreg.gather [hbm4b:s7+s2], $0x80, v3, vm0, $0xb8;
	[tilespmem:$0x18100] =	vst v63  }
0x3d: {  	v3 =	vld [tilespmem:$0x18080];
	_ =	sdelay $0x4  }
0x3e: {  	v4 =	vshrl.u32 v3, $0x3  }
0x3f: {  	v4 =	vmul.u32 $0x30, v4  }
0x40: {  	v3 =	vand.u32 $0x7, v3  }
0x41: {  	v3 =	vor.u32 v3, v4  }
0x42: {  	v4 =	vperm.xlane v3, v0;
	_ =	sdelay $0x1  }
0x43: {  	v4 =	vadd.s32 v1, v4;
	_ =	sdelay $0x3  }
0x44: {  	s19 =	simm.s32 $0xC000;
	v3 =	vperm.xlane v3, v2  }
0x45: {  	[tilespmem:s19], [sflag:$0x2] =	stream.indirect_vreg.gather [hbm4b:s3+s2], $0x80, v4, vm0, $0xb8;
	[tilespmem:$0x18100] =	vst v63  }
0x46: {  	s24 =	simm.s32 $0xC800;
	v3 =	vadd.s32 v1, v3  }
0x47: {  	[tilespmem:s24], [sflag:$0x2] =	stream.indirect_vreg.gather [hbm4b:s6+s2], $0x80, v4, vm0, $0xb8;
	[tilespmem:$0x18100] =	vst v63  }
0x48: {  	s25 =	simm.s32 $0xD000  }
0x49: {  	[tilespmem:s25], [sflag:$0x2] =	stream.indirect_vreg.gather [hbm4b:s7+s2], $0x80, v4, vm0, $0xb8;
	[tilespmem:$0x18100] =	vst v63  }
0x4a: {  	s26 =	simm.s32 $0xD800  }
0x4b: {  	[tilespmem:s26], [sflag:$0x2] =	stream.indirect_vreg.gather [hbm4b:s3+s2], $0x80, v3, vm0, $0xb8;
	[tilespmem:$0x18100] =	vst v63  }
0x4c: {  	s29 =	simm.s32 $0xE000  }
0x4d: {  	[tilespmem:s29], [sflag:$0x2] =	stream.indirect_vreg.gather [hbm4b:s6+s2], $0x80, v3, vm0, $0xb8;
	[tilespmem:$0x18100] =	vst v63  }
0x4e: {  	s30 =	simm.s32 $0xE800  }
0x4f: {  	[tilespmem:s30], [sflag:$0x2] =	stream.indirect_vreg.gather [hbm4b:s7+s2], $0x80, v3, vm0, $0xb8;
	[tilespmem:$0x18100] =	vst v63  }
0x50: {  	v3 =	vld [tilespmem:$0x18090];
	_ =	sdelay $0x4  }
0x51: {  	v4 =	vshrl.u32 v3, $0x3  }
0x52: {  	v4 =	vmul.u32 $0x30, v4  }
0x53: {  	v3 =	vand.u32 $0x7, v3  }
0x54: {  	v3 =	vor.u32 v3, v4  }
0x55: {  	v4 =	vperm.xlane v3, v0;
	_ =	sdelay $0x1  }
0x56: {  	v4 =	vadd.s32 v1, v4;
	_ =	sdelay $0x3  }
0x57: {  	s31 =	simm.s32 $0xF000;
	v3 =	vperm.xlane v3, v2  }
0x58: {  	[tilespmem:s31], [sflag:$0x2] =	stream.indirect_vreg.gather [hbm4b:s3+s2], $0x80, v4, vm0, $0xb8;
	[tilespmem:$0x18100] =	vst v63  }
0x59: {  	s1 =	simm.s32 $0xF800;
	v3 =	vadd.s32 v1, v3  }
0x5a: {  	[tilespmem:s1], [sflag:$0x2] =	stream.indirect_vreg.gather [hbm4b:s6+s2], $0x80, v4, vm0, $0xb8;
	[tilespmem:$0x18100] =	vst v63  }
0x5b: {  	s5 =	simm.s32 $0x10000  }
0x5c: {  	[tilespmem:s5], [sflag:$0x2] =	stream.indirect_vreg.gather [hbm4b:s7+s2], $0x80, v4, vm0, $0xb8;
	[tilespmem:$0x18100] =	vst v63  }
0x5d: {  	s8 =	simm.s32 $0x10800  }
0x5e: {  	[tilespmem:s8], [sflag:$0x2] =	stream.indirect_vreg.gather [hbm4b:s3+s2], $0x80, v3, vm0, $0xb8;
	[tilespmem:$0x18100] =	vst v63  }
0x5f: {  	s11 =	simm.s32 $0x11000  }
0x60: {  	[tilespmem:s11], [sflag:$0x2] =	stream.indirect_vreg.gather [hbm4b:s6+s2], $0x80, v3, vm0, $0xb8;
	[tilespmem:$0x18100] =	vst v63  }
0x61: {  	s13 =	simm.s32 $0x11800  }
0x62: {  	[tilespmem:s13], [sflag:$0x2] =	stream.indirect_vreg.gather [hbm4b:s7+s2], $0x80, v3, vm0, $0xb8;
	[tilespmem:$0x18100] =	vst v63  }
0x63: {  	v3 =	vld [tilespmem:$0x18020];
	_ =	sdelay $0x4  }
0x64: {  	v4 =	vshrl.u32 v3, $0x3  }
0x65: {  	v4 =	vmul.u32 $0x30, v4  }
0x66: {  	v3 =	vand.u32 $0x7, v3  }
0x67: {  	v3 =	vor.u32 v3, v4  }
0x68: {  	v4 =	vperm.xlane v3, v0;
	_ =	sdelay $0x1  }
0x69: {  	v4 =	vadd.s32 v1, v4;
	_ =	sdelay $0x3  }
0x6a: {  	v3 =	vperm.xlane v3, v2  }
0x6b: {  	[tilespmem:s4], [sflag:$0x1] =	stream.indirect_vreg.gather [hbm4b:s3+s2], $0x80, v4, vm0, $0xb8;
	[tilespmem:$0x18100] =	vst v63  }
0x6c: {  	s14 =	simm.s32 $0x6800;
	v3 =	vadd.s32 v1, v3  }
0x6d: {  	[tilespmem:s14], [sflag:$0x1] =	stream.indirect_vreg.gather [hbm4b:s6+s2], $0x80, v4, vm0, $0xb8;
	[tilespmem:$0x18100] =	vst v63  }
0x6e: {  	s15 =	simm.s32 $0x7000  }
0x6f: {  	[tilespmem:s15], [sflag:$0x1] =	stream.indirect_vreg.gather [hbm4b:s7+s2], $0x80, v4, vm0, $0xb8;
	[tilespmem:$0x18100] =	vst v63  }
0x70: {  	s16 =	simm.s32 $0x7800  }
0x71: {  	[tilespmem:s16], [sflag:$0x1] =	stream.indirect_vreg.gather [hbm4b:s3+s2], $0x80, v3, vm0, $0xb8;
	[tilespmem:$0x18100] =	vst v63  }
0x72: {  	s17 =	simm.s32 $0x8000  }
0x73: {  	[tilespmem:s17], [sflag:$0x1] =	stream.indirect_vreg.gather [hbm4b:s6+s2], $0x80, v3, vm0, $0xb8;
	[tilespmem:$0x18100] =	vst v63  }
0x74: {  	s18 =	simm.s32 $0x8800  }
0x75: {  	[tilespmem:s18], [sflag:$0x1] =	stream.indirect_vreg.gather [hbm4b:s7+s2], $0x80, v3, vm0, $0xb8;
	[tilespmem:$0x18100] =	vst v63  }
0x76: {  	v3 =	vld [tilespmem:$0x18030];
	_ =	sdelay $0x4  }
0x77: {  	v4 =	vshrl.u32 v3, $0x3  }
0x78: {  	v4 =	vmul.u32 $0x30, v4  }
0x79: {  	v3 =	vand.u32 $0x7, v3  }
0x7a: {  	v3 =	vor.u32 v3, v4  }
0x7b: {  	v4 =	vperm.xlane v3, v0;
	_ =	sdelay $0x1  }
0x7c: {  	v4 =	vadd.s32 v1, v4;
	_ =	sdelay $0x3  }
0x7d: {  	s19 =	simm.s32 $0x9000;
	v3 =	vperm.xlane v3, v2  }
0x7e: {  	[tilespmem:s19], [sflag:$0x1] =	stream.indirect_vreg.gather [hbm4b:s3+s2], $0x80, v4, vm0, $0xb8;
	[tilespmem:$0x18100] =	vst v63  }
0x7f: {  	s24 =	simm.s32 $0x9800;
	v3 =	vadd.s32 v1, v3  }
0x80: {  	[tilespmem:s24], [sflag:$0x1] =	stream.indirect_vreg.gather [hbm4b:s6+s2], $0x80, v4, vm0, $0xb8;
	[tilespmem:$0x18100] =	vst v63  }
0x81: {  	s25 =	simm.s32 $0xA000  }
0x82: {  	[tilespmem:s25], [sflag:$0x1] =	stream.indirect_vreg.gather [hbm4b:s7+s2], $0x80, v4, vm0, $0xb8;
	[tilespmem:$0x18100] =	vst v63  }
0x83: {  	s26 =	simm.s32 $0xA800  }
0x84: {  	[tilespmem:s26], [sflag:$0x1] =	stream.indirect_vreg.gather [hbm4b:s3+s2], $0x80, v3, vm0, $0xb8;
	[tilespmem:$0x18100] =	vst v63  }
0x85: {  	s29 =	simm.s32 $0xB000  }
0x86: {  	[tilespmem:s29], [sflag:$0x1] =	stream.indirect_vreg.gather [hbm4b:s6+s2], $0x80, v3, vm0, $0xb8;
	[tilespmem:$0x18100] =	vst v63  }
0x87: {  	s30 =	simm.s32 $0xB800  }
0x88: {  	[tilespmem:s30], [sflag:$0x1] =	stream.indirect_vreg.gather [hbm4b:s7+s2], $0x80, v3, vm0, $0xb8;
	[tilespmem:$0x18100] =	vst v63  }
0x89: {  	v3 =	vld [tilespmem:$0x180A0];
	_ =	sdelay $0x4  }
0x8a: {  	v4 =	vshrl.u32 v3, $0x3  }
0x8b: {  	v4 =	vmul.u32 $0x30, v4  }
0x8c: {  	v3 =	vand.u32 $0x7, v3  }
0x8d: {  	v3 =	vor.u32 v3, v4  }
0x8e: {  	v4 =	vperm.xlane v3, v0;
	_ =	sdelay $0x1  }
0x8f: {  	v4 =	vadd.s32 v1, v4;
	_ =	sdelay $0x3  }
0x90: {  	s31 =	simm.s32 $0x12000;
	v3 =	vperm.xlane v3, v2  }
0x91: {  	[tilespmem:s31], [sflag:$0x2] =	stream.indirect_vreg.gather [hbm4b:s3+s2], $0x80, v4, vm0, $0xb8;
	[tilespmem:$0x18100] =	vst v63  }
0x92: {  	s1 =	simm.s32 $0x12800;
	v3 =	vadd.s32 v1, v3  }
0x93: {  	[tilespmem:s1], [sflag:$0x2] =	stream.indirect_vreg.gather [hbm4b:s6+s2], $0x80, v4, vm0, $0xb8;
	[tilespmem:$0x18100] =	vst v63  }
0x94: {  	s4 =	simm.s32 $0x13000  }
0x95: {  	[tilespmem:s4], [sflag:$0x2] =	stream.indirect_vreg.gather [hbm4b:s7+s2], $0x80, v4, vm0, $0xb8;
	[tilespmem:$0x18100] =	vst v63  }
0x96: {  	s5 =	simm.s32 $0x13800  }
0x97: {  	[tilespmem:s5], [sflag:$0x2] =	stream.indirect_vreg.gather [hbm4b:s3+s2], $0x80, v3, vm0, $0xb8;
	[tilespmem:$0x18100] =	vst v63  }
0x98: {  	s8 =	simm.s32 $0x14000  }
0x99: {  	[tilespmem:s8], [sflag:$0x2] =	stream.indirect_vreg.gather [hbm4b:s6+s2], $0x80, v3, vm0, $0xb8;
	[tilespmem:$0x18100] =	vst v63  }
0x9a: {  	s11 =	simm.s32 $0x14800  }
0x9b: {  	[tilespmem:s11], [sflag:$0x2] =	stream.indirect_vreg.gather [hbm4b:s7+s2], $0x80, v3, vm0, $0xb8;
	[tilespmem:$0x18100] =	vst v63  }
0x9c: {  	v3 =	vld [tilespmem:$0x180B0];
	_ =	sdelay $0x4  }
0x9d: {  	v4 =	vshrl.u32 v3, $0x3  }
0x9e: {  	v4 =	vmul.u32 $0x30, v4  }
0x9f: {  	v3 =	vand.u32 $0x7, v3  }
0xa0: {  	v3 =	vor.u32 v3, v4  }
0xa1: {  	v4 =	vperm.xlane v3, v0;
	_ =	sdelay $0x1  }
0xa2: {  	v4 =	vadd.s32 v1, v4;
	_ =	sdelay $0x3  }
0xa3: {  	s13 =	simm.s32 $0x15000;
	v3 =	vperm.xlane v3, v2  }
0xa4: {  	[tilespmem:s13], [sflag:$0x2] =	stream.indirect_vreg.gather [hbm4b:s3+s2], $0x80, v4, vm0, $0xb8;
	[tilespmem:$0x18100] =	vst v63  }
0xa5: {  	s14 =	simm.s32 $0x15800;
	v3 =	vadd.s32 v1, v3  }
0xa6: {  	[tilespmem:s14], [sflag:$0x2] =	stream.indirect_vreg.gather [hbm4b:s6+s2], $0x80, v4, vm0, $0xb8;
	[tilespmem:$0x18100] =	vst v63  }
0xa7: {  	s15 =	simm.s32 $0x16000  }
0xa8: {  	[tilespmem:s15], [sflag:$0x2] =	stream.indirect_vreg.gather [hbm4b:s7+s2], $0x80, v4, vm0, $0xb8;
	[tilespmem:$0x18100] =	vst v63  }
0xa9: {  	s16 =	simm.s32 $0x16800  }
0xaa: {  	[tilespmem:s16], [sflag:$0x2] =	stream.indirect_vreg.gather [hbm4b:s3+s2], $0x80, v3, vm0, $0xb8;
	[tilespmem:$0x18100] =	vst v63  }
0xab: {  	s17 =	simm.s32 $0x17000  }
0xac: {  	[tilespmem:s17], [sflag:$0x2] =	stream.indirect_vreg.gather [hbm4b:s6+s2], $0x80, v3, vm0, $0xb8;
	[tilespmem:$0x18100] =	vst v63  }
0xad: {  	s18 =	simm.s32 $0x17800  }
0xae: {  	[tilespmem:s18], [sflag:$0x2] =	stream.indirect_vreg.gather [hbm4b:s7+s2], $0x80, v3, vm0, $0xb8;
	[tilespmem:$0x18100] =	vst v63  }
0xaf: {  	_ =	swait.ge [sflag:s20], $0x6000  }
0xb0: {  	[sflag:s20] =	ssyncset.done $0x0  }
0xb1: {  	s19 =	simm.s32 $0x0;
	[sflag:s20] =	ssyncadd.s32 $0xFFFFA000  }
0xb2: {  	s16 =	smul.u32 $0x1800, s19;
	_ =	swait.ge [sflag:s21], $0x6000  }
0xb3: {  	s25 =	sand.u32 $0x200, s2;
	[sflag:s21] =	ssyncset.done $0x0  }
0xb4: {  	s0 =	sor.u32 s25, s16;
	[sflag:s21] =	ssyncadd.s32 $0xFFFFA000  }
0xb5: {  	v3 =	vld [tilespmem:s0+$0x0]  }
0xb6: {  	v4 =	vld [tilespmem:s0+$0xC000]  }
0xb7: {  	v5 =	vld [tilespmem:s0+$0x10]  }
0xb8: {  	v6 =	vld [tilespmem:s0+$0xC010]  }
0xb9: {  	v7 =	vld [tilespmem:s0+$0x20]  }
0xba: {  	v8 =	vld [tilespmem:s0+$0xC020]  }
0xbb: {  	v9 =	vld [tilespmem:s0+$0x30]  }
0xbc: {  	v10 =	vld [tilespmem:s0+$0xC030]  }
0xbd: {  	v11 =	vld [tilespmem:s0+$0x40]  }
0xbe: {  	v12 =	vld [tilespmem:s0+$0xC040]  }
0xbf: {  	v13 =	vld [tilespmem:s0+$0x50]  }
0xc0: {  	v14 =	vld [tilespmem:s0+$0xC050]  }
0xc1: {  	v15 =	vld [tilespmem:s0+$0x60]  }
0xc2: {  	v16 =	vld [tilespmem:s0+$0xC060]  }
0xc3: {  	v17 =	vld [tilespmem:s0+$0x70]  }
0xc4: {  	v18 =	vld [tilespmem:s0+$0xC070]  }
0xc5: {  	v19 =	vld [tilespmem:s0+$0x400]  }
0xc6: {  	v20 =	vld [tilespmem:s0+$0xC400]  }
0xc7: {  	v21 =	vld [tilespmem:s0+$0x410]  }
0xc8: {  	v22 =	vld [tilespmem:s0+$0xC410]  }
0xc9: {  	v23 =	vld [tilespmem:s0+$0x420];
	v3 =	vadd.f32 v4, v3  }
0xca: {  	v34 =	vld [tilespmem:s0+$0x460];
	v5 =	vadd.f32 v6, v5  }
0xcb: {  	v35 =	vld [tilespmem:s0+$0xC460];
	[tilespmem:s0+$0x0] =	vst v3;
	v3 =	vadd.f32 v8, v7  }
0xcc: {  	v4 =	vld [tilespmem:s0+$0xC420];
	[tilespmem:s0+$0x10] =	vst v5;
	v5 =	vadd.f32 v10, v9  }
0xcd: {  	v6 =	vld [tilespmem:s0+$0x430];
	[tilespmem:s0+$0x20] =	vst v3;
	v3 =	vadd.f32 v12, v11  }
0xce: {  	v7 =	vld [tilespmem:s0+$0xC430];
	[tilespmem:s0+$0x30] =	vst v5;
	v5 =	vadd.f32 v14, v13  }
0xcf: {  	v8 =	vld [tilespmem:s0+$0x440];
	[tilespmem:s0+$0x40] =	vst v3;
	v3 =	vadd.f32 v16, v15  }
0xd0: {  	v9 =	vld [tilespmem:s0+$0xC440];
	[tilespmem:s0+$0x50] =	vst v5;
	v5 =	vadd.f32 v18, v17  }
0xd1: {  	v10 =	vld [tilespmem:s0+$0x450];
	[tilespmem:s0+$0x60] =	vst v3  }
0xd2: {  	s11 =	sor.u32 $0x180, s25;
	v11 =	vld [tilespmem:s0+$0xC450];
	[tilespmem:s0+$0x70] =	vst v5  }
0xd3: {  	s26 =	sor.u32 s16, s11;
	v36 =	vld [tilespmem:s0+$0x470]  }
0xd4: {  	v44 =	vld [tilespmem:s26+$0x0]  }
0xd5: {  	v45 =	vld [tilespmem:s26+$0xC000]  }
0xd6: {  	v46 =	vld [tilespmem:s26+$0x10]  }
0xd7: {  	v47 =	vld [tilespmem:s26+$0xC010]  }
0xd8: {  	v48 =	vld [tilespmem:s26+$0x20]  }
0xd9: {  	v24 =	vld [tilespmem:s26+$0xC020]  }
0xda: {  	v25 =	vld [tilespmem:s26+$0x30]  }
0xdb: {  	v26 =	vld [tilespmem:s26+$0xC030]  }
0xdc: {  	v27 =	vld [tilespmem:s26+$0x40]  }
0xdd: {  	v28 =	vld [tilespmem:s26+$0xC040]  }
0xde: {  	v29 =	vld [tilespmem:s26+$0x50]  }
0xdf: {  	v30 =	vld [tilespmem:s26+$0xC050]  }
0xe0: {  	v3 =	vadd.f32 v20, v19;
	v31 =	vld [tilespmem:s26+$0x60]  }
0xe1: {  	v5 =	vadd.f32 v22, v21;
	v49 =	vld [tilespmem:s26+$0x420]  }
0xe2: {  	[tilespmem:s0+$0x400] =	vst v3;
	v3 =	vadd.f32 v4, v23;
	v4 =	vld [tilespmem:s0+$0xC470]  }
0xe3: {  	v50 =	vld [tilespmem:s26+$0xC420];
	[tilespmem:s0+$0x410] =	vst v5;
	v5 =	vadd.f32 v7, v6  }
0xe4: {  	v51 =	vld [tilespmem:s26+$0x430];
	[tilespmem:s0+$0x420] =	vst v3;
	v3 =	vadd.f32 v9, v8  }
0xe5: {  	v52 =	vld [tilespmem:s26+$0xC430];
	[tilespmem:s0+$0x430] =	vst v5;
	v5 =	vadd.f32 v11, v10  }
0xe6: {  	v53 =	vld [tilespmem:s26+$0x440];
	[tilespmem:s0+$0x440] =	vst v3;
	v3 =	vadd.f32 v35, v34  }
0xe7: {  	v54 =	vld [tilespmem:s26+$0x450];
	[tilespmem:s0+$0x450] =	vst v5;
	v4 =	vadd.f32 v4, v36  }
0xe8: {  	s13 =	sadd.s32 $0x800, s16;
	v55 =	vld [tilespmem:s26+$0xC450];
	[tilespmem:s0+$0x460] =	vst v3  }
0xe9: {  	s24 =	sor.u32 s25, s13;
	v56 =	vld [tilespmem:s26+$0x460];
	[tilespmem:s0+$0x470] =	vst v4  }
0xea: {  	v3 =	vld [tilespmem:s24+$0x0]  }
0xeb: {  	v4 =	vld [tilespmem:s24+$0xC000]  }
0xec: {  	v5 =	vld [tilespmem:s24+$0x10]  }
0xed: {  	v6 =	vld [tilespmem:s24+$0xC010]  }
0xee: {  	v7 =	vld [tilespmem:s24+$0x20]  }
0xef: {  	v8 =	vld [tilespmem:s24+$0xC020]  }
0xf0: {  	v9 =	vld [tilespmem:s24+$0x30]  }
0xf1: {  	v10 =	vld [tilespmem:s24+$0xC030]  }
0xf2: {  	v11 =	vld [tilespmem:s24+$0x40]  }
0xf3: {  	v37 =	vld [tilespmem:s24+$0xC040]  }
0xf4: {  	v38 =	vld [tilespmem:s24+$0x50]  }
0xf5: {  	v39 =	vld [tilespmem:s24+$0xC050]  }
0xf6: {  	v40 =	vld [tilespmem:s24+$0x60]  }
0xf7: {  	v41 =	vld [tilespmem:s24+$0xC060]  }
0xf8: {  	s0 =	sor.u32 $0x80, s25;
	v42 =	vld [tilespmem:s24+$0x70]  }
0xf9: {  	v43 =	vld [tilespmem:s24+$0xC070];
	s17 =	sor.u32 s16, s0  }
0xfa: {  	v16 =	vld [tilespmem:s17+$0xC020]  }
0xfb: {  	v17 =	vld [tilespmem:s17+$0x30]  }
0xfc: {  	v19 =	vld [tilespmem:s17+$0xC030];
	v3 =	vadd.f32 v4, v3  }
0xfd: {  	v14 =	vld [tilespmem:s17+$0x40];
	v5 =	vadd.f32 v6, v5  }
0xfe: {  	v15 =	vld [tilespmem:s17+$0xC040];
	[tilespmem:s24+$0x0] =	vst v3;
	v3 =	vadd.f32 v8, v7  }
0xff: {  	v22 =	vld [tilespmem:s17+$0x50];
	[tilespmem:s24+$0x10] =	vst v5;
	v5 =	vadd.f32 v10, v9  }
0x100: {  	v23 =	vld [tilespmem:s17+$0xC050];
	[tilespmem:s24+$0x20] =	vst v3;
	v3 =	vadd.f32 v37, v11  }
0x101: {  	v20 =	vld [tilespmem:s17+$0x70];
	[tilespmem:s24+$0x30] =	vst v5;
	v5 =	vadd.f32 v39, v38  }
0x102: {  	v4 =	vld [tilespmem:s26+$0xC060];
	[tilespmem:s24+$0x40] =	vst v3;
	v3 =	vadd.f32 v41, v40  }
0x103: {  	v6 =	vld [tilespmem:s26+$0x70];
	[tilespmem:s24+$0x50] =	vst v5;
	v5 =	vadd.f32 v43, v42  }
0x104: {  	v7 =	vld [tilespmem:s26+$0xC070];
	[tilespmem:s24+$0x60] =	vst v3;
	v3 =	vadd.f32 v45, v44  }
0x105: {  	v8 =	vld [tilespmem:s26+$0x400];
	[tilespmem:s24+$0x70] =	vst v5;
	v5 =	vadd.f32 v47, v46  }
0x106: {  	v9 =	vld [tilespmem:s26+$0xC400];
	[tilespmem:s26+$0x0] =	vst v3;
	v3 =	vadd.f32 v24, v48  }
0x107: {  	v10 =	vld [tilespmem:s26+$0x410];
	[tilespmem:s26+$0x10] =	vst v5;
	v5 =	vadd.f32 v26, v25  }
0x108: {  	v11 =	vld [tilespmem:s26+$0xC410];
	[tilespmem:s26+$0x20] =	vst v3;
	v3 =	vadd.f32 v28, v27  }
0x109: {  	v21 =	vld [tilespmem:s17+$0x400];
	[tilespmem:s26+$0x30] =	vst v5;
	v5 =	vadd.f32 v30, v29  }
0x10a: {  	[tilespmem:s26+$0x40] =	vst v3;
	v3 =	vadd.f32 v4, v31;
	v4 =	vadd.f32 v7, v6;
	v6 =	vld [tilespmem:s26+$0xC460]  }
0x10b: {  	[tilespmem:s26+$0x50] =	vst v5;
	v7 =	vld [tilespmem:s26+$0x470]  }
0x10c: {  	s15 =	sadd.s32 $0xC00, s16;
	v5 =	vadd.f32 v50, v49;
	[tilespmem:s26+$0x60] =	vst v3;
	v3 =	vadd.f32 v9, v8;
	v8 =	vld [tilespmem:s26+$0xC470]  }
0x10d: {  	s1 =	sor.u32 s25, s15;
	[tilespmem:s26+$0x70] =	vst v4;
	v4 =	vadd.f32 v11, v10;
	v10 =	vld [tilespmem:s26+$0xC440]  }
0x10e: {  	[tilespmem:s26+$0x420] =	vst v5;
	v5 =	vld [tilespmem:s1+$0x10]  }
0x10f: {  	v9 =	vadd.f32 v52, v51;
	[tilespmem:s26+$0x400] =	vst v3;
	v3 =	vld [tilespmem:s1+$0x0]  }
0x110: {  	v11 =	vadd.f32 v55, v54;
	[tilespmem:s26+$0x410] =	vst v4;
	v4 =	vld [tilespmem:s1+$0xC000]  }
0x111: {  	[tilespmem:s26+$0x430] =	vst v9;
	v9 =	vld [tilespmem:s17+$0x0];
	v57 =	vadd.f32 v6, v56  }
0x112: {  	[tilespmem:s26+$0x450] =	vst v11;
	v11 =	vld [tilespmem:s17+$0x10];
	v7 =	vadd.f32 v8, v7  }
0x113: {  	v6 =	vld [tilespmem:s1+$0xC010];
	v8 =	vadd.f32 v10, v53;
	[tilespmem:s26+$0x460] =	vst v57  }
0x114: {  	v10 =	vld [tilespmem:s17+$0xC000];
	[tilespmem:s26+$0x470] =	vst v7  }
0x115: {  	s5 =	sor.u32 s11, s13;
	v57 =	vld [tilespmem:s17+$0xC420];
	[tilespmem:s26+$0x440] =	vst v8  }
0x116: {  	v7 =	vld [tilespmem:s5+$0x0]  }
0x117: {  	v8 =	vld [tilespmem:s5+$0xC000]  }
0x118: {  	v12 =	vld [tilespmem:s5+$0x10]  }
0x119: {  	v58 =	vld [tilespmem:s5+$0xC010]  }
0x11a: {  	v59 =	vld [tilespmem:s5+$0x20]  }
0x11b: {  	v60 =	vld [tilespmem:s5+$0xC020]  }
0x11c: {  	v61 =	vld [tilespmem:s5+$0x30]  }
0x11d: {  	v62 =	vld [tilespmem:s5+$0xC030]  }
0x11e: {  	v63 =	vld [tilespmem:s5+$0x40]  }
0x11f: {  	v24 =	vld [tilespmem:s5+$0x50]  }
0x120: {  	v25 =	vld [tilespmem:s5+$0xC050]  }
0x121: {  	v26 =	vld [tilespmem:s5+$0x60]  }
0x122: {  	v27 =	vld [tilespmem:s5+$0xC060]  }
0x123: {  	s31 =	sor.u32 $0x100, s25;
	v28 =	vld [tilespmem:s5+$0xC070]  }
0x124: {  	s14 =	sadd.s32 $0x1000, s16;
	s4 =	sadd.s32 $0x1400, s16;
	s16 =	sor.u32 s16, s31;
	v29 =	vld [tilespmem:s5+$0xC040]  }
0x125: {  	v9 =	vadd.f32 v10, v9;
	v10 =	vld [tilespmem:s16+$0x70]  }
0x126: {  	v7 =	vadd.f32 v8, v7;
	v8 =	vld [tilespmem:s5+$0x70]  }
0x127: {  	v13 =	vadd.f32 v58, v12;
	v12 =	vld [tilespmem:s17+$0xC010]  }
0x128: {  	v31 =	vadd.f32 v27, v26;
	v26 =	vld [tilespmem:s17+$0xC060]  }
0x129: {  	v58 =	vld [tilespmem:s17+$0x430]  }
0x12a: {  	v30 =	vadd.f32 v62, v61;
	v61 =	vld [tilespmem:s17+$0xC440]  }
0x12b: {  	v62 =	vld [tilespmem:s17+$0x450]  }
0x12c: {  	[tilespmem:s5+$0x10] =	vst v13;
	v13 =	vld [tilespmem:s17+$0x20]  }
0x12d: {  	[tilespmem:s5+$0x60] =	vst v31;
	v31 =	vld [tilespmem:s17+$0x410]  }
0x12e: {  	[tilespmem:s5+$0x0] =	vst v7;
	v7 =	vadd.f32 v60, v59;
	v59 =	vld [tilespmem:s17+$0xC430]  }
0x12f: {  	v60 =	vld [tilespmem:s17+$0x440]  }
0x130: {  	[tilespmem:s5+$0x20] =	vst v7;
	v7 =	vadd.f32 v25, v24;
	v24 =	vld [tilespmem:s17+$0x60]  }
0x131: {  	v11 =	vadd.f32 v12, v11;
	v12 =	vld [tilespmem:s16+$0xC070]  }
0x132: {  	[tilespmem:s5+$0x50] =	vst v7;
	v7 =	vadd.f32 v28, v8;
	v8 =	vadd.f32 v29, v63;
	v29 =	vld [tilespmem:s17+$0xC400]  }
0x133: {  	[tilespmem:s17+$0x0] =	vst v9;
	v63 =	vld [tilespmem:s17+$0xC450]  }
0x134: {  	[tilespmem:s5+$0x30] =	vst v30;
	v9 =	vadd.f32 v16, v13;
	v13 =	vld [tilespmem:s16+$0x400]  }
0x135: {  	[tilespmem:s17+$0x10] =	vst v11;
	v16 =	vld [tilespmem:s16+$0xC400]  }
0x136: {  	v11 =	vadd.f32 v19, v17;
	v17 =	vld [tilespmem:s16+$0x420];
	[tilespmem:s5+$0x70] =	vst v7  }
0x137: {  	s29 =	sor.u32 s11, s15;
	v19 =	vld [tilespmem:s16+$0x430];
	[tilespmem:s5+$0x40] =	vst v8  }
0x138: {  	v7 =	vld [tilespmem:s29+$0x0]  }
0x139: {  	v8 =	vld [tilespmem:s29+$0xC000]  }
0x13a: {  	v32 =	vld [tilespmem:s29+$0x10]  }
0x13b: {  	v33 =	vld [tilespmem:s29+$0xC010]  }
0x13c: {  	v34 =	vld [tilespmem:s29+$0x20]  }
0x13d: {  	v35 =	vld [tilespmem:s29+$0xC020]  }
0x13e: {  	v36 =	vld [tilespmem:s29+$0x30]  }
0x13f: {  	v37 =	vld [tilespmem:s29+$0xC030]  }
0x140: {  	v38 =	vld [tilespmem:s29+$0x40]  }
0x141: {  	v39 =	vld [tilespmem:s29+$0x50]  }
0x142: {  	v40 =	vld [tilespmem:s29+$0xC050]  }
0x143: {  	v41 =	vld [tilespmem:s29+$0x60]  }
0x144: {  	v42 =	vld [tilespmem:s29+$0xC060]  }
0x145: {  	v43 =	vld [tilespmem:s29+$0xC070];
	[tilespmem:s17+$0x20] =	vst v9;
	v9 =	vadd.f32 v15, v14  }
0x146: {  	v44 =	vld [tilespmem:s29+$0xC040]  }
0x147: {  	v14 =	vld [tilespmem:s16+$0x410];
	[tilespmem:s17+$0x40] =	vst v9;
	v9 =	vadd.f32 v26, v24  }
0x148: {  	v15 =	vld [tilespmem:s16+$0xC410]  }
0x149: {  	[tilespmem:s17+$0x60] =	vst v9;
	v9 =	vadd.f32 v29, v21;
	v21 =	vld [tilespmem:s16+$0x440]  }
0x14a: {  	v7 =	vadd.f32 v8, v7;
	v8 =	vld [tilespmem:s29+$0x70]  }
0x14b: {  	v45 =	vadd.f32 v37, v36;
	v37 =	vld [tilespmem:s17+$0x460]  }
0x14c: {  	v18 =	vadd.f32 v33, v32;
	v46 =	vadd.f32 v42, v41;
	v41 =	vld [tilespmem:s16+$0x0]  }
0x14d: {  	v42 =	vld [tilespmem:s16+$0xC000];
	[tilespmem:s29+$0x0] =	vst v7  }
0x14e: {  	[tilespmem:s29+$0x10] =	vst v18;
	v18 =	vld [tilespmem:s17+$0xC070]  }
0x14f: {  	v7 =	vadd.f32 v35, v34;
	[tilespmem:s29+$0x30] =	vst v45;
	v45 =	vld [tilespmem:s16+$0x20]  }
0x150: {  	[tilespmem:s29+$0x60] =	vst v46;
	v46 =	vld [tilespmem:s16+$0xC020]  }
0x151: {  	[tilespmem:s29+$0x20] =	vst v7;
	v7 =	vadd.f32 v40, v39;
	v39 =	vld [tilespmem:s17+$0x470]  }
0x152: {  	[tilespmem:s17+$0x30] =	vst v11;
	v11 =	vadd.f32 v23, v22;
	v40 =	vld [tilespmem:s17+$0xC470]  }
0x153: {  	[tilespmem:s29+$0x50] =	vst v7;
	v7 =	vadd.f32 v43, v8;
	v8 =	vadd.f32 v44, v38;
	v38 =	vld [tilespmem:s17+$0xC460]  }
0x154: {  	v43 =	vld [tilespmem:s16+$0x10]  }
0x155: {  	[tilespmem:s17+$0x50] =	vst v11;
	v44 =	vld [tilespmem:s16+$0xC010]  }
0x156: {  	v11 =	vadd.f32 v18, v20;
	v18 =	vld [tilespmem:s16+$0xC420];
	[tilespmem:s29+$0x70] =	vst v7  }
0x157: {  	s30 =	sor.u32 s11, s14;
	v20 =	vld [tilespmem:s16+$0xC430];
	[tilespmem:s29+$0x40] =	vst v8  }
0x158: {  	v7 =	vld [tilespmem:s30+$0x0]  }
0x159: {  	v8 =	vld [tilespmem:s30+$0xC000]  }
0x15a: {  	v47 =	vld [tilespmem:s30+$0x10]  }
0x15b: {  	v48 =	vld [tilespmem:s30+$0xC010]  }
0x15c: {  	v49 =	vld [tilespmem:s30+$0x20]  }
0x15d: {  	v50 =	vld [tilespmem:s30+$0xC020]  }
0x15e: {  	v51 =	vld [tilespmem:s30+$0x30]  }
0x15f: {  	v52 =	vld [tilespmem:s30+$0x40]  }
0x160: {  	v32 =	vld [tilespmem:s30+$0xC040]  }
0x161: {  	v33 =	vld [tilespmem:s30+$0x50]  }
0x162: {  	v34 =	vld [tilespmem:s30+$0xC050]  }
0x163: {  	v35 =	vld [tilespmem:s30+$0x60]  }
0x164: {  	v36 =	vld [tilespmem:s30+$0xC060]  }
0x165: {  	v53 =	vld [tilespmem:s30+$0xC070]  }
0x166: {  	v54 =	vld [tilespmem:s30+$0xC030]  }
0x167: {  	v7 =	vadd.f32 v8, v7;
	v8 =	vld [tilespmem:s30+$0x70]  }
0x168: {  	v55 =	vadd.f32 v32, v52;
	v32 =	vld [tilespmem:s17+$0xC410]  }
0x169: {  	v25 =	vadd.f32 v48, v47;
	v47 =	vld [tilespmem:s16+$0x30]  }
0x16a: {  	[tilespmem:s17+$0x400] =	vst v9;
	v48 =	vld [tilespmem:s16+$0xC030]  }
0x16b: {  	[tilespmem:s17+$0x70] =	vst v11;
	v52 =	vld [tilespmem:s16+$0xC050]  }
0x16c: {  	[tilespmem:s30+$0x0] =	vst v7;
	v7 =	vadd.f32 v50, v49;
	v49 =	vld [tilespmem:s16+$0x40]  }
0x16d: {  	[tilespmem:s30+$0x10] =	vst v25;
	v50 =	vld [tilespmem:s16+$0xC040]  }
0x16e: {  	v56 =	vadd.f32 v36, v35;
	[tilespmem:s30+$0x40] =	vst v55;
	v55 =	vld [tilespmem:s16+$0xC440]  }
0x16f: {  	[tilespmem:s30+$0x20] =	vst v7;
	v7 =	vadd.f32 v34, v33;
	v33 =	vld [tilespmem:s17+$0x420]  }
0x170: {  	[tilespmem:s30+$0x60] =	vst v56;
	v56 =	vld [tilespmem:s16+$0x450];
	v11 =	vadd.f32 v32, v31  }
0x171: {  	[tilespmem:s30+$0x50] =	vst v7;
	v7 =	vadd.f32 v53, v8;
	v8 =	vadd.f32 v54, v51;
	v51 =	vld [tilespmem:s16+$0x50]  }
0x172: {  	v53 =	vld [tilespmem:s16+$0x60];
	[tilespmem:s17+$0x410] =	vst v11  }
0x173: {  	v54 =	vld [tilespmem:s16+$0xC060];
	v11 =	vadd.f32 v59, v58;
	[tilespmem:s30+$0x70] =	vst v7  }
0x174: {  	v58 =	vld [tilespmem:s16+$0x460];
	[tilespmem:s30+$0x30] =	vst v8;
	v9 =	vadd.f32 v57, v33  }
0x175: {  	s24 =	sor.u32 s11, s4;
	v59 =	vld [tilespmem:s16+$0xC460];
	[tilespmem:s17+$0x430] =	vst v11;
	v11 =	vadd.f32 v63, v62  }
0x176: {  	v7 =	vld [tilespmem:s24+$0x70];
	[tilespmem:s17+$0x420] =	vst v9;
	v9 =	vadd.f32 v61, v60  }
0x177: {  	v8 =	vld [tilespmem:s24+$0xC070];
	[tilespmem:s17+$0x450] =	vst v11;
	v11 =	vadd.f32 v40, v39  }
0x178: {  	v57 =	vld [tilespmem:s16+$0xC450];
	[tilespmem:s17+$0x440] =	vst v9;
	v9 =	vadd.f32 v38, v37  }
0x179: {  	v10 =	vadd.f32 v12, v10;
	v60 =	vld [tilespmem:s16+$0x470];
	[tilespmem:s17+$0x470] =	vst v11  }
0x17a: {  	s8 =	sor.u32 s0, s13;
	v61 =	vld [tilespmem:s16+$0xC470];
	[tilespmem:s17+$0x460] =	vst v9  }
0x17b: {  	[tilespmem:s16+$0x70] =	vst v10;
	v10 =	vadd.f32 v15, v14;
	v62 =	vld [tilespmem:s8+$0x0]  }
0x17c: {  	v11 =	vadd.f32 v44, v43;
	v63 =	vld [tilespmem:s8+$0xC000]  }
0x17d: {  	[tilespmem:s16+$0x410] =	vst v10;
	v9 =	vadd.f32 v42, v41;
	v36 =	vld [tilespmem:s8+$0x10]  }
0x17e: {  	[tilespmem:s16+$0x10] =	vst v11;
	v11 =	vadd.f32 v48, v47;
	v37 =	vld [tilespmem:s8+$0xC010]  }
0x17f: {  	v38 =	vld [tilespmem:s8+$0x20];
	[tilespmem:s16+$0x0] =	vst v9;
	v9 =	vadd.f32 v46, v45  }
0x180: {  	v39 =	vld [tilespmem:s8+$0x30];
	[tilespmem:s16+$0x30] =	vst v11;
	v11 =	vadd.f32 v52, v51  }
0x181: {  	v40 =	vld [tilespmem:s8+$0xC030];
	[tilespmem:s16+$0x20] =	vst v9;
	v9 =	vadd.f32 v50, v49  }
0x182: {  	v10 =	vadd.f32 v20, v19;
	v41 =	vld [tilespmem:s8+$0x40];
	[tilespmem:s16+$0x50] =	vst v11  }
0x183: {  	v11 =	vld [tilespmem:s8+$0xC020];
	[tilespmem:s16+$0x40] =	vst v9;
	v9 =	vadd.f32 v54, v53  }
0x184: {  	[tilespmem:s16+$0x430] =	vst v10;
	v10 =	vadd.f32 v57, v56;
	v43 =	vld [tilespmem:s8+$0x50]  }
0x185: {  	v44 =	vld [tilespmem:s8+$0xC050];
	[tilespmem:s16+$0x60] =	vst v9;
	v9 =	vadd.f32 v16, v13  }
0x186: {  	v42 =	vld [tilespmem:s8+$0xC040];
	[tilespmem:s16+$0x450] =	vst v10;
	v10 =	vadd.f32 v61, v60  }
0x187: {  	v45 =	vld [tilespmem:s8+$0x60];
	[tilespmem:s16+$0x400] =	vst v9;
	v9 =	vadd.f32 v18, v17  }
0x188: {  	v46 =	vld [tilespmem:s8+$0xC060];
	[tilespmem:s16+$0x470] =	vst v10;
	v11 =	vadd.f32 v11, v38  }
0x189: {  	v10 =	vld [tilespmem:s8+$0xC070];
	[tilespmem:s16+$0x420] =	vst v9;
	v9 =	vadd.f32 v55, v21  }
0x18a: {  	v60 =	vadd.f32 v44, v43;
	v44 =	vld [tilespmem:s1+$0x60];
	[tilespmem:s8+$0x20] =	vst v11  }
0x18b: {  	v11 =	vadd.f32 v42, v41;
	v41 =	vld [tilespmem:s1+$0x20];
	[tilespmem:s16+$0x440] =	vst v9;
	v9 =	vadd.f32 v59, v58  }
0x18c: {  	v42 =	vld [tilespmem:s1+$0xC020]  }
0x18d: {  	s18 =	sor.u32 s31, s13;
	[tilespmem:s16+$0x460] =	vst v9;
	v9 =	vld [tilespmem:s8+$0x70]  }
0x18e: {  	v47 =	vld [tilespmem:s18+$0x0]  }
0x18f: {  	v48 =	vld [tilespmem:s18+$0xC000]  }
0x190: {  	v49 =	vld [tilespmem:s18+$0x10]  }
0x191: {  	v50 =	vld [tilespmem:s18+$0xC010]  }
0x192: {  	v51 =	vld [tilespmem:s18+$0x20]  }
0x193: {  	v52 =	vld [tilespmem:s18+$0xC020]  }
0x194: {  	v54 =	vld [tilespmem:s18+$0x30]  }
0x195: {  	v53 =	vadd.f32 v63, v62;
	v56 =	vld [tilespmem:s18+$0xC030]  }
0x196: {  	v12 =	vadd.f32 v40, v39;
	v57 =	vld [tilespmem:s18+$0x40]  }
0x197: {  	[tilespmem:s8+$0x0] =	vst v53;
	v58 =	vld [tilespmem:s18+$0xC040]  }
0x198: {  	[tilespmem:s8+$0x30] =	vst v12;
	v59 =	vld [tilespmem:s18+$0x50]  }
0x199: {  	[tilespmem:s8+$0x40] =	vst v11;
	v11 =	vadd.f32 v46, v45;
	v61 =	vld [tilespmem:s18+$0xC050]  }
0x19a: {  	[tilespmem:s8+$0x50] =	vst v60;
	v55 =	vadd.f32 v37, v36;
	v62 =	vld [tilespmem:s18+$0x60]  }
0x19b: {  	[tilespmem:s8+$0x60] =	vst v11;
	v11 =	vld [tilespmem:s18+$0x70];
	v9 =	vadd.f32 v10, v9  }
0x19c: {  	[tilespmem:s8+$0x10] =	vst v55;
	v10 =	vld [tilespmem:s18+$0xC060]  }
0x19d: {  	s19 =	sor.u32 s0, s15;
	[tilespmem:s8+$0x70] =	vst v9;
	v9 =	vld [tilespmem:s18+$0xC070]  }
0x19e: {  	v12 =	vld [tilespmem:s19+$0x0]  }
0x19f: {  	v17 =	vld [tilespmem:s19+$0xC000]  }
0x1a0: {  	v18 =	vld [tilespmem:s19+$0x10]  }
0x1a1: {  	v19 =	vld [tilespmem:s19+$0xC010]  }
0x1a2: {  	v28 =	vld [tilespmem:s19+$0x20]  }
0x1a3: {  	v63 =	vld [tilespmem:s19+$0xC020]  }
0x1a4: {  	v21 =	vld [tilespmem:s19+$0x30]  }
0x1a5: {  	v23 =	vld [tilespmem:s19+$0xC030]  }
0x1a6: {  	v24 =	vld [tilespmem:s19+$0x40]  }
0x1a7: {  	v25 =	vld [tilespmem:s19+$0xC040]  }
0x1a8: {  	v22 =	vadd.f32 v50, v49;
	v50 =	vadd.f32 v52, v51;
	v52 =	vld [tilespmem:s19+$0x50]  }
0x1a9: {  	v51 =	vadd.f32 v56, v54;
	v53 =	vld [tilespmem:s19+$0xC050]  }
0x1aa: {  	v20 =	vadd.f32 v48, v47;
	v54 =	vld [tilespmem:s19+$0x60]  }
0x1ab: {  	[tilespmem:s18+$0x30] =	vst v51;
	v51 =	vld [tilespmem:s1+$0xC030];
	v10 =	vadd.f32 v10, v62  }
0x1ac: {  	[tilespmem:s18+$0x0] =	vst v20;
	v9 =	vadd.f32 v9, v11;
	v11 =	vld [tilespmem:s19+$0xC060]  }
0x1ad: {  	[tilespmem:s18+$0x60] =	vst v10;
	v10 =	vld [tilespmem:s19+$0x70]  }
0x1ae: {  	v13 =	vadd.f32 v58, v57;
	[tilespmem:s18+$0x10] =	vst v22;
	v12 =	vadd.f32 v17, v12;
	v17 =	vld [tilespmem:s1+$0x30]  }
0x1af: {  	v14 =	vadd.f32 v61, v59;
	[tilespmem:s18+$0x20] =	vst v50;
	v63 =	vadd.f32 v63, v28;
	v28 =	vld [tilespmem:s1+$0x40]  }
0x1b0: {  	[tilespmem:s18+$0x40] =	vst v13;
	v30 =	vadd.f32 v23, v21;
	v21 =	vld [tilespmem:s1+$0xC040]  }
0x1b1: {  	[tilespmem:s18+$0x50] =	vst v14;
	v23 =	vld [tilespmem:s1+$0x50]  }
0x1b2: {  	s15 =	sor.u32 s31, s15;
	[tilespmem:s18+$0x70] =	vst v9;
	v9 =	vld [tilespmem:s19+$0xC070]  }
0x1b3: {  	v14 =	vld [tilespmem:s15+$0x0]  }
0x1b4: {  	v55 =	vld [tilespmem:s15+$0xC000]  }
0x1b5: {  	v22 =	vld [tilespmem:s15+$0x10]  }
0x1b6: {  	v56 =	vld [tilespmem:s15+$0xC010]  }
0x1b7: {  	v57 =	vld [tilespmem:s15+$0x20]  }
0x1b8: {  	v58 =	vld [tilespmem:s15+$0xC020]  }
0x1b9: {  	v59 =	vld [tilespmem:s15+$0x30]  }
0x1ba: {  	v60 =	vld [tilespmem:s15+$0xC030]  }
0x1bb: {  	v61 =	vld [tilespmem:s15+$0x40]  }
0x1bc: {  	v62 =	vld [tilespmem:s15+$0xC040]  }
0x1bd: {  	v45 =	vld [tilespmem:s15+$0x50]  }
0x1be: {  	v18 =	vadd.f32 v19, v18;
	v46 =	vld [tilespmem:s15+$0xC050]  }
0x1bf: {  	v47 =	vld [tilespmem:s15+$0x60];
	[tilespmem:s19+$0x0] =	vst v12  }
0x1c0: {  	v48 =	vld [tilespmem:s15+$0xC060];
	[tilespmem:s19+$0x10] =	vst v18  }
0x1c1: {  	v43 =	vadd.f32 v25, v24;
	v49 =	vld [tilespmem:s15+$0x70];
	[tilespmem:s19+$0x20] =	vst v63  }
0x1c2: {  	v15 =	vadd.f32 v53, v52;
	v50 =	vld [tilespmem:s15+$0xC070];
	[tilespmem:s19+$0x30] =	vst v30  }
0x1c3: {  	v18 =	vld [tilespmem:s1+$0xC050];
	[tilespmem:s19+$0x40] =	vst v43;
	v11 =	vadd.f32 v11, v54  }
0x1c4: {  	[tilespmem:s19+$0x50] =	vst v15;
	v9 =	vadd.f32 v9, v10;
	v10 =	vld [tilespmem:s1+$0xC060]  }
0x1c5: {  	[tilespmem:s19+$0x60] =	vst v11;
	v11 =	vld [tilespmem:s1+$0x70]  }
0x1c6: {  	s26 =	sor.u32 s0, s14;
	[tilespmem:s19+$0x70] =	vst v9;
	v9 =	vld [tilespmem:s1+$0xC070]  }
0x1c7: {  	v13 =	vld [tilespmem:s26+$0x0]  }
0x1c8: {  	v15 =	vld [tilespmem:s26+$0xC000]  }
0x1c9: {  	v20 =	vld [tilespmem:s26+$0x10]  }
0x1ca: {  	v24 =	vld [tilespmem:s26+$0xC010]  }
0x1cb: {  	v25 =	vld [tilespmem:s26+$0x20]  }
0x1cc: {  	v30 =	vld [tilespmem:s26+$0xC020]  }
0x1cd: {  	v14 =	vadd.f32 v55, v14;
	v16 =	vld [tilespmem:s26+$0x30]  }
0x1ce: {  	v22 =	vadd.f32 v56, v22;
	v26 =	vld [tilespmem:s26+$0xC030]  }
0x1cf: {  	v52 =	vadd.f32 v58, v57;
	[tilespmem:s15+$0x0] =	vst v14;
	v27 =	vld [tilespmem:s26+$0x40]  }
0x1d0: {  	v53 =	vadd.f32 v60, v59;
	[tilespmem:s15+$0x10] =	vst v22;
	v29 =	vld [tilespmem:s26+$0xC040]  }
0x1d1: {  	v54 =	vadd.f32 v62, v61;
	[tilespmem:s15+$0x20] =	vst v52;
	v55 =	vld [tilespmem:s26+$0x50]  }
0x1d2: {  	v56 =	vadd.f32 v46, v45;
	[tilespmem:s15+$0x30] =	vst v53;
	v57 =	vld [tilespmem:s26+$0xC050]  }
0x1d3: {  	v58 =	vadd.f32 v48, v47;
	[tilespmem:s15+$0x40] =	vst v54;
	v59 =	vld [tilespmem:s26+$0x60]  }
0x1d4: {  	v60 =	vadd.f32 v50, v49;
	[tilespmem:s15+$0x50] =	vst v56;
	v61 =	vld [tilespmem:s26+$0xC060]  }
0x1d5: {  	[tilespmem:s15+$0x60] =	vst v58;
	v62 =	vld [tilespmem:s26+$0x70]  }
0x1d6: {  	s29 =	sor.u32 s31, s14;
	[tilespmem:s15+$0x70] =	vst v60;
	v63 =	vld [tilespmem:s26+$0xC070]  }
0x1d7: {  	v45 =	vld [tilespmem:s29+$0x0]  }
0x1d8: {  	v46 =	vld [tilespmem:s29+$0xC000]  }
0x1d9: {  	v47 =	vld [tilespmem:s29+$0x10]  }
0x1da: {  	v48 =	vld [tilespmem:s29+$0xC010]  }
0x1db: {  	v49 =	vld [tilespmem:s29+$0x20]  }
0x1dc: {  	v50 =	vld [tilespmem:s29+$0xC020]  }
0x1dd: {  	v3 =	vadd.f32 v4, v3;
	v4 =	vld [tilespmem:s29+$0x30]  }
0x1de: {  	v5 =	vadd.f32 v6, v5;
	v6 =	vld [tilespmem:s29+$0xC030]  }
0x1df: {  	[tilespmem:s1+$0x0] =	vst v3;
	v3 =	vadd.f32 v42, v41;
	v41 =	vld [tilespmem:s29+$0x40]  }
0x1e0: {  	[tilespmem:s1+$0x10] =	vst v5;
	v5 =	vadd.f32 v51, v17;
	v51 =	vld [tilespmem:s29+$0xC040]  }
0x1e1: {  	[tilespmem:s1+$0x20] =	vst v3;
	v3 =	vadd.f32 v21, v28;
	v19 =	vld [tilespmem:s29+$0x50]  }
0x1e2: {  	[tilespmem:s1+$0x30] =	vst v5;
	v5 =	vadd.f32 v18, v23;
	v52 =	vld [tilespmem:s29+$0xC050]  }
0x1e3: {  	[tilespmem:s1+$0x40] =	vst v3;
	v3 =	vadd.f32 v10, v44;
	v10 =	vld [tilespmem:s29+$0x60]  }
0x1e4: {  	[tilespmem:s1+$0x50] =	vst v5;
	v5 =	vadd.f32 v9, v11;
	v9 =	vld [tilespmem:s29+$0xC060]  }
0x1e5: {  	[tilespmem:s1+$0x60] =	vst v3;
	v3 =	vld [tilespmem:s29+$0x70]  }
0x1e6: {  	s30 =	sor.u32 s25, s14;
	[tilespmem:s1+$0x70] =	vst v5;
	v5 =	vld [tilespmem:s29+$0xC070]  }
0x1e7: {  	v11 =	vld [tilespmem:s30+$0x0]  }
0x1e8: {  	v12 =	vld [tilespmem:s30+$0xC000]  }
0x1e9: {  	v21 =	vld [tilespmem:s30+$0x10]  }
0x1ea: {  	v23 =	vld [tilespmem:s30+$0xC010]  }
0x1eb: {  	v28 =	vld [tilespmem:s30+$0x20]  }
0x1ec: {  	v42 =	vld [tilespmem:s30+$0xC020]  }
0x1ed: {  	v13 =	vadd.f32 v15, v13;
	v15 =	vld [tilespmem:s30+$0x30]  }
0x1ee: {  	v20 =	vadd.f32 v24, v20;
	v24 =	vld [tilespmem:s30+$0xC030]  }
0x1ef: {  	v53 =	vadd.f32 v30, v25;
	[tilespmem:s26+$0x0] =	vst v13;
	v25 =	vld [tilespmem:s30+$0x40]  }
0x1f0: {  	v16 =	vadd.f32 v26, v16;
	[tilespmem:s26+$0x10] =	vst v20;
	v20 =	vld [tilespmem:s30+$0xC040]  }
0x1f1: {  	v54 =	vadd.f32 v29, v27;
	[tilespmem:s26+$0x20] =	vst v53;
	v26 =	vld [tilespmem:s30+$0x50]  }
0x1f2: {  	v55 =	vadd.f32 v57, v55;
	[tilespmem:s26+$0x30] =	vst v16;
	v56 =	vld [tilespmem:s30+$0xC050]  }
0x1f3: {  	v57 =	vadd.f32 v61, v59;
	[tilespmem:s26+$0x40] =	vst v54;
	v58 =	vld [tilespmem:s30+$0x60]  }
0x1f4: {  	v14 =	vadd.f32 v63, v62;
	[tilespmem:s26+$0x50] =	vst v55;
	v59 =	vld [tilespmem:s30+$0xC060]  }
0x1f5: {  	[tilespmem:s26+$0x60] =	vst v57;
	v60 =	vld [tilespmem:s30+$0x70]  }
0x1f6: {  	s0 =	sor.u32 s0, s4;
	[tilespmem:s26+$0x70] =	vst v14;
	v61 =	vld [tilespmem:s30+$0xC070]  }
0x1f7: {  	v62 =	vld [tilespmem:s0+$0x0]  }
0x1f8: {  	v63 =	vld [tilespmem:s0+$0xC000]  }
0x1f9: {  	v43 =	vld [tilespmem:s0+$0x10]  }
0x1fa: {  	v44 =	vld [tilespmem:s0+$0xC010]  }
0x1fb: {  	v7 =	vadd.f32 v8, v7;
	v45 =	vadd.f32 v46, v45;
	v46 =	vld [tilespmem:s0+$0x20]  }
0x1fc: {  	v47 =	vadd.f32 v48, v47;
	v48 =	vld [tilespmem:s0+$0xC020]  }
0x1fd: {  	[tilespmem:s24+$0x70] =	vst v7;
	v49 =	vadd.f32 v50, v49;
	v50 =	vld [tilespmem:s0+$0x30]  }
0x1fe: {  	v4 =	vadd.f32 v6, v4;
	[tilespmem:s29+$0x0] =	vst v45;
	v6 =	vld [tilespmem:s0+$0xC030]  }
0x1ff: {  	v17 =	vadd.f32 v51, v41;
	[tilespmem:s29+$0x10] =	vst v47;
	v51 =	vld [tilespmem:s0+$0x40]  }
0x200: {  	[tilespmem:s29+$0x30] =	vst v4;
	v4 =	vadd.f32 v52, v19;
	v52 =	vld [tilespmem:s0+$0xC040]  }
0x201: {  	[tilespmem:s29+$0x20] =	vst v49;
	v53 =	vld [tilespmem:s0+$0x70]  }
0x202: {  	[tilespmem:s29+$0x40] =	vst v17;
	v54 =	vld [tilespmem:s0+$0xC070];
	v3 =	vadd.f32 v5, v3  }
0x203: {  	v9 =	vadd.f32 v9, v10;
	v10 =	vld [tilespmem:s0+$0x50];
	[tilespmem:s29+$0x50] =	vst v4  }
0x204: {  	v4 =	vld [tilespmem:s0+$0xC050];
	[tilespmem:s29+$0x70] =	vst v3;
	v3 =	vadd.f32 v23, v21  }
0x205: {  	[tilespmem:s29+$0x60] =	vst v9;
	v9 =	vld [tilespmem:s0+$0x60];
	v5 =	vadd.f32 v12, v11  }
0x206: {  	s31 =	sor.u32 s31, s4;
	v11 =	vld [tilespmem:s0+$0xC060];
	[tilespmem:s30+$0x10] =	vst v3;
	v3 =	vadd.f32 v24, v15  }
0x207: {  	[tilespmem:s30+$0x0] =	vst v5;
	v5 =	vadd.f32 v42, v28;
	v17 =	vld [tilespmem:s31+$0x0]  }
0x208: {  	v55 =	vld [tilespmem:s31+$0xC000];
	[tilespmem:s30+$0x30] =	vst v3;
	v3 =	vadd.f32 v56, v26  }
0x209: {  	v57 =	vld [tilespmem:s31+$0xC010];
	[tilespmem:s30+$0x20] =	vst v5;
	v5 =	vadd.f32 v20, v25  }
0x20a: {  	v8 =	vld [tilespmem:s31+$0xC060];
	[tilespmem:s30+$0x50] =	vst v3;
	v3 =	vadd.f32 v61, v60  }
0x20b: {  	v56 =	vld [tilespmem:s31+$0x10];
	[tilespmem:s30+$0x40] =	vst v5;
	v5 =	vadd.f32 v59, v58  }
0x20c: {  	v58 =	vld [tilespmem:s31+$0x20];
	[tilespmem:s30+$0x70] =	vst v3;
	v3 =	vadd.f32 v44, v43  }
0x20d: {  	v59 =	vld [tilespmem:s31+$0xC020];
	[tilespmem:s30+$0x60] =	vst v5;
	v5 =	vadd.f32 v63, v62  }
0x20e: {  	v60 =	vld [tilespmem:s31+$0x30];
	[tilespmem:s0+$0x10] =	vst v3;
	v3 =	vadd.f32 v6, v50  }
0x20f: {  	v61 =	vld [tilespmem:s31+$0x40];
	[tilespmem:s0+$0x0] =	vst v5;
	v5 =	vadd.f32 v48, v46  }
0x210: {  	v6 =	vld [tilespmem:s31+$0xC030];
	[tilespmem:s0+$0x30] =	vst v3;
	v3 =	vadd.f32 v4, v10  }
0x211: {  	[tilespmem:s0+$0x20] =	vst v5;
	v5 =	vadd.f32 v52, v51;
	v4 =	vld [tilespmem:s31+$0xC040]  }
0x212: {  	v10 =	vld [tilespmem:s31+$0xC050];
	[tilespmem:s0+$0x50] =	vst v3;
	v3 =	vadd.f32 v54, v53  }
0x213: {  	[tilespmem:s0+$0x40] =	vst v5;
	v5 =	vadd.f32 v11, v9;
	v9 =	vld [tilespmem:s31+$0x50]  }
0x214: {  	v62 =	vld [tilespmem:s31+$0xC070];
	[tilespmem:s0+$0x70] =	vst v3;
	v3 =	vadd.f32 v55, v17  }
0x215: {  	v7 =	vadd.f32 v57, v56;
	[tilespmem:s0+$0x60] =	vst v5;
	v5 =	vld [tilespmem:s31+$0x60]  }
0x216: {  	v11 =	vld [tilespmem:s31+$0x70];
	[tilespmem:s31+$0x0] =	vst v3;
	v3 =	vadd.f32 v59, v58  }
0x217: {  	v63 =	vld [tilespmem:s24+$0x0];
	[tilespmem:s31+$0x10] =	vst v7;
	v6 =	vadd.f32 v6, v60  }
0x218: {  	v9 =	vadd.f32 v10, v9;
	[tilespmem:s31+$0x20] =	vst v3;
	v3 =	vadd.f32 v4, v61;
	v4 =	vld [tilespmem:s24+$0xC000]  }
0x219: {  	v7 =	vld [tilespmem:s24+$0xC010];
	[tilespmem:s31+$0x30] =	vst v6  }
0x21a: {  	v6 =	vld [tilespmem:s24+$0x10];
	v5 =	vadd.f32 v8, v5;
	[tilespmem:s31+$0x50] =	vst v9  }
0x21b: {  	v8 =	vadd.f32 v62, v11;
	[tilespmem:s31+$0x40] =	vst v3;
	v3 =	vld [tilespmem:s24+$0x20]  }
0x21c: {  	[tilespmem:s31+$0x60] =	vst v5;
	v5 =	vld [tilespmem:s24+$0xC020]  }
0x21d: {  	s28 =	sor.u32 s25, s4;
	s25 =	simm.s32 $0x0;
	s26 =	simm.s32 $0x0;
	[tilespmem:s31+$0x70] =	vst v8;
	v8 =	vadd.f32 v4, v63;
	v4 =	vld [tilespmem:s24+$0x30]  }
.LBB2_2:
0x21e: {  	s25 =	sadd.s32 $0x4, s25;
	v9 =	vld [tilespmem:s24+$0xC030]  }
0x21f: {  	s0 =	sshrl.u32 s25, $0x3;
	p0 =	slt.u32 s25, $0x1C;
	[tilespmem:s24+$0x0] =	vst v8;
	v6 =	vadd.f32 v7, v6;
	v7 =	vld [tilespmem:s24+$0x40]  }
0x220: {  	s26 =	sadd.s32 $0x200, s26;
	s17 =	smul.u32 $0x1800, s0;
	v8 =	vld [tilespmem:s24+$0xC040]  }
0x221: {  	s13 =	sand.u32 $0x200, s26;
	[tilespmem:s24+$0x10] =	vst v6;
	v3 =	vadd.f32 v5, v3;
	v5 =	vld [tilespmem:s24+$0x50]  }
0x222: {  	s19 =	sor.u32 $0x80, s13;
	s18 =	sor.u32 $0x100, s13;
	s1 =	sor.u32 s13, s17;
	v6 =	vld [tilespmem:s24+$0xC050]  }
0x223: {  	s15 =	sor.u32 s17, s19;
	s31 =	sor.u32 s17, s18;
	v10 =	vld [tilespmem:s1+$0x0];
	[tilespmem:s24+$0x20] =	vst v3;
	v3 =	vadd.f32 v9, v4  }
0x224: {  	v4 =	vld [tilespmem:s1+$0xC000]  }
0x225: {  	v9 =	vld [tilespmem:s1+$0x10];
	[tilespmem:s24+$0x30] =	vst v3;
	v3 =	vadd.f32 v8, v7  }
0x226: {  	v7 =	vld [tilespmem:s1+$0xC010]  }
0x227: {  	v8 =	vld [tilespmem:s1+$0x20];
	[tilespmem:s24+$0x40] =	vst v3;
	v3 =	vadd.f32 v6, v5  }
0x228: {  	v5 =	vld [tilespmem:s1+$0xC020]  }
0x229: {  	v6 =	vld [tilespmem:s1+$0x30];
	[tilespmem:s24+$0x50] =	vst v3  }
0x22a: {  	v3 =	vld [tilespmem:s1+$0xC030]  }
0x22b: {  	v11 =	vld [tilespmem:s1+$0x40]  }
0x22c: {  	v12 =	vld [tilespmem:s1+$0xC040]  }
0x22d: {  	v13 =	vld [tilespmem:s1+$0x50]  }
0x22e: {  	v14 =	vld [tilespmem:s1+$0xC050]  }
0x22f: {  	v15 =	vld [tilespmem:s1+$0x60]  }
0x230: {  	v16 =	vld [tilespmem:s1+$0xC060]  }
0x231: {  	v17 =	vld [tilespmem:s1+$0x70]  }
0x232: {  	v18 =	vld [tilespmem:s1+$0xC070]  }
0x233: {  	v19 =	vld [tilespmem:s1+$0x400]  }
0x234: {  	v20 =	vld [tilespmem:s1+$0xC400]  }
0x235: {  	v21 =	vld [tilespmem:s1+$0x410]  }
0x236: {  	v22 =	vld [tilespmem:s1+$0xC410]  }
0x237: {  	v23 =	vld [tilespmem:s1+$0x420]  }
0x238: {  	v4 =	vadd.f32 v4, v10;
	v10 =	vld [tilespmem:s1+$0xC420]  }
0x239: {  	v7 =	vadd.f32 v7, v9;
	v9 =	vld [tilespmem:s1+$0x430]  }
0x23a: {  	[tilespmem:s1+$0x0] =	vst v4;
	v4 =	vadd.f32 v5, v8;
	v5 =	vld [tilespmem:s1+$0xC430]  }
0x23b: {  	v3 =	vadd.f32 v3, v6;
	[tilespmem:s1+$0x10] =	vst v7;
	v6 =	vld [tilespmem:s1+$0x440]  }
0x23c: {  	[tilespmem:s1+$0x20] =	vst v4;
	v4 =	vadd.f32 v12, v11;
	v7 =	vld [tilespmem:s1+$0xC440]  }
0x23d: {  	[tilespmem:s1+$0x30] =	vst v3;
	v3 =	vadd.f32 v14, v13;
	v8 =	vld [tilespmem:s1+$0x450]  }
0x23e: {  	[tilespmem:s1+$0x40] =	vst v4;
	v4 =	vadd.f32 v16, v15;
	v11 =	vld [tilespmem:s1+$0xC450]  }
0x23f: {  	[tilespmem:s1+$0x50] =	vst v3;
	v3 =	vadd.f32 v18, v17;
	v12 =	vld [tilespmem:s1+$0x460]  }
0x240: {  	[tilespmem:s1+$0x60] =	vst v4;
	v4 =	vadd.f32 v20, v19;
	v13 =	vld [tilespmem:s1+$0xC460]  }
0x241: {  	[tilespmem:s1+$0x70] =	vst v3;
	v3 =	vadd.f32 v22, v21;
	v14 =	vld [tilespmem:s1+$0x470]  }
0x242: {  	[tilespmem:s1+$0x400] =	vst v4;
	v4 =	vadd.f32 v10, v23;
	v10 =	vld [tilespmem:s1+$0xC470]  }
0x243: {  	[tilespmem:s1+$0x410] =	vst v3;
	v3 =	vadd.f32 v5, v9;
	v5 =	vld [tilespmem:s24+$0x60]  }
0x244: {  	[tilespmem:s1+$0x420] =	vst v4;
	v4 =	vadd.f32 v7, v6;
	v6 =	vld [tilespmem:s24+$0xC060]  }
0x245: {  	[tilespmem:s1+$0x430] =	vst v3;
	v3 =	vadd.f32 v11, v8;
	v7 =	vld [tilespmem:s28+$0x0]  }
0x246: {  	[tilespmem:s1+$0x440] =	vst v4;
	v4 =	vadd.f32 v13, v12;
	v8 =	vld [tilespmem:s28+$0xC000]  }
0x247: {  	s4 =	sadd.s32 $0x800, s17;
	[tilespmem:s1+$0x450] =	vst v3;
	v3 =	vadd.f32 v10, v14;
	v9 =	vld [tilespmem:s28+$0x10]  }
0x248: {  	s16 =	sor.u32 s13, s4;
	s11 =	sor.u32 s19, s4;
	s0 =	sor.u32 s18, s4;
	[tilespmem:s1+$0x460] =	vst v4;
	v4 =	vld [tilespmem:s28+$0xC010]  }
0x249: {  	[tilespmem:s1+$0x470] =	vst v3;
	v3 =	vld [tilespmem:s16+$0x0];
	v5 =	vadd.f32 v6, v5  }
0x24a: {  	v6 =	vld [tilespmem:s16+$0xC000]  }
0x24b: {  	v10 =	vld [tilespmem:s16+$0x10];
	v7 =	vadd.f32 v8, v7;
	[tilespmem:s24+$0x60] =	vst v5  }
0x24c: {  	v5 =	vld [tilespmem:s16+$0xC010]  }
0x24d: {  	v8 =	vld [tilespmem:s16+$0x20];
	[tilespmem:s28+$0x0] =	vst v7;
	v4 =	vadd.f32 v4, v9  }
0x24e: {  	v7 =	vld [tilespmem:s16+$0xC020]  }
0x24f: {  	v9 =	vld [tilespmem:s16+$0x30];
	[tilespmem:s28+$0x10] =	vst v4  }
0x250: {  	v4 =	vld [tilespmem:s16+$0xC030]  }
0x251: {  	v11 =	vld [tilespmem:s16+$0x40]  }
0x252: {  	v12 =	vld [tilespmem:s16+$0xC040]  }
0x253: {  	v13 =	vld [tilespmem:s16+$0x50]  }
0x254: {  	v14 =	vld [tilespmem:s16+$0xC050]  }
0x255: {  	v15 =	vld [tilespmem:s16+$0x60]  }
0x256: {  	v3 =	vadd.f32 v6, v3;
	v6 =	vld [tilespmem:s16+$0xC060]  }
0x257: {  	v5 =	vadd.f32 v5, v10;
	v10 =	vld [tilespmem:s16+$0x70]  }
0x258: {  	[tilespmem:s16+$0x0] =	vst v3;
	v3 =	vadd.f32 v7, v8;
	v7 =	vld [tilespmem:s16+$0xC070]  }
0x259: {  	v4 =	vadd.f32 v4, v9;
	[tilespmem:s16+$0x10] =	vst v5;
	v5 =	vld [tilespmem:s28+$0x20]  }
0x25a: {  	[tilespmem:s16+$0x20] =	vst v3;
	v3 =	vadd.f32 v12, v11;
	v8 =	vld [tilespmem:s28+$0xC020]  }
0x25b: {  	[tilespmem:s16+$0x30] =	vst v4;
	v4 =	vadd.f32 v14, v13;
	v9 =	vld [tilespmem:s28+$0x30]  }
0x25c: {  	[tilespmem:s16+$0x40] =	vst v3;
	v3 =	vadd.f32 v6, v15;
	v6 =	vld [tilespmem:s28+$0xC030]  }
0x25d: {  	s14 =	sadd.s32 $0xC00, s17;
	[tilespmem:s16+$0x50] =	vst v4;
	v4 =	vadd.f32 v7, v10;
	v7 =	vld [tilespmem:s28+$0x40]  }
0x25e: {  	s29 =	sor.u32 s13, s14;
	s30 =	sor.u32 s18, s14;
	s1 =	sor.u32 s19, s14;
	[tilespmem:s16+$0x60] =	vst v3;
	v3 =	vld [tilespmem:s28+$0xC040]  }
0x25f: {  	[tilespmem:s16+$0x70] =	vst v4;
	v4 =	vld [tilespmem:s29+$0x0];
	v5 =	vadd.f32 v8, v5  }
0x260: {  	v8 =	vld [tilespmem:s29+$0xC000]  }
0x261: {  	[tilespmem:s28+$0x20] =	vst v5;
	v5 =	vadd.f32 v6, v9;
	v6 =	vld [tilespmem:s28+$0x50]  }
0x262: {  	v9 =	vld [tilespmem:s28+$0xC050]  }
0x263: {  	[tilespmem:s28+$0x30] =	vst v5;
	v3 =	vadd.f32 v3, v7;
	v5 =	vld [tilespmem:s28+$0x60]  }
0x264: {  	v7 =	vld [tilespmem:s28+$0xC060]  }
0x265: {  	v4 =	vadd.f32 v8, v4;
	[tilespmem:s28+$0x40] =	vst v3;
	v3 =	vld [tilespmem:s28+$0x70]  }
0x266: {  	v8 =	vld [tilespmem:s28+$0xC070]  }
0x267: {  	s24 =	sor.u32 $0x180, s13;
	[tilespmem:s29+$0x0] =	vst v4;
	v4 =	vld [tilespmem:s29+$0x10];
	v6 =	vadd.f32 v9, v6  }
0x268: {  	s16 =	sor.u32 s17, s24;
	v9 =	vld [tilespmem:s29+$0xC010]  }
0x269: {  	v10 =	vld [tilespmem:s16+$0x0];
	[tilespmem:s28+$0x50] =	vst v6;
	v5 =	vadd.f32 v7, v5  }
0x26a: {  	v6 =	vld [tilespmem:s16+$0xC000]  }
0x26b: {  	v7 =	vld [tilespmem:s16+$0x10];
	[tilespmem:s28+$0x60] =	vst v5;
	v3 =	vadd.f32 v8, v3  }
0x26c: {  	v5 =	vld [tilespmem:s16+$0xC010]  }
0x26d: {  	v4 =	vadd.f32 v9, v4;
	v8 =	vld [tilespmem:s16+$0x20];
	[tilespmem:s28+$0x70] =	vst v3  }
0x26e: {  	v3 =	vld [tilespmem:s16+$0xC020]  }
0x26f: {  	[tilespmem:s29+$0x10] =	vst v4;
	v4 =	vld [tilespmem:s16+$0x30]  }
0x270: {  	v9 =	vld [tilespmem:s16+$0xC030]  }
0x271: {  	v11 =	vld [tilespmem:s16+$0x40]  }
0x272: {  	v12 =	vld [tilespmem:s16+$0xC040]  }
0x273: {  	v13 =	vld [tilespmem:s16+$0x50]  }
0x274: {  	v14 =	vld [tilespmem:s16+$0xC050]  }
0x275: {  	v15 =	vld [tilespmem:s16+$0x60]  }
0x276: {  	v16 =	vld [tilespmem:s16+$0xC060]  }
0x277: {  	v17 =	vld [tilespmem:s16+$0x70]  }
0x278: {  	v18 =	vld [tilespmem:s16+$0xC070]  }
0x279: {  	v19 =	vld [tilespmem:s16+$0x400]  }
0x27a: {  	v20 =	vld [tilespmem:s16+$0xC400]  }
0x27b: {  	v21 =	vld [tilespmem:s16+$0x410]  }
0x27c: {  	v22 =	vld [tilespmem:s16+$0xC410]  }
0x27d: {  	v23 =	vld [tilespmem:s16+$0x420]  }
0x27e: {  	v6 =	vadd.f32 v6, v10;
	v10 =	vld [tilespmem:s16+$0xC420]  }
0x27f: {  	v5 =	vadd.f32 v5, v7;
	v7 =	vld [tilespmem:s16+$0x430]  }
0x280: {  	v3 =	vadd.f32 v3, v8;
	[tilespmem:s16+$0x0] =	vst v6;
	v6 =	vld [tilespmem:s16+$0xC430]  }
0x281: {  	v4 =	vadd.f32 v9, v4;
	[tilespmem:s16+$0x10] =	vst v5;
	v5 =	vld [tilespmem:s16+$0x440]  }
0x282: {  	[tilespmem:s16+$0x20] =	vst v3;
	v3 =	vadd.f32 v12, v11;
	v8 =	vld [tilespmem:s16+$0x450]  }
0x283: {  	[tilespmem:s16+$0x30] =	vst v4;
	v4 =	vadd.f32 v14, v13;
	v9 =	vld [tilespmem:s16+$0xC450]  }
0x284: {  	[tilespmem:s16+$0x40] =	vst v3;
	v3 =	vadd.f32 v16, v15;
	v11 =	vld [tilespmem:s16+$0x460]  }
0x285: {  	[tilespmem:s16+$0x50] =	vst v4;
	v4 =	vadd.f32 v18, v17;
	v12 =	vld [tilespmem:s16+$0xC460]  }
0x286: {  	[tilespmem:s16+$0x60] =	vst v3;
	v3 =	vadd.f32 v20, v19;
	v13 =	vld [tilespmem:s16+$0x470]  }
0x287: {  	[tilespmem:s16+$0x70] =	vst v4;
	v4 =	vadd.f32 v22, v21;
	v14 =	vld [tilespmem:s16+$0xC470]  }
0x288: {  	[tilespmem:s16+$0x400] =	vst v3;
	v3 =	vadd.f32 v10, v23;
	v10 =	vld [tilespmem:s16+$0xC440]  }
0x289: {  	v15 =	vld [tilespmem:s15+$0x0];
	[tilespmem:s16+$0x410] =	vst v4;
	v4 =	vadd.f32 v6, v7  }
0x28a: {  	v6 =	vld [tilespmem:s15+$0xC000];
	[tilespmem:s16+$0x420] =	vst v3;
	v3 =	vadd.f32 v9, v8  }
0x28b: {  	v7 =	vld [tilespmem:s15+$0x10];
	[tilespmem:s16+$0x430] =	vst v4;
	v4 =	vadd.f32 v12, v11  }
0x28c: {  	v8 =	vld [tilespmem:s15+$0xC010];
	[tilespmem:s16+$0x450] =	vst v3;
	v3 =	vadd.f32 v14, v13  }
0x28d: {  	v9 =	vld [tilespmem:s15+$0x20];
	v5 =	vadd.f32 v10, v5;
	[tilespmem:s16+$0x460] =	vst v4  }
0x28e: {  	s4 =	sor.u32 s24, s4;
	v4 =	vld [tilespmem:s15+$0xC020];
	[tilespmem:s16+$0x470] =	vst v3  }
0x28f: {  	v3 =	vadd.f32 v6, v15;
	[tilespmem:s16+$0x440] =	vst v5;
	v5 =	vld [tilespmem:s4+$0x0]  }
0x290: {  	v6 =	vld [tilespmem:s4+$0xC000]  }
0x291: {  	[tilespmem:s15+$0x0] =	vst v3;
	v3 =	vadd.f32 v8, v7;
	v7 =	vld [tilespmem:s4+$0x10]  }
0x292: {  	v8 =	vld [tilespmem:s4+$0xC010]  }
0x293: {  	[tilespmem:s15+$0x10] =	vst v3;
	v3 =	vadd.f32 v4, v9;
	v4 =	vld [tilespmem:s4+$0x20]  }
0x294: {  	v9 =	vld [tilespmem:s4+$0xC020]  }
0x295: {  	[tilespmem:s15+$0x20] =	vst v3;
	v3 =	vld [tilespmem:s4+$0x30]  }
0x296: {  	v10 =	vld [tilespmem:s4+$0xC030]  }
0x297: {  	v11 =	vld [tilespmem:s4+$0x40]  }
0x298: {  	v12 =	vld [tilespmem:s4+$0x50]  }
0x299: {  	v13 =	vld [tilespmem:s4+$0xC050]  }
0x29a: {  	v14 =	vld [tilespmem:s4+$0x60]  }
0x29b: {  	v15 =	vld [tilespmem:s4+$0xC060]  }
0x29c: {  	v5 =	vadd.f32 v6, v5;
	v6 =	vld [tilespmem:s4+$0x70]  }
0x29d: {  	v7 =	vadd.f32 v8, v7;
	v8 =	vld [tilespmem:s4+$0xC070]  }
0x29e: {  	v4 =	vadd.f32 v9, v4;
	[tilespmem:s4+$0x0] =	vst v5;
	v5 =	vld [tilespmem:s4+$0xC040]  }
0x29f: {  	v3 =	vadd.f32 v10, v3;
	v9 =	vld [tilespmem:s15+$0x30];
	[tilespmem:s4+$0x10] =	vst v7  }
0x2a0: {  	v7 =	vld [tilespmem:s15+$0xC030];
	[tilespmem:s4+$0x20] =	vst v4;
	v4 =	vadd.f32 v13, v12  }
0x2a1: {  	v10 =	vld [tilespmem:s15+$0x40];
	[tilespmem:s4+$0x30] =	vst v3;
	v3 =	vadd.f32 v15, v14  }
0x2a2: {  	v12 =	vld [tilespmem:s15+$0xC040];
	[tilespmem:s4+$0x50] =	vst v4;
	v4 =	vadd.f32 v8, v6  }
0x2a3: {  	v6 =	vld [tilespmem:s15+$0x50];
	v5 =	vadd.f32 v5, v11;
	[tilespmem:s4+$0x60] =	vst v3  }
0x2a4: {  	s28 =	sor.u32 s24, s14;
	v3 =	vld [tilespmem:s15+$0xC050];
	[tilespmem:s4+$0x70] =	vst v4  }
0x2a5: {  	v4 =	vadd.f32 v7, v9;
	[tilespmem:s4+$0x40] =	vst v5;
	v5 =	vld [tilespmem:s28+$0x0]  }
0x2a6: {  	v7 =	vld [tilespmem:s28+$0xC000]  }
0x2a7: {  	[tilespmem:s15+$0x30] =	vst v4;
	v4 =	vadd.f32 v12, v10;
	v8 =	vld [tilespmem:s28+$0x10]  }
0x2a8: {  	v9 =	vld [tilespmem:s28+$0xC010]  }
0x2a9: {  	[tilespmem:s15+$0x40] =	vst v4;
	v3 =	vadd.f32 v3, v6;
	v4 =	vld [tilespmem:s28+$0x20]  }
0x2aa: {  	v6 =	vld [tilespmem:s28+$0xC020]  }
0x2ab: {  	[tilespmem:s15+$0x50] =	vst v3;
	v3 =	vld [tilespmem:s28+$0x30]  }
0x2ac: {  	v10 =	vld [tilespmem:s28+$0xC030]  }
0x2ad: {  	v11 =	vld [tilespmem:s28+$0x40]  }
0x2ae: {  	v12 =	vld [tilespmem:s28+$0x50]  }
0x2af: {  	v13 =	vld [tilespmem:s28+$0xC050]  }
0x2b0: {  	v14 =	vld [tilespmem:s28+$0x60]  }
0x2b1: {  	v15 =	vld [tilespmem:s28+$0xC060]  }
0x2b2: {  	v5 =	vadd.f32 v7, v5;
	v7 =	vld [tilespmem:s28+$0x70]  }
0x2b3: {  	v8 =	vadd.f32 v9, v8;
	v9 =	vld [tilespmem:s28+$0xC070]  }
0x2b4: {  	v4 =	vadd.f32 v6, v4;
	[tilespmem:s28+$0x0] =	vst v5;
	v5 =	vld [tilespmem:s28+$0xC040]  }
0x2b5: {  	v3 =	vadd.f32 v10, v3;
	v6 =	vld [tilespmem:s15+$0x60];
	[tilespmem:s28+$0x10] =	vst v8  }
0x2b6: {  	v8 =	vld [tilespmem:s15+$0xC060];
	[tilespmem:s28+$0x20] =	vst v4;
	v4 =	vadd.f32 v13, v12  }
0x2b7: {  	v10 =	vld [tilespmem:s15+$0x70];
	[tilespmem:s28+$0x30] =	vst v3;
	v3 =	vadd.f32 v15, v14  }
0x2b8: {  	v12 =	vld [tilespmem:s15+$0xC070];
	[tilespmem:s28+$0x50] =	vst v4;
	v4 =	vadd.f32 v9, v7  }
0x2b9: {  	s16 =	sadd.s32 $0x1000, s17;
	v7 =	vld [tilespmem:s15+$0x400];
	v5 =	vadd.f32 v5, v11;
	[tilespmem:s28+$0x60] =	vst v3  }
0x2ba: {  	s14 =	sor.u32 s13, s16;
	s5 =	sor.u32 s24, s16;
	s4 =	sor.u32 s19, s16;
	v3 =	vld [tilespmem:s15+$0xC400];
	[tilespmem:s28+$0x70] =	vst v4  }
0x2bb: {  	s16 =	sor.u32 s18, s16;
	v4 =	vadd.f32 v8, v6;
	[tilespmem:s28+$0x40] =	vst v5;
	v5 =	vld [tilespmem:s5+$0x0]  }
0x2bc: {  	v6 =	vld [tilespmem:s5+$0xC000]  }
0x2bd: {  	[tilespmem:s15+$0x60] =	vst v4;
	v4 =	vadd.f32 v12, v10;
	v8 =	vld [tilespmem:s5+$0x10]  }
0x2be: {  	v9 =	vld [tilespmem:s5+$0xC010]  }
0x2bf: {  	[tilespmem:s15+$0x70] =	vst v4;
	v3 =	vadd.f32 v3, v7;
	v4 =	vld [tilespmem:s5+$0x20]  }
0x2c0: {  	v7 =	vld [tilespmem:s5+$0xC020]  }
0x2c1: {  	[tilespmem:s15+$0x400] =	vst v3;
	v3 =	vld [tilespmem:s5+$0x30]  }
0x2c2: {  	v10 =	vld [tilespmem:s5+$0x40]  }
0x2c3: {  	v11 =	vld [tilespmem:s5+$0xC040]  }
0x2c4: {  	v12 =	vld [tilespmem:s5+$0x50]  }
0x2c5: {  	v13 =	vld [tilespmem:s5+$0xC050]  }
0x2c6: {  	v14 =	vld [tilespmem:s5+$0x60]  }
0x2c7: {  	v15 =	vld [tilespmem:s5+$0xC060]  }
0x2c8: {  	v5 =	vadd.f32 v6, v5;
	v6 =	vld [tilespmem:s5+$0x70]  }
0x2c9: {  	v8 =	vadd.f32 v9, v8;
	v9 =	vld [tilespmem:s5+$0xC070]  }
0x2ca: {  	v4 =	vadd.f32 v7, v4;
	[tilespmem:s5+$0x0] =	vst v5;
	v5 =	vld [tilespmem:s5+$0xC030]  }
0x2cb: {  	v7 =	vld [tilespmem:s15+$0x410];
	[tilespmem:s5+$0x10] =	vst v8;
	v8 =	vadd.f32 v11, v10  }
0x2cc: {  	v10 =	vld [tilespmem:s15+$0xC410];
	[tilespmem:s5+$0x20] =	vst v4;
	v4 =	vadd.f32 v13, v12  }
0x2cd: {  	v11 =	vld [tilespmem:s15+$0x420];
	[tilespmem:s5+$0x40] =	vst v8;
	v8 =	vadd.f32 v15, v14  }
0x2ce: {  	v12 =	vld [tilespmem:s15+$0xC420];
	[tilespmem:s5+$0x50] =	vst v4;
	v4 =	vadd.f32 v9, v6  }
0x2cf: {  	s8 =	sadd.s32 $0x1400, s17;
	v6 =	vld [tilespmem:s15+$0x430];
	v3 =	vadd.f32 v5, v3;
	[tilespmem:s5+$0x60] =	vst v8  }
0x2d0: {  	s17 =	sor.u32 s19, s8;
	s24 =	sor.u32 s24, s8;
	s28 =	sor.u32 s13, s8;
	v5 =	vld [tilespmem:s15+$0xC430];
	[tilespmem:s5+$0x70] =	vst v4  }
0x2d1: {  	s13 =	sor.u32 s18, s8;
	v4 =	vadd.f32 v10, v7;
	[tilespmem:s5+$0x30] =	vst v3;
	v3 =	vld [tilespmem:s24+$0x70]  }
0x2d2: {  	v7 =	vld [tilespmem:s24+$0xC070]  }
0x2d3: {  	[tilespmem:s15+$0x410] =	vst v4;
	v4 =	vadd.f32 v12, v11;
	v8 =	vld [tilespmem:s15+$0x440]  }
0x2d4: {  	v9 =	vld [tilespmem:s15+$0xC440]  }
0x2d5: {  	[tilespmem:s15+$0x420] =	vst v4;
	v4 =	vadd.f32 v5, v6;
	v5 =	vld [tilespmem:s15+$0x450]  }
0x2d6: {  	v6 =	vld [tilespmem:s15+$0xC450]  }
0x2d7: {  	[tilespmem:s15+$0x430] =	vst v4;
	v4 =	vld [tilespmem:s15+$0x460];
	v3 =	vadd.f32 v7, v3  }
0x2d8: {  	v7 =	vld [tilespmem:s15+$0xC460]  }
0x2d9: {  	v8 =	vadd.f32 v9, v8;
	v9 =	vld [tilespmem:s15+$0x470];
	[tilespmem:s24+$0x70] =	vst v3  }
0x2da: {  	v3 =	vld [tilespmem:s15+$0xC470]  }
0x2db: {  	[tilespmem:s15+$0x440] =	vst v8;
	v5 =	vadd.f32 v6, v5;
	v6 =	vld [tilespmem:s31+$0x0]  }
0x2dc: {  	v8 =	vld [tilespmem:s31+$0xC000]  }
0x2dd: {  	[tilespmem:s15+$0x450] =	vst v5;
	v4 =	vadd.f32 v7, v4;
	v5 =	vld [tilespmem:s31+$0x10]  }
0x2de: {  	v7 =	vld [tilespmem:s31+$0xC010]  }
0x2df: {  	[tilespmem:s15+$0x460] =	vst v4;
	v3 =	vadd.f32 v3, v9;
	v4 =	vld [tilespmem:s31+$0x20]  }
0x2e0: {  	v9 =	vld [tilespmem:s31+$0xC020]  }
0x2e1: {  	[tilespmem:s15+$0x470] =	vst v3;
	v3 =	vadd.f32 v8, v6;
	v6 =	vld [tilespmem:s31+$0x30]  }
0x2e2: {  	v8 =	vld [tilespmem:s31+$0xC030]  }
0x2e3: {  	[tilespmem:s31+$0x0] =	vst v3;
	v3 =	vadd.f32 v7, v5;
	v5 =	vld [tilespmem:s31+$0x40]  }
0x2e4: {  	v7 =	vld [tilespmem:s31+$0xC040]  }
0x2e5: {  	[tilespmem:s31+$0x10] =	vst v3;
	v3 =	vadd.f32 v9, v4;
	v4 =	vld [tilespmem:s31+$0x50]  }
0x2e6: {  	v9 =	vld [tilespmem:s31+$0xC050]  }
0x2e7: {  	[tilespmem:s31+$0x20] =	vst v3;
	v3 =	vadd.f32 v8, v6;
	v6 =	vld [tilespmem:s31+$0x60]  }
0x2e8: {  	v8 =	vld [tilespmem:s31+$0xC060]  }
0x2e9: {  	[tilespmem:s31+$0x30] =	vst v3;
	v3 =	vadd.f32 v7, v5;
	v5 =	vld [tilespmem:s31+$0x70]  }
0x2ea: {  	v7 =	vld [tilespmem:s31+$0xC070]  }
0x2eb: {  	[tilespmem:s31+$0x40] =	vst v3;
	v3 =	vadd.f32 v9, v4;
	v4 =	vld [tilespmem:s31+$0x400]  }
0x2ec: {  	v9 =	vld [tilespmem:s31+$0xC400]  }
0x2ed: {  	[tilespmem:s31+$0x50] =	vst v3;
	v3 =	vadd.f32 v8, v6;
	v6 =	vld [tilespmem:s31+$0x410]  }
0x2ee: {  	v8 =	vld [tilespmem:s31+$0xC410]  }
0x2ef: {  	[tilespmem:s31+$0x60] =	vst v3;
	v3 =	vadd.f32 v7, v5;
	v5 =	vld [tilespmem:s31+$0x420]  }
0x2f0: {  	v7 =	vld [tilespmem:s31+$0xC420]  }
0x2f1: {  	[tilespmem:s31+$0x70] =	vst v3;
	v3 =	vadd.f32 v9, v4;
	v4 =	vld [tilespmem:s31+$0x430]  }
0x2f2: {  	v9 =	vld [tilespmem:s31+$0xC430]  }
0x2f3: {  	[tilespmem:s31+$0x400] =	vst v3;
	v3 =	vadd.f32 v8, v6;
	v6 =	vld [tilespmem:s31+$0x440]  }
0x2f4: {  	v8 =	vld [tilespmem:s31+$0xC440]  }
0x2f5: {  	[tilespmem:s31+$0x410] =	vst v3;
	v3 =	vadd.f32 v7, v5;
	v5 =	vld [tilespmem:s31+$0x450]  }
0x2f6: {  	v7 =	vld [tilespmem:s31+$0xC450]  }
0x2f7: {  	[tilespmem:s31+$0x420] =	vst v3;
	v3 =	vadd.f32 v9, v4;
	v4 =	vld [tilespmem:s31+$0x460]  }
0x2f8: {  	v9 =	vld [tilespmem:s31+$0xC460]  }
0x2f9: {  	[tilespmem:s31+$0x430] =	vst v3;
	v3 =	vadd.f32 v8, v6;
	v6 =	vld [tilespmem:s31+$0x470]  }
0x2fa: {  	v8 =	vld [tilespmem:s31+$0xC470]  }
0x2fb: {  	v10 =	vld [tilespmem:s11+$0x0];
	[tilespmem:s31+$0x440] =	vst v3;
	v3 =	vadd.f32 v7, v5  }
0x2fc: {  	v5 =	vld [tilespmem:s11+$0xC000]  }
0x2fd: {  	v7 =	vld [tilespmem:s11+$0x10];
	[tilespmem:s31+$0x450] =	vst v3;
	v3 =	vadd.f32 v9, v4  }
0x2fe: {  	v4 =	vld [tilespmem:s11+$0xC010]  }
0x2ff: {  	v9 =	vld [tilespmem:s11+$0x20];
	[tilespmem:s31+$0x460] =	vst v3;
	v3 =	vadd.f32 v8, v6  }
0x300: {  	v6 =	vld [tilespmem:s11+$0xC020]  }
0x301: {  	v5 =	vadd.f32 v5, v10;
	v8 =	vld [tilespmem:s11+$0x30];
	[tilespmem:s31+$0x470] =	vst v3  }
0x302: {  	v3 =	vld [tilespmem:s11+$0xC030]  }
0x303: {  	[tilespmem:s11+$0x0] =	vst v5;
	v4 =	vadd.f32 v4, v7;
	v5 =	vld [tilespmem:s11+$0x40]  }
0x304: {  	v7 =	vld [tilespmem:s11+$0xC040]  }
0x305: {  	[tilespmem:s11+$0x10] =	vst v4;
	v4 =	vadd.f32 v6, v9;
	v6 =	vld [tilespmem:s11+$0x50]  }
0x306: {  	v9 =	vld [tilespmem:s11+$0xC050]  }
0x307: {  	[tilespmem:s11+$0x20] =	vst v4;
	v3 =	vadd.f32 v3, v8;
	v4 =	vld [tilespmem:s11+$0x60]  }
0x308: {  	v8 =	vld [tilespmem:s11+$0xC060]  }
0x309: {  	[tilespmem:s11+$0x30] =	vst v3;
	v3 =	vadd.f32 v7, v5;
	v5 =	vld [tilespmem:s11+$0x70]  }
0x30a: {  	v7 =	vld [tilespmem:s11+$0xC070]  }
0x30b: {  	[tilespmem:s11+$0x40] =	vst v3;
	v3 =	vadd.f32 v9, v6;
	v6 =	vld [tilespmem:s0+$0x0]  }
0x30c: {  	v9 =	vld [tilespmem:s0+$0xC000]  }
0x30d: {  	[tilespmem:s11+$0x50] =	vst v3;
	v3 =	vadd.f32 v8, v4;
	v4 =	vld [tilespmem:s0+$0x10]  }
0x30e: {  	v8 =	vld [tilespmem:s0+$0xC010]  }
0x30f: {  	[tilespmem:s11+$0x60] =	vst v3;
	v3 =	vadd.f32 v7, v5;
	v5 =	vld [tilespmem:s0+$0x20]  }
0x310: {  	v7 =	vld [tilespmem:s0+$0xC020]  }
0x311: {  	[tilespmem:s11+$0x70] =	vst v3;
	v3 =	vadd.f32 v9, v6;
	v6 =	vld [tilespmem:s0+$0x30]  }
0x312: {  	v9 =	vld [tilespmem:s0+$0xC030]  }
0x313: {  	[tilespmem:s0+$0x0] =	vst v3;
	v3 =	vadd.f32 v8, v4;
	v4 =	vld [tilespmem:s0+$0x40]  }
0x314: {  	v8 =	vld [tilespmem:s0+$0xC040]  }
0x315: {  	[tilespmem:s0+$0x10] =	vst v3;
	v3 =	vadd.f32 v7, v5;
	v5 =	vld [tilespmem:s0+$0x50]  }
0x316: {  	v7 =	vld [tilespmem:s0+$0xC050]  }
0x317: {  	[tilespmem:s0+$0x20] =	vst v3;
	v3 =	vadd.f32 v9, v6;
	v6 =	vld [tilespmem:s0+$0x60]  }
0x318: {  	v9 =	vld [tilespmem:s0+$0xC060]  }
0x319: {  	[tilespmem:s0+$0x30] =	vst v3;
	v3 =	vadd.f32 v8, v4;
	v4 =	vld [tilespmem:s0+$0x70]  }
0x31a: {  	v8 =	vld [tilespmem:s0+$0xC070]  }
0x31b: {  	v10 =	vld [tilespmem:s1+$0x0];
	[tilespmem:s0+$0x40] =	vst v3;
	v3 =	vadd.f32 v7, v5  }
0x31c: {  	v5 =	vld [tilespmem:s1+$0xC000]  }
0x31d: {  	v7 =	vld [tilespmem:s1+$0x10];
	[tilespmem:s0+$0x50] =	vst v3;
	v3 =	vadd.f32 v9, v6  }
0x31e: {  	v6 =	vld [tilespmem:s1+$0xC010]  }
0x31f: {  	v9 =	vld [tilespmem:s1+$0x20];
	[tilespmem:s0+$0x60] =	vst v3;
	v3 =	vadd.f32 v8, v4  }
0x320: {  	v4 =	vld [tilespmem:s1+$0xC020]  }
0x321: {  	v5 =	vadd.f32 v5, v10;
	v8 =	vld [tilespmem:s1+$0x30];
	[tilespmem:s0+$0x70] =	vst v3  }
0x322: {  	v3 =	vld [tilespmem:s1+$0xC030]  }
0x323: {  	[tilespmem:s1+$0x0] =	vst v5;
	v5 =	vadd.f32 v6, v7;
	v6 =	vld [tilespmem:s1+$0x40]  }
0x324: {  	v7 =	vld [tilespmem:s1+$0xC040]  }
0x325: {  	[tilespmem:s1+$0x10] =	vst v5;
	v4 =	vadd.f32 v4, v9;
	v5 =	vld [tilespmem:s1+$0x50]  }
0x326: {  	v9 =	vld [tilespmem:s1+$0xC050]  }
0x327: {  	[tilespmem:s1+$0x20] =	vst v4;
	v3 =	vadd.f32 v3, v8;
	v4 =	vld [tilespmem:s1+$0x60]  }
0x328: {  	v8 =	vld [tilespmem:s1+$0xC060]  }
0x329: {  	[tilespmem:s1+$0x30] =	vst v3;
	v3 =	vadd.f32 v7, v6;
	v6 =	vld [tilespmem:s1+$0x70]  }
0x32a: {  	v7 =	vld [tilespmem:s1+$0xC070]  }
0x32b: {  	[tilespmem:s1+$0x40] =	vst v3;
	v3 =	vadd.f32 v9, v5;
	v5 =	vld [tilespmem:s30+$0x0]  }
0x32c: {  	v9 =	vld [tilespmem:s30+$0xC000]  }
0x32d: {  	[tilespmem:s1+$0x50] =	vst v3;
	v3 =	vadd.f32 v8, v4;
	v4 =	vld [tilespmem:s30+$0x10]  }
0x32e: {  	v8 =	vld [tilespmem:s30+$0xC010]  }
0x32f: {  	[tilespmem:s1+$0x60] =	vst v3;
	v3 =	vadd.f32 v7, v6;
	v6 =	vld [tilespmem:s30+$0x20]  }
0x330: {  	v7 =	vld [tilespmem:s30+$0xC020]  }
0x331: {  	[tilespmem:s1+$0x70] =	vst v3;
	v3 =	vadd.f32 v9, v5;
	v5 =	vld [tilespmem:s30+$0x30]  }
0x332: {  	v9 =	vld [tilespmem:s30+$0xC030]  }
0x333: {  	[tilespmem:s30+$0x0] =	vst v3;
	v3 =	vadd.f32 v8, v4;
	v4 =	vld [tilespmem:s30+$0x40]  }
0x334: {  	v8 =	vld [tilespmem:s30+$0xC040]  }
0x335: {  	[tilespmem:s30+$0x10] =	vst v3;
	v3 =	vadd.f32 v7, v6;
	v6 =	vld [tilespmem:s30+$0x50]  }
0x336: {  	v7 =	vld [tilespmem:s30+$0xC050]  }
0x337: {  	[tilespmem:s30+$0x20] =	vst v3;
	v3 =	vadd.f32 v9, v5;
	v5 =	vld [tilespmem:s30+$0x60]  }
0x338: {  	v9 =	vld [tilespmem:s30+$0xC060]  }
0x339: {  	[tilespmem:s30+$0x30] =	vst v3;
	v3 =	vadd.f32 v8, v4;
	v4 =	vld [tilespmem:s30+$0x70]  }
0x33a: {  	v8 =	vld [tilespmem:s30+$0xC070]  }
0x33b: {  	v10 =	vld [tilespmem:s29+$0x20];
	[tilespmem:s30+$0x40] =	vst v3;
	v3 =	vadd.f32 v7, v6  }
0x33c: {  	v6 =	vld [tilespmem:s29+$0xC020]  }
0x33d: {  	v7 =	vld [tilespmem:s29+$0x30];
	[tilespmem:s30+$0x50] =	vst v3;
	v3 =	vadd.f32 v9, v5  }
0x33e: {  	v5 =	vld [tilespmem:s29+$0xC030]  }
0x33f: {  	v9 =	vld [tilespmem:s29+$0x40];
	[tilespmem:s30+$0x60] =	vst v3;
	v3 =	vadd.f32 v8, v4  }
0x340: {  	v4 =	vld [tilespmem:s29+$0xC040]  }
0x341: {  	v6 =	vadd.f32 v6, v10;
	v8 =	vld [tilespmem:s29+$0x50];
	[tilespmem:s30+$0x70] =	vst v3  }
0x342: {  	v3 =	vld [tilespmem:s29+$0xC050]  }
0x343: {  	[tilespmem:s29+$0x20] =	vst v6;
	v5 =	vadd.f32 v5, v7;
	v6 =	vld [tilespmem:s29+$0x60]  }
0x344: {  	v7 =	vld [tilespmem:s29+$0xC060]  }
0x345: {  	[tilespmem:s29+$0x30] =	vst v5;
	v4 =	vadd.f32 v4, v9;
	v5 =	vld [tilespmem:s29+$0x70]  }
0x346: {  	v9 =	vld [tilespmem:s29+$0xC070]  }
0x347: {  	[tilespmem:s29+$0x40] =	vst v4;
	v3 =	vadd.f32 v3, v8;
	v4 =	vld [tilespmem:s4+$0x0]  }
0x348: {  	v8 =	vld [tilespmem:s4+$0xC000]  }
0x349: {  	[tilespmem:s29+$0x50] =	vst v3;
	v3 =	vadd.f32 v7, v6;
	v6 =	vld [tilespmem:s4+$0x10]  }
0x34a: {  	v7 =	vld [tilespmem:s4+$0xC010]  }
0x34b: {  	[tilespmem:s29+$0x60] =	vst v3;
	v3 =	vadd.f32 v9, v5;
	v5 =	vld [tilespmem:s4+$0x20]  }
0x34c: {  	v9 =	vld [tilespmem:s4+$0xC020]  }
0x34d: {  	[tilespmem:s29+$0x70] =	vst v3;
	v3 =	vadd.f32 v8, v4;
	v4 =	vld [tilespmem:s4+$0x30]  }
0x34e: {  	v8 =	vld [tilespmem:s4+$0xC030]  }
0x34f: {  	[tilespmem:s4+$0x0] =	vst v3;
	v3 =	vadd.f32 v7, v6;
	v6 =	vld [tilespmem:s4+$0x40]  }
0x350: {  	v7 =	vld [tilespmem:s4+$0xC040]  }
0x351: {  	[tilespmem:s4+$0x10] =	vst v3;
	v3 =	vadd.f32 v9, v5;
	v5 =	vld [tilespmem:s4+$0x50]  }
0x352: {  	v9 =	vld [tilespmem:s4+$0xC050]  }
0x353: {  	[tilespmem:s4+$0x20] =	vst v3;
	v3 =	vadd.f32 v8, v4;
	v4 =	vld [tilespmem:s4+$0x60]  }
0x354: {  	v8 =	vld [tilespmem:s4+$0xC060]  }
0x355: {  	[tilespmem:s4+$0x30] =	vst v3;
	v3 =	vadd.f32 v7, v6;
	v6 =	vld [tilespmem:s4+$0x70]  }
0x356: {  	v7 =	vld [tilespmem:s4+$0xC070]  }
0x357: {  	[tilespmem:s4+$0x40] =	vst v3;
	v3 =	vadd.f32 v9, v5;
	v5 =	vld [tilespmem:s16+$0x0]  }
0x358: {  	v9 =	vld [tilespmem:s16+$0xC000]  }
0x359: {  	[tilespmem:s4+$0x50] =	vst v3;
	v3 =	vadd.f32 v8, v4;
	v4 =	vld [tilespmem:s16+$0x10]  }
0x35a: {  	v8 =	vld [tilespmem:s16+$0xC010]  }
0x35b: {  	[tilespmem:s4+$0x60] =	vst v3;
	v3 =	vadd.f32 v7, v6;
	v6 =	vld [tilespmem:s16+$0x20]  }
0x35c: {  	v7 =	vld [tilespmem:s16+$0xC020]  }
0x35d: {  	[tilespmem:s4+$0x70] =	vst v3;
	v3 =	vadd.f32 v9, v5;
	v5 =	vld [tilespmem:s16+$0x30]  }
0x35e: {  	v9 =	vld [tilespmem:s16+$0xC030]  }
0x35f: {  	[tilespmem:s16+$0x0] =	vst v3;
	v3 =	vadd.f32 v8, v4;
	v4 =	vld [tilespmem:s16+$0x40]  }
0x360: {  	v8 =	vld [tilespmem:s16+$0xC040]  }
0x361: {  	[tilespmem:s16+$0x10] =	vst v3;
	v3 =	vadd.f32 v7, v6;
	v6 =	vld [tilespmem:s16+$0x50]  }
0x362: {  	v7 =	vld [tilespmem:s16+$0xC050]  }
0x363: {  	[tilespmem:s16+$0x20] =	vst v3;
	v3 =	vadd.f32 v9, v5;
	v5 =	vld [tilespmem:s16+$0x60]  }
0x364: {  	v9 =	vld [tilespmem:s16+$0xC060]  }
0x365: {  	[tilespmem:s16+$0x30] =	vst v3;
	v3 =	vadd.f32 v8, v4;
	v4 =	vld [tilespmem:s16+$0x70]  }
0x366: {  	v8 =	vld [tilespmem:s16+$0xC070]  }
0x367: {  	v10 =	vld [tilespmem:s14+$0x0];
	[tilespmem:s16+$0x40] =	vst v3;
	v3 =	vadd.f32 v7, v6  }
0x368: {  	v6 =	vld [tilespmem:s14+$0xC000]  }
0x369: {  	v7 =	vld [tilespmem:s14+$0x10];
	[tilespmem:s16+$0x50] =	vst v3;
	v3 =	vadd.f32 v9, v5  }
0x36a: {  	v5 =	vld [tilespmem:s14+$0xC010]  }
0x36b: {  	v9 =	vld [tilespmem:s14+$0x20];
	[tilespmem:s16+$0x60] =	vst v3;
	v3 =	vadd.f32 v8, v4  }
0x36c: {  	v4 =	vld [tilespmem:s14+$0xC020]  }
0x36d: {  	v6 =	vadd.f32 v6, v10;
	v8 =	vld [tilespmem:s14+$0x30];
	[tilespmem:s16+$0x70] =	vst v3  }
0x36e: {  	v3 =	vld [tilespmem:s14+$0xC030]  }
0x36f: {  	[tilespmem:s14+$0x0] =	vst v6;
	v5 =	vadd.f32 v5, v7;
	v6 =	vld [tilespmem:s14+$0x40]  }
0x370: {  	v7 =	vld [tilespmem:s14+$0xC040]  }
0x371: {  	[tilespmem:s14+$0x10] =	vst v5;
	v4 =	vadd.f32 v4, v9;
	v5 =	vld [tilespmem:s14+$0x50]  }
0x372: {  	v9 =	vld [tilespmem:s14+$0xC050]  }
0x373: {  	[tilespmem:s14+$0x20] =	vst v4;
	v3 =	vadd.f32 v3, v8;
	v4 =	vld [tilespmem:s14+$0x60]  }
0x374: {  	v8 =	vld [tilespmem:s14+$0xC060]  }
0x375: {  	[tilespmem:s14+$0x30] =	vst v3;
	v3 =	vadd.f32 v7, v6;
	v6 =	vld [tilespmem:s14+$0x70]  }
0x376: {  	v7 =	vld [tilespmem:s14+$0xC070]  }
0x377: {  	[tilespmem:s14+$0x40] =	vst v3;
	v3 =	vadd.f32 v9, v5;
	v5 =	vld [tilespmem:s17+$0x0]  }
0x378: {  	v9 =	vld [tilespmem:s17+$0xC000]  }
0x379: {  	[tilespmem:s14+$0x50] =	vst v3;
	v3 =	vadd.f32 v8, v4;
	v4 =	vld [tilespmem:s17+$0x10]  }
0x37a: {  	v8 =	vld [tilespmem:s17+$0xC010]  }
0x37b: {  	[tilespmem:s14+$0x60] =	vst v3;
	v3 =	vadd.f32 v7, v6;
	v6 =	vld [tilespmem:s17+$0x20]  }
0x37c: {  	v7 =	vld [tilespmem:s17+$0xC020]  }
0x37d: {  	[tilespmem:s14+$0x70] =	vst v3;
	v3 =	vadd.f32 v9, v5;
	v5 =	vld [tilespmem:s17+$0x30]  }
0x37e: {  	v9 =	vld [tilespmem:s17+$0xC030]  }
0x37f: {  	[tilespmem:s17+$0x0] =	vst v3;
	v3 =	vadd.f32 v8, v4;
	v4 =	vld [tilespmem:s17+$0x40]  }
0x380: {  	v8 =	vld [tilespmem:s17+$0xC040]  }
0x381: {  	[tilespmem:s17+$0x10] =	vst v3;
	v3 =	vadd.f32 v7, v6;
	v6 =	vld [tilespmem:s17+$0x50]  }
0x382: {  	v7 =	vld [tilespmem:s17+$0xC050]  }
0x383: {  	[tilespmem:s17+$0x20] =	vst v3;
	v3 =	vadd.f32 v9, v5;
	v5 =	vld [tilespmem:s17+$0x60]  }
0x384: {  	v9 =	vld [tilespmem:s17+$0xC060]  }
0x385: {  	[tilespmem:s17+$0x30] =	vst v3;
	v3 =	vadd.f32 v8, v4;
	v4 =	vld [tilespmem:s17+$0x70]  }
0x386: {  	v8 =	vld [tilespmem:s17+$0xC070]  }
0x387: {  	[tilespmem:s17+$0x40] =	vst v3;
	v3 =	vadd.f32 v7, v6;
	v6 =	vld [tilespmem:s13+$0x0]  }
0x388: {  	v7 =	vld [tilespmem:s13+$0xC000]  }
0x389: {  	[tilespmem:s17+$0x50] =	vst v3;
	v3 =	vadd.f32 v9, v5;
	v5 =	vld [tilespmem:s13+$0x10]  }
0x38a: {  	v9 =	vld [tilespmem:s13+$0xC010]  }
0x38b: {  	[tilespmem:s17+$0x60] =	vst v3;
	v3 =	vadd.f32 v8, v4;
	v4 =	vld [tilespmem:s13+$0x20]  }
0x38c: {  	v8 =	vld [tilespmem:s13+$0xC020]  }
0x38d: {  	[tilespmem:s17+$0x70] =	vst v3;
	v3 =	vadd.f32 v7, v6;
	v6 =	vld [tilespmem:s13+$0x30]  }
0x38e: {  	v7 =	vld [tilespmem:s13+$0xC030]  }
0x38f: {  	[tilespmem:s13+$0x0] =	vst v3;
	v3 =	vadd.f32 v9, v5;
	v5 =	vld [tilespmem:s13+$0x40]  }
0x390: {  	v9 =	vld [tilespmem:s13+$0xC040]  }
0x391: {  	[tilespmem:s13+$0x10] =	vst v3;
	v3 =	vadd.f32 v8, v4;
	v4 =	vld [tilespmem:s13+$0x50]  }
0x392: {  	v8 =	vld [tilespmem:s13+$0xC050]  }
0x393: {  	[tilespmem:s13+$0x20] =	vst v3;
	v3 =	vadd.f32 v7, v6;
	v6 =	vld [tilespmem:s13+$0x60]  }
0x394: {  	v7 =	vld [tilespmem:s13+$0xC060]  }
0x395: {  	[tilespmem:s13+$0x30] =	vst v3;
	v3 =	vadd.f32 v9, v5;
	v5 =	vld [tilespmem:s13+$0x70]  }
0x396: {  	v9 =	vld [tilespmem:s13+$0xC070]  }
0x397: {  	[tilespmem:s13+$0x40] =	vst v3;
	v3 =	vadd.f32 v8, v4;
	v4 =	vld [tilespmem:s24+$0x0]  }
0x398: {  	v8 =	vld [tilespmem:s24+$0xC000]  }
.Ltmp0:
0x399: {  	[tilespmem:s13+$0x50] =	vst v3;
	v3 =	vadd.f32 v7, v6;
	v6 =	vld [tilespmem:s24+$0x10];
	(pc) =	sbr.rel @p0 .LBB2_2-.Ltmp0, $4  }
0x39a: {  	v7 =	vld [tilespmem:s24+$0xC010]  }
0x39b: {  	[tilespmem:s13+$0x60] =	vst v3;
	v9 =	vadd.f32 v9, v5;
	v3 =	vld [tilespmem:s24+$0x20]  }
0x39c: {  	v5 =	vld [tilespmem:s24+$0xC020]  }
0x39d: {  	[tilespmem:s13+$0x70] =	vst v9;
	v8 =	vadd.f32 v8, v4;
	v4 =	vld [tilespmem:s24+$0x30]  }
0x39e: {  	v9 =	vld [tilespmem:s28+$0x0]  }
0x39f: {  	v10 =	vld [tilespmem:s28+$0xC000]  }
0x3a0: {  	v11 =	vld [tilespmem:s28+$0x10]  }
0x3a1: {  	v12 =	vld [tilespmem:s28+$0xC010]  }
0x3a2: {  	v13 =	vld [tilespmem:s24+$0xC030]  }
0x3a3: {  	v6 =	vadd.f32 v7, v6;
	v7 =	vld [tilespmem:s24+$0x40]  }
0x3a4: {  	[tilespmem:s24+$0x0] =	vst v8;
	v8 =	vld [tilespmem:s24+$0xC040];
	v9 =	vadd.f32 v10, v9  }
0x3a5: {  	v10 =	vld [tilespmem:s24+$0x50]  }
0x3a6: {  	[tilespmem:s28+$0x0] =	vst v9;
	v9 =	vld [tilespmem:s24+$0xC050]  }
0x3a7: {  	v3 =	vadd.f32 v5, v3;
	v5 =	vld [tilespmem:s28+$0x30]  }
0x3a8: {  	[tilespmem:s24+$0x10] =	vst v6;
	v6 =	vadd.f32 v12, v11;
	v11 =	vld [tilespmem:s28+$0xC020]  }
0x3a9: {  	v4 =	vadd.f32 v13, v4;
	[tilespmem:s24+$0x20] =	vst v3;
	v3 =	vadd.f32 v8, v7;
	v7 =	vld [tilespmem:s28+$0xC030]  }
0x3aa: {  	v8 =	vld [tilespmem:s24+$0x60];
	[tilespmem:s28+$0x10] =	vst v6  }
0x3ab: {  	v6 =	vld [tilespmem:s28+$0x20];
	[tilespmem:s24+$0x30] =	vst v4;
	v4 =	vadd.f32 v9, v10  }
0x3ac: {  	[tilespmem:s24+$0x40] =	vst v3;
	v3 =	vld [tilespmem:s28+$0x40]  }
0x3ad: {  	[tilespmem:s24+$0x50] =	vst v4;
	v4 =	vld [tilespmem:s28+$0xC040]  }
0x3ae: {  	v5 =	vadd.f32 v7, v5;
	v7 =	vld [tilespmem:s28+$0xC050]  }
0x3af: {  	v9 =	vld [tilespmem:s24+$0xC060]  }
0x3b0: {  	v6 =	vadd.f32 v11, v6;
	v10 =	vld [tilespmem:s28+$0xC070]  }
0x3b1: {  	[tilespmem:s28+$0x30] =	vst v5;
	v5 =	vld [tilespmem:s28+$0xC060]  }
0x3b2: {  	[tilespmem:s28+$0x20] =	vst v6;
	v6 =	vld [tilespmem:s28+$0x50];
	v3 =	vadd.f32 v4, v3  }
0x3b3: {  	v4 =	vld [tilespmem:s28+$0x60]  }
0x3b4: {  	[tilespmem:s28+$0x40] =	vst v3;
	v3 =	vld [tilespmem:s28+$0x70];
	_ =	sdelay $0x1  }
0x3b5: {  	v8 =	vadd.f32 v9, v8  }
0x3b6: {  	v6 =	vadd.f32 v7, v6  }
0x3b7: {  	[tilespmem:s24+$0x60] =	vst v8;
	v4 =	vadd.f32 v5, v4  }
0x3b8: {  	[tilespmem:s28+$0x50] =	vst v6;
	v3 =	vadd.f32 v10, v3  }
0x3b9: {  	[tilespmem:s28+$0x60] =	vst v4  }
0x3ba: {  	[tilespmem:s28+$0x70] =	vst v3  }
0x3bb: {  	s0 =	rddreg [dreg:$0x5]  }
0x3bc: {  	[hbm4b:s0+s2] =	stream.linear.scatter [tilespmem:s2], [sflag:$0x3], $0x6000, $0x38;
	[tilespmem:$0x18100] =	vst v63  }
0x3bd: {  	_ =	swait.ge [sflag:s20], $0x6000  }
0x3be: {  	[sflag:s20] =	ssyncset.done $0x0  }
0x3bf: {  	s29 =	simm.s32 $0x4;
	[sflag:s20] =	ssyncadd.s32 $0xFFFFA000  }
0x3c0: {  	s16 =	smul.u32 $0x1800, s29;
	s24 =	simm.s32 $0x1000;
	_ =	swait.ge [sflag:s21], $0x6000  }
0x3c1: {  	s28 =	sand.u32 $0x200, s24;
	[sflag:s21] =	ssyncset.done $0x0  }
0x3c2: {  	s0 =	sor.u32 s28, s16;
	[sflag:s21] =	ssyncadd.s32 $0xFFFFA000  }
0x3c3: {  	v3 =	vld [tilespmem:s0+$0x0]  }
0x3c4: {  	v4 =	vld [tilespmem:s0+$0xC000]  }
0x3c5: {  	v5 =	vld [tilespmem:s0+$0x10]  }
0x3c6: {  	v6 =	vld [tilespmem:s0+$0xC010]  }
0x3c7: {  	v7 =	vld [tilespmem:s0+$0x20]  }
0x3c8: {  	v8 =	vld [tilespmem:s0+$0xC020]  }
0x3c9: {  	v9 =	vld [tilespmem:s0+$0x30]  }
0x3ca: {  	v10 =	vld [tilespmem:s0+$0xC030]  }
0x3cb: {  	v11 =	vld [tilespmem:s0+$0x40]  }
0x3cc: {  	v32 =	vld [tilespmem:s0+$0xC040]  }
0x3cd: {  	v33 =	vld [tilespmem:s0+$0x50]  }
0x3ce: {  	v14 =	vld [tilespmem:s0+$0xC050]  }
0x3cf: {  	v15 =	vld [tilespmem:s0+$0x60]  }
0x3d0: {  	v16 =	vld [tilespmem:s0+$0xC060]  }
0x3d1: {  	v17 =	vld [tilespmem:s0+$0x70]  }
0x3d2: {  	v18 =	vld [tilespmem:s0+$0xC070]  }
0x3d3: {  	v19 =	vld [tilespmem:s0+$0x400]  }
0x3d4: {  	v20 =	vld [tilespmem:s0+$0xC400]  }
0x3d5: {  	v21 =	vld [tilespmem:s0+$0x410]  }
0x3d6: {  	v22 =	vld [tilespmem:s0+$0xC410]  }
0x3d7: {  	v23 =	vld [tilespmem:s0+$0x420];
	v3 =	vadd.f32 v4, v3  }
0x3d8: {  	v34 =	vld [tilespmem:s0+$0x460];
	v5 =	vadd.f32 v6, v5  }
0x3d9: {  	v35 =	vld [tilespmem:s0+$0xC460];
	[tilespmem:s0+$0x0] =	vst v3;
	v3 =	vadd.f32 v8, v7  }
0x3da: {  	v4 =	vld [tilespmem:s0+$0xC420];
	[tilespmem:s0+$0x10] =	vst v5;
	v5 =	vadd.f32 v10, v9  }
0x3db: {  	v6 =	vld [tilespmem:s0+$0x430];
	[tilespmem:s0+$0x20] =	vst v3;
	v3 =	vadd.f32 v32, v11  }
0x3dc: {  	v7 =	vld [tilespmem:s0+$0xC430];
	[tilespmem:s0+$0x30] =	vst v5;
	v5 =	vadd.f32 v14, v33  }
0x3dd: {  	v8 =	vld [tilespmem:s0+$0x440];
	[tilespmem:s0+$0x40] =	vst v3;
	v3 =	vadd.f32 v16, v15  }
0x3de: {  	v9 =	vld [tilespmem:s0+$0xC440];
	[tilespmem:s0+$0x50] =	vst v5;
	v5 =	vadd.f32 v18, v17  }
0x3df: {  	v10 =	vld [tilespmem:s0+$0x450];
	[tilespmem:s0+$0x60] =	vst v3  }
0x3e0: {  	s11 =	sor.u32 $0x180, s28;
	v11 =	vld [tilespmem:s0+$0xC450];
	[tilespmem:s0+$0x70] =	vst v5  }
0x3e1: {  	s4 =	sor.u32 s16, s11;
	v36 =	vld [tilespmem:s0+$0x470]  }
0x3e2: {  	v44 =	vld [tilespmem:s4+$0x0]  }
0x3e3: {  	v45 =	vld [tilespmem:s4+$0xC000]  }
0x3e4: {  	v46 =	vld [tilespmem:s4+$0x10]  }
0x3e5: {  	v47 =	vld [tilespmem:s4+$0xC010]  }
0x3e6: {  	v48 =	vld [tilespmem:s4+$0x20]  }
0x3e7: {  	v24 =	vld [tilespmem:s4+$0xC020]  }
0x3e8: {  	v25 =	vld [tilespmem:s4+$0x30]  }
0x3e9: {  	v26 =	vld [tilespmem:s4+$0xC030]  }
0x3ea: {  	v27 =	vld [tilespmem:s4+$0x40]  }
0x3eb: {  	v28 =	vld [tilespmem:s4+$0xC040]  }
0x3ec: {  	v29 =	vld [tilespmem:s4+$0x50]  }
0x3ed: {  	v30 =	vld [tilespmem:s4+$0xC050]  }
0x3ee: {  	v3 =	vadd.f32 v20, v19;
	v31 =	vld [tilespmem:s4+$0x60]  }
0x3ef: {  	v5 =	vadd.f32 v22, v21;
	v49 =	vld [tilespmem:s4+$0x420]  }
0x3f0: {  	[tilespmem:s0+$0x400] =	vst v3;
	v3 =	vadd.f32 v4, v23;
	v4 =	vld [tilespmem:s0+$0xC470]  }
0x3f1: {  	v50 =	vld [tilespmem:s4+$0xC420];
	[tilespmem:s0+$0x410] =	vst v5;
	v5 =	vadd.f32 v7, v6  }
0x3f2: {  	v51 =	vld [tilespmem:s4+$0x430];
	[tilespmem:s0+$0x420] =	vst v3;
	v3 =	vadd.f32 v9, v8  }
0x3f3: {  	v52 =	vld [tilespmem:s4+$0xC430];
	[tilespmem:s0+$0x430] =	vst v5;
	v5 =	vadd.f32 v11, v10  }
0x3f4: {  	v53 =	vld [tilespmem:s4+$0x440];
	[tilespmem:s0+$0x440] =	vst v3;
	v3 =	vadd.f32 v35, v34  }
0x3f5: {  	v54 =	vld [tilespmem:s4+$0x450];
	[tilespmem:s0+$0x450] =	vst v5;
	v4 =	vadd.f32 v4, v36  }
0x3f6: {  	s13 =	sadd.s32 $0x800, s16;
	v55 =	vld [tilespmem:s4+$0xC450];
	[tilespmem:s0+$0x460] =	vst v3  }
0x3f7: {  	s1 =	sor.u32 s28, s13;
	v56 =	vld [tilespmem:s4+$0x460];
	[tilespmem:s0+$0x470] =	vst v4  }
0x3f8: {  	v3 =	vld [tilespmem:s1+$0x0]  }
0x3f9: {  	v4 =	vld [tilespmem:s1+$0xC000]  }
0x3fa: {  	v5 =	vld [tilespmem:s1+$0x10]  }
0x3fb: {  	v6 =	vld [tilespmem:s1+$0xC010]  }
0x3fc: {  	v7 =	vld [tilespmem:s1+$0x20]  }
0x3fd: {  	v8 =	vld [tilespmem:s1+$0xC020]  }
0x3fe: {  	v9 =	vld [tilespmem:s1+$0x30]  }
0x3ff: {  	v10 =	vld [tilespmem:s1+$0xC030]  }
0x400: {  	v11 =	vld [tilespmem:s1+$0x40]  }
0x401: {  	v37 =	vld [tilespmem:s1+$0xC040]  }
0x402: {  	v38 =	vld [tilespmem:s1+$0x50]  }
0x403: {  	v39 =	vld [tilespmem:s1+$0xC050]  }
0x404: {  	v40 =	vld [tilespmem:s1+$0x60]  }
0x405: {  	v41 =	vld [tilespmem:s1+$0xC060]  }
0x406: {  	s0 =	sor.u32 $0x80, s28;
	v42 =	vld [tilespmem:s1+$0x70]  }
0x407: {  	v43 =	vld [tilespmem:s1+$0xC070];
	s17 =	sor.u32 s16, s0  }
0x408: {  	v16 =	vld [tilespmem:s17+$0xC020]  }
0x409: {  	v17 =	vld [tilespmem:s17+$0x30]  }
0x40a: {  	v19 =	vld [tilespmem:s17+$0xC030];
	v3 =	vadd.f32 v4, v3  }
0x40b: {  	v14 =	vld [tilespmem:s17+$0x40];
	v5 =	vadd.f32 v6, v5  }
0x40c: {  	v15 =	vld [tilespmem:s17+$0xC040];
	[tilespmem:s1+$0x0] =	vst v3;
	v3 =	vadd.f32 v8, v7  }
0x40d: {  	v22 =	vld [tilespmem:s17+$0x50];
	[tilespmem:s1+$0x10] =	vst v5;
	v5 =	vadd.f32 v10, v9  }
0x40e: {  	v23 =	vld [tilespmem:s17+$0xC050];
	[tilespmem:s1+$0x20] =	vst v3;
	v3 =	vadd.f32 v37, v11  }
0x40f: {  	v20 =	vld [tilespmem:s17+$0x70];
	[tilespmem:s1+$0x30] =	vst v5;
	v5 =	vadd.f32 v39, v38  }
0x410: {  	v4 =	vld [tilespmem:s4+$0xC060];
	[tilespmem:s1+$0x40] =	vst v3;
	v3 =	vadd.f32 v41, v40  }
0x411: {  	v6 =	vld [tilespmem:s4+$0x70];
	[tilespmem:s1+$0x50] =	vst v5;
	v5 =	vadd.f32 v43, v42  }
0x412: {  	v7 =	vld [tilespmem:s4+$0xC070];
	[tilespmem:s1+$0x60] =	vst v3;
	v3 =	vadd.f32 v45, v44  }
0x413: {  	v8 =	vld [tilespmem:s4+$0x400];
	[tilespmem:s1+$0x70] =	vst v5;
	v5 =	vadd.f32 v47, v46  }
0x414: {  	v9 =	vld [tilespmem:s4+$0xC400];
	[tilespmem:s4+$0x0] =	vst v3;
	v3 =	vadd.f32 v24, v48  }
0x415: {  	v10 =	vld [tilespmem:s4+$0x410];
	[tilespmem:s4+$0x10] =	vst v5;
	v5 =	vadd.f32 v26, v25  }
0x416: {  	v11 =	vld [tilespmem:s4+$0xC410];
	[tilespmem:s4+$0x20] =	vst v3;
	v3 =	vadd.f32 v28, v27  }
0x417: {  	v21 =	vld [tilespmem:s17+$0x400];
	[tilespmem:s4+$0x30] =	vst v5;
	v5 =	vadd.f32 v30, v29  }
0x418: {  	[tilespmem:s4+$0x40] =	vst v3;
	v3 =	vadd.f32 v4, v31;
	v4 =	vadd.f32 v7, v6;
	v6 =	vld [tilespmem:s4+$0xC460]  }
0x419: {  	[tilespmem:s4+$0x50] =	vst v5;
	v7 =	vld [tilespmem:s4+$0x470]  }
0x41a: {  	s15 =	sadd.s32 $0xC00, s16;
	v5 =	vadd.f32 v50, v49;
	[tilespmem:s4+$0x60] =	vst v3;
	v3 =	vadd.f32 v9, v8;
	v8 =	vld [tilespmem:s4+$0xC470]  }
0x41b: {  	s1 =	sor.u32 s28, s15;
	[tilespmem:s4+$0x70] =	vst v4;
	v4 =	vadd.f32 v11, v10;
	v10 =	vld [tilespmem:s4+$0xC440]  }
0x41c: {  	[tilespmem:s4+$0x420] =	vst v5;
	v5 =	vld [tilespmem:s1+$0x10]  }
0x41d: {  	v9 =	vadd.f32 v52, v51;
	[tilespmem:s4+$0x400] =	vst v3;
	v3 =	vld [tilespmem:s1+$0x0]  }
0x41e: {  	v11 =	vadd.f32 v55, v54;
	[tilespmem:s4+$0x410] =	vst v4;
	v4 =	vld [tilespmem:s1+$0xC000]  }
0x41f: {  	[tilespmem:s4+$0x430] =	vst v9;
	v9 =	vld [tilespmem:s17+$0x0];
	v57 =	vadd.f32 v6, v56  }
0x420: {  	[tilespmem:s4+$0x450] =	vst v11;
	v11 =	vld [tilespmem:s17+$0x10];
	v7 =	vadd.f32 v8, v7  }
0x421: {  	v6 =	vld [tilespmem:s1+$0xC010];
	v8 =	vadd.f32 v10, v53;
	[tilespmem:s4+$0x460] =	vst v57  }
0x422: {  	v10 =	vld [tilespmem:s17+$0xC000];
	[tilespmem:s4+$0x470] =	vst v7  }
0x423: {  	s5 =	sor.u32 s11, s13;
	v57 =	vld [tilespmem:s17+$0xC420];
	[tilespmem:s4+$0x440] =	vst v8  }
0x424: {  	v7 =	vld [tilespmem:s5+$0x0]  }
0x425: {  	v8 =	vld [tilespmem:s5+$0xC000]  }
0x426: {  	v12 =	vld [tilespmem:s5+$0x10]  }
0x427: {  	v58 =	vld [tilespmem:s5+$0xC010]  }
0x428: {  	v59 =	vld [tilespmem:s5+$0x20]  }
0x429: {  	v60 =	vld [tilespmem:s5+$0xC020]  }
0x42a: {  	v61 =	vld [tilespmem:s5+$0x30]  }
0x42b: {  	v62 =	vld [tilespmem:s5+$0xC030]  }
0x42c: {  	v63 =	vld [tilespmem:s5+$0x40]  }
0x42d: {  	v24 =	vld [tilespmem:s5+$0x50]  }
0x42e: {  	v25 =	vld [tilespmem:s5+$0xC050]  }
0x42f: {  	v26 =	vld [tilespmem:s5+$0x60]  }
0x430: {  	v27 =	vld [tilespmem:s5+$0xC060]  }
0x431: {  	s8 =	sor.u32 $0x100, s28;
	v28 =	vld [tilespmem:s5+$0xC070]  }
0x432: {  	s14 =	sadd.s32 $0x1000, s16;
	s4 =	sadd.s32 $0x1400, s16;
	s16 =	sor.u32 s16, s8;
	v29 =	vld [tilespmem:s5+$0xC040]  }
0x433: {  	v9 =	vadd.f32 v10, v9;
	v10 =	vld [tilespmem:s16+$0x70]  }
0x434: {  	v7 =	vadd.f32 v8, v7;
	v8 =	vld [tilespmem:s5+$0x70]  }
0x435: {  	v13 =	vadd.f32 v58, v12;
	v12 =	vld [tilespmem:s17+$0xC010]  }
0x436: {  	v31 =	vadd.f32 v27, v26;
	v26 =	vld [tilespmem:s17+$0xC060]  }
0x437: {  	v58 =	vld [tilespmem:s17+$0x430]  }
0x438: {  	v30 =	vadd.f32 v62, v61;
	v61 =	vld [tilespmem:s17+$0xC440]  }
0x439: {  	v62 =	vld [tilespmem:s17+$0x450]  }
0x43a: {  	[tilespmem:s5+$0x10] =	vst v13;
	v13 =	vld [tilespmem:s17+$0x20]  }
0x43b: {  	[tilespmem:s5+$0x60] =	vst v31;
	v31 =	vld [tilespmem:s17+$0x410]  }
0x43c: {  	[tilespmem:s5+$0x0] =	vst v7;
	v7 =	vadd.f32 v60, v59;
	v59 =	vld [tilespmem:s17+$0xC430]  }
0x43d: {  	v60 =	vld [tilespmem:s17+$0x440]  }
0x43e: {  	[tilespmem:s5+$0x20] =	vst v7;
	v7 =	vadd.f32 v25, v24;
	v24 =	vld [tilespmem:s17+$0x60]  }
0x43f: {  	v11 =	vadd.f32 v12, v11;
	v12 =	vld [tilespmem:s16+$0xC070]  }
0x440: {  	[tilespmem:s5+$0x50] =	vst v7;
	v7 =	vadd.f32 v28, v8;
	v8 =	vadd.f32 v29, v63;
	v29 =	vld [tilespmem:s17+$0xC400]  }
0x441: {  	[tilespmem:s17+$0x0] =	vst v9;
	v63 =	vld [tilespmem:s17+$0xC450]  }
0x442: {  	[tilespmem:s5+$0x30] =	vst v30;
	v9 =	vadd.f32 v16, v13;
	v13 =	vld [tilespmem:s16+$0x400]  }
0x443: {  	[tilespmem:s17+$0x10] =	vst v11;
	v16 =	vld [tilespmem:s16+$0xC400]  }
0x444: {  	v11 =	vadd.f32 v19, v17;
	v17 =	vld [tilespmem:s16+$0x420];
	[tilespmem:s5+$0x70] =	vst v7  }
0x445: {  	s30 =	sor.u32 s11, s15;
	v19 =	vld [tilespmem:s16+$0x430];
	[tilespmem:s5+$0x40] =	vst v8  }
0x446: {  	v7 =	vld [tilespmem:s30+$0x0]  }
0x447: {  	v8 =	vld [tilespmem:s30+$0xC000]  }
0x448: {  	v32 =	vld [tilespmem:s30+$0x10]  }
0x449: {  	v33 =	vld [tilespmem:s30+$0xC010]  }
0x44a: {  	v34 =	vld [tilespmem:s30+$0x20]  }
0x44b: {  	v35 =	vld [tilespmem:s30+$0xC020]  }
0x44c: {  	v36 =	vld [tilespmem:s30+$0x30]  }
0x44d: {  	v37 =	vld [tilespmem:s30+$0xC030]  }
0x44e: {  	v38 =	vld [tilespmem:s30+$0x40]  }
0x44f: {  	v39 =	vld [tilespmem:s30+$0x50]  }
0x450: {  	v40 =	vld [tilespmem:s30+$0xC050]  }
0x451: {  	v41 =	vld [tilespmem:s30+$0x60]  }
0x452: {  	v42 =	vld [tilespmem:s30+$0xC060]  }
0x453: {  	v43 =	vld [tilespmem:s30+$0xC070];
	[tilespmem:s17+$0x20] =	vst v9;
	v9 =	vadd.f32 v15, v14  }
0x454: {  	v44 =	vld [tilespmem:s30+$0xC040]  }
0x455: {  	v14 =	vld [tilespmem:s16+$0x410];
	[tilespmem:s17+$0x40] =	vst v9;
	v9 =	vadd.f32 v26, v24  }
0x456: {  	v15 =	vld [tilespmem:s16+$0xC410]  }
0x457: {  	[tilespmem:s17+$0x60] =	vst v9;
	v9 =	vadd.f32 v29, v21;
	v21 =	vld [tilespmem:s16+$0x440]  }
0x458: {  	v7 =	vadd.f32 v8, v7;
	v8 =	vld [tilespmem:s30+$0x70]  }
0x459: {  	v45 =	vadd.f32 v37, v36;
	v37 =	vld [tilespmem:s17+$0x460]  }
0x45a: {  	v18 =	vadd.f32 v33, v32;
	v46 =	vadd.f32 v42, v41;
	v41 =	vld [tilespmem:s16+$0x0]  }
0x45b: {  	v42 =	vld [tilespmem:s16+$0xC000];
	[tilespmem:s30+$0x0] =	vst v7  }
0x45c: {  	[tilespmem:s30+$0x10] =	vst v18;
	v18 =	vld [tilespmem:s17+$0xC070]  }
0x45d: {  	v7 =	vadd.f32 v35, v34;
	[tilespmem:s30+$0x30] =	vst v45;
	v45 =	vld [tilespmem:s16+$0x20]  }
0x45e: {  	[tilespmem:s30+$0x60] =	vst v46;
	v46 =	vld [tilespmem:s16+$0xC020]  }
0x45f: {  	[tilespmem:s30+$0x20] =	vst v7;
	v7 =	vadd.f32 v40, v39;
	v39 =	vld [tilespmem:s17+$0x470]  }
0x460: {  	[tilespmem:s17+$0x30] =	vst v11;
	v11 =	vadd.f32 v23, v22;
	v40 =	vld [tilespmem:s17+$0xC470]  }
0x461: {  	[tilespmem:s30+$0x50] =	vst v7;
	v7 =	vadd.f32 v43, v8;
	v8 =	vadd.f32 v44, v38;
	v38 =	vld [tilespmem:s17+$0xC460]  }
0x462: {  	v43 =	vld [tilespmem:s16+$0x10]  }
0x463: {  	[tilespmem:s17+$0x50] =	vst v11;
	v44 =	vld [tilespmem:s16+$0xC010]  }
0x464: {  	v11 =	vadd.f32 v18, v20;
	v18 =	vld [tilespmem:s16+$0xC420];
	[tilespmem:s30+$0x70] =	vst v7  }
0x465: {  	s31 =	sor.u32 s11, s14;
	v20 =	vld [tilespmem:s16+$0xC430];
	[tilespmem:s30+$0x40] =	vst v8  }
0x466: {  	v7 =	vld [tilespmem:s31+$0x0]  }
0x467: {  	v8 =	vld [tilespmem:s31+$0xC000]  }
0x468: {  	v47 =	vld [tilespmem:s31+$0x10]  }
0x469: {  	v48 =	vld [tilespmem:s31+$0xC010]  }
0x46a: {  	v49 =	vld [tilespmem:s31+$0x20]  }
0x46b: {  	v50 =	vld [tilespmem:s31+$0xC020]  }
0x46c: {  	v51 =	vld [tilespmem:s31+$0x30]  }
0x46d: {  	v52 =	vld [tilespmem:s31+$0x40]  }
0x46e: {  	v32 =	vld [tilespmem:s31+$0xC040]  }
0x46f: {  	v33 =	vld [tilespmem:s31+$0x50]  }
0x470: {  	v34 =	vld [tilespmem:s31+$0xC050]  }
0x471: {  	v35 =	vld [tilespmem:s31+$0x60]  }
0x472: {  	v36 =	vld [tilespmem:s31+$0xC060]  }
0x473: {  	v53 =	vld [tilespmem:s31+$0xC070]  }
0x474: {  	v54 =	vld [tilespmem:s31+$0xC030]  }
0x475: {  	v7 =	vadd.f32 v8, v7;
	v8 =	vld [tilespmem:s31+$0x70]  }
0x476: {  	v55 =	vadd.f32 v32, v52;
	v32 =	vld [tilespmem:s17+$0xC410]  }
0x477: {  	v25 =	vadd.f32 v48, v47;
	v47 =	vld [tilespmem:s16+$0x30]  }
0x478: {  	[tilespmem:s17+$0x400] =	vst v9;
	v48 =	vld [tilespmem:s16+$0xC030]  }
0x479: {  	[tilespmem:s17+$0x70] =	vst v11;
	v52 =	vld [tilespmem:s16+$0xC050]  }
0x47a: {  	[tilespmem:s31+$0x0] =	vst v7;
	v7 =	vadd.f32 v50, v49;
	v49 =	vld [tilespmem:s16+$0x40]  }
0x47b: {  	[tilespmem:s31+$0x10] =	vst v25;
	v50 =	vld [tilespmem:s16+$0xC040]  }
0x47c: {  	v56 =	vadd.f32 v36, v35;
	[tilespmem:s31+$0x40] =	vst v55;
	v55 =	vld [tilespmem:s16+$0xC440]  }
0x47d: {  	[tilespmem:s31+$0x20] =	vst v7;
	v7 =	vadd.f32 v34, v33;
	v33 =	vld [tilespmem:s17+$0x420]  }
0x47e: {  	[tilespmem:s31+$0x60] =	vst v56;
	v56 =	vld [tilespmem:s16+$0x450];
	v11 =	vadd.f32 v32, v31  }
0x47f: {  	[tilespmem:s31+$0x50] =	vst v7;
	v7 =	vadd.f32 v53, v8;
	v8 =	vadd.f32 v54, v51;
	v51 =	vld [tilespmem:s16+$0x50]  }
0x480: {  	v53 =	vld [tilespmem:s16+$0x60];
	[tilespmem:s17+$0x410] =	vst v11  }
0x481: {  	v54 =	vld [tilespmem:s16+$0xC060];
	v11 =	vadd.f32 v59, v58;
	[tilespmem:s31+$0x70] =	vst v7  }
0x482: {  	v58 =	vld [tilespmem:s16+$0x460];
	[tilespmem:s31+$0x30] =	vst v8;
	v9 =	vadd.f32 v57, v33  }
0x483: {  	s25 =	sor.u32 s11, s4;
	v59 =	vld [tilespmem:s16+$0xC460];
	[tilespmem:s17+$0x430] =	vst v11;
	v11 =	vadd.f32 v63, v62  }
0x484: {  	v7 =	vld [tilespmem:s25+$0x70];
	[tilespmem:s17+$0x420] =	vst v9;
	v9 =	vadd.f32 v61, v60  }
0x485: {  	v8 =	vld [tilespmem:s25+$0xC070];
	[tilespmem:s17+$0x450] =	vst v11;
	v11 =	vadd.f32 v40, v39  }
0x486: {  	v57 =	vld [tilespmem:s16+$0xC450];
	[tilespmem:s17+$0x440] =	vst v9;
	v9 =	vadd.f32 v38, v37  }
0x487: {  	v10 =	vadd.f32 v12, v10;
	v60 =	vld [tilespmem:s16+$0x470];
	[tilespmem:s17+$0x470] =	vst v11  }
0x488: {  	s18 =	sor.u32 s0, s13;
	v61 =	vld [tilespmem:s16+$0xC470];
	[tilespmem:s17+$0x460] =	vst v9  }
0x489: {  	[tilespmem:s16+$0x70] =	vst v10;
	v10 =	vadd.f32 v15, v14;
	v62 =	vld [tilespmem:s18+$0x0]  }
0x48a: {  	v11 =	vadd.f32 v44, v43;
	v63 =	vld [tilespmem:s18+$0xC000]  }
0x48b: {  	[tilespmem:s16+$0x410] =	vst v10;
	v9 =	vadd.f32 v42, v41;
	v36 =	vld [tilespmem:s18+$0x10]  }
0x48c: {  	[tilespmem:s16+$0x10] =	vst v11;
	v11 =	vadd.f32 v48, v47;
	v37 =	vld [tilespmem:s18+$0xC010]  }
0x48d: {  	v38 =	vld [tilespmem:s18+$0x20];
	[tilespmem:s16+$0x0] =	vst v9;
	v9 =	vadd.f32 v46, v45  }
0x48e: {  	v39 =	vld [tilespmem:s18+$0x30];
	[tilespmem:s16+$0x30] =	vst v11;
	v11 =	vadd.f32 v52, v51  }
0x48f: {  	v40 =	vld [tilespmem:s18+$0xC030];
	[tilespmem:s16+$0x20] =	vst v9;
	v9 =	vadd.f32 v50, v49  }
0x490: {  	v10 =	vadd.f32 v20, v19;
	v41 =	vld [tilespmem:s18+$0x40];
	[tilespmem:s16+$0x50] =	vst v11  }
0x491: {  	v11 =	vld [tilespmem:s18+$0xC020];
	[tilespmem:s16+$0x40] =	vst v9;
	v9 =	vadd.f32 v54, v53  }
0x492: {  	[tilespmem:s16+$0x430] =	vst v10;
	v10 =	vadd.f32 v57, v56;
	v43 =	vld [tilespmem:s18+$0x50]  }
0x493: {  	v44 =	vld [tilespmem:s18+$0xC050];
	[tilespmem:s16+$0x60] =	vst v9;
	v9 =	vadd.f32 v16, v13  }
0x494: {  	v42 =	vld [tilespmem:s18+$0xC040];
	[tilespmem:s16+$0x450] =	vst v10;
	v10 =	vadd.f32 v61, v60  }
0x495: {  	v45 =	vld [tilespmem:s18+$0x60];
	[tilespmem:s16+$0x400] =	vst v9;
	v9 =	vadd.f32 v18, v17  }
0x496: {  	v46 =	vld [tilespmem:s18+$0xC060];
	[tilespmem:s16+$0x470] =	vst v10;
	v11 =	vadd.f32 v11, v38  }
0x497: {  	v10 =	vld [tilespmem:s18+$0xC070];
	[tilespmem:s16+$0x420] =	vst v9;
	v9 =	vadd.f32 v55, v21  }
0x498: {  	v60 =	vadd.f32 v44, v43;
	v44 =	vld [tilespmem:s1+$0x60];
	[tilespmem:s18+$0x20] =	vst v11  }
0x499: {  	v11 =	vadd.f32 v42, v41;
	v41 =	vld [tilespmem:s1+$0x20];
	[tilespmem:s16+$0x440] =	vst v9;
	v9 =	vadd.f32 v59, v58  }
0x49a: {  	v42 =	vld [tilespmem:s1+$0xC020]  }
0x49b: {  	s17 =	sor.u32 s8, s13;
	[tilespmem:s16+$0x460] =	vst v9;
	v9 =	vld [tilespmem:s18+$0x70]  }
0x49c: {  	v47 =	vld [tilespmem:s17+$0x0]  }
0x49d: {  	v48 =	vld [tilespmem:s17+$0xC000]  }
0x49e: {  	v49 =	vld [tilespmem:s17+$0x10]  }
0x49f: {  	v50 =	vld [tilespmem:s17+$0xC010]  }
0x4a0: {  	v51 =	vld [tilespmem:s17+$0x20]  }
0x4a1: {  	v52 =	vld [tilespmem:s17+$0xC020]  }
0x4a2: {  	v54 =	vld [tilespmem:s17+$0x30]  }
0x4a3: {  	v53 =	vadd.f32 v63, v62;
	v56 =	vld [tilespmem:s17+$0xC030]  }
0x4a4: {  	v12 =	vadd.f32 v40, v39;
	v57 =	vld [tilespmem:s17+$0x40]  }
0x4a5: {  	[tilespmem:s18+$0x0] =	vst v53;
	v58 =	vld [tilespmem:s17+$0xC040]  }
0x4a6: {  	[tilespmem:s18+$0x30] =	vst v12;
	v59 =	vld [tilespmem:s17+$0x50]  }
0x4a7: {  	[tilespmem:s18+$0x40] =	vst v11;
	v11 =	vadd.f32 v46, v45;
	v61 =	vld [tilespmem:s17+$0xC050]  }
0x4a8: {  	[tilespmem:s18+$0x50] =	vst v60;
	v55 =	vadd.f32 v37, v36;
	v62 =	vld [tilespmem:s17+$0x60]  }
0x4a9: {  	[tilespmem:s18+$0x60] =	vst v11;
	v11 =	vld [tilespmem:s17+$0x70];
	v9 =	vadd.f32 v10, v9  }
0x4aa: {  	[tilespmem:s18+$0x10] =	vst v55;
	v10 =	vld [tilespmem:s17+$0xC060]  }
0x4ab: {  	s19 =	sor.u32 s0, s15;
	[tilespmem:s18+$0x70] =	vst v9;
	v9 =	vld [tilespmem:s17+$0xC070]  }
0x4ac: {  	v12 =	vld [tilespmem:s19+$0x0]  }
0x4ad: {  	v17 =	vld [tilespmem:s19+$0xC000]  }
0x4ae: {  	v18 =	vld [tilespmem:s19+$0x10]  }
0x4af: {  	v19 =	vld [tilespmem:s19+$0xC010]  }
0x4b0: {  	v28 =	vld [tilespmem:s19+$0x20]  }
0x4b1: {  	v63 =	vld [tilespmem:s19+$0xC020]  }
0x4b2: {  	v21 =	vld [tilespmem:s19+$0x30]  }
0x4b3: {  	v23 =	vld [tilespmem:s19+$0xC030]  }
0x4b4: {  	v24 =	vld [tilespmem:s19+$0x40]  }
0x4b5: {  	v25 =	vld [tilespmem:s19+$0xC040]  }
0x4b6: {  	v53 =	vld [tilespmem:s19+$0x50]  }
0x4b7: {  	v51 =	vadd.f32 v52, v51;
	v52 =	vadd.f32 v56, v54;
	v54 =	vld [tilespmem:s19+$0xC050]  }
0x4b8: {  	v20 =	vadd.f32 v48, v47;
	v55 =	vld [tilespmem:s19+$0x60]  }
0x4b9: {  	[tilespmem:s17+$0x30] =	vst v52;
	v52 =	vld [tilespmem:s1+$0xC030];
	v10 =	vadd.f32 v10, v62  }
0x4ba: {  	v22 =	vadd.f32 v50, v49;
	[tilespmem:s17+$0x0] =	vst v20;
	v9 =	vadd.f32 v9, v11;
	v11 =	vld [tilespmem:s19+$0xC060]  }
0x4bb: {  	[tilespmem:s17+$0x60] =	vst v10;
	v10 =	vld [tilespmem:s19+$0x70]  }
0x4bc: {  	v13 =	vadd.f32 v58, v57;
	[tilespmem:s17+$0x10] =	vst v22;
	v12 =	vadd.f32 v17, v12;
	v17 =	vld [tilespmem:s1+$0x30]  }
0x4bd: {  	v14 =	vadd.f32 v61, v59;
	[tilespmem:s17+$0x20] =	vst v51;
	v63 =	vadd.f32 v63, v28;
	v28 =	vld [tilespmem:s1+$0x40]  }
0x4be: {  	[tilespmem:s17+$0x40] =	vst v13;
	v30 =	vadd.f32 v23, v21;
	v21 =	vld [tilespmem:s1+$0xC040]  }
0x4bf: {  	[tilespmem:s17+$0x50] =	vst v14;
	v23 =	vld [tilespmem:s1+$0x50]  }
0x4c0: {  	s26 =	sor.u32 s8, s15;
	[tilespmem:s17+$0x70] =	vst v9;
	v9 =	vld [tilespmem:s19+$0xC070]  }
0x4c1: {  	v14 =	vld [tilespmem:s26+$0x0]  }
0x4c2: {  	v56 =	vld [tilespmem:s26+$0xC000]  }
0x4c3: {  	v22 =	vld [tilespmem:s26+$0x10]  }
0x4c4: {  	v57 =	vld [tilespmem:s26+$0xC010]  }
0x4c5: {  	v58 =	vld [tilespmem:s26+$0x20]  }
0x4c6: {  	v59 =	vld [tilespmem:s26+$0xC020]  }
0x4c7: {  	v60 =	vld [tilespmem:s26+$0x30]  }
0x4c8: {  	v61 =	vld [tilespmem:s26+$0xC030]  }
0x4c9: {  	v62 =	vld [tilespmem:s26+$0x40]  }
0x4ca: {  	v45 =	vld [tilespmem:s26+$0xC040]  }
0x4cb: {  	v46 =	vld [tilespmem:s26+$0x50]  }
0x4cc: {  	v18 =	vadd.f32 v19, v18;
	v47 =	vld [tilespmem:s26+$0xC050]  }
0x4cd: {  	v48 =	vld [tilespmem:s26+$0x60];
	[tilespmem:s19+$0x0] =	vst v12  }
0x4ce: {  	v49 =	vld [tilespmem:s26+$0xC060];
	[tilespmem:s19+$0x10] =	vst v18  }
0x4cf: {  	v43 =	vadd.f32 v25, v24;
	v50 =	vld [tilespmem:s26+$0x70];
	[tilespmem:s19+$0x20] =	vst v63  }
0x4d0: {  	v15 =	vadd.f32 v54, v53;
	v51 =	vld [tilespmem:s26+$0xC070];
	[tilespmem:s19+$0x30] =	vst v30  }
0x4d1: {  	v18 =	vld [tilespmem:s1+$0xC050];
	[tilespmem:s19+$0x40] =	vst v43;
	v11 =	vadd.f32 v11, v55  }
0x4d2: {  	[tilespmem:s19+$0x50] =	vst v15;
	v9 =	vadd.f32 v9, v10;
	v10 =	vld [tilespmem:s1+$0xC060]  }
0x4d3: {  	[tilespmem:s19+$0x60] =	vst v11;
	v11 =	vld [tilespmem:s1+$0x70]  }
0x4d4: {  	s29 =	sor.u32 s0, s14;
	[tilespmem:s19+$0x70] =	vst v9;
	v9 =	vld [tilespmem:s1+$0xC070]  }
0x4d5: {  	v13 =	vld [tilespmem:s29+$0x0]  }
0x4d6: {  	v15 =	vld [tilespmem:s29+$0xC000]  }
0x4d7: {  	v20 =	vld [tilespmem:s29+$0x10]  }
0x4d8: {  	v24 =	vld [tilespmem:s29+$0xC010]  }
0x4d9: {  	v25 =	vld [tilespmem:s29+$0x20]  }
0x4da: {  	v30 =	vld [tilespmem:s29+$0xC020]  }
0x4db: {  	v14 =	vadd.f32 v56, v14;
	v16 =	vld [tilespmem:s29+$0x30]  }
0x4dc: {  	v22 =	vadd.f32 v57, v22;
	v26 =	vld [tilespmem:s29+$0xC030]  }
0x4dd: {  	v53 =	vadd.f32 v59, v58;
	[tilespmem:s26+$0x0] =	vst v14;
	v27 =	vld [tilespmem:s29+$0x40]  }
0x4de: {  	v54 =	vadd.f32 v61, v60;
	[tilespmem:s26+$0x10] =	vst v22;
	v55 =	vld [tilespmem:s29+$0xC040]  }
0x4df: {  	v56 =	vadd.f32 v45, v62;
	[tilespmem:s26+$0x20] =	vst v53;
	v57 =	vld [tilespmem:s29+$0x50]  }
0x4e0: {  	v58 =	vadd.f32 v47, v46;
	[tilespmem:s26+$0x30] =	vst v54;
	v59 =	vld [tilespmem:s29+$0xC050]  }
0x4e1: {  	v60 =	vadd.f32 v49, v48;
	[tilespmem:s26+$0x40] =	vst v56;
	v61 =	vld [tilespmem:s29+$0x60]  }
0x4e2: {  	v62 =	vadd.f32 v51, v50;
	[tilespmem:s26+$0x50] =	vst v58;
	v63 =	vld [tilespmem:s29+$0xC060]  }
0x4e3: {  	[tilespmem:s26+$0x60] =	vst v60;
	v45 =	vld [tilespmem:s29+$0x70]  }
0x4e4: {  	s30 =	sor.u32 s8, s14;
	[tilespmem:s26+$0x70] =	vst v62;
	v46 =	vld [tilespmem:s29+$0xC070]  }
0x4e5: {  	v47 =	vld [tilespmem:s30+$0x0]  }
0x4e6: {  	v48 =	vld [tilespmem:s30+$0xC000]  }
0x4e7: {  	v37 =	vld [tilespmem:s30+$0x10]  }
0x4e8: {  	v49 =	vld [tilespmem:s30+$0xC010]  }
0x4e9: {  	v50 =	vld [tilespmem:s30+$0x20]  }
0x4ea: {  	v51 =	vld [tilespmem:s30+$0xC020]  }
0x4eb: {  	v3 =	vadd.f32 v4, v3;
	v4 =	vld [tilespmem:s30+$0x30]  }
0x4ec: {  	v5 =	vadd.f32 v6, v5;
	v6 =	vld [tilespmem:s30+$0xC030]  }
0x4ed: {  	[tilespmem:s1+$0x0] =	vst v3;
	v3 =	vadd.f32 v42, v41;
	v41 =	vld [tilespmem:s30+$0x40]  }
0x4ee: {  	[tilespmem:s1+$0x10] =	vst v5;
	v5 =	vadd.f32 v52, v17;
	v52 =	vld [tilespmem:s30+$0xC040]  }
0x4ef: {  	[tilespmem:s1+$0x20] =	vst v3;
	v3 =	vadd.f32 v21, v28;
	v19 =	vld [tilespmem:s30+$0x50]  }
0x4f0: {  	[tilespmem:s1+$0x30] =	vst v5;
	v5 =	vadd.f32 v18, v23;
	v53 =	vld [tilespmem:s30+$0xC050]  }
0x4f1: {  	[tilespmem:s1+$0x40] =	vst v3;
	v3 =	vadd.f32 v10, v44;
	v10 =	vld [tilespmem:s30+$0x60]  }
0x4f2: {  	[tilespmem:s1+$0x50] =	vst v5;
	v5 =	vadd.f32 v9, v11;
	v9 =	vld [tilespmem:s30+$0xC060]  }
0x4f3: {  	[tilespmem:s1+$0x60] =	vst v3;
	v3 =	vld [tilespmem:s30+$0x70]  }
0x4f4: {  	s14 =	sor.u32 s28, s14;
	[tilespmem:s1+$0x70] =	vst v5;
	v5 =	vld [tilespmem:s30+$0xC070]  }
0x4f5: {  	v11 =	vld [tilespmem:s14+$0x0]  }
0x4f6: {  	v12 =	vld [tilespmem:s14+$0xC000]  }
0x4f7: {  	v21 =	vld [tilespmem:s14+$0x10]  }
0x4f8: {  	v23 =	vld [tilespmem:s14+$0xC010]  }
0x4f9: {  	v28 =	vld [tilespmem:s14+$0x20]  }
0x4fa: {  	v42 =	vld [tilespmem:s14+$0xC020]  }
0x4fb: {  	v13 =	vadd.f32 v15, v13;
	v15 =	vld [tilespmem:s14+$0x30]  }
0x4fc: {  	v20 =	vadd.f32 v24, v20;
	v24 =	vld [tilespmem:s14+$0xC030]  }
0x4fd: {  	v54 =	vadd.f32 v30, v25;
	[tilespmem:s29+$0x0] =	vst v13;
	v25 =	vld [tilespmem:s14+$0x40]  }
0x4fe: {  	v16 =	vadd.f32 v26, v16;
	[tilespmem:s29+$0x10] =	vst v20;
	v20 =	vld [tilespmem:s14+$0xC040]  }
0x4ff: {  	v55 =	vadd.f32 v55, v27;
	[tilespmem:s29+$0x20] =	vst v54;
	v56 =	vld [tilespmem:s14+$0x50]  }
0x500: {  	v57 =	vadd.f32 v59, v57;
	[tilespmem:s29+$0x30] =	vst v16;
	v58 =	vld [tilespmem:s14+$0xC050]  }
0x501: {  	v59 =	vadd.f32 v63, v61;
	[tilespmem:s29+$0x40] =	vst v55;
	v60 =	vld [tilespmem:s14+$0x60]  }
0x502: {  	v14 =	vadd.f32 v46, v45;
	[tilespmem:s29+$0x50] =	vst v57;
	v61 =	vld [tilespmem:s14+$0xC060]  }
0x503: {  	[tilespmem:s29+$0x60] =	vst v59;
	v62 =	vld [tilespmem:s14+$0x70]  }
0x504: {  	s0 =	sor.u32 s0, s4;
	[tilespmem:s29+$0x70] =	vst v14;
	v63 =	vld [tilespmem:s14+$0xC070]  }
0x505: {  	v43 =	vld [tilespmem:s0+$0x0]  }
0x506: {  	v44 =	vld [tilespmem:s0+$0xC000]  }
0x507: {  	v45 =	vld [tilespmem:s0+$0x10]  }
0x508: {  	v46 =	vld [tilespmem:s0+$0xC010]  }
0x509: {  	v7 =	vadd.f32 v8, v7;
	v8 =	vld [tilespmem:s0+$0x20]  }
0x50a: {  	v47 =	vadd.f32 v48, v47;
	v48 =	vld [tilespmem:s0+$0xC020]  }
0x50b: {  	[tilespmem:s25+$0x70] =	vst v7;
	v7 =	vadd.f32 v49, v37;
	v49 =	vld [tilespmem:s0+$0x30]  }
0x50c: {  	v50 =	vadd.f32 v51, v50;
	[tilespmem:s30+$0x0] =	vst v47;
	v51 =	vld [tilespmem:s0+$0xC030]  }
0x50d: {  	v4 =	vadd.f32 v6, v4;
	[tilespmem:s30+$0x10] =	vst v7;
	v6 =	vld [tilespmem:s0+$0x40]  }
0x50e: {  	[tilespmem:s30+$0x20] =	vst v50;
	v7 =	vadd.f32 v52, v41;
	v52 =	vld [tilespmem:s0+$0xC040]  }
0x50f: {  	[tilespmem:s30+$0x30] =	vst v4;
	v4 =	vadd.f32 v53, v19;
	v53 =	vld [tilespmem:s0+$0x50]  }
0x510: {  	[tilespmem:s30+$0x40] =	vst v7;
	v7 =	vadd.f32 v9, v10;
	v9 =	vld [tilespmem:s0+$0xC050]  }
0x511: {  	[tilespmem:s30+$0x50] =	vst v4;
	v4 =	vld [tilespmem:s0+$0x60];
	v3 =	vadd.f32 v5, v3  }
0x512: {  	v10 =	vld [tilespmem:s0+$0x70];
	[tilespmem:s30+$0x60] =	vst v7;
	v5 =	vadd.f32 v12, v11  }
0x513: {  	v7 =	vld [tilespmem:s0+$0xC060];
	[tilespmem:s30+$0x70] =	vst v3;
	v3 =	vadd.f32 v23, v21  }
0x514: {  	s31 =	sor.u32 s8, s4;
	v11 =	vld [tilespmem:s0+$0xC070];
	[tilespmem:s14+$0x0] =	vst v5;
	v5 =	vadd.f32 v42, v28  }
0x515: {  	v54 =	vld [tilespmem:s31+$0x0];
	[tilespmem:s14+$0x10] =	vst v3;
	v3 =	vadd.f32 v24, v15  }
0x516: {  	v55 =	vld [tilespmem:s31+$0xC000];
	[tilespmem:s14+$0x20] =	vst v5;
	v5 =	vadd.f32 v20, v25  }
0x517: {  	v57 =	vld [tilespmem:s31+$0xC010];
	[tilespmem:s14+$0x30] =	vst v3;
	v3 =	vadd.f32 v58, v56  }
0x518: {  	v59 =	vld [tilespmem:s31+$0xC020];
	v4 =	vadd.f32 v7, v4;
	[tilespmem:s14+$0x40] =	vst v5  }
0x519: {  	v56 =	vld [tilespmem:s31+$0x10];
	v5 =	vadd.f32 v61, v60;
	[tilespmem:s14+$0x50] =	vst v3  }
0x51a: {  	v58 =	vld [tilespmem:s31+$0x20];
	v3 =	vadd.f32 v63, v62;
	[tilespmem:s0+$0x60] =	vst v4  }
0x51b: {  	v7 =	vld [tilespmem:s31+$0x60];
	[tilespmem:s14+$0x60] =	vst v5;
	v5 =	vadd.f32 v44, v43  }
0x51c: {  	v60 =	vld [tilespmem:s31+$0x30];
	[tilespmem:s14+$0x70] =	vst v3;
	v3 =	vadd.f32 v46, v45  }
0x51d: {  	v61 =	vld [tilespmem:s31+$0x40];
	[tilespmem:s0+$0x0] =	vst v5;
	v5 =	vadd.f32 v48, v8  }
0x51e: {  	v62 =	vld [tilespmem:s31+$0xC070];
	[tilespmem:s0+$0x10] =	vst v3;
	v3 =	vadd.f32 v51, v49  }
0x51f: {  	v4 =	vadd.f32 v55, v54;
	v8 =	vld [tilespmem:s31+$0xC030];
	[tilespmem:s0+$0x20] =	vst v5  }
0x520: {  	v5 =	vadd.f32 v52, v6;
	v6 =	vld [tilespmem:s31+$0xC040];
	[tilespmem:s0+$0x30] =	vst v3;
	v3 =	vadd.f32 v9, v53  }
0x521: {  	[tilespmem:s31+$0x0] =	vst v4;
	v9 =	vld [tilespmem:s31+$0x50]  }
0x522: {  	[tilespmem:s0+$0x50] =	vst v3;
	v3 =	vadd.f32 v11, v10;
	v10 =	vld [tilespmem:s31+$0xC060]  }
0x523: {  	v4 =	vadd.f32 v59, v58;
	[tilespmem:s0+$0x40] =	vst v5;
	v5 =	vld [tilespmem:s31+$0xC050]  }
0x524: {  	v11 =	vld [tilespmem:s31+$0x70];
	[tilespmem:s0+$0x70] =	vst v3;
	v3 =	vadd.f32 v57, v56  }
0x525: {  	v63 =	vld [tilespmem:s25+$0xC000];
	[tilespmem:s31+$0x20] =	vst v4;
	v4 =	vadd.f32 v6, v61  }
0x526: {  	[tilespmem:s31+$0x10] =	vst v3;
	v3 =	vadd.f32 v8, v60;
	v8 =	vld [tilespmem:s25+$0x0]  }
0x527: {  	v6 =	vld [tilespmem:s25+$0x10];
	[tilespmem:s31+$0x40] =	vst v4;
	v4 =	vadd.f32 v10, v7  }
0x528: {  	v7 =	vld [tilespmem:s25+$0xC010];
	[tilespmem:s31+$0x30] =	vst v3;
	v3 =	vadd.f32 v5, v9  }
0x529: {  	v9 =	vadd.f32 v62, v11;
	v5 =	vld [tilespmem:s25+$0xC020];
	[tilespmem:s31+$0x60] =	vst v4  }
0x52a: {  	[tilespmem:s31+$0x50] =	vst v3;
	v3 =	vld [tilespmem:s25+$0x20]  }
0x52b: {  	s28 =	sor.u32 s28, s4;
	s26 =	simm.s32 $0x20;
	v4 =	vld [tilespmem:s25+$0x30];
	[tilespmem:s31+$0x70] =	vst v9;
	v8 =	vadd.f32 v63, v8  }
.LBB2_4:
0x52c: {  	s26 =	sadd.s32 $0x4, s26;
	v9 =	vld [tilespmem:s25+$0xC030]  }
0x52d: {  	s0 =	sshrl.u32 s26, $0x3;
	p0 =	slt.u32 s26, $0x3C;
	[tilespmem:s25+$0x0] =	vst v8;
	v6 =	vadd.f32 v7, v6;
	v7 =	vld [tilespmem:s25+$0x40]  }
0x52e: {  	s24 =	sadd.s32 $0x200, s24;
	s17 =	smul.u32 $0x1800, s0;
	v8 =	vld [tilespmem:s25+$0xC040]  }
0x52f: {  	s13 =	sand.u32 $0x200, s24;
	[tilespmem:s25+$0x10] =	vst v6;
	v3 =	vadd.f32 v5, v3;
	v5 =	vld [tilespmem:s25+$0x50]  }
0x530: {  	s19 =	sor.u32 $0x80, s13;
	s18 =	sor.u32 $0x100, s13;
	s1 =	sor.u32 s13, s17;
	v6 =	vld [tilespmem:s25+$0xC050]  }
0x531: {  	s15 =	sor.u32 s17, s19;
	s31 =	sor.u32 s17, s18;
	v10 =	vld [tilespmem:s1+$0x0];
	[tilespmem:s25+$0x20] =	vst v3;
	v3 =	vadd.f32 v9, v4  }
0x532: {  	v4 =	vld [tilespmem:s1+$0xC000]  }
0x533: {  	v9 =	vld [tilespmem:s1+$0x10];
	[tilespmem:s25+$0x30] =	vst v3;
	v3 =	vadd.f32 v8, v7  }
0x534: {  	v7 =	vld [tilespmem:s1+$0xC010]  }
0x535: {  	v8 =	vld [tilespmem:s1+$0x20];
	[tilespmem:s25+$0x40] =	vst v3;
	v3 =	vadd.f32 v6, v5  }
0x536: {  	v5 =	vld [tilespmem:s1+$0xC020]  }
0x537: {  	v6 =	vld [tilespmem:s1+$0x30];
	[tilespmem:s25+$0x50] =	vst v3  }
0x538: {  	v3 =	vld [tilespmem:s1+$0xC030]  }
0x539: {  	v11 =	vld [tilespmem:s1+$0x40]  }
0x53a: {  	v12 =	vld [tilespmem:s1+$0xC040]  }
0x53b: {  	v13 =	vld [tilespmem:s1+$0x50]  }
0x53c: {  	v14 =	vld [tilespmem:s1+$0xC050]  }
0x53d: {  	v15 =	vld [tilespmem:s1+$0x60]  }
0x53e: {  	v16 =	vld [tilespmem:s1+$0xC060]  }
0x53f: {  	v17 =	vld [tilespmem:s1+$0x70]  }
0x540: {  	v18 =	vld [tilespmem:s1+$0xC070]  }
0x541: {  	v19 =	vld [tilespmem:s1+$0x400]  }
0x542: {  	v20 =	vld [tilespmem:s1+$0xC400]  }
0x543: {  	v21 =	vld [tilespmem:s1+$0x410]  }
0x544: {  	v22 =	vld [tilespmem:s1+$0xC410]  }
0x545: {  	v23 =	vld [tilespmem:s1+$0x420]  }
0x546: {  	v4 =	vadd.f32 v4, v10;
	v10 =	vld [tilespmem:s1+$0xC420]  }
0x547: {  	v7 =	vadd.f32 v7, v9;
	v9 =	vld [tilespmem:s1+$0x430]  }
0x548: {  	[tilespmem:s1+$0x0] =	vst v4;
	v4 =	vadd.f32 v5, v8;
	v5 =	vld [tilespmem:s1+$0xC430]  }
0x549: {  	v3 =	vadd.f32 v3, v6;
	[tilespmem:s1+$0x10] =	vst v7;
	v6 =	vld [tilespmem:s1+$0x440]  }
0x54a: {  	[tilespmem:s1+$0x20] =	vst v4;
	v4 =	vadd.f32 v12, v11;
	v7 =	vld [tilespmem:s1+$0xC440]  }
0x54b: {  	[tilespmem:s1+$0x30] =	vst v3;
	v3 =	vadd.f32 v14, v13;
	v8 =	vld [tilespmem:s1+$0x450]  }
0x54c: {  	[tilespmem:s1+$0x40] =	vst v4;
	v4 =	vadd.f32 v16, v15;
	v11 =	vld [tilespmem:s1+$0xC450]  }
0x54d: {  	[tilespmem:s1+$0x50] =	vst v3;
	v3 =	vadd.f32 v18, v17;
	v12 =	vld [tilespmem:s1+$0x460]  }
0x54e: {  	[tilespmem:s1+$0x60] =	vst v4;
	v4 =	vadd.f32 v20, v19;
	v13 =	vld [tilespmem:s1+$0xC460]  }
0x54f: {  	[tilespmem:s1+$0x70] =	vst v3;
	v3 =	vadd.f32 v22, v21;
	v14 =	vld [tilespmem:s1+$0x470]  }
0x550: {  	[tilespmem:s1+$0x400] =	vst v4;
	v4 =	vadd.f32 v10, v23;
	v10 =	vld [tilespmem:s1+$0xC470]  }
0x551: {  	[tilespmem:s1+$0x410] =	vst v3;
	v3 =	vadd.f32 v5, v9;
	v5 =	vld [tilespmem:s25+$0x60]  }
0x552: {  	[tilespmem:s1+$0x420] =	vst v4;
	v4 =	vadd.f32 v7, v6;
	v6 =	vld [tilespmem:s25+$0xC060]  }
0x553: {  	[tilespmem:s1+$0x430] =	vst v3;
	v3 =	vadd.f32 v11, v8;
	v7 =	vld [tilespmem:s28+$0x0]  }
0x554: {  	[tilespmem:s1+$0x440] =	vst v4;
	v4 =	vadd.f32 v13, v12;
	v8 =	vld [tilespmem:s28+$0xC000]  }
0x555: {  	s4 =	sadd.s32 $0x800, s17;
	[tilespmem:s1+$0x450] =	vst v3;
	v3 =	vadd.f32 v10, v14;
	v9 =	vld [tilespmem:s28+$0x10]  }
0x556: {  	s5 =	sor.u32 s13, s4;
	s11 =	sor.u32 s19, s4;
	s0 =	sor.u32 s18, s4;
	[tilespmem:s1+$0x460] =	vst v4;
	v4 =	vld [tilespmem:s28+$0xC010]  }
0x557: {  	[tilespmem:s1+$0x470] =	vst v3;
	v3 =	vld [tilespmem:s5+$0x0];
	v5 =	vadd.f32 v6, v5  }
0x558: {  	v6 =	vld [tilespmem:s5+$0xC000]  }
0x559: {  	v10 =	vld [tilespmem:s5+$0x10];
	v7 =	vadd.f32 v8, v7;
	[tilespmem:s25+$0x60] =	vst v5  }
0x55a: {  	v5 =	vld [tilespmem:s5+$0xC010]  }
0x55b: {  	v8 =	vld [tilespmem:s5+$0x20];
	[tilespmem:s28+$0x0] =	vst v7;
	v4 =	vadd.f32 v4, v9  }
0x55c: {  	v7 =	vld [tilespmem:s5+$0xC020]  }
0x55d: {  	v9 =	vld [tilespmem:s5+$0x30];
	[tilespmem:s28+$0x10] =	vst v4  }
0x55e: {  	v4 =	vld [tilespmem:s5+$0xC030]  }
0x55f: {  	v11 =	vld [tilespmem:s5+$0x40]  }
0x560: {  	v12 =	vld [tilespmem:s5+$0xC040]  }
0x561: {  	v13 =	vld [tilespmem:s5+$0x50]  }
0x562: {  	v14 =	vld [tilespmem:s5+$0xC050]  }
0x563: {  	v15 =	vld [tilespmem:s5+$0x60]  }
0x564: {  	v3 =	vadd.f32 v6, v3;
	v6 =	vld [tilespmem:s5+$0xC060]  }
0x565: {  	v5 =	vadd.f32 v5, v10;
	v10 =	vld [tilespmem:s5+$0x70]  }
0x566: {  	[tilespmem:s5+$0x0] =	vst v3;
	v3 =	vadd.f32 v7, v8;
	v7 =	vld [tilespmem:s5+$0xC070]  }
0x567: {  	v4 =	vadd.f32 v4, v9;
	[tilespmem:s5+$0x10] =	vst v5;
	v5 =	vld [tilespmem:s28+$0x20]  }
0x568: {  	[tilespmem:s5+$0x20] =	vst v3;
	v3 =	vadd.f32 v12, v11;
	v8 =	vld [tilespmem:s28+$0xC020]  }
0x569: {  	[tilespmem:s5+$0x30] =	vst v4;
	v4 =	vadd.f32 v14, v13;
	v9 =	vld [tilespmem:s28+$0x30]  }
0x56a: {  	[tilespmem:s5+$0x40] =	vst v3;
	v3 =	vadd.f32 v6, v15;
	v6 =	vld [tilespmem:s28+$0xC030]  }
0x56b: {  	s14 =	sadd.s32 $0xC00, s17;
	[tilespmem:s5+$0x50] =	vst v4;
	v4 =	vadd.f32 v7, v10;
	v7 =	vld [tilespmem:s28+$0x40]  }
0x56c: {  	s29 =	sor.u32 s13, s14;
	s30 =	sor.u32 s18, s14;
	s1 =	sor.u32 s19, s14;
	[tilespmem:s5+$0x60] =	vst v3;
	v3 =	vld [tilespmem:s28+$0xC040]  }
0x56d: {  	[tilespmem:s5+$0x70] =	vst v4;
	v4 =	vld [tilespmem:s29+$0x0];
	v5 =	vadd.f32 v8, v5  }
0x56e: {  	v8 =	vld [tilespmem:s29+$0xC000]  }
0x56f: {  	[tilespmem:s28+$0x20] =	vst v5;
	v5 =	vadd.f32 v6, v9;
	v6 =	vld [tilespmem:s28+$0x50]  }
0x570: {  	v9 =	vld [tilespmem:s28+$0xC050]  }
0x571: {  	[tilespmem:s28+$0x30] =	vst v5;
	v3 =	vadd.f32 v3, v7;
	v5 =	vld [tilespmem:s28+$0x60]  }
0x572: {  	v7 =	vld [tilespmem:s28+$0xC060]  }
0x573: {  	v4 =	vadd.f32 v8, v4;
	[tilespmem:s28+$0x40] =	vst v3;
	v3 =	vld [tilespmem:s28+$0x70]  }
0x574: {  	v8 =	vld [tilespmem:s28+$0xC070]  }
0x575: {  	s25 =	sor.u32 $0x180, s13;
	[tilespmem:s29+$0x0] =	vst v4;
	v4 =	vld [tilespmem:s29+$0x10];
	v6 =	vadd.f32 v9, v6  }
0x576: {  	s16 =	sor.u32 s17, s25;
	v9 =	vld [tilespmem:s29+$0xC010]  }
0x577: {  	v10 =	vld [tilespmem:s16+$0x0];
	[tilespmem:s28+$0x50] =	vst v6;
	v5 =	vadd.f32 v7, v5  }
0x578: {  	v6 =	vld [tilespmem:s16+$0xC000]  }
0x579: {  	v7 =	vld [tilespmem:s16+$0x10];
	[tilespmem:s28+$0x60] =	vst v5;
	v3 =	vadd.f32 v8, v3  }
0x57a: {  	v5 =	vld [tilespmem:s16+$0xC010]  }
0x57b: {  	v4 =	vadd.f32 v9, v4;
	v8 =	vld [tilespmem:s16+$0x20];
	[tilespmem:s28+$0x70] =	vst v3  }
0x57c: {  	v3 =	vld [tilespmem:s16+$0xC020]  }
0x57d: {  	[tilespmem:s29+$0x10] =	vst v4;
	v4 =	vld [tilespmem:s16+$0x30]  }
0x57e: {  	v9 =	vld [tilespmem:s16+$0xC030]  }
0x57f: {  	v11 =	vld [tilespmem:s16+$0x40]  }
0x580: {  	v12 =	vld [tilespmem:s16+$0xC040]  }
0x581: {  	v13 =	vld [tilespmem:s16+$0x50]  }
0x582: {  	v14 =	vld [tilespmem:s16+$0xC050]  }
0x583: {  	v15 =	vld [tilespmem:s16+$0x60]  }
0x584: {  	v16 =	vld [tilespmem:s16+$0xC060]  }
0x585: {  	v17 =	vld [tilespmem:s16+$0x70]  }
0x586: {  	v18 =	vld [tilespmem:s16+$0xC070]  }
0x587: {  	v19 =	vld [tilespmem:s16+$0x400]  }
0x588: {  	v20 =	vld [tilespmem:s16+$0xC400]  }
0x589: {  	v21 =	vld [tilespmem:s16+$0x410]  }
0x58a: {  	v22 =	vld [tilespmem:s16+$0xC410]  }
0x58b: {  	v23 =	vld [tilespmem:s16+$0x420]  }
0x58c: {  	v6 =	vadd.f32 v6, v10;
	v10 =	vld [tilespmem:s16+$0xC420]  }
0x58d: {  	v5 =	vadd.f32 v5, v7;
	v7 =	vld [tilespmem:s16+$0x430]  }
0x58e: {  	v3 =	vadd.f32 v3, v8;
	[tilespmem:s16+$0x0] =	vst v6;
	v6 =	vld [tilespmem:s16+$0xC430]  }
0x58f: {  	v4 =	vadd.f32 v9, v4;
	[tilespmem:s16+$0x10] =	vst v5;
	v5 =	vld [tilespmem:s16+$0x440]  }
0x590: {  	[tilespmem:s16+$0x20] =	vst v3;
	v3 =	vadd.f32 v12, v11;
	v8 =	vld [tilespmem:s16+$0x450]  }
0x591: {  	[tilespmem:s16+$0x30] =	vst v4;
	v4 =	vadd.f32 v14, v13;
	v9 =	vld [tilespmem:s16+$0xC450]  }
0x592: {  	[tilespmem:s16+$0x40] =	vst v3;
	v3 =	vadd.f32 v16, v15;
	v11 =	vld [tilespmem:s16+$0x460]  }
0x593: {  	[tilespmem:s16+$0x50] =	vst v4;
	v4 =	vadd.f32 v18, v17;
	v12 =	vld [tilespmem:s16+$0xC460]  }
0x594: {  	[tilespmem:s16+$0x60] =	vst v3;
	v3 =	vadd.f32 v20, v19;
	v13 =	vld [tilespmem:s16+$0x470]  }
0x595: {  	[tilespmem:s16+$0x70] =	vst v4;
	v4 =	vadd.f32 v22, v21;
	v14 =	vld [tilespmem:s16+$0xC470]  }
0x596: {  	[tilespmem:s16+$0x400] =	vst v3;
	v3 =	vadd.f32 v10, v23;
	v10 =	vld [tilespmem:s16+$0xC440]  }
0x597: {  	v15 =	vld [tilespmem:s15+$0x0];
	[tilespmem:s16+$0x410] =	vst v4;
	v4 =	vadd.f32 v6, v7  }
0x598: {  	v6 =	vld [tilespmem:s15+$0xC000];
	[tilespmem:s16+$0x420] =	vst v3;
	v3 =	vadd.f32 v9, v8  }
0x599: {  	v7 =	vld [tilespmem:s15+$0x10];
	[tilespmem:s16+$0x430] =	vst v4;
	v4 =	vadd.f32 v12, v11  }
0x59a: {  	v8 =	vld [tilespmem:s15+$0xC010];
	[tilespmem:s16+$0x450] =	vst v3;
	v3 =	vadd.f32 v14, v13  }
0x59b: {  	v9 =	vld [tilespmem:s15+$0x20];
	v5 =	vadd.f32 v10, v5;
	[tilespmem:s16+$0x460] =	vst v4  }
0x59c: {  	s4 =	sor.u32 s25, s4;
	v4 =	vld [tilespmem:s15+$0xC020];
	[tilespmem:s16+$0x470] =	vst v3  }
0x59d: {  	v3 =	vadd.f32 v6, v15;
	[tilespmem:s16+$0x440] =	vst v5;
	v5 =	vld [tilespmem:s4+$0x0]  }
0x59e: {  	v6 =	vld [tilespmem:s4+$0xC000]  }
0x59f: {  	[tilespmem:s15+$0x0] =	vst v3;
	v3 =	vadd.f32 v8, v7;
	v7 =	vld [tilespmem:s4+$0x10]  }
0x5a0: {  	v8 =	vld [tilespmem:s4+$0xC010]  }
0x5a1: {  	[tilespmem:s15+$0x10] =	vst v3;
	v3 =	vadd.f32 v4, v9;
	v4 =	vld [tilespmem:s4+$0x20]  }
0x5a2: {  	v9 =	vld [tilespmem:s4+$0xC020]  }
0x5a3: {  	[tilespmem:s15+$0x20] =	vst v3;
	v3 =	vld [tilespmem:s4+$0x30]  }
0x5a4: {  	v10 =	vld [tilespmem:s4+$0xC030]  }
0x5a5: {  	v11 =	vld [tilespmem:s4+$0x40]  }
0x5a6: {  	v12 =	vld [tilespmem:s4+$0x50]  }
0x5a7: {  	v13 =	vld [tilespmem:s4+$0xC050]  }
0x5a8: {  	v14 =	vld [tilespmem:s4+$0x60]  }
0x5a9: {  	v15 =	vld [tilespmem:s4+$0xC060]  }
0x5aa: {  	v5 =	vadd.f32 v6, v5;
	v6 =	vld [tilespmem:s4+$0x70]  }
0x5ab: {  	v7 =	vadd.f32 v8, v7;
	v8 =	vld [tilespmem:s4+$0xC070]  }
0x5ac: {  	v4 =	vadd.f32 v9, v4;
	[tilespmem:s4+$0x0] =	vst v5;
	v5 =	vld [tilespmem:s4+$0xC040]  }
0x5ad: {  	v3 =	vadd.f32 v10, v3;
	v9 =	vld [tilespmem:s15+$0x30];
	[tilespmem:s4+$0x10] =	vst v7  }
0x5ae: {  	v7 =	vld [tilespmem:s15+$0xC030];
	[tilespmem:s4+$0x20] =	vst v4;
	v4 =	vadd.f32 v13, v12  }
0x5af: {  	v10 =	vld [tilespmem:s15+$0x40];
	[tilespmem:s4+$0x30] =	vst v3;
	v3 =	vadd.f32 v15, v14  }
0x5b0: {  	v12 =	vld [tilespmem:s15+$0xC040];
	[tilespmem:s4+$0x50] =	vst v4;
	v4 =	vadd.f32 v8, v6  }
0x5b1: {  	v6 =	vld [tilespmem:s15+$0x50];
	v5 =	vadd.f32 v5, v11;
	[tilespmem:s4+$0x60] =	vst v3  }
0x5b2: {  	s28 =	sor.u32 s25, s14;
	v3 =	vld [tilespmem:s15+$0xC050];
	[tilespmem:s4+$0x70] =	vst v4  }
0x5b3: {  	v4 =	vadd.f32 v7, v9;
	[tilespmem:s4+$0x40] =	vst v5;
	v5 =	vld [tilespmem:s28+$0x0]  }
0x5b4: {  	v7 =	vld [tilespmem:s28+$0xC000]  }
0x5b5: {  	[tilespmem:s15+$0x30] =	vst v4;
	v4 =	vadd.f32 v12, v10;
	v8 =	vld [tilespmem:s28+$0x10]  }
0x5b6: {  	v9 =	vld [tilespmem:s28+$0xC010]  }
0x5b7: {  	[tilespmem:s15+$0x40] =	vst v4;
	v3 =	vadd.f32 v3, v6;
	v4 =	vld [tilespmem:s28+$0x20]  }
0x5b8: {  	v6 =	vld [tilespmem:s28+$0xC020]  }
0x5b9: {  	[tilespmem:s15+$0x50] =	vst v3;
	v3 =	vld [tilespmem:s28+$0x30]  }
0x5ba: {  	v10 =	vld [tilespmem:s28+$0xC030]  }
0x5bb: {  	v11 =	vld [tilespmem:s28+$0x40]  }
0x5bc: {  	v12 =	vld [tilespmem:s28+$0x50]  }
0x5bd: {  	v13 =	vld [tilespmem:s28+$0xC050]  }
0x5be: {  	v14 =	vld [tilespmem:s28+$0x60]  }
0x5bf: {  	v15 =	vld [tilespmem:s28+$0xC060]  }
0x5c0: {  	v5 =	vadd.f32 v7, v5;
	v7 =	vld [tilespmem:s28+$0x70]  }
0x5c1: {  	v8 =	vadd.f32 v9, v8;
	v9 =	vld [tilespmem:s28+$0xC070]  }
0x5c2: {  	v4 =	vadd.f32 v6, v4;
	[tilespmem:s28+$0x0] =	vst v5;
	v5 =	vld [tilespmem:s28+$0xC040]  }
0x5c3: {  	v3 =	vadd.f32 v10, v3;
	v6 =	vld [tilespmem:s15+$0x60];
	[tilespmem:s28+$0x10] =	vst v8  }
0x5c4: {  	v8 =	vld [tilespmem:s15+$0xC060];
	[tilespmem:s28+$0x20] =	vst v4;
	v4 =	vadd.f32 v13, v12  }
0x5c5: {  	v10 =	vld [tilespmem:s15+$0x70];
	[tilespmem:s28+$0x30] =	vst v3;
	v3 =	vadd.f32 v15, v14  }
0x5c6: {  	v12 =	vld [tilespmem:s15+$0xC070];
	[tilespmem:s28+$0x50] =	vst v4;
	v4 =	vadd.f32 v9, v7  }
0x5c7: {  	s8 =	sadd.s32 $0x1000, s17;
	v7 =	vld [tilespmem:s15+$0x400];
	v5 =	vadd.f32 v5, v11;
	[tilespmem:s28+$0x60] =	vst v3  }
0x5c8: {  	s5 =	sor.u32 s25, s8;
	s14 =	sor.u32 s13, s8;
	s4 =	sor.u32 s19, s8;
	v3 =	vld [tilespmem:s15+$0xC400];
	[tilespmem:s28+$0x70] =	vst v4  }
0x5c9: {  	s16 =	sor.u32 s18, s8;
	v4 =	vadd.f32 v8, v6;
	[tilespmem:s28+$0x40] =	vst v5;
	v5 =	vld [tilespmem:s5+$0x0]  }
0x5ca: {  	v6 =	vld [tilespmem:s5+$0xC000]  }
0x5cb: {  	[tilespmem:s15+$0x60] =	vst v4;
	v4 =	vadd.f32 v12, v10;
	v8 =	vld [tilespmem:s5+$0x10]  }
0x5cc: {  	v9 =	vld [tilespmem:s5+$0xC010]  }
0x5cd: {  	[tilespmem:s15+$0x70] =	vst v4;
	v3 =	vadd.f32 v3, v7;
	v4 =	vld [tilespmem:s5+$0x20]  }
0x5ce: {  	v7 =	vld [tilespmem:s5+$0xC020]  }
0x5cf: {  	[tilespmem:s15+$0x400] =	vst v3;
	v3 =	vld [tilespmem:s5+$0x30]  }
0x5d0: {  	v10 =	vld [tilespmem:s5+$0x40]  }
0x5d1: {  	v11 =	vld [tilespmem:s5+$0xC040]  }
0x5d2: {  	v12 =	vld [tilespmem:s5+$0x50]  }
0x5d3: {  	v13 =	vld [tilespmem:s5+$0xC050]  }
0x5d4: {  	v14 =	vld [tilespmem:s5+$0x60]  }
0x5d5: {  	v15 =	vld [tilespmem:s5+$0xC060]  }
0x5d6: {  	v5 =	vadd.f32 v6, v5;
	v6 =	vld [tilespmem:s5+$0x70]  }
0x5d7: {  	v8 =	vadd.f32 v9, v8;
	v9 =	vld [tilespmem:s5+$0xC070]  }
0x5d8: {  	v4 =	vadd.f32 v7, v4;
	[tilespmem:s5+$0x0] =	vst v5;
	v5 =	vld [tilespmem:s5+$0xC030]  }
0x5d9: {  	v7 =	vld [tilespmem:s15+$0x410];
	[tilespmem:s5+$0x10] =	vst v8;
	v8 =	vadd.f32 v11, v10  }
0x5da: {  	v10 =	vld [tilespmem:s15+$0xC410];
	[tilespmem:s5+$0x20] =	vst v4;
	v4 =	vadd.f32 v13, v12  }
0x5db: {  	v11 =	vld [tilespmem:s15+$0x420];
	[tilespmem:s5+$0x40] =	vst v8;
	v8 =	vadd.f32 v15, v14  }
0x5dc: {  	v12 =	vld [tilespmem:s15+$0xC420];
	[tilespmem:s5+$0x50] =	vst v4;
	v4 =	vadd.f32 v9, v6  }
0x5dd: {  	s8 =	sadd.s32 $0x1400, s17;
	v6 =	vld [tilespmem:s15+$0x430];
	v3 =	vadd.f32 v5, v3;
	[tilespmem:s5+$0x60] =	vst v8  }
0x5de: {  	s17 =	sor.u32 s19, s8;
	s25 =	sor.u32 s25, s8;
	s28 =	sor.u32 s13, s8;
	v5 =	vld [tilespmem:s15+$0xC430];
	[tilespmem:s5+$0x70] =	vst v4  }
0x5df: {  	s13 =	sor.u32 s18, s8;
	v4 =	vadd.f32 v10, v7;
	[tilespmem:s5+$0x30] =	vst v3;
	v3 =	vld [tilespmem:s25+$0x70]  }
0x5e0: {  	v7 =	vld [tilespmem:s25+$0xC070]  }
0x5e1: {  	[tilespmem:s15+$0x410] =	vst v4;
	v4 =	vadd.f32 v12, v11;
	v8 =	vld [tilespmem:s15+$0x440]  }
0x5e2: {  	v9 =	vld [tilespmem:s15+$0xC440]  }
0x5e3: {  	[tilespmem:s15+$0x420] =	vst v4;
	v4 =	vadd.f32 v5, v6;
	v5 =	vld [tilespmem:s15+$0x450]  }
0x5e4: {  	v6 =	vld [tilespmem:s15+$0xC450]  }
0x5e5: {  	[tilespmem:s15+$0x430] =	vst v4;
	v4 =	vld [tilespmem:s15+$0x460];
	v3 =	vadd.f32 v7, v3  }
0x5e6: {  	v7 =	vld [tilespmem:s15+$0xC460]  }
0x5e7: {  	v8 =	vadd.f32 v9, v8;
	v9 =	vld [tilespmem:s15+$0x470];
	[tilespmem:s25+$0x70] =	vst v3  }
0x5e8: {  	v3 =	vld [tilespmem:s15+$0xC470]  }
0x5e9: {  	[tilespmem:s15+$0x440] =	vst v8;
	v5 =	vadd.f32 v6, v5;
	v6 =	vld [tilespmem:s31+$0x0]  }
0x5ea: {  	v8 =	vld [tilespmem:s31+$0xC000]  }
0x5eb: {  	[tilespmem:s15+$0x450] =	vst v5;
	v4 =	vadd.f32 v7, v4;
	v5 =	vld [tilespmem:s31+$0x10]  }
0x5ec: {  	v7 =	vld [tilespmem:s31+$0xC010]  }
0x5ed: {  	[tilespmem:s15+$0x460] =	vst v4;
	v3 =	vadd.f32 v3, v9;
	v4 =	vld [tilespmem:s31+$0x20]  }
0x5ee: {  	v9 =	vld [tilespmem:s31+$0xC020]  }
0x5ef: {  	[tilespmem:s15+$0x470] =	vst v3;
	v3 =	vadd.f32 v8, v6;
	v6 =	vld [tilespmem:s31+$0x30]  }
0x5f0: {  	v8 =	vld [tilespmem:s31+$0xC030]  }
0x5f1: {  	[tilespmem:s31+$0x0] =	vst v3;
	v3 =	vadd.f32 v7, v5;
	v5 =	vld [tilespmem:s31+$0x40]  }
0x5f2: {  	v7 =	vld [tilespmem:s31+$0xC040]  }
0x5f3: {  	[tilespmem:s31+$0x10] =	vst v3;
	v3 =	vadd.f32 v9, v4;
	v4 =	vld [tilespmem:s31+$0x50]  }
0x5f4: {  	v9 =	vld [tilespmem:s31+$0xC050]  }
0x5f5: {  	[tilespmem:s31+$0x20] =	vst v3;
	v3 =	vadd.f32 v8, v6;
	v6 =	vld [tilespmem:s31+$0x60]  }
0x5f6: {  	v8 =	vld [tilespmem:s31+$0xC060]  }
0x5f7: {  	[tilespmem:s31+$0x30] =	vst v3;
	v3 =	vadd.f32 v7, v5;
	v5 =	vld [tilespmem:s31+$0x70]  }
0x5f8: {  	v7 =	vld [tilespmem:s31+$0xC070]  }
0x5f9: {  	[tilespmem:s31+$0x40] =	vst v3;
	v3 =	vadd.f32 v9, v4;
	v4 =	vld [tilespmem:s31+$0x400]  }
0x5fa: {  	v9 =	vld [tilespmem:s31+$0xC400]  }
0x5fb: {  	[tilespmem:s31+$0x50] =	vst v3;
	v3 =	vadd.f32 v8, v6;
	v6 =	vld [tilespmem:s31+$0x410]  }
0x5fc: {  	v8 =	vld [tilespmem:s31+$0xC410]  }
0x5fd: {  	[tilespmem:s31+$0x60] =	vst v3;
	v3 =	vadd.f32 v7, v5;
	v5 =	vld [tilespmem:s31+$0x420]  }
0x5fe: {  	v7 =	vld [tilespmem:s31+$0xC420]  }
0x5ff: {  	[tilespmem:s31+$0x70] =	vst v3;
	v3 =	vadd.f32 v9, v4;
	v4 =	vld [tilespmem:s31+$0x430]  }
0x600: {  	v9 =	vld [tilespmem:s31+$0xC430]  }
0x601: {  	[tilespmem:s31+$0x400] =	vst v3;
	v3 =	vadd.f32 v8, v6;
	v6 =	vld [tilespmem:s31+$0x440]  }
0x602: {  	v8 =	vld [tilespmem:s31+$0xC440]  }
0x603: {  	[tilespmem:s31+$0x410] =	vst v3;
	v3 =	vadd.f32 v7, v5;
	v5 =	vld [tilespmem:s31+$0x450]  }
0x604: {  	v7 =	vld [tilespmem:s31+$0xC450]  }
0x605: {  	[tilespmem:s31+$0x420] =	vst v3;
	v3 =	vadd.f32 v9, v4;
	v4 =	vld [tilespmem:s31+$0x460]  }
0x606: {  	v9 =	vld [tilespmem:s31+$0xC460]  }
0x607: {  	[tilespmem:s31+$0x430] =	vst v3;
	v3 =	vadd.f32 v8, v6;
	v6 =	vld [tilespmem:s31+$0x470]  }
0x608: {  	v8 =	vld [tilespmem:s31+$0xC470]  }
0x609: {  	v10 =	vld [tilespmem:s11+$0x0];
	[tilespmem:s31+$0x440] =	vst v3;
	v3 =	vadd.f32 v7, v5  }
0x60a: {  	v5 =	vld [tilespmem:s11+$0xC000]  }
0x60b: {  	v7 =	vld [tilespmem:s11+$0x10];
	[tilespmem:s31+$0x450] =	vst v3;
	v3 =	vadd.f32 v9, v4  }
0x60c: {  	v4 =	vld [tilespmem:s11+$0xC010]  }
0x60d: {  	v9 =	vld [tilespmem:s11+$0x20];
	[tilespmem:s31+$0x460] =	vst v3;
	v3 =	vadd.f32 v8, v6  }
0x60e: {  	v6 =	vld [tilespmem:s11+$0xC020]  }
0x60f: {  	v5 =	vadd.f32 v5, v10;
	v8 =	vld [tilespmem:s11+$0x30];
	[tilespmem:s31+$0x470] =	vst v3  }
0x610: {  	v3 =	vld [tilespmem:s11+$0xC030]  }
0x611: {  	[tilespmem:s11+$0x0] =	vst v5;
	v4 =	vadd.f32 v4, v7;
	v5 =	vld [tilespmem:s11+$0x40]  }
0x612: {  	v7 =	vld [tilespmem:s11+$0xC040]  }
0x613: {  	[tilespmem:s11+$0x10] =	vst v4;
	v4 =	vadd.f32 v6, v9;
	v6 =	vld [tilespmem:s11+$0x50]  }
0x614: {  	v9 =	vld [tilespmem:s11+$0xC050]  }
0x615: {  	[tilespmem:s11+$0x20] =	vst v4;
	v3 =	vadd.f32 v3, v8;
	v4 =	vld [tilespmem:s11+$0x60]  }
0x616: {  	v8 =	vld [tilespmem:s11+$0xC060]  }
0x617: {  	[tilespmem:s11+$0x30] =	vst v3;
	v3 =	vadd.f32 v7, v5;
	v5 =	vld [tilespmem:s11+$0x70]  }
0x618: {  	v7 =	vld [tilespmem:s11+$0xC070]  }
0x619: {  	[tilespmem:s11+$0x40] =	vst v3;
	v3 =	vadd.f32 v9, v6;
	v6 =	vld [tilespmem:s0+$0x0]  }
0x61a: {  	v9 =	vld [tilespmem:s0+$0xC000]  }
0x61b: {  	[tilespmem:s11+$0x50] =	vst v3;
	v3 =	vadd.f32 v8, v4;
	v4 =	vld [tilespmem:s0+$0x10]  }
0x61c: {  	v8 =	vld [tilespmem:s0+$0xC010]  }
0x61d: {  	[tilespmem:s11+$0x60] =	vst v3;
	v3 =	vadd.f32 v7, v5;
	v5 =	vld [tilespmem:s0+$0x20]  }
0x61e: {  	v7 =	vld [tilespmem:s0+$0xC020]  }
0x61f: {  	[tilespmem:s11+$0x70] =	vst v3;
	v3 =	vadd.f32 v9, v6;
	v6 =	vld [tilespmem:s0+$0x30]  }
0x620: {  	v9 =	vld [tilespmem:s0+$0xC030]  }
0x621: {  	[tilespmem:s0+$0x0] =	vst v3;
	v3 =	vadd.f32 v8, v4;
	v4 =	vld [tilespmem:s0+$0x40]  }
0x622: {  	v8 =	vld [tilespmem:s0+$0xC040]  }
0x623: {  	[tilespmem:s0+$0x10] =	vst v3;
	v3 =	vadd.f32 v7, v5;
	v5 =	vld [tilespmem:s0+$0x50]  }
0x624: {  	v7 =	vld [tilespmem:s0+$0xC050]  }
0x625: {  	[tilespmem:s0+$0x20] =	vst v3;
	v3 =	vadd.f32 v9, v6;
	v6 =	vld [tilespmem:s0+$0x60]  }
0x626: {  	v9 =	vld [tilespmem:s0+$0xC060]  }
0x627: {  	[tilespmem:s0+$0x30] =	vst v3;
	v3 =	vadd.f32 v8, v4;
	v4 =	vld [tilespmem:s0+$0x70]  }
0x628: {  	v8 =	vld [tilespmem:s0+$0xC070]  }
0x629: {  	v10 =	vld [tilespmem:s1+$0x0];
	[tilespmem:s0+$0x40] =	vst v3;
	v3 =	vadd.f32 v7, v5  }
0x62a: {  	v5 =	vld [tilespmem:s1+$0xC000]  }
0x62b: {  	v7 =	vld [tilespmem:s1+$0x10];
	[tilespmem:s0+$0x50] =	vst v3;
	v3 =	vadd.f32 v9, v6  }
0x62c: {  	v6 =	vld [tilespmem:s1+$0xC010]  }
0x62d: {  	v9 =	vld [tilespmem:s1+$0x20];
	[tilespmem:s0+$0x60] =	vst v3;
	v3 =	vadd.f32 v8, v4  }
0x62e: {  	v4 =	vld [tilespmem:s1+$0xC020]  }
0x62f: {  	v5 =	vadd.f32 v5, v10;
	v8 =	vld [tilespmem:s1+$0x30];
	[tilespmem:s0+$0x70] =	vst v3  }
0x630: {  	v3 =	vld [tilespmem:s1+$0xC030]  }
0x631: {  	[tilespmem:s1+$0x0] =	vst v5;
	v5 =	vadd.f32 v6, v7;
	v6 =	vld [tilespmem:s1+$0x40]  }
0x632: {  	v7 =	vld [tilespmem:s1+$0xC040]  }
0x633: {  	[tilespmem:s1+$0x10] =	vst v5;
	v4 =	vadd.f32 v4, v9;
	v5 =	vld [tilespmem:s1+$0x50]  }
0x634: {  	v9 =	vld [tilespmem:s1+$0xC050]  }
0x635: {  	[tilespmem:s1+$0x20] =	vst v4;
	v3 =	vadd.f32 v3, v8;
	v4 =	vld [tilespmem:s1+$0x60]  }
0x636: {  	v8 =	vld [tilespmem:s1+$0xC060]  }
0x637: {  	[tilespmem:s1+$0x30] =	vst v3;
	v3 =	vadd.f32 v7, v6;
	v6 =	vld [tilespmem:s1+$0x70]  }
0x638: {  	v7 =	vld [tilespmem:s1+$0xC070]  }
0x639: {  	[tilespmem:s1+$0x40] =	vst v3;
	v3 =	vadd.f32 v9, v5;
	v5 =	vld [tilespmem:s30+$0x0]  }
0x63a: {  	v9 =	vld [tilespmem:s30+$0xC000]  }
0x63b: {  	[tilespmem:s1+$0x50] =	vst v3;
	v3 =	vadd.f32 v8, v4;
	v4 =	vld [tilespmem:s30+$0x10]  }
0x63c: {  	v8 =	vld [tilespmem:s30+$0xC010]  }
0x63d: {  	[tilespmem:s1+$0x60] =	vst v3;
	v3 =	vadd.f32 v7, v6;
	v6 =	vld [tilespmem:s30+$0x20]  }
0x63e: {  	v7 =	vld [tilespmem:s30+$0xC020]  }
0x63f: {  	[tilespmem:s1+$0x70] =	vst v3;
	v3 =	vadd.f32 v9, v5;
	v5 =	vld [tilespmem:s30+$0x30]  }
0x640: {  	v9 =	vld [tilespmem:s30+$0xC030]  }
0x641: {  	[tilespmem:s30+$0x0] =	vst v3;
	v3 =	vadd.f32 v8, v4;
	v4 =	vld [tilespmem:s30+$0x40]  }
0x642: {  	v8 =	vld [tilespmem:s30+$0xC040]  }
0x643: {  	[tilespmem:s30+$0x10] =	vst v3;
	v3 =	vadd.f32 v7, v6;
	v6 =	vld [tilespmem:s30+$0x50]  }
0x644: {  	v7 =	vld [tilespmem:s30+$0xC050]  }
0x645: {  	[tilespmem:s30+$0x20] =	vst v3;
	v3 =	vadd.f32 v9, v5;
	v5 =	vld [tilespmem:s30+$0x60]  }
0x646: {  	v9 =	vld [tilespmem:s30+$0xC060]  }
0x647: {  	[tilespmem:s30+$0x30] =	vst v3;
	v3 =	vadd.f32 v8, v4;
	v4 =	vld [tilespmem:s30+$0x70]  }
0x648: {  	v8 =	vld [tilespmem:s30+$0xC070]  }
0x649: {  	v10 =	vld [tilespmem:s29+$0x20];
	[tilespmem:s30+$0x40] =	vst v3;
	v3 =	vadd.f32 v7, v6  }
0x64a: {  	v6 =	vld [tilespmem:s29+$0xC020]  }
0x64b: {  	v7 =	vld [tilespmem:s29+$0x30];
	[tilespmem:s30+$0x50] =	vst v3;
	v3 =	vadd.f32 v9, v5  }
0x64c: {  	v5 =	vld [tilespmem:s29+$0xC030]  }
0x64d: {  	v9 =	vld [tilespmem:s29+$0x40];
	[tilespmem:s30+$0x60] =	vst v3;
	v3 =	vadd.f32 v8, v4  }
0x64e: {  	v4 =	vld [tilespmem:s29+$0xC040]  }
0x64f: {  	v6 =	vadd.f32 v6, v10;
	v8 =	vld [tilespmem:s29+$0x50];
	[tilespmem:s30+$0x70] =	vst v3  }
0x650: {  	v3 =	vld [tilespmem:s29+$0xC050]  }
0x651: {  	[tilespmem:s29+$0x20] =	vst v6;
	v5 =	vadd.f32 v5, v7;
	v6 =	vld [tilespmem:s29+$0x60]  }
0x652: {  	v7 =	vld [tilespmem:s29+$0xC060]  }
0x653: {  	[tilespmem:s29+$0x30] =	vst v5;
	v4 =	vadd.f32 v4, v9;
	v5 =	vld [tilespmem:s29+$0x70]  }
0x654: {  	v9 =	vld [tilespmem:s29+$0xC070]  }
0x655: {  	[tilespmem:s29+$0x40] =	vst v4;
	v3 =	vadd.f32 v3, v8;
	v4 =	vld [tilespmem:s4+$0x0]  }
0x656: {  	v8 =	vld [tilespmem:s4+$0xC000]  }
0x657: {  	[tilespmem:s29+$0x50] =	vst v3;
	v3 =	vadd.f32 v7, v6;
	v6 =	vld [tilespmem:s4+$0x10]  }
0x658: {  	v7 =	vld [tilespmem:s4+$0xC010]  }
0x659: {  	[tilespmem:s29+$0x60] =	vst v3;
	v3 =	vadd.f32 v9, v5;
	v5 =	vld [tilespmem:s4+$0x20]  }
0x65a: {  	v9 =	vld [tilespmem:s4+$0xC020]  }
0x65b: {  	[tilespmem:s29+$0x70] =	vst v3;
	v3 =	vadd.f32 v8, v4;
	v4 =	vld [tilespmem:s4+$0x30]  }
0x65c: {  	v8 =	vld [tilespmem:s4+$0xC030]  }
0x65d: {  	[tilespmem:s4+$0x0] =	vst v3;
	v3 =	vadd.f32 v7, v6;
	v6 =	vld [tilespmem:s4+$0x40]  }
0x65e: {  	v7 =	vld [tilespmem:s4+$0xC040]  }
0x65f: {  	[tilespmem:s4+$0x10] =	vst v3;
	v3 =	vadd.f32 v9, v5;
	v5 =	vld [tilespmem:s4+$0x50]  }
0x660: {  	v9 =	vld [tilespmem:s4+$0xC050]  }
0x661: {  	[tilespmem:s4+$0x20] =	vst v3;
	v3 =	vadd.f32 v8, v4;
	v4 =	vld [tilespmem:s4+$0x60]  }
0x662: {  	v8 =	vld [tilespmem:s4+$0xC060]  }
0x663: {  	[tilespmem:s4+$0x30] =	vst v3;
	v3 =	vadd.f32 v7, v6;
	v6 =	vld [tilespmem:s4+$0x70]  }
0x664: {  	v7 =	vld [tilespmem:s4+$0xC070]  }
0x665: {  	[tilespmem:s4+$0x40] =	vst v3;
	v3 =	vadd.f32 v9, v5;
	v5 =	vld [tilespmem:s16+$0x0]  }
0x666: {  	v9 =	vld [tilespmem:s16+$0xC000]  }
0x667: {  	[tilespmem:s4+$0x50] =	vst v3;
	v3 =	vadd.f32 v8, v4;
	v4 =	vld [tilespmem:s16+$0x10]  }
0x668: {  	v8 =	vld [tilespmem:s16+$0xC010]  }
0x669: {  	[tilespmem:s4+$0x60] =	vst v3;
	v3 =	vadd.f32 v7, v6;
	v6 =	vld [tilespmem:s16+$0x20]  }
0x66a: {  	v7 =	vld [tilespmem:s16+$0xC020]  }
0x66b: {  	[tilespmem:s4+$0x70] =	vst v3;
	v3 =	vadd.f32 v9, v5;
	v5 =	vld [tilespmem:s16+$0x30]  }
0x66c: {  	v9 =	vld [tilespmem:s16+$0xC030]  }
0x66d: {  	[tilespmem:s16+$0x0] =	vst v3;
	v3 =	vadd.f32 v8, v4;
	v4 =	vld [tilespmem:s16+$0x40]  }
0x66e: {  	v8 =	vld [tilespmem:s16+$0xC040]  }
0x66f: {  	[tilespmem:s16+$0x10] =	vst v3;
	v3 =	vadd.f32 v7, v6;
	v6 =	vld [tilespmem:s16+$0x50]  }
0x670: {  	v7 =	vld [tilespmem:s16+$0xC050]  }
0x671: {  	[tilespmem:s16+$0x20] =	vst v3;
	v3 =	vadd.f32 v9, v5;
	v5 =	vld [tilespmem:s16+$0x60]  }
0x672: {  	v9 =	vld [tilespmem:s16+$0xC060]  }
0x673: {  	[tilespmem:s16+$0x30] =	vst v3;
	v3 =	vadd.f32 v8, v4;
	v4 =	vld [tilespmem:s16+$0x70]  }
0x674: {  	v8 =	vld [tilespmem:s16+$0xC070]  }
0x675: {  	v10 =	vld [tilespmem:s14+$0x0];
	[tilespmem:s16+$0x40] =	vst v3;
	v3 =	vadd.f32 v7, v6  }
0x676: {  	v6 =	vld [tilespmem:s14+$0xC000]  }
0x677: {  	v7 =	vld [tilespmem:s14+$0x10];
	[tilespmem:s16+$0x50] =	vst v3;
	v3 =	vadd.f32 v9, v5  }
0x678: {  	v5 =	vld [tilespmem:s14+$0xC010]  }
0x679: {  	v9 =	vld [tilespmem:s14+$0x20];
	[tilespmem:s16+$0x60] =	vst v3;
	v3 =	vadd.f32 v8, v4  }
0x67a: {  	v4 =	vld [tilespmem:s14+$0xC020]  }
0x67b: {  	v6 =	vadd.f32 v6, v10;
	v8 =	vld [tilespmem:s14+$0x30];
	[tilespmem:s16+$0x70] =	vst v3  }
0x67c: {  	v3 =	vld [tilespmem:s14+$0xC030]  }
0x67d: {  	[tilespmem:s14+$0x0] =	vst v6;
	v5 =	vadd.f32 v5, v7;
	v6 =	vld [tilespmem:s14+$0x40]  }
0x67e: {  	v7 =	vld [tilespmem:s14+$0xC040]  }
0x67f: {  	[tilespmem:s14+$0x10] =	vst v5;
	v4 =	vadd.f32 v4, v9;
	v5 =	vld [tilespmem:s14+$0x50]  }
0x680: {  	v9 =	vld [tilespmem:s14+$0xC050]  }
0x681: {  	[tilespmem:s14+$0x20] =	vst v4;
	v3 =	vadd.f32 v3, v8;
	v4 =	vld [tilespmem:s14+$0x60]  }
0x682: {  	v8 =	vld [tilespmem:s14+$0xC060]  }
0x683: {  	[tilespmem:s14+$0x30] =	vst v3;
	v3 =	vadd.f32 v7, v6;
	v6 =	vld [tilespmem:s14+$0x70]  }
0x684: {  	v7 =	vld [tilespmem:s14+$0xC070]  }
0x685: {  	[tilespmem:s14+$0x40] =	vst v3;
	v3 =	vadd.f32 v9, v5;
	v5 =	vld [tilespmem:s17+$0x0]  }
0x686: {  	v9 =	vld [tilespmem:s17+$0xC000]  }
0x687: {  	[tilespmem:s14+$0x50] =	vst v3;
	v3 =	vadd.f32 v8, v4;
	v4 =	vld [tilespmem:s17+$0x10]  }
0x688: {  	v8 =	vld [tilespmem:s17+$0xC010]  }
0x689: {  	[tilespmem:s14+$0x60] =	vst v3;
	v3 =	vadd.f32 v7, v6;
	v6 =	vld [tilespmem:s17+$0x20]  }
0x68a: {  	v7 =	vld [tilespmem:s17+$0xC020]  }
0x68b: {  	[tilespmem:s14+$0x70] =	vst v3;
	v3 =	vadd.f32 v9, v5;
	v5 =	vld [tilespmem:s17+$0x30]  }
0x68c: {  	v9 =	vld [tilespmem:s17+$0xC030]  }
0x68d: {  	[tilespmem:s17+$0x0] =	vst v3;
	v3 =	vadd.f32 v8, v4;
	v4 =	vld [tilespmem:s17+$0x40]  }
0x68e: {  	v8 =	vld [tilespmem:s17+$0xC040]  }
0x68f: {  	[tilespmem:s17+$0x10] =	vst v3;
	v3 =	vadd.f32 v7, v6;
	v6 =	vld [tilespmem:s17+$0x50]  }
0x690: {  	v7 =	vld [tilespmem:s17+$0xC050]  }
0x691: {  	[tilespmem:s17+$0x20] =	vst v3;
	v3 =	vadd.f32 v9, v5;
	v5 =	vld [tilespmem:s17+$0x60]  }
0x692: {  	v9 =	vld [tilespmem:s17+$0xC060]  }
0x693: {  	[tilespmem:s17+$0x30] =	vst v3;
	v3 =	vadd.f32 v8, v4;
	v4 =	vld [tilespmem:s17+$0x70]  }
0x694: {  	v8 =	vld [tilespmem:s17+$0xC070]  }
0x695: {  	[tilespmem:s17+$0x40] =	vst v3;
	v3 =	vadd.f32 v7, v6;
	v6 =	vld [tilespmem:s13+$0x0]  }
0x696: {  	v7 =	vld [tilespmem:s13+$0xC000]  }
0x697: {  	[tilespmem:s17+$0x50] =	vst v3;
	v3 =	vadd.f32 v9, v5;
	v5 =	vld [tilespmem:s13+$0x10]  }
0x698: {  	v9 =	vld [tilespmem:s13+$0xC010]  }
0x699: {  	[tilespmem:s17+$0x60] =	vst v3;
	v3 =	vadd.f32 v8, v4;
	v4 =	vld [tilespmem:s13+$0x20]  }
0x69a: {  	v8 =	vld [tilespmem:s13+$0xC020]  }
0x69b: {  	[tilespmem:s17+$0x70] =	vst v3;
	v3 =	vadd.f32 v7, v6;
	v6 =	vld [tilespmem:s13+$0x30]  }
0x69c: {  	v7 =	vld [tilespmem:s13+$0xC030]  }
0x69d: {  	[tilespmem:s13+$0x0] =	vst v3;
	v3 =	vadd.f32 v9, v5;
	v5 =	vld [tilespmem:s13+$0x40]  }
0x69e: {  	v9 =	vld [tilespmem:s13+$0xC040]  }
0x69f: {  	[tilespmem:s13+$0x10] =	vst v3;
	v3 =	vadd.f32 v8, v4;
	v4 =	vld [tilespmem:s13+$0x50]  }
0x6a0: {  	v8 =	vld [tilespmem:s13+$0xC050]  }
0x6a1: {  	[tilespmem:s13+$0x20] =	vst v3;
	v3 =	vadd.f32 v7, v6;
	v6 =	vld [tilespmem:s13+$0x60]  }
0x6a2: {  	v7 =	vld [tilespmem:s13+$0xC060]  }
0x6a3: {  	[tilespmem:s13+$0x30] =	vst v3;
	v3 =	vadd.f32 v9, v5;
	v5 =	vld [tilespmem:s13+$0x70]  }
0x6a4: {  	v9 =	vld [tilespmem:s13+$0xC070]  }
0x6a5: {  	[tilespmem:s13+$0x40] =	vst v3;
	v3 =	vadd.f32 v8, v4;
	v4 =	vld [tilespmem:s25+$0x0]  }
0x6a6: {  	v8 =	vld [tilespmem:s25+$0xC000]  }
.Ltmp1:
0x6a7: {  	[tilespmem:s13+$0x50] =	vst v3;
	v3 =	vadd.f32 v7, v6;
	v6 =	vld [tilespmem:s25+$0x10];
	(pc) =	sbr.rel @p0 .LBB2_4-.Ltmp1, $4  }
0x6a8: {  	v7 =	vld [tilespmem:s25+$0xC010]  }
0x6a9: {  	[tilespmem:s13+$0x60] =	vst v3;
	v9 =	vadd.f32 v9, v5;
	v3 =	vld [tilespmem:s25+$0x20]  }
0x6aa: {  	v5 =	vld [tilespmem:s25+$0xC020]  }
0x6ab: {  	[tilespmem:s13+$0x70] =	vst v9;
	v8 =	vadd.f32 v8, v4;
	v4 =	vld [tilespmem:s25+$0x30]  }
0x6ac: {  	v9 =	vld [tilespmem:s28+$0x0]  }
0x6ad: {  	v10 =	vld [tilespmem:s28+$0xC000]  }
0x6ae: {  	v11 =	vld [tilespmem:s28+$0x10]  }
0x6af: {  	v12 =	vld [tilespmem:s28+$0xC010]  }
0x6b0: {  	v13 =	vld [tilespmem:s25+$0xC030]  }
0x6b1: {  	v45 =	vld [tilespmem:s25+$0x40]  }
0x6b2: {  	v47 =	vld [tilespmem:s25+$0xC040]  }
0x6b3: {  	v49 =	vld [tilespmem:s25+$0x50]  }
0x6b4: {  	v50 =	vld [tilespmem:s25+$0xC050]  }
0x6b5: {  	v51 =	vld [tilespmem:s28+$0x20]  }
0x6b6: {  	v52 =	vld [tilespmem:s28+$0xC020]  }
0x6b7: {  	v53 =	vld [tilespmem:s28+$0x30];
	v3 =	vadd.f32 v5, v3  }
0x6b8: {  	v54 =	vld [tilespmem:s28+$0xC030]  }
0x6b9: {  	v56 =	vld [tilespmem:s28+$0xC040];
	[tilespmem:s25+$0x20] =	vst v3;
	v3 =	vadd.f32 v47, v45  }
0x6ba: {  	v57 =	vld [tilespmem:s25+$0x60]  }
0x6bb: {  	[tilespmem:s25+$0x40] =	vst v3;
	v3 =	vld [tilespmem:s28+$0x40]  }
0x6bc: {  	v58 =	vld [tilespmem:s28+$0x50];
	v6 =	vadd.f32 v7, v6  }
0x6bd: {  	v59 =	vld [tilespmem:s28+$0xC050];
	[tilespmem:s25+$0x0] =	vst v8;
	v46 =	vadd.f32 v10, v9  }
0x6be: {  	v60 =	vld [tilespmem:s25+$0xC060];
	[tilespmem:s25+$0x10] =	vst v6;
	v48 =	vadd.f32 v12, v11  }
0x6bf: {  	v61 =	vld [tilespmem:s28+$0x60];
	v4 =	vadd.f32 v13, v4;
	[tilespmem:s28+$0x0] =	vst v46  }
0x6c0: {  	v62 =	vld [tilespmem:s28+$0xC060];
	[tilespmem:s28+$0x10] =	vst v48;
	v3 =	vadd.f32 v56, v3  }
0x6c1: {  	v63 =	vld [tilespmem:s28+$0xC070];
	v55 =	vadd.f32 v50, v49;
	[tilespmem:s25+$0x30] =	vst v4  }
0x6c2: {  	v6 =	vadd.f32 v52, v51;
	[tilespmem:s28+$0x40] =	vst v3;
	v3 =	vld [tilespmem:s28+$0x70]  }
0x6c3: {  	v5 =	vadd.f32 v54, v53;
	[tilespmem:s25+$0x50] =	vst v55  }
0x6c4: {  	v8 =	vadd.f32 v60, v57;
	[tilespmem:s28+$0x20] =	vst v6  }
0x6c5: {  	[tilespmem:s28+$0x30] =	vst v5;
	v6 =	vadd.f32 v59, v58  }
0x6c6: {  	[tilespmem:s25+$0x60] =	vst v8;
	v4 =	vadd.f32 v62, v61  }
0x6c7: {  	[tilespmem:s28+$0x50] =	vst v6;
	v3 =	vadd.f32 v63, v3  }
0x6c8: {  	[tilespmem:s28+$0x60] =	vst v4  }
0x6c9: {  	s4 =	simm.s32 $0x6000;
	s23 =	sadd.s32 $0x1, s23;
	[tilespmem:s28+$0x70] =	vst v3  }
0x6ca: {  	[hbm4b:s9+s2] =	stream.linear.scatter [tilespmem:s4], [sflag:$0x3], $0x6000, $0x38;
	[tilespmem:$0x18100] =	vst v63  }
0x6cb: {  	p0 =	sne.s32 s23, s10;
	_ =	swait.ge [sflag:s22], $0x6000  }
.Ltmp2:
0x6cc: {  	[sflag:s22] =	ssyncset.done $0x0;
	(pc) =	sbr.rel @p0 .LBB2_1-.Ltmp2, $4  }
0x6cd: {  	[sflag:s22] =	ssyncadd.s32 $0xFFFFA000  }
0x6ce: {  	_ =	swait.ge [sflag:s22], $0x6000  }
0x6cf: {  	[sflag:s22] =	ssyncset.done $0x0  }
0x6d0: {  	[sflag:s22] =	ssyncadd.s32 $0xFFFFA000  }
0x6d1: {  	_ =	sfence.sel $0x180000  }
0x6d2: {  	[bflag:$0x0] =	sbarrier.arrive $0xFFFF  }
0x6d3: {  	_ =	strace $0x9000004A  }
0x6d4: {  	s0 =	stileid.u32;
	[bflag:$0x2] =	sbarrier.arrive $0xFFFF  }
0x6d5: {  	p0 =	sne.s32 s0, $0x0;
	s0 =	rddreg [dreg:$0x2]  }
0x6d6: {  	s0 =	sadd.s32 @!p0 $0x100000, s0  }
0x6d7: {  	[sflag:s0] =	ssyncadd.tile.s32 @!p0 $0x1;
	_ =	shalt  }
.Lfunc_end2:
_tile_overlayer_lowered:
.L_overlay_start_2:
0x6d8: {  	(tag) =	ssettag $0x2  }
0x6d9: {  	s0 =	rddreg [dreg:$0x0];
	s2 =	stileid.u32  }
0x6da: {  	s1 =	rddreg [dreg:$0x1];
	p0 =	sne.s32 s2, $0x0  }
0x6db: {  	s3 =	rddreg [dreg:$0x2];
	[bflag:$0x3] =	sbarrier.arrive $0xFFFF;
	s2 =	simm.s32 @!p0 $0x1C04  }
0x6dc: {  	[timem:s3], [sflag:s2] =	dma.local @!p0 [hbm:s0], s1  }
0x6dd: {  	s0 =	simm.s32 @!p0 $0x4  }
0x6de: {  	_ =	swait.ge @!p0 [sflag:s0], s1  }
0x6df: {  	s1 =	ssub.s32 @!p0 $0x0, s1;
	[sflag:s0] =	ssyncset.done @!p0 $0x0  }
0x6e0: {  	[sflag:s0] =	ssyncadd.s32 @!p0 s1  }
0x6e1: {  	[bflag:$0x3] =	sbarrier.arrive $0xFFFF  }
0x6e2: {  	_ =	shalt  }

</sc_bundles>
